<compile_context>
chip_gen: v7x
topology: tpu7x:2x2x1
jax: 0.10.2.dev20260603
libtpu: 0.0.44.dev20260713+nightly
codegen_flags: <defaults>
</compile_context>

<pallas_src>
import functools

import jax
import jax.numpy as jnp
from jax import lax
from jax.experimental import pallas as pl
from jax.experimental.pallas import tpu as pltpu
from jax.experimental.pallas import tpu_sc as plsc

VOCAB = 100000
DMODEL = 1024
CTX = 2048
B = 4
SEQ = 2048

N = B * SEQ
NC = 2
NS = 16
NW = NC * NS
POS_PER_W = SEQ // NW
PC = 16
NPG = POS_PER_W // PC
LANES = 16
GROUPS = DMODEL // LANES

NBUF = 4
DEPTH = 2

_TASKS = [(ph, b) for ph in range(NPG) for b in range(B)]

_mesh = plsc.VectorSubcoreMesh(
    core_axis_name="c", subcore_axis_name="s", num_cores=NC, num_subcores=NS
)

_scratch = (
    [pltpu.VMEM((B * POS_PER_W,), jnp.int32)]
    + [pltpu.VMEM((PC, DMODEL), jnp.float32)] * NBUF
    + [pltpu.VMEM((PC, DMODEL), jnp.float32)] * 2
    + [pltpu.SemaphoreType.DMA] * (2 * NBUF + 3)
)


@functools.partial(
    pl.kernel,
    out_type=jax.ShapeDtypeStruct((N, DMODEL), jnp.float32),
    mesh=_mesh,
    scratch_types=_scratch,
)
def _embed(x_hbm, wt_hbm, pt_hbm, out_hbm, idx_v, *bufs):
    word = list(bufs[:NBUF])
    pos = list(bufs[NBUF:NBUF + 2])
    gsem = list(bufs[NBUF + 2:2 * NBUF + 2])
    osem = list(bufs[2 * NBUF + 2:3 * NBUF + 2])
    psem = list(bufs[3 * NBUF + 2:3 * NBUF + 4])
    isem = bufs[3 * NBUF + 4]

    wid = lax.axis_index("s") * NC + lax.axis_index("c")
    wpos = wid * POS_PER_W

    def start_gather(t):
        ph, b = _TASKS[t]
        buf = t % NBUF
        return pltpu.async_copy(
            wt_hbm.at[idx_v.at[pl.ds(b * POS_PER_W + ph * PC, PC)]],
            word[buf], gsem[buf],
        )

    def start_pos(ph):
        return pltpu.async_copy(
            pt_hbm.at[pl.ds(wpos + ph * PC, PC)], pos[ph % 2], psem[ph % 2]
        )

    pos_h = [None, None]
    out_h = [None] * NBUF
    gather_h = [None] * NBUF
    pos_h[0] = start_pos(0)
    idx_h = [
        pltpu.async_copy(
            x_hbm.at[pl.ds(b * SEQ + wpos, POS_PER_W)],
            idx_v.at[pl.ds(b * POS_PER_W, POS_PER_W)],
            isem,
        )
        for b in range(B)
    ]
    for h in idx_h:
        h.wait()
    for t in range(DEPTH):
        gather_h[t % NBUF] = start_gather(t)

    for t, (ph, b) in enumerate(_TASKS):
        cur = t % NBUF
        if b == 0 and ph + 1 < NPG:
            pos_h[(ph + 1) % 2] = start_pos(ph + 1)
        if t + DEPTH < len(_TASKS):
            nb = (t + DEPTH) % NBUF
            if out_h[nb] is not None:
                out_h[nb].wait()
                out_h[nb] = None
            gather_h[nb] = start_gather(t + DEPTH)
        gather_h[cur].wait()
        if b == 0:
            pos_h[ph % 2].wait()

        wbuf, pbuf = word[cur], pos[ph % 2]

        def add_body(k, carry):
            r = k // GROUPS
            g = k % GROUPS
            sl = pl.ds(g * LANES, LANES)
            plsc.addupdate(wbuf.at[r, sl], pbuf[r, sl])
            return carry

        lax.fori_loop(0, PC * GROUPS, add_body, 0, unroll=4)
        out_h[cur] = pltpu.async_copy(
            word[cur], out_hbm.at[pl.ds(b * SEQ + wpos + ph * PC, PC)],
            osem[cur],
        )

    for h in out_h:
        if h is not None:
            h.wait()


def kernel(x, word_table, pos_table):
    x_flat = x.reshape(N).astype(jnp.int32)
    out = _embed(x_flat, word_table, pos_table)
    return out.reshape(1, B, SEQ, DMODEL)

# --- scband reference (transcript-rebuilt; emitter-appended) ---
"""Pipeline reference for scband-gptembedding-51290499449022 (READ-ONLY COPY).

The authoritative reference and input builder live on the scoring server;
editing this copy changes nothing except your own understanding.
"""

import jax, jax.numpy as jnp
import numpy as np

VOCAB = 100000
DMODEL = 1024
CTX = 2048
B = 4
SEQ = 2048

def setup_inputs(seed: int = 0) -> dict:
    key = jax.random.key(seed)
    k1, k2, k3 = jax.random.split(key, 3)
    x = jax.random.randint(k1, (B, SEQ), 0, VOCAB, dtype=jnp.int64 if jax.config.jax_enable_x64 else jnp.int32)
    word_table = jax.random.normal(k2, (VOCAB, DMODEL), dtype=jnp.float32) * 0.02
    pos_table = jax.random.normal(k3, (CTX, DMODEL), dtype=jnp.float32) * 0.02
    return {"x": x, "word_table": word_table, "pos_table": pos_table}

def reference(x, word_table, pos_table):
    # Faithful translation of GPTEmbedding.forward (dropout is identity with p=0.0)
    sz = x.shape[1]
    positions = jnp.arange(0, sz, dtype=x.dtype)[None, :]          # [1, sz]
    word_embeddings = jnp.take(word_table, x, axis=0)              # [B, sz, d]
    pos_embeddings = jnp.take(pos_table, positions, axis=0)[None, ...]  # [1, 1, sz, d]
    # Broadcasting reproduces the original torch semantics: [B,sz,d] + [1,1,sz,d] -> [1,B,sz,d]
    return word_embeddings + pos_embeddings

if __name__ == "__main__":
    import jax
    _d = setup_inputs()
    print(jax.jit(kernel)(*tuple(_d.values())))

</pallas_src>

<mosaic_0001>
#map = affine_map<(d0, d1) -> (0)>
#map1 = affine_map<(d0, d1) -> (0, 0)>
module attributes {stable_mosaic.version = 14 : i64} {
  func.func @_embed(%arg0: i32, %arg1: i32, %arg2: memref<8192xi32, #tpu.memory_space<hbm>>, %arg3: memref<100000x1024xf32, #tpu.memory_space<hbm>>, %arg4: memref<2048x1024xf32, #tpu.memory_space<hbm>>, %arg5: memref<8192x1024xf32, #tpu.memory_space<hbm>>, %arg6: memref<256xi32, #tpu.memory_space<vmem>>, %arg7: memref<16x1024xf32, #tpu.memory_space<vmem>>, %arg8: memref<16x1024xf32, #tpu.memory_space<vmem>>, %arg9: memref<16x1024xf32, #tpu.memory_space<vmem>>, %arg10: memref<16x1024xf32, #tpu.memory_space<vmem>>, %arg11: memref<16x1024xf32, #tpu.memory_space<vmem>>, %arg12: memref<16x1024xf32, #tpu.memory_space<vmem>>, %arg13: memref<!tpu.dma_semaphore, #tpu.memory_space<semaphore_mem>>, %arg14: memref<!tpu.dma_semaphore, #tpu.memory_space<semaphore_mem>>, %arg15: memref<!tpu.dma_semaphore, #tpu.memory_space<semaphore_mem>>, %arg16: memref<!tpu.dma_semaphore, #tpu.memory_space<semaphore_mem>>, %arg17: memref<!tpu.dma_semaphore, #tpu.memory_space<semaphore_mem>>, %arg18: memref<!tpu.dma_semaphore, #tpu.memory_space<semaphore_mem>>, %arg19: memref<!tpu.dma_semaphore, #tpu.memory_space<semaphore_mem>>, %arg20: memref<!tpu.dma_semaphore, #tpu.memory_space<semaphore_mem>>, %arg21: memref<!tpu.dma_semaphore, #tpu.memory_space<semaphore_mem>>, %arg22: memref<!tpu.dma_semaphore, #tpu.memory_space<semaphore_mem>>, %arg23: memref<!tpu.dma_semaphore, #tpu.memory_space<semaphore_mem>>) attributes {dimension_semantics = [#tpu.dimension_semantics<core_parallel>, #tpu.dimension_semantics<subcore_parallel>], iteration_bounds = array<i64: 2, 16>, scalar_prefetch = 0 : i64, scratch_operands = 18 : i64, tpu.core_type = #tpu.core_type<sc_vector_subcore>, window_params = [{transform_indices = #map}, {transform_indices = #map1}, {transform_indices = #map1}, {transform_indices = #map1}]} {
    %mul3A = arith.constant 2 : i32
    %mul3A_0 = arith.muli %arg1, %mul3A : i32
    %add3A = arith.addi %mul3A_0, %arg0 : i32
    %mul3A_1 = arith.constant 64 : i32
    %mul3A_2 = arith.muli %add3A, %mul3A_1 : i32
    %add3A_3 = arith.constant 0 : i32
    %add3A_4 = arith.addi %mul3A_2, %add3A_3 : i32
    %dma_start3A = arith.constant 0 : i32
    %dma_start3A_5 = tpu.memref_slice %arg4[%add3A_4, %dma_start3A] : memref<2048x1024xf32, #tpu.memory_space<hbm>> -> memref<16x1024xf32, #tpu.memory_space<hbm>>
    %dma_start3A_6 = arith.constant 0 : i32
    %dma_start3A_7 = tpu.memref_slice %arg4[%add3A_4, %dma_start3A_6] : memref<2048x1024xf32, #tpu.memory_space<hbm>> -> memref<16x1024xf32, #tpu.memory_space<hbm>>
    tpu.enqueue_dma source(%dma_start3A_7 : memref<16x1024xf32, #tpu.memory_space<hbm>>) target(%arg11 : memref<16x1024xf32, #tpu.memory_space<vmem>>) target_semaphore(%arg21 : memref<!tpu.dma_semaphore, #tpu.memory_space<semaphore_mem>>)
    %add3A_8 = arith.constant 0 : i32
    %add3A_9 = arith.addi %add3A_8, %mul3A_2 : i32
    %dma_start3A_10 = arith.constant 0 : i32
    %dma_start3A_11 = tpu.memref_slice %arg6[%dma_start3A_10] : memref<256xi32, #tpu.memory_space<vmem>> -> memref<64xi32, #tpu.memory_space<vmem>>
    %dma_start3A_12 = tpu.memref_slice %arg2[%add3A_9] : memref<8192xi32, #tpu.memory_space<hbm>> -> memref<64xi32, #tpu.memory_space<hbm>>
    %dma_start3A_13 = arith.constant 0 : i32
    %dma_start3A_14 = tpu.memref_slice %arg6[%dma_start3A_13] : memref<256xi32, #tpu.memory_space<vmem>> -> memref<64xi32, #tpu.memory_space<vmem>>
    %dma_start3A_15 = tpu.memref_slice %arg2[%add3A_9] : memref<8192xi32, #tpu.memory_space<hbm>> -> memref<64xi32, #tpu.memory_space<hbm>>
    tpu.enqueue_dma source(%dma_start3A_15 : memref<64xi32, #tpu.memory_space<hbm>>) target(%dma_start3A_14 : memref<64xi32, #tpu.memory_space<vmem>>) target_semaphore(%arg23 : memref<!tpu.dma_semaphore, #tpu.memory_space<semaphore_mem>>)
    %add3A_16 = arith.constant 2048 : i32
    %add3A_17 = arith.addi %add3A_16, %mul3A_2 : i32
    %dma_start3A_18 = arith.constant 64 : i32
    %dma_start3A_19 = tpu.memref_slice %arg6[%dma_start3A_18] : memref<256xi32, #tpu.memory_space<vmem>> -> memref<64xi32, #tpu.memory_space<vmem>>
    %dma_start3A_20 = tpu.memref_slice %arg2[%add3A_17] : memref<8192xi32, #tpu.memory_space<hbm>> -> memref<64xi32, #tpu.memory_space<hbm>>
    %dma_start3A_21 = arith.constant 64 : i32
    %dma_start3A_22 = tpu.memref_slice %arg6[%dma_start3A_21] : memref<256xi32, #tpu.memory_space<vmem>> -> memref<64xi32, #tpu.memory_space<vmem>>
    %dma_start3A_23 = tpu.memref_slice %arg2[%add3A_17] : memref<8192xi32, #tpu.memory_space<hbm>> -> memref<64xi32, #tpu.memory_space<hbm>>
    tpu.enqueue_dma source(%dma_start3A_23 : memref<64xi32, #tpu.memory_space<hbm>>) target(%dma_start3A_22 : memref<64xi32, #tpu.memory_space<vmem>>) target_semaphore(%arg23 : memref<!tpu.dma_semaphore, #tpu.memory_space<semaphore_mem>>)
    %add3A_24 = arith.constant 4096 : i32
    %add3A_25 = arith.addi %add3A_24, %mul3A_2 : i32
    %dma_start3A_26 = arith.constant 128 : i32
    %dma_start3A_27 = tpu.memref_slice %arg6[%dma_start3A_26] : memref<256xi32, #tpu.memory_space<vmem>> -> memref<64xi32, #tpu.memory_space<vmem>>
    %dma_start3A_28 = tpu.memref_slice %arg2[%add3A_25] : memref<8192xi32, #tpu.memory_space<hbm>> -> memref<64xi32, #tpu.memory_space<hbm>>
    %dma_start3A_29 = arith.constant 128 : i32
    %dma_start3A_30 = tpu.memref_slice %arg6[%dma_start3A_29] : memref<256xi32, #tpu.memory_space<vmem>> -> memref<64xi32, #tpu.memory_space<vmem>>
    %dma_start3A_31 = tpu.memref_slice %arg2[%add3A_25] : memref<8192xi32, #tpu.memory_space<hbm>> -> memref<64xi32, #tpu.memory_space<hbm>>
    tpu.enqueue_dma source(%dma_start3A_31 : memref<64xi32, #tpu.memory_space<hbm>>) target(%dma_start3A_30 : memref<64xi32, #tpu.memory_space<vmem>>) target_semaphore(%arg23 : memref<!tpu.dma_semaphore, #tpu.memory_space<semaphore_mem>>)
    %add3A_32 = arith.constant 6144 : i32
    %add3A_33 = arith.addi %add3A_32, %mul3A_2 : i32
    %dma_start3A_34 = arith.constant 192 : i32
    %dma_start3A_35 = tpu.memref_slice %arg6[%dma_start3A_34] : memref<256xi32, #tpu.memory_space<vmem>> -> memref<64xi32, #tpu.memory_space<vmem>>
    %dma_start3A_36 = tpu.memref_slice %arg2[%add3A_33] : memref<8192xi32, #tpu.memory_space<hbm>> -> memref<64xi32, #tpu.memory_space<hbm>>
    %dma_start3A_37 = arith.constant 192 : i32
    %dma_start3A_38 = tpu.memref_slice %arg6[%dma_start3A_37] : memref<256xi32, #tpu.memory_space<vmem>> -> memref<64xi32, #tpu.memory_space<vmem>>
    %dma_start3A_39 = tpu.memref_slice %arg2[%add3A_33] : memref<8192xi32, #tpu.memory_space<hbm>> -> memref<64xi32, #tpu.memory_space<hbm>>
    tpu.enqueue_dma source(%dma_start3A_39 : memref<64xi32, #tpu.memory_space<hbm>>) target(%dma_start3A_38 : memref<64xi32, #tpu.memory_space<vmem>>) target_semaphore(%arg23 : memref<!tpu.dma_semaphore, #tpu.memory_space<semaphore_mem>>)
    %dma_wait3A = arith.constant 0 : i32
    %dma_wait3A_40 = tpu.memref_slice %arg6[%dma_wait3A] : memref<256xi32, #tpu.memory_space<vmem>> -> memref<64xi32, #tpu.memory_space<vmem>>
    %dma_wait3A_41 = tpu.memref_slice %arg2[%add3A_9] : memref<8192xi32, #tpu.memory_space<hbm>> -> memref<64xi32, #tpu.memory_space<hbm>>
    %dma_wait3A_42 = arith.constant 0 : i32
    %dma_wait3A_43 = tpu.memref_slice %arg6[%dma_wait3A_42] : memref<256xi32, #tpu.memory_space<vmem>> -> memref<64xi32, #tpu.memory_space<vmem>>
    %dma_wait3A_44 = tpu.memref_slice %arg2[%add3A_9] : memref<8192xi32, #tpu.memory_space<hbm>> -> memref<64xi32, #tpu.memory_space<hbm>>
    tpu.wait_dma2 semaphore(%arg23 : memref<!tpu.dma_semaphore, #tpu.memory_space<semaphore_mem>>) src(%dma_wait3A_44 : memref<64xi32, #tpu.memory_space<hbm>>) dst(%dma_wait3A_43 : memref<64xi32, #tpu.memory_space<vmem>>)
    %dma_wait3A_45 = arith.constant 64 : i32
    %dma_wait3A_46 = tpu.memref_slice %arg6[%dma_wait3A_45] : memref<256xi32, #tpu.memory_space<vmem>> -> memref<64xi32, #tpu.memory_space<vmem>>
    %dma_wait3A_47 = tpu.memref_slice %arg2[%add3A_17] : memref<8192xi32, #tpu.memory_space<hbm>> -> memref<64xi32, #tpu.memory_space<hbm>>
    %dma_wait3A_48 = arith.constant 64 : i32
    %dma_wait3A_49 = tpu.memref_slice %arg6[%dma_wait3A_48] : memref<256xi32, #tpu.memory_space<vmem>> -> memref<64xi32, #tpu.memory_space<vmem>>
    %dma_wait3A_50 = tpu.memref_slice %arg2[%add3A_17] : memref<8192xi32, #tpu.memory_space<hbm>> -> memref<64xi32, #tpu.memory_space<hbm>>
    tpu.wait_dma2 semaphore(%arg23 : memref<!tpu.dma_semaphore, #tpu.memory_space<semaphore_mem>>) src(%dma_wait3A_50 : memref<64xi32, #tpu.memory_space<hbm>>) dst(%dma_wait3A_49 : memref<64xi32, #tpu.memory_space<vmem>>)
    %dma_wait3A_51 = arith.constant 128 : i32
    %dma_wait3A_52 = tpu.memref_slice %arg6[%dma_wait3A_51] : memref<256xi32, #tpu.memory_space<vmem>> -> memref<64xi32, #tpu.memory_space<vmem>>
    %dma_wait3A_53 = tpu.memref_slice %arg2[%add3A_25] : memref<8192xi32, #tpu.memory_space<hbm>> -> memref<64xi32, #tpu.memory_space<hbm>>
    %dma_wait3A_54 = arith.constant 128 : i32
    %dma_wait3A_55 = tpu.memref_slice %arg6[%dma_wait3A_54] : memref<256xi32, #tpu.memory_space<vmem>> -> memref<64xi32, #tpu.memory_space<vmem>>
    %dma_wait3A_56 = tpu.memref_slice %arg2[%add3A_25] : memref<8192xi32, #tpu.memory_space<hbm>> -> memref<64xi32, #tpu.memory_space<hbm>>
    tpu.wait_dma2 semaphore(%arg23 : memref<!tpu.dma_semaphore, #tpu.memory_space<semaphore_mem>>) src(%dma_wait3A_56 : memref<64xi32, #tpu.memory_space<hbm>>) dst(%dma_wait3A_55 : memref<64xi32, #tpu.memory_space<vmem>>)
    %dma_wait3A_57 = arith.constant 192 : i32
    %dma_wait3A_58 = tpu.memref_slice %arg6[%dma_wait3A_57] : memref<256xi32, #tpu.memory_space<vmem>> -> memref<64xi32, #tpu.memory_space<vmem>>
    %dma_wait3A_59 = tpu.memref_slice %arg2[%add3A_33] : memref<8192xi32, #tpu.memory_space<hbm>> -> memref<64xi32, #tpu.memory_space<hbm>>
    %dma_wait3A_60 = arith.constant 192 : i32
    %dma_wait3A_61 = tpu.memref_slice %arg6[%dma_wait3A_60] : memref<256xi32, #tpu.memory_space<vmem>> -> memref<64xi32, #tpu.memory_space<vmem>>
    %dma_wait3A_62 = tpu.memref_slice %arg2[%add3A_33] : memref<8192xi32, #tpu.memory_space<hbm>> -> memref<64xi32, #tpu.memory_space<hbm>>
    tpu.wait_dma2 semaphore(%arg23 : memref<!tpu.dma_semaphore, #tpu.memory_space<semaphore_mem>>) src(%dma_wait3A_62 : memref<64xi32, #tpu.memory_space<hbm>>) dst(%dma_wait3A_61 : memref<64xi32, #tpu.memory_space<vmem>>)
    %dma_start3A_63 = arith.constant 0 : i32
    %dma_start3A_64 = tpu.memref_slice %arg6[%dma_start3A_63] : memref<256xi32, #tpu.memory_space<vmem>> -> memref<16xi32, #tpu.memory_space<vmem>>
    %dma_start3A_65 = arith.constant 0 : i32
    %dma_start3A_66 = arith.constant 0 : i32
    %dma_start3A_67 = tpu.memref_slice %arg3[%dma_start3A_65, %dma_start3A_66] : memref<100000x1024xf32, #tpu.memory_space<hbm>> -> memref<100000x1024xf32, #tpu.memory_space<hbm>>
    tpu.enqueue_indirect_dma source(%dma_start3A_67 : memref<100000x1024xf32, #tpu.memory_space<hbm>>) target(%arg7 : memref<16x1024xf32, #tpu.memory_space<vmem>>) offsets(%dma_start3A_64 : memref<16xi32, #tpu.memory_space<vmem>>) semaphore(%arg13 : memref<!tpu.dma_semaphore, #tpu.memory_space<semaphore_mem>>)
    %dma_start3A_68 = arith.constant 64 : i32
    %dma_start3A_69 = tpu.memref_slice %arg6[%dma_start3A_68] : memref<256xi32, #tpu.memory_space<vmem>> -> memref<16xi32, #tpu.memory_space<vmem>>
    %dma_start3A_70 = arith.constant 0 : i32
    %dma_start3A_71 = arith.constant 0 : i32
    %dma_start3A_72 = tpu.memref_slice %arg3[%dma_start3A_70, %dma_start3A_71] : memref<100000x1024xf32, #tpu.memory_space<hbm>> -> memref<100000x1024xf32, #tpu.memory_space<hbm>>
    tpu.enqueue_indirect_dma source(%dma_start3A_72 : memref<100000x1024xf32, #tpu.memory_space<hbm>>) target(%arg8 : memref<16x1024xf32, #tpu.memory_space<vmem>>) offsets(%dma_start3A_69 : memref<16xi32, #tpu.memory_space<vmem>>) semaphore(%arg14 : memref<!tpu.dma_semaphore, #tpu.memory_space<semaphore_mem>>)
    %add3A_73 = arith.constant 16 : i32
    %add3A_74 = arith.addi %mul3A_2, %add3A_73 : i32
    %dma_start3A_75 = arith.constant 0 : i32
    %dma_start3A_76 = tpu.memref_slice %arg4[%add3A_74, %dma_start3A_75] : memref<2048x1024xf32, #tpu.memory_space<hbm>> -> memref<16x1024xf32, #tpu.memory_space<hbm>>
    %dma_start3A_77 = arith.constant 0 : i32
    %dma_start3A_78 = tpu.memref_slice %arg4[%add3A_74, %dma_start3A_77] : memref<2048x1024xf32, #tpu.memory_space<hbm>> -> memref<16x1024xf32, #tpu.memory_space<hbm>>
    tpu.enqueue_dma source(%dma_start3A_78 : memref<16x1024xf32, #tpu.memory_space<hbm>>) target(%arg12 : memref<16x1024xf32, #tpu.memory_space<vmem>>) target_semaphore(%arg22 : memref<!tpu.dma_semaphore, #tpu.memory_space<semaphore_mem>>)
    %dma_start3A_79 = arith.constant 128 : i32
    %dma_start3A_80 = tpu.memref_slice %arg6[%dma_start3A_79] : memref<256xi32, #tpu.memory_space<vmem>> -> memref<16xi32, #tpu.memory_space<vmem>>
    %dma_start3A_81 = arith.constant 0 : i32
    %dma_start3A_82 = arith.constant 0 : i32
    %dma_start3A_83 = tpu.memref_slice %arg3[%dma_start3A_81, %dma_start3A_82] : memref<100000x1024xf32, #tpu.memory_space<hbm>> -> memref<100000x1024xf32, #tpu.memory_space<hbm>>
    tpu.enqueue_indirect_dma source(%dma_start3A_83 : memref<100000x1024xf32, #tpu.memory_space<hbm>>) target(%arg9 : memref<16x1024xf32, #tpu.memory_space<vmem>>) offsets(%dma_start3A_80 : memref<16xi32, #tpu.memory_space<vmem>>) semaphore(%arg15 : memref<!tpu.dma_semaphore, #tpu.memory_space<semaphore_mem>>)
    %dma_wait3A_84 = arith.constant 0 : i32
    %dma_wait3A_85 = tpu.memref_slice %arg6[%dma_wait3A_84] : memref<256xi32, #tpu.memory_space<vmem>> -> memref<16xi32, #tpu.memory_space<vmem>>
    %dma_wait3A_86 = arith.constant 0 : i32
    %dma_wait3A_87 = arith.constant 0 : i32
    %dma_wait3A_88 = tpu.memref_slice %arg3[%dma_wait3A_86, %dma_wait3A_87] : memref<100000x1024xf32, #tpu.memory_space<hbm>> -> memref<100000x1024xf32, #tpu.memory_space<hbm>>
    tpu.wait_indirect_dma semaphore(%arg13 : memref<!tpu.dma_semaphore, #tpu.memory_space<semaphore_mem>>) src(%dma_wait3A_88 : memref<100000x1024xf32, #tpu.memory_space<hbm>>) dst(%arg7 : memref<16x1024xf32, #tpu.memory_space<vmem>>)
    %dma_wait3A_89 = arith.constant 0 : i32
    %dma_wait3A_90 = tpu.memref_slice %arg4[%add3A_4, %dma_wait3A_89] : memref<2048x1024xf32, #tpu.memory_space<hbm>> -> memref<16x1024xf32, #tpu.memory_space<hbm>>
    %dma_wait3A_91 = arith.constant 0 : i32
    %dma_wait3A_92 = tpu.memref_slice %arg4[%add3A_4, %dma_wait3A_91] : memref<2048x1024xf32, #tpu.memory_space<hbm>> -> memref<16x1024xf32, #tpu.memory_space<hbm>>
    tpu.wait_dma2 semaphore(%arg21 : memref<!tpu.dma_semaphore, #tpu.memory_space<semaphore_mem>>) src(%dma_wait3A_92 : memref<16x1024xf32, #tpu.memory_space<hbm>>) dst(%arg11 : memref<16x1024xf32, #tpu.memory_space<vmem>>)
    %scan3A = arith.constant 0 : i32
    %scan3A_93 = arith.constant 0 : i32
    %scan3A_94 = arith.constant 1024 : i32
    %scan3A_95 = arith.addi %scan3A_93, %scan3A_94 : i32
    %scan3A_96 = arith.constant 4 : i32
    scf.for %scan3A_544 = %scan3A_93 to %scan3A_95 step %scan3A_96  : i32 {
      %jit3A = arith.constant 64 : i32
      %div3A = arith.divsi %scan3A_544, %jit3A : i32
      %sign3A = arith.constant 0 : i32
      %sign3A_545 = arith.cmpi sgt, %scan3A_544, %sign3A : i32
      %sign3A_546 = arith.extui %sign3A_545 : i1 to i32
      %sign3A_547 = arith.constant 0 : i32
      %sign3A_548 = arith.cmpi slt, %scan3A_544, %sign3A_547 : i32
      %sign3A_549 = arith.extui %sign3A_548 : i1 to i32
      %sign3A_550 = arith.subi %sign3A_546, %sign3A_549 : i32
      %sign3A_551 = arith.constant 0 : i32
      %sign3A_552 = arith.cmpi sgt, %jit3A, %sign3A_551 : i32
      %sign3A_553 = arith.extui %sign3A_552 : i1 to i32
      %sign3A_554 = arith.constant 0 : i32
      %sign3A_555 = arith.cmpi slt, %jit3A, %sign3A_554 : i32
      %sign3A_556 = arith.extui %sign3A_555 : i1 to i32
      %sign3A_557 = arith.subi %sign3A_553, %sign3A_556 : i32
      %ne3A = arith.cmpi ne, %sign3A_550, %sign3A_557 : i32
      %rem3A = arith.remsi %scan3A_544, %jit3A : i32
      %ne3A_558 = arith.constant 0 : i32
      %ne3A_559 = arith.cmpi ne, %rem3A, %ne3A_558 : i32
      %and3A = arith.andi %ne3A, %ne3A_559 : i1
      %sub3A = arith.constant 1 : i32
      %sub3A_560 = arith.subi %div3A, %sub3A : i32
      %select_n3A = arith.select %and3A, %sub3A_560, %div3A : i32
      %jit3A_561 = arith.constant 64 : i32
      %eq3A = arith.constant 0 : i32
      %eq3A_562 = arith.cmpi eq, %jit3A_561, %eq3A : i32
      %jit3A_563 = arith.constant 1 : i32
      %select_n3A_564 = arith.select %eq3A_562, %jit3A_563, %jit3A_561 : i32
      %rem3A_565 = arith.remsi %scan3A_544, %select_n3A_564 : i32
      %ne3A_566 = arith.constant 0 : i32
      %ne3A_567 = arith.cmpi ne, %rem3A_565, %ne3A_566 : i32
      %lt3A = arith.constant 0 : i32
      %lt3A_568 = arith.cmpi slt, %rem3A_565, %lt3A : i32
      %lt3A_569 = arith.constant 0 : i32
      %lt3A_570 = arith.cmpi slt, %select_n3A_564, %lt3A_569 : i32
      %ne3A_571 = arith.xori %lt3A_568, %lt3A_570 : i1
      %and3A_572 = arith.andi %ne3A_571, %ne3A_567 : i1
      %add3A_573 = arith.addi %rem3A_565, %select_n3A_564 : i32
      %select_n3A_574 = arith.select %and3A_572, %add3A_573, %rem3A_565 : i32
      %mul3A_575 = arith.constant 16 : i32
      %mul3A_576 = arith.muli %select_n3A_574, %mul3A_575 : i32
      %get3A = arith.index_cast %select_n3A : i32 to index
      %get3A_577 = arith.index_cast %mul3A_576 : i32 to index
      %get3A_578 = tpu.vector_load %arg11[%get3A, %get3A_577] {strides = array<i32>} : memref<16x1024xf32, #tpu.memory_space<vmem>>, vector<1x16xf32>,
      %get3A_579 = vector.shape_cast %get3A_578 : vector<1x16xf32> to vector<16xf32>
      %swap3A = arith.index_cast %select_n3A : i32 to index
      %swap3A_580 = arith.index_cast %mul3A_576 : i32 to index
      %swap3A_581 = tpu.vector_load %arg7[%swap3A, %swap3A_580] {strides = array<i32>} : memref<16x1024xf32, #tpu.memory_space<vmem>>, vector<1x16xf32>,
      %swap3A_582 = vector.shape_cast %swap3A_581 : vector<1x16xf32> to vector<16xf32>
      %swap3A_583 = vector.shape_cast %get3A_579 : vector<16xf32> to vector<1x16xf32>
      tpu.vector_store %arg7[%swap3A, %swap3A_580], %swap3A_583 {add = true, strides = array<i32>} : memref<16x1024xf32, #tpu.memory_space<vmem>>, vector<1x16xf32>,
      %scan3A_584 = arith.constant 1 : i32
      %scan3A_585 = arith.addi %scan3A_544, %scan3A_584 : i32
      %jit3A_586 = arith.constant 64 : i32
      %div3A_587 = arith.divsi %scan3A_585, %jit3A_586 : i32
      %sign3A_588 = arith.constant 0 : i32
      %sign3A_589 = arith.cmpi sgt, %scan3A_585, %sign3A_588 : i32
      %sign3A_590 = arith.extui %sign3A_589 : i1 to i32
      %sign3A_591 = arith.constant 0 : i32
      %sign3A_592 = arith.cmpi slt, %scan3A_585, %sign3A_591 : i32
      %sign3A_593 = arith.extui %sign3A_592 : i1 to i32
      %sign3A_594 = arith.subi %sign3A_590, %sign3A_593 : i32
      %sign3A_595 = arith.constant 0 : i32
      %sign3A_596 = arith.cmpi sgt, %jit3A_586, %sign3A_595 : i32
      %sign3A_597 = arith.extui %sign3A_596 : i1 to i32
      %sign3A_598 = arith.constant 0 : i32
      %sign3A_599 = arith.cmpi slt, %jit3A_586, %sign3A_598 : i32
      %sign3A_600 = arith.extui %sign3A_599 : i1 to i32
      %sign3A_601 = arith.subi %sign3A_597, %sign3A_600 : i32
      %ne3A_602 = arith.cmpi ne, %sign3A_594, %sign3A_601 : i32
      %rem3A_603 = arith.remsi %scan3A_585, %jit3A_586 : i32
      %ne3A_604 = arith.constant 0 : i32
      %ne3A_605 = arith.cmpi ne, %rem3A_603, %ne3A_604 : i32
      %and3A_606 = arith.andi %ne3A_602, %ne3A_605 : i1
      %sub3A_607 = arith.constant 1 : i32
      %sub3A_608 = arith.subi %div3A_587, %sub3A_607 : i32
      %select_n3A_609 = arith.select %and3A_606, %sub3A_608, %div3A_587 : i32
      %jit3A_610 = arith.constant 64 : i32
      %eq3A_611 = arith.constant 0 : i32
      %eq3A_612 = arith.cmpi eq, %jit3A_610, %eq3A_611 : i32
      %jit3A_613 = arith.constant 1 : i32
      %select_n3A_614 = arith.select %eq3A_612, %jit3A_613, %jit3A_610 : i32
      %rem3A_615 = arith.remsi %scan3A_585, %select_n3A_614 : i32
      %ne3A_616 = arith.constant 0 : i32
      %ne3A_617 = arith.cmpi ne, %rem3A_615, %ne3A_616 : i32
      %lt3A_618 = arith.constant 0 : i32
      %lt3A_619 = arith.cmpi slt, %rem3A_615, %lt3A_618 : i32
      %lt3A_620 = arith.constant 0 : i32
      %lt3A_621 = arith.cmpi slt, %select_n3A_614, %lt3A_620 : i32
      %ne3A_622 = arith.xori %lt3A_619, %lt3A_621 : i1
      %and3A_623 = arith.andi %ne3A_622, %ne3A_617 : i1
      %add3A_624 = arith.addi %rem3A_615, %select_n3A_614 : i32
      %select_n3A_625 = arith.select %and3A_623, %add3A_624, %rem3A_615 : i32
      %mul3A_626 = arith.constant 16 : i32
      %mul3A_627 = arith.muli %select_n3A_625, %mul3A_626 : i32
      %get3A_628 = arith.index_cast %select_n3A_609 : i32 to index
      %get3A_629 = arith.index_cast %mul3A_627 : i32 to index
      %get3A_630 = tpu.vector_load %arg11[%get3A_628, %get3A_629] {strides = array<i32>} : memref<16x1024xf32, #tpu.memory_space<vmem>>, vector<1x16xf32>,
      %get3A_631 = vector.shape_cast %get3A_630 : vector<1x16xf32> to vector<16xf32>
      %swap3A_632 = arith.index_cast %select_n3A_609 : i32 to index
      %swap3A_633 = arith.index_cast %mul3A_627 : i32 to index
      %swap3A_634 = tpu.vector_load %arg7[%swap3A_632, %swap3A_633] {strides = array<i32>} : memref<16x1024xf32, #tpu.memory_space<vmem>>, vector<1x16xf32>,
      %swap3A_635 = vector.shape_cast %swap3A_634 : vector<1x16xf32> to vector<16xf32>
      %swap3A_636 = vector.shape_cast %get3A_631 : vector<16xf32> to vector<1x16xf32>
      tpu.vector_store %arg7[%swap3A_632, %swap3A_633], %swap3A_636 {add = true, strides = array<i32>} : memref<16x1024xf32, #tpu.memory_space<vmem>>, vector<1x16xf32>,
      %scan3A_637 = arith.constant 2 : i32
      %scan3A_638 = arith.addi %scan3A_544, %scan3A_637 : i32
      %jit3A_639 = arith.constant 64 : i32
      %div3A_640 = arith.divsi %scan3A_638, %jit3A_639 : i32
      %sign3A_641 = arith.constant 0 : i32
      %sign3A_642 = arith.cmpi sgt, %scan3A_638, %sign3A_641 : i32
      %sign3A_643 = arith.extui %sign3A_642 : i1 to i32
      %sign3A_644 = arith.constant 0 : i32
      %sign3A_645 = arith.cmpi slt, %scan3A_638, %sign3A_644 : i32
      %sign3A_646 = arith.extui %sign3A_645 : i1 to i32
      %sign3A_647 = arith.subi %sign3A_643, %sign3A_646 : i32
      %sign3A_648 = arith.constant 0 : i32
      %sign3A_649 = arith.cmpi sgt, %jit3A_639, %sign3A_648 : i32
      %sign3A_650 = arith.extui %sign3A_649 : i1 to i32
      %sign3A_651 = arith.constant 0 : i32
      %sign3A_652 = arith.cmpi slt, %jit3A_639, %sign3A_651 : i32
      %sign3A_653 = arith.extui %sign3A_652 : i1 to i32
      %sign3A_654 = arith.subi %sign3A_650, %sign3A_653 : i32
      %ne3A_655 = arith.cmpi ne, %sign3A_647, %sign3A_654 : i32
      %rem3A_656 = arith.remsi %scan3A_638, %jit3A_639 : i32
      %ne3A_657 = arith.constant 0 : i32
      %ne3A_658 = arith.cmpi ne, %rem3A_656, %ne3A_657 : i32
      %and3A_659 = arith.andi %ne3A_655, %ne3A_658 : i1
      %sub3A_660 = arith.constant 1 : i32
      %sub3A_661 = arith.subi %div3A_640, %sub3A_660 : i32
      %select_n3A_662 = arith.select %and3A_659, %sub3A_661, %div3A_640 : i32
      %jit3A_663 = arith.constant 64 : i32
      %eq3A_664 = arith.constant 0 : i32
      %eq3A_665 = arith.cmpi eq, %jit3A_663, %eq3A_664 : i32
      %jit3A_666 = arith.constant 1 : i32
      %select_n3A_667 = arith.select %eq3A_665, %jit3A_666, %jit3A_663 : i32
      %rem3A_668 = arith.remsi %scan3A_638, %select_n3A_667 : i32
      %ne3A_669 = arith.constant 0 : i32
      %ne3A_670 = arith.cmpi ne, %rem3A_668, %ne3A_669 : i32
      %lt3A_671 = arith.constant 0 : i32
      %lt3A_672 = arith.cmpi slt, %rem3A_668, %lt3A_671 : i32
      %lt3A_673 = arith.constant 0 : i32
      %lt3A_674 = arith.cmpi slt, %select_n3A_667, %lt3A_673 : i32
      %ne3A_675 = arith.xori %lt3A_672, %lt3A_674 : i1
      %and3A_676 = arith.andi %ne3A_675, %ne3A_670 : i1
      %add3A_677 = arith.addi %rem3A_668, %select_n3A_667 : i32
      %select_n3A_678 = arith.select %and3A_676, %add3A_677, %rem3A_668 : i32
      %mul3A_679 = arith.constant 16 : i32
      %mul3A_680 = arith.muli %select_n3A_678, %mul3A_679 : i32
      %get3A_681 = arith.index_cast %select_n3A_662 : i32 to index
      %get3A_682 = arith.index_cast %mul3A_680 : i32 to index
      %get3A_683 = tpu.vector_load %arg11[%get3A_681, %get3A_682] {strides = array<i32>} : memref<16x1024xf32, #tpu.memory_space<vmem>>, vector<1x16xf32>,
      %get3A_684 = vector.shape_cast %get3A_683 : vector<1x16xf32> to vector<16xf32>
      %swap3A_685 = arith.index_cast %select_n3A_662 : i32 to index
      %swap3A_686 = arith.index_cast %mul3A_680 : i32 to index
      %swap3A_687 = tpu.vector_load %arg7[%swap3A_685, %swap3A_686] {strides = array<i32>} : memref<16x1024xf32, #tpu.memory_space<vmem>>, vector<1x16xf32>,
      %swap3A_688 = vector.shape_cast %swap3A_687 : vector<1x16xf32> to vector<16xf32>
      %swap3A_689 = vector.shape_cast %get3A_684 : vector<16xf32> to vector<1x16xf32>
      tpu.vector_store %arg7[%swap3A_685, %swap3A_686], %swap3A_689 {add = true, strides = array<i32>} : memref<16x1024xf32, #tpu.memory_space<vmem>>, vector<1x16xf32>,
      %scan3A_690 = arith.constant 3 : i32
      %scan3A_691 = arith.addi %scan3A_544, %scan3A_690 : i32
      %jit3A_692 = arith.constant 64 : i32
      %div3A_693 = arith.divsi %scan3A_691, %jit3A_692 : i32
      %sign3A_694 = arith.constant 0 : i32
      %sign3A_695 = arith.cmpi sgt, %scan3A_691, %sign3A_694 : i32
      %sign3A_696 = arith.extui %sign3A_695 : i1 to i32
      %sign3A_697 = arith.constant 0 : i32
      %sign3A_698 = arith.cmpi slt, %scan3A_691, %sign3A_697 : i32
      %sign3A_699 = arith.extui %sign3A_698 : i1 to i32
      %sign3A_700 = arith.subi %sign3A_696, %sign3A_699 : i32
      %sign3A_701 = arith.constant 0 : i32
      %sign3A_702 = arith.cmpi sgt, %jit3A_692, %sign3A_701 : i32
      %sign3A_703 = arith.extui %sign3A_702 : i1 to i32
      %sign3A_704 = arith.constant 0 : i32
      %sign3A_705 = arith.cmpi slt, %jit3A_692, %sign3A_704 : i32
      %sign3A_706 = arith.extui %sign3A_705 : i1 to i32
      %sign3A_707 = arith.subi %sign3A_703, %sign3A_706 : i32
      %ne3A_708 = arith.cmpi ne, %sign3A_700, %sign3A_707 : i32
      %rem3A_709 = arith.remsi %scan3A_691, %jit3A_692 : i32
      %ne3A_710 = arith.constant 0 : i32
      %ne3A_711 = arith.cmpi ne, %rem3A_709, %ne3A_710 : i32
      %and3A_712 = arith.andi %ne3A_708, %ne3A_711 : i1
      %sub3A_713 = arith.constant 1 : i32
      %sub3A_714 = arith.subi %div3A_693, %sub3A_713 : i32
      %select_n3A_715 = arith.select %and3A_712, %sub3A_714, %div3A_693 : i32
      %jit3A_716 = arith.constant 64 : i32
      %eq3A_717 = arith.constant 0 : i32
      %eq3A_718 = arith.cmpi eq, %jit3A_716, %eq3A_717 : i32
      %jit3A_719 = arith.constant 1 : i32
      %select_n3A_720 = arith.select %eq3A_718, %jit3A_719, %jit3A_716 : i32
      %rem3A_721 = arith.remsi %scan3A_691, %select_n3A_720 : i32
      %ne3A_722 = arith.constant 0 : i32
      %ne3A_723 = arith.cmpi ne, %rem3A_721, %ne3A_722 : i32
      %lt3A_724 = arith.constant 0 : i32
      %lt3A_725 = arith.cmpi slt, %rem3A_721, %lt3A_724 : i32
      %lt3A_726 = arith.constant 0 : i32
      %lt3A_727 = arith.cmpi slt, %select_n3A_720, %lt3A_726 : i32
      %ne3A_728 = arith.xori %lt3A_725, %lt3A_727 : i1
      %and3A_729 = arith.andi %ne3A_728, %ne3A_723 : i1
      %add3A_730 = arith.addi %rem3A_721, %select_n3A_720 : i32
      %select_n3A_731 = arith.select %and3A_729, %add3A_730, %rem3A_721 : i32
      %mul3A_732 = arith.constant 16 : i32
      %mul3A_733 = arith.muli %select_n3A_731, %mul3A_732 : i32
      %get3A_734 = arith.index_cast %select_n3A_715 : i32 to index
      %get3A_735 = arith.index_cast %mul3A_733 : i32 to index
      %get3A_736 = tpu.vector_load %arg11[%get3A_734, %get3A_735] {strides = array<i32>} : memref<16x1024xf32, #tpu.memory_space<vmem>>, vector<1x16xf32>,
      %get3A_737 = vector.shape_cast %get3A_736 : vector<1x16xf32> to vector<16xf32>
      %swap3A_738 = arith.index_cast %select_n3A_715 : i32 to index
      %swap3A_739 = arith.index_cast %mul3A_733 : i32 to index
      %swap3A_740 = tpu.vector_load %arg7[%swap3A_738, %swap3A_739] {strides = array<i32>} : memref<16x1024xf32, #tpu.memory_space<vmem>>, vector<1x16xf32>,
      %swap3A_741 = vector.shape_cast %swap3A_740 : vector<1x16xf32> to vector<16xf32>
      %swap3A_742 = vector.shape_cast %get3A_737 : vector<16xf32> to vector<1x16xf32>
      tpu.vector_store %arg7[%swap3A_738, %swap3A_739], %swap3A_742 {add = true, strides = array<i32>} : memref<16x1024xf32, #tpu.memory_space<vmem>>, vector<1x16xf32>,
    }
    %scan3A_97 = arith.constant 1024 : i32
    %add3A_98 = arith.constant 0 : i32
    %add3A_99 = arith.addi %add3A_98, %mul3A_2 : i32
    %add3A_100 = arith.constant 0 : i32
    %add3A_101 = arith.addi %add3A_99, %add3A_100 : i32
    %dma_start3A_102 = arith.constant 0 : i32
    %dma_start3A_103 = tpu.memref_slice %arg5[%add3A_101, %dma_start3A_102] : memref<8192x1024xf32, #tpu.memory_space<hbm>> -> memref<16x1024xf32, #tpu.memory_space<hbm>>
    %dma_start3A_104 = arith.constant 0 : i32
    %dma_start3A_105 = tpu.memref_slice %arg5[%add3A_101, %dma_start3A_104] : memref<8192x1024xf32, #tpu.memory_space<hbm>> -> memref<16x1024xf32, #tpu.memory_space<hbm>>
    tpu.enqueue_dma source(%arg7 : memref<16x1024xf32, #tpu.memory_space<vmem>>) target(%dma_start3A_105 : memref<16x1024xf32, #tpu.memory_space<hbm>>) target_semaphore(%arg17 : memref<!tpu.dma_semaphore, #tpu.memory_space<semaphore_mem>>)
    %dma_start3A_106 = arith.constant 192 : i32
    %dma_start3A_107 = tpu.memref_slice %arg6[%dma_start3A_106] : memref<256xi32, #tpu.memory_space<vmem>> -> memref<16xi32, #tpu.memory_space<vmem>>
    %dma_start3A_108 = arith.constant 0 : i32
    %dma_start3A_109 = arith.constant 0 : i32
    %dma_start3A_110 = tpu.memref_slice %arg3[%dma_start3A_108, %dma_start3A_109] : memref<100000x1024xf32, #tpu.memory_space<hbm>> -> memref<100000x1024xf32, #tpu.memory_space<hbm>>
    tpu.enqueue_indirect_dma source(%dma_start3A_110 : memref<100000x1024xf32, #tpu.memory_space<hbm>>) target(%arg10 : memref<16x1024xf32, #tpu.memory_space<vmem>>) offsets(%dma_start3A_107 : memref<16xi32, #tpu.memory_space<vmem>>) semaphore(%arg16 : memref<!tpu.dma_semaphore, #tpu.memory_space<semaphore_mem>>)
    %dma_wait3A_111 = arith.constant 64 : i32
    %dma_wait3A_112 = tpu.memref_slice %arg6[%dma_wait3A_111] : memref<256xi32, #tpu.memory_space<vmem>> -> memref<16xi32, #tpu.memory_space<vmem>>
    %dma_wait3A_113 = arith.constant 0 : i32
    %dma_wait3A_114 = arith.constant 0 : i32
    %dma_wait3A_115 = tpu.memref_slice %arg3[%dma_wait3A_113, %dma_wait3A_114] : memref<100000x1024xf32, #tpu.memory_space<hbm>> -> memref<100000x1024xf32, #tpu.memory_space<hbm>>
    tpu.wait_indirect_dma semaphore(%arg14 : memref<!tpu.dma_semaphore, #tpu.memory_space<semaphore_mem>>) src(%dma_wait3A_115 : memref<100000x1024xf32, #tpu.memory_space<hbm>>) dst(%arg8 : memref<16x1024xf32, #tpu.memory_space<vmem>>)
    %scan3A_116 = arith.constant 0 : i32
    %scan3A_117 = arith.constant 0 : i32
    %scan3A_118 = arith.constant 1024 : i32
    %scan3A_119 = arith.addi %scan3A_117, %scan3A_118 : i32
    %scan3A_120 = arith.constant 4 : i32
    scf.for %scan3A_544 = %scan3A_117 to %scan3A_119 step %scan3A_120  : i32 {
      %jit3A = arith.constant 64 : i32
      %div3A = arith.divsi %scan3A_544, %jit3A : i32
      %sign3A = arith.constant 0 : i32
      %sign3A_545 = arith.cmpi sgt, %scan3A_544, %sign3A : i32
      %sign3A_546 = arith.extui %sign3A_545 : i1 to i32
      %sign3A_547 = arith.constant 0 : i32
      %sign3A_548 = arith.cmpi slt, %scan3A_544, %sign3A_547 : i32
      %sign3A_549 = arith.extui %sign3A_548 : i1 to i32
      %sign3A_550 = arith.subi %sign3A_546, %sign3A_549 : i32
      %sign3A_551 = arith.constant 0 : i32
      %sign3A_552 = arith.cmpi sgt, %jit3A, %sign3A_551 : i32
      %sign3A_553 = arith.extui %sign3A_552 : i1 to i32
      %sign3A_554 = arith.constant 0 : i32
      %sign3A_555 = arith.cmpi slt, %jit3A, %sign3A_554 : i32
      %sign3A_556 = arith.extui %sign3A_555 : i1 to i32
      %sign3A_557 = arith.subi %sign3A_553, %sign3A_556 : i32
      %ne3A = arith.cmpi ne, %sign3A_550, %sign3A_557 : i32
      %rem3A = arith.remsi %scan3A_544, %jit3A : i32
      %ne3A_558 = arith.constant 0 : i32
      %ne3A_559 = arith.cmpi ne, %rem3A, %ne3A_558 : i32
      %and3A = arith.andi %ne3A, %ne3A_559 : i1
      %sub3A = arith.constant 1 : i32
      %sub3A_560 = arith.subi %div3A, %sub3A : i32
      %select_n3A = arith.select %and3A, %sub3A_560, %div3A : i32
      %jit3A_561 = arith.constant 64 : i32
      %eq3A = arith.constant 0 : i32
      %eq3A_562 = arith.cmpi eq, %jit3A_561, %eq3A : i32
      %jit3A_563 = arith.constant 1 : i32
      %select_n3A_564 = arith.select %eq3A_562, %jit3A_563, %jit3A_561 : i32
      %rem3A_565 = arith.remsi %scan3A_544, %select_n3A_564 : i32
      %ne3A_566 = arith.constant 0 : i32
      %ne3A_567 = arith.cmpi ne, %rem3A_565, %ne3A_566 : i32
      %lt3A = arith.constant 0 : i32
      %lt3A_568 = arith.cmpi slt, %rem3A_565, %lt3A : i32
      %lt3A_569 = arith.constant 0 : i32
      %lt3A_570 = arith.cmpi slt, %select_n3A_564, %lt3A_569 : i32
      %ne3A_571 = arith.xori %lt3A_568, %lt3A_570 : i1
      %and3A_572 = arith.andi %ne3A_571, %ne3A_567 : i1
      %add3A_573 = arith.addi %rem3A_565, %select_n3A_564 : i32
      %select_n3A_574 = arith.select %and3A_572, %add3A_573, %rem3A_565 : i32
      %mul3A_575 = arith.constant 16 : i32
      %mul3A_576 = arith.muli %select_n3A_574, %mul3A_575 : i32
      %get3A = arith.index_cast %select_n3A : i32 to index
      %get3A_577 = arith.index_cast %mul3A_576 : i32 to index
      %get3A_578 = tpu.vector_load %arg11[%get3A, %get3A_577] {strides = array<i32>} : memref<16x1024xf32, #tpu.memory_space<vmem>>, vector<1x16xf32>,
      %get3A_579 = vector.shape_cast %get3A_578 : vector<1x16xf32> to vector<16xf32>
      %swap3A = arith.index_cast %select_n3A : i32 to index
      %swap3A_580 = arith.index_cast %mul3A_576 : i32 to index
      %swap3A_581 = tpu.vector_load %arg8[%swap3A, %swap3A_580] {strides = array<i32>} : memref<16x1024xf32, #tpu.memory_space<vmem>>, vector<1x16xf32>,
      %swap3A_582 = vector.shape_cast %swap3A_581 : vector<1x16xf32> to vector<16xf32>
      %swap3A_583 = vector.shape_cast %get3A_579 : vector<16xf32> to vector<1x16xf32>
      tpu.vector_store %arg8[%swap3A, %swap3A_580], %swap3A_583 {add = true, strides = array<i32>} : memref<16x1024xf32, #tpu.memory_space<vmem>>, vector<1x16xf32>,
      %scan3A_584 = arith.constant 1 : i32
      %scan3A_585 = arith.addi %scan3A_544, %scan3A_584 : i32
      %jit3A_586 = arith.constant 64 : i32
      %div3A_587 = arith.divsi %scan3A_585, %jit3A_586 : i32
      %sign3A_588 = arith.constant 0 : i32
      %sign3A_589 = arith.cmpi sgt, %scan3A_585, %sign3A_588 : i32
      %sign3A_590 = arith.extui %sign3A_589 : i1 to i32
      %sign3A_591 = arith.constant 0 : i32
      %sign3A_592 = arith.cmpi slt, %scan3A_585, %sign3A_591 : i32
      %sign3A_593 = arith.extui %sign3A_592 : i1 to i32
      %sign3A_594 = arith.subi %sign3A_590, %sign3A_593 : i32
      %sign3A_595 = arith.constant 0 : i32
      %sign3A_596 = arith.cmpi sgt, %jit3A_586, %sign3A_595 : i32
      %sign3A_597 = arith.extui %sign3A_596 : i1 to i32
      %sign3A_598 = arith.constant 0 : i32
      %sign3A_599 = arith.cmpi slt, %jit3A_586, %sign3A_598 : i32
      %sign3A_600 = arith.extui %sign3A_599 : i1 to i32
      %sign3A_601 = arith.subi %sign3A_597, %sign3A_600 : i32
      %ne3A_602 = arith.cmpi ne, %sign3A_594, %sign3A_601 : i32
      %rem3A_603 = arith.remsi %scan3A_585, %jit3A_586 : i32
      %ne3A_604 = arith.constant 0 : i32
      %ne3A_605 = arith.cmpi ne, %rem3A_603, %ne3A_604 : i32
      %and3A_606 = arith.andi %ne3A_602, %ne3A_605 : i1
      %sub3A_607 = arith.constant 1 : i32
      %sub3A_608 = arith.subi %div3A_587, %sub3A_607 : i32
      %select_n3A_609 = arith.select %and3A_606, %sub3A_608, %div3A_587 : i32
      %jit3A_610 = arith.constant 64 : i32
      %eq3A_611 = arith.constant 0 : i32
      %eq3A_612 = arith.cmpi eq, %jit3A_610, %eq3A_611 : i32
      %jit3A_613 = arith.constant 1 : i32
      %select_n3A_614 = arith.select %eq3A_612, %jit3A_613, %jit3A_610 : i32
      %rem3A_615 = arith.remsi %scan3A_585, %select_n3A_614 : i32
      %ne3A_616 = arith.constant 0 : i32
      %ne3A_617 = arith.cmpi ne, %rem3A_615, %ne3A_616 : i32
      %lt3A_618 = arith.constant 0 : i32
      %lt3A_619 = arith.cmpi slt, %rem3A_615, %lt3A_618 : i32
      %lt3A_620 = arith.constant 0 : i32
      %lt3A_621 = arith.cmpi slt, %select_n3A_614, %lt3A_620 : i32
      %ne3A_622 = arith.xori %lt3A_619, %lt3A_621 : i1
      %and3A_623 = arith.andi %ne3A_622, %ne3A_617 : i1
      %add3A_624 = arith.addi %rem3A_615, %select_n3A_614 : i32
      %select_n3A_625 = arith.select %and3A_623, %add3A_624, %rem3A_615 : i32
      %mul3A_626 = arith.constant 16 : i32
      %mul3A_627 = arith.muli %select_n3A_625, %mul3A_626 : i32
      %get3A_628 = arith.index_cast %select_n3A_609 : i32 to index
      %get3A_629 = arith.index_cast %mul3A_627 : i32 to index
      %get3A_630 = tpu.vector_load %arg11[%get3A_628, %get3A_629] {strides = array<i32>} : memref<16x1024xf32, #tpu.memory_space<vmem>>, vector<1x16xf32>,
      %get3A_631 = vector.shape_cast %get3A_630 : vector<1x16xf32> to vector<16xf32>
      %swap3A_632 = arith.index_cast %select_n3A_609 : i32 to index
      %swap3A_633 = arith.index_cast %mul3A_627 : i32 to index
      %swap3A_634 = tpu.vector_load %arg8[%swap3A_632, %swap3A_633] {strides = array<i32>} : memref<16x1024xf32, #tpu.memory_space<vmem>>, vector<1x16xf32>,
      %swap3A_635 = vector.shape_cast %swap3A_634 : vector<1x16xf32> to vector<16xf32>
      %swap3A_636 = vector.shape_cast %get3A_631 : vector<16xf32> to vector<1x16xf32>
      tpu.vector_store %arg8[%swap3A_632, %swap3A_633], %swap3A_636 {add = true, strides = array<i32>} : memref<16x1024xf32, #tpu.memory_space<vmem>>, vector<1x16xf32>,
      %scan3A_637 = arith.constant 2 : i32
      %scan3A_638 = arith.addi %scan3A_544, %scan3A_637 : i32
      %jit3A_639 = arith.constant 64 : i32
      %div3A_640 = arith.divsi %scan3A_638, %jit3A_639 : i32
      %sign3A_641 = arith.constant 0 : i32
      %sign3A_642 = arith.cmpi sgt, %scan3A_638, %sign3A_641 : i32
      %sign3A_643 = arith.extui %sign3A_642 : i1 to i32
      %sign3A_644 = arith.constant 0 : i32
      %sign3A_645 = arith.cmpi slt, %scan3A_638, %sign3A_644 : i32
      %sign3A_646 = arith.extui %sign3A_645 : i1 to i32
      %sign3A_647 = arith.subi %sign3A_643, %sign3A_646 : i32
      %sign3A_648 = arith.constant 0 : i32
      %sign3A_649 = arith.cmpi sgt, %jit3A_639, %sign3A_648 : i32
      %sign3A_650 = arith.extui %sign3A_649 : i1 to i32
      %sign3A_651 = arith.constant 0 : i32
      %sign3A_652 = arith.cmpi slt, %jit3A_639, %sign3A_651 : i32
      %sign3A_653 = arith.extui %sign3A_652 : i1 to i32
      %sign3A_654 = arith.subi %sign3A_650, %sign3A_653 : i32
      %ne3A_655 = arith.cmpi ne, %sign3A_647, %sign3A_654 : i32
      %rem3A_656 = arith.remsi %scan3A_638, %jit3A_639 : i32
      %ne3A_657 = arith.constant 0 : i32
      %ne3A_658 = arith.cmpi ne, %rem3A_656, %ne3A_657 : i32
      %and3A_659 = arith.andi %ne3A_655, %ne3A_658 : i1
      %sub3A_660 = arith.constant 1 : i32
      %sub3A_661 = arith.subi %div3A_640, %sub3A_660 : i32
      %select_n3A_662 = arith.select %and3A_659, %sub3A_661, %div3A_640 : i32
      %jit3A_663 = arith.constant 64 : i32
      %eq3A_664 = arith.constant 0 : i32
      %eq3A_665 = arith.cmpi eq, %jit3A_663, %eq3A_664 : i32
      %jit3A_666 = arith.constant 1 : i32
      %select_n3A_667 = arith.select %eq3A_665, %jit3A_666, %jit3A_663 : i32
      %rem3A_668 = arith.remsi %scan3A_638, %select_n3A_667 : i32
      %ne3A_669 = arith.constant 0 : i32
      %ne3A_670 = arith.cmpi ne, %rem3A_668, %ne3A_669 : i32
      %lt3A_671 = arith.constant 0 : i32
      %lt3A_672 = arith.cmpi slt, %rem3A_668, %lt3A_671 : i32
      %lt3A_673 = arith.constant 0 : i32
      %lt3A_674 = arith.cmpi slt, %select_n3A_667, %lt3A_673 : i32
      %ne3A_675 = arith.xori %lt3A_672, %lt3A_674 : i1
      %and3A_676 = arith.andi %ne3A_675, %ne3A_670 : i1
      %add3A_677 = arith.addi %rem3A_668, %select_n3A_667 : i32
      %select_n3A_678 = arith.select %and3A_676, %add3A_677, %rem3A_668 : i32
      %mul3A_679 = arith.constant 16 : i32
      %mul3A_680 = arith.muli %select_n3A_678, %mul3A_679 : i32
      %get3A_681 = arith.index_cast %select_n3A_662 : i32 to index
      %get3A_682 = arith.index_cast %mul3A_680 : i32 to index
      %get3A_683 = tpu.vector_load %arg11[%get3A_681, %get3A_682] {strides = array<i32>} : memref<16x1024xf32, #tpu.memory_space<vmem>>, vector<1x16xf32>,
      %get3A_684 = vector.shape_cast %get3A_683 : vector<1x16xf32> to vector<16xf32>
      %swap3A_685 = arith.index_cast %select_n3A_662 : i32 to index
      %swap3A_686 = arith.index_cast %mul3A_680 : i32 to index
      %swap3A_687 = tpu.vector_load %arg8[%swap3A_685, %swap3A_686] {strides = array<i32>} : memref<16x1024xf32, #tpu.memory_space<vmem>>, vector<1x16xf32>,
      %swap3A_688 = vector.shape_cast %swap3A_687 : vector<1x16xf32> to vector<16xf32>
      %swap3A_689 = vector.shape_cast %get3A_684 : vector<16xf32> to vector<1x16xf32>
      tpu.vector_store %arg8[%swap3A_685, %swap3A_686], %swap3A_689 {add = true, strides = array<i32>} : memref<16x1024xf32, #tpu.memory_space<vmem>>, vector<1x16xf32>,
      %scan3A_690 = arith.constant 3 : i32
      %scan3A_691 = arith.addi %scan3A_544, %scan3A_690 : i32
      %jit3A_692 = arith.constant 64 : i32
      %div3A_693 = arith.divsi %scan3A_691, %jit3A_692 : i32
      %sign3A_694 = arith.constant 0 : i32
      %sign3A_695 = arith.cmpi sgt, %scan3A_691, %sign3A_694 : i32
      %sign3A_696 = arith.extui %sign3A_695 : i1 to i32
      %sign3A_697 = arith.constant 0 : i32
      %sign3A_698 = arith.cmpi slt, %scan3A_691, %sign3A_697 : i32
      %sign3A_699 = arith.extui %sign3A_698 : i1 to i32
      %sign3A_700 = arith.subi %sign3A_696, %sign3A_699 : i32
      %sign3A_701 = arith.constant 0 : i32
      %sign3A_702 = arith.cmpi sgt, %jit3A_692, %sign3A_701 : i32
      %sign3A_703 = arith.extui %sign3A_702 : i1 to i32
      %sign3A_704 = arith.constant 0 : i32
      %sign3A_705 = arith.cmpi slt, %jit3A_692, %sign3A_704 : i32
      %sign3A_706 = arith.extui %sign3A_705 : i1 to i32
      %sign3A_707 = arith.subi %sign3A_703, %sign3A_706 : i32
      %ne3A_708 = arith.cmpi ne, %sign3A_700, %sign3A_707 : i32
      %rem3A_709 = arith.remsi %scan3A_691, %jit3A_692 : i32
      %ne3A_710 = arith.constant 0 : i32
      %ne3A_711 = arith.cmpi ne, %rem3A_709, %ne3A_710 : i32
      %and3A_712 = arith.andi %ne3A_708, %ne3A_711 : i1
      %sub3A_713 = arith.constant 1 : i32
      %sub3A_714 = arith.subi %div3A_693, %sub3A_713 : i32
      %select_n3A_715 = arith.select %and3A_712, %sub3A_714, %div3A_693 : i32
      %jit3A_716 = arith.constant 64 : i32
      %eq3A_717 = arith.constant 0 : i32
      %eq3A_718 = arith.cmpi eq, %jit3A_716, %eq3A_717 : i32
      %jit3A_719 = arith.constant 1 : i32
      %select_n3A_720 = arith.select %eq3A_718, %jit3A_719, %jit3A_716 : i32
      %rem3A_721 = arith.remsi %scan3A_691, %select_n3A_720 : i32
      %ne3A_722 = arith.constant 0 : i32
      %ne3A_723 = arith.cmpi ne, %rem3A_721, %ne3A_722 : i32
      %lt3A_724 = arith.constant 0 : i32
      %lt3A_725 = arith.cmpi slt, %rem3A_721, %lt3A_724 : i32
      %lt3A_726 = arith.constant 0 : i32
      %lt3A_727 = arith.cmpi slt, %select_n3A_720, %lt3A_726 : i32
      %ne3A_728 = arith.xori %lt3A_725, %lt3A_727 : i1
      %and3A_729 = arith.andi %ne3A_728, %ne3A_723 : i1
      %add3A_730 = arith.addi %rem3A_721, %select_n3A_720 : i32
      %select_n3A_731 = arith.select %and3A_729, %add3A_730, %rem3A_721 : i32
      %mul3A_732 = arith.constant 16 : i32
      %mul3A_733 = arith.muli %select_n3A_731, %mul3A_732 : i32
      %get3A_734 = arith.index_cast %select_n3A_715 : i32 to index
      %get3A_735 = arith.index_cast %mul3A_733 : i32 to index
      %get3A_736 = tpu.vector_load %arg11[%get3A_734, %get3A_735] {strides = array<i32>} : memref<16x1024xf32, #tpu.memory_space<vmem>>, vector<1x16xf32>,
      %get3A_737 = vector.shape_cast %get3A_736 : vector<1x16xf32> to vector<16xf32>
      %swap3A_738 = arith.index_cast %select_n3A_715 : i32 to index
      %swap3A_739 = arith.index_cast %mul3A_733 : i32 to index
      %swap3A_740 = tpu.vector_load %arg8[%swap3A_738, %swap3A_739] {strides = array<i32>} : memref<16x1024xf32, #tpu.memory_space<vmem>>, vector<1x16xf32>,
      %swap3A_741 = vector.shape_cast %swap3A_740 : vector<1x16xf32> to vector<16xf32>
      %swap3A_742 = vector.shape_cast %get3A_737 : vector<16xf32> to vector<1x16xf32>
      tpu.vector_store %arg8[%swap3A_738, %swap3A_739], %swap3A_742 {add = true, strides = array<i32>} : memref<16x1024xf32, #tpu.memory_space<vmem>>, vector<1x16xf32>,
    }
    %scan3A_121 = arith.constant 1024 : i32
    %add3A_122 = arith.constant 2048 : i32
    %add3A_123 = arith.addi %add3A_122, %mul3A_2 : i32
    %add3A_124 = arith.constant 0 : i32
    %add3A_125 = arith.addi %add3A_123, %add3A_124 : i32
    %dma_start3A_126 = arith.constant 0 : i32
    %dma_start3A_127 = tpu.memref_slice %arg5[%add3A_125, %dma_start3A_126] : memref<8192x1024xf32, #tpu.memory_space<hbm>> -> memref<16x1024xf32, #tpu.memory_space<hbm>>
    %dma_start3A_128 = arith.constant 0 : i32
    %dma_start3A_129 = tpu.memref_slice %arg5[%add3A_125, %dma_start3A_128] : memref<8192x1024xf32, #tpu.memory_space<hbm>> -> memref<16x1024xf32, #tpu.memory_space<hbm>>
    tpu.enqueue_dma source(%arg8 : memref<16x1024xf32, #tpu.memory_space<vmem>>) target(%dma_start3A_129 : memref<16x1024xf32, #tpu.memory_space<hbm>>) target_semaphore(%arg18 : memref<!tpu.dma_semaphore, #tpu.memory_space<semaphore_mem>>)
    %dma_wait3A_130 = arith.constant 0 : i32
    %dma_wait3A_131 = tpu.memref_slice %arg5[%add3A_101, %dma_wait3A_130] : memref<8192x1024xf32, #tpu.memory_space<hbm>> -> memref<16x1024xf32, #tpu.memory_space<hbm>>
    %dma_wait3A_132 = arith.constant 0 : i32
    %dma_wait3A_133 = tpu.memref_slice %arg5[%add3A_101, %dma_wait3A_132] : memref<8192x1024xf32, #tpu.memory_space<hbm>> -> memref<16x1024xf32, #tpu.memory_space<hbm>>
    tpu.wait_dma2 semaphore(%arg17 : memref<!tpu.dma_semaphore, #tpu.memory_space<semaphore_mem>>) src(%arg7 : memref<16x1024xf32, #tpu.memory_space<vmem>>) dst(%dma_wait3A_133 : memref<16x1024xf32, #tpu.memory_space<hbm>>)
    %dma_start3A_134 = arith.constant 16 : i32
    %dma_start3A_135 = tpu.memref_slice %arg6[%dma_start3A_134] : memref<256xi32, #tpu.memory_space<vmem>> -> memref<16xi32, #tpu.memory_space<vmem>>
    %dma_start3A_136 = arith.constant 0 : i32
    %dma_start3A_137 = arith.constant 0 : i32
    %dma_start3A_138 = tpu.memref_slice %arg3[%dma_start3A_136, %dma_start3A_137] : memref<100000x1024xf32, #tpu.memory_space<hbm>> -> memref<100000x1024xf32, #tpu.memory_space<hbm>>
    tpu.enqueue_indirect_dma source(%dma_start3A_138 : memref<100000x1024xf32, #tpu.memory_space<hbm>>) target(%arg7 : memref<16x1024xf32, #tpu.memory_space<vmem>>) offsets(%dma_start3A_135 : memref<16xi32, #tpu.memory_space<vmem>>) semaphore(%arg13 : memref<!tpu.dma_semaphore, #tpu.memory_space<semaphore_mem>>)
    %dma_wait3A_139 = arith.constant 128 : i32
    %dma_wait3A_140 = tpu.memref_slice %arg6[%dma_wait3A_139] : memref<256xi32, #tpu.memory_space<vmem>> -> memref<16xi32, #tpu.memory_space<vmem>>
    %dma_wait3A_141 = arith.constant 0 : i32
    %dma_wait3A_142 = arith.constant 0 : i32
    %dma_wait3A_143 = tpu.memref_slice %arg3[%dma_wait3A_141, %dma_wait3A_142] : memref<100000x1024xf32, #tpu.memory_space<hbm>> -> memref<100000x1024xf32, #tpu.memory_space<hbm>>
    tpu.wait_indirect_dma semaphore(%arg15 : memref<!tpu.dma_semaphore, #tpu.memory_space<semaphore_mem>>) src(%dma_wait3A_143 : memref<100000x1024xf32, #tpu.memory_space<hbm>>) dst(%arg9 : memref<16x1024xf32, #tpu.memory_space<vmem>>)
    %scan3A_144 = arith.constant 0 : i32
    %scan3A_145 = arith.constant 0 : i32
    %scan3A_146 = arith.constant 1024 : i32
    %scan3A_147 = arith.addi %scan3A_145, %scan3A_146 : i32
    %scan3A_148 = arith.constant 4 : i32
    scf.for %scan3A_544 = %scan3A_145 to %scan3A_147 step %scan3A_148  : i32 {
      %jit3A = arith.constant 64 : i32
      %div3A = arith.divsi %scan3A_544, %jit3A : i32
      %sign3A = arith.constant 0 : i32
      %sign3A_545 = arith.cmpi sgt, %scan3A_544, %sign3A : i32
      %sign3A_546 = arith.extui %sign3A_545 : i1 to i32
      %sign3A_547 = arith.constant 0 : i32
      %sign3A_548 = arith.cmpi slt, %scan3A_544, %sign3A_547 : i32
      %sign3A_549 = arith.extui %sign3A_548 : i1 to i32
      %sign3A_550 = arith.subi %sign3A_546, %sign3A_549 : i32
      %sign3A_551 = arith.constant 0 : i32
      %sign3A_552 = arith.cmpi sgt, %jit3A, %sign3A_551 : i32
      %sign3A_553 = arith.extui %sign3A_552 : i1 to i32
      %sign3A_554 = arith.constant 0 : i32
      %sign3A_555 = arith.cmpi slt, %jit3A, %sign3A_554 : i32
      %sign3A_556 = arith.extui %sign3A_555 : i1 to i32
      %sign3A_557 = arith.subi %sign3A_553, %sign3A_556 : i32
      %ne3A = arith.cmpi ne, %sign3A_550, %sign3A_557 : i32
      %rem3A = arith.remsi %scan3A_544, %jit3A : i32
      %ne3A_558 = arith.constant 0 : i32
      %ne3A_559 = arith.cmpi ne, %rem3A, %ne3A_558 : i32
      %and3A = arith.andi %ne3A, %ne3A_559 : i1
      %sub3A = arith.constant 1 : i32
      %sub3A_560 = arith.subi %div3A, %sub3A : i32
      %select_n3A = arith.select %and3A, %sub3A_560, %div3A : i32
      %jit3A_561 = arith.constant 64 : i32
      %eq3A = arith.constant 0 : i32
      %eq3A_562 = arith.cmpi eq, %jit3A_561, %eq3A : i32
      %jit3A_563 = arith.constant 1 : i32
      %select_n3A_564 = arith.select %eq3A_562, %jit3A_563, %jit3A_561 : i32
      %rem3A_565 = arith.remsi %scan3A_544, %select_n3A_564 : i32
      %ne3A_566 = arith.constant 0 : i32
      %ne3A_567 = arith.cmpi ne, %rem3A_565, %ne3A_566 : i32
      %lt3A = arith.constant 0 : i32
      %lt3A_568 = arith.cmpi slt, %rem3A_565, %lt3A : i32
      %lt3A_569 = arith.constant 0 : i32
      %lt3A_570 = arith.cmpi slt, %select_n3A_564, %lt3A_569 : i32
      %ne3A_571 = arith.xori %lt3A_568, %lt3A_570 : i1
      %and3A_572 = arith.andi %ne3A_571, %ne3A_567 : i1
      %add3A_573 = arith.addi %rem3A_565, %select_n3A_564 : i32
      %select_n3A_574 = arith.select %and3A_572, %add3A_573, %rem3A_565 : i32
      %mul3A_575 = arith.constant 16 : i32
      %mul3A_576 = arith.muli %select_n3A_574, %mul3A_575 : i32
      %get3A = arith.index_cast %select_n3A : i32 to index
      %get3A_577 = arith.index_cast %mul3A_576 : i32 to index
      %get3A_578 = tpu.vector_load %arg11[%get3A, %get3A_577] {strides = array<i32>} : memref<16x1024xf32, #tpu.memory_space<vmem>>, vector<1x16xf32>,
      %get3A_579 = vector.shape_cast %get3A_578 : vector<1x16xf32> to vector<16xf32>
      %swap3A = arith.index_cast %select_n3A : i32 to index
      %swap3A_580 = arith.index_cast %mul3A_576 : i32 to index
      %swap3A_581 = tpu.vector_load %arg9[%swap3A, %swap3A_580] {strides = array<i32>} : memref<16x1024xf32, #tpu.memory_space<vmem>>, vector<1x16xf32>,
      %swap3A_582 = vector.shape_cast %swap3A_581 : vector<1x16xf32> to vector<16xf32>
      %swap3A_583 = vector.shape_cast %get3A_579 : vector<16xf32> to vector<1x16xf32>
      tpu.vector_store %arg9[%swap3A, %swap3A_580], %swap3A_583 {add = true, strides = array<i32>} : memref<16x1024xf32, #tpu.memory_space<vmem>>, vector<1x16xf32>,
      %scan3A_584 = arith.constant 1 : i32
      %scan3A_585 = arith.addi %scan3A_544, %scan3A_584 : i32
      %jit3A_586 = arith.constant 64 : i32
      %div3A_587 = arith.divsi %scan3A_585, %jit3A_586 : i32
      %sign3A_588 = arith.constant 0 : i32
      %sign3A_589 = arith.cmpi sgt, %scan3A_585, %sign3A_588 : i32
      %sign3A_590 = arith.extui %sign3A_589 : i1 to i32
      %sign3A_591 = arith.constant 0 : i32
      %sign3A_592 = arith.cmpi slt, %scan3A_585, %sign3A_591 : i32
      %sign3A_593 = arith.extui %sign3A_592 : i1 to i32
      %sign3A_594 = arith.subi %sign3A_590, %sign3A_593 : i32
      %sign3A_595 = arith.constant 0 : i32
      %sign3A_596 = arith.cmpi sgt, %jit3A_586, %sign3A_595 : i32
      %sign3A_597 = arith.extui %sign3A_596 : i1 to i32
      %sign3A_598 = arith.constant 0 : i32
      %sign3A_599 = arith.cmpi slt, %jit3A_586, %sign3A_598 : i32
      %sign3A_600 = arith.extui %sign3A_599 : i1 to i32
      %sign3A_601 = arith.subi %sign3A_597, %sign3A_600 : i32
      %ne3A_602 = arith.cmpi ne, %sign3A_594, %sign3A_601 : i32
      %rem3A_603 = arith.remsi %scan3A_585, %jit3A_586 : i32
      %ne3A_604 = arith.constant 0 : i32
      %ne3A_605 = arith.cmpi ne, %rem3A_603, %ne3A_604 : i32
      %and3A_606 = arith.andi %ne3A_602, %ne3A_605 : i1
      %sub3A_607 = arith.constant 1 : i32
      %sub3A_608 = arith.subi %div3A_587, %sub3A_607 : i32
      %select_n3A_609 = arith.select %and3A_606, %sub3A_608, %div3A_587 : i32
      %jit3A_610 = arith.constant 64 : i32
      %eq3A_611 = arith.constant 0 : i32
      %eq3A_612 = arith.cmpi eq, %jit3A_610, %eq3A_611 : i32
      %jit3A_613 = arith.constant 1 : i32
      %select_n3A_614 = arith.select %eq3A_612, %jit3A_613, %jit3A_610 : i32
      %rem3A_615 = arith.remsi %scan3A_585, %select_n3A_614 : i32
      %ne3A_616 = arith.constant 0 : i32
      %ne3A_617 = arith.cmpi ne, %rem3A_615, %ne3A_616 : i32
      %lt3A_618 = arith.constant 0 : i32
      %lt3A_619 = arith.cmpi slt, %rem3A_615, %lt3A_618 : i32
      %lt3A_620 = arith.constant 0 : i32
      %lt3A_621 = arith.cmpi slt, %select_n3A_614, %lt3A_620 : i32
      %ne3A_622 = arith.xori %lt3A_619, %lt3A_621 : i1
      %and3A_623 = arith.andi %ne3A_622, %ne3A_617 : i1
      %add3A_624 = arith.addi %rem3A_615, %select_n3A_614 : i32
      %select_n3A_625 = arith.select %and3A_623, %add3A_624, %rem3A_615 : i32
      %mul3A_626 = arith.constant 16 : i32
      %mul3A_627 = arith.muli %select_n3A_625, %mul3A_626 : i32
      %get3A_628 = arith.index_cast %select_n3A_609 : i32 to index
      %get3A_629 = arith.index_cast %mul3A_627 : i32 to index
      %get3A_630 = tpu.vector_load %arg11[%get3A_628, %get3A_629] {strides = array<i32>} : memref<16x1024xf32, #tpu.memory_space<vmem>>, vector<1x16xf32>,
      %get3A_631 = vector.shape_cast %get3A_630 : vector<1x16xf32> to vector<16xf32>
      %swap3A_632 = arith.index_cast %select_n3A_609 : i32 to index
      %swap3A_633 = arith.index_cast %mul3A_627 : i32 to index
      %swap3A_634 = tpu.vector_load %arg9[%swap3A_632, %swap3A_633] {strides = array<i32>} : memref<16x1024xf32, #tpu.memory_space<vmem>>, vector<1x16xf32>,
      %swap3A_635 = vector.shape_cast %swap3A_634 : vector<1x16xf32> to vector<16xf32>
      %swap3A_636 = vector.shape_cast %get3A_631 : vector<16xf32> to vector<1x16xf32>
      tpu.vector_store %arg9[%swap3A_632, %swap3A_633], %swap3A_636 {add = true, strides = array<i32>} : memref<16x1024xf32, #tpu.memory_space<vmem>>, vector<1x16xf32>,
      %scan3A_637 = arith.constant 2 : i32
      %scan3A_638 = arith.addi %scan3A_544, %scan3A_637 : i32
      %jit3A_639 = arith.constant 64 : i32
      %div3A_640 = arith.divsi %scan3A_638, %jit3A_639 : i32
      %sign3A_641 = arith.constant 0 : i32
      %sign3A_642 = arith.cmpi sgt, %scan3A_638, %sign3A_641 : i32
      %sign3A_643 = arith.extui %sign3A_642 : i1 to i32
      %sign3A_644 = arith.constant 0 : i32
      %sign3A_645 = arith.cmpi slt, %scan3A_638, %sign3A_644 : i32
      %sign3A_646 = arith.extui %sign3A_645 : i1 to i32
      %sign3A_647 = arith.subi %sign3A_643, %sign3A_646 : i32
      %sign3A_648 = arith.constant 0 : i32
      %sign3A_649 = arith.cmpi sgt, %jit3A_639, %sign3A_648 : i32
      %sign3A_650 = arith.extui %sign3A_649 : i1 to i32
      %sign3A_651 = arith.constant 0 : i32
      %sign3A_652 = arith.cmpi slt, %jit3A_639, %sign3A_651 : i32
      %sign3A_653 = arith.extui %sign3A_652 : i1 to i32
      %sign3A_654 = arith.subi %sign3A_650, %sign3A_653 : i32
      %ne3A_655 = arith.cmpi ne, %sign3A_647, %sign3A_654 : i32
      %rem3A_656 = arith.remsi %scan3A_638, %jit3A_639 : i32
      %ne3A_657 = arith.constant 0 : i32
      %ne3A_658 = arith.cmpi ne, %rem3A_656, %ne3A_657 : i32
      %and3A_659 = arith.andi %ne3A_655, %ne3A_658 : i1
      %sub3A_660 = arith.constant 1 : i32
      %sub3A_661 = arith.subi %div3A_640, %sub3A_660 : i32
      %select_n3A_662 = arith.select %and3A_659, %sub3A_661, %div3A_640 : i32
      %jit3A_663 = arith.constant 64 : i32
      %eq3A_664 = arith.constant 0 : i32
      %eq3A_665 = arith.cmpi eq, %jit3A_663, %eq3A_664 : i32
      %jit3A_666 = arith.constant 1 : i32
      %select_n3A_667 = arith.select %eq3A_665, %jit3A_666, %jit3A_663 : i32
      %rem3A_668 = arith.remsi %scan3A_638, %select_n3A_667 : i32
      %ne3A_669 = arith.constant 0 : i32
      %ne3A_670 = arith.cmpi ne, %rem3A_668, %ne3A_669 : i32
      %lt3A_671 = arith.constant 0 : i32
      %lt3A_672 = arith.cmpi slt, %rem3A_668, %lt3A_671 : i32
      %lt3A_673 = arith.constant 0 : i32
      %lt3A_674 = arith.cmpi slt, %select_n3A_667, %lt3A_673 : i32
      %ne3A_675 = arith.xori %lt3A_672, %lt3A_674 : i1
      %and3A_676 = arith.andi %ne3A_675, %ne3A_670 : i1
      %add3A_677 = arith.addi %rem3A_668, %select_n3A_667 : i32
      %select_n3A_678 = arith.select %and3A_676, %add3A_677, %rem3A_668 : i32
      %mul3A_679 = arith.constant 16 : i32
      %mul3A_680 = arith.muli %select_n3A_678, %mul3A_679 : i32
      %get3A_681 = arith.index_cast %select_n3A_662 : i32 to index
      %get3A_682 = arith.index_cast %mul3A_680 : i32 to index
      %get3A_683 = tpu.vector_load %arg11[%get3A_681, %get3A_682] {strides = array<i32>} : memref<16x1024xf32, #tpu.memory_space<vmem>>, vector<1x16xf32>,
      %get3A_684 = vector.shape_cast %get3A_683 : vector<1x16xf32> to vector<16xf32>
      %swap3A_685 = arith.index_cast %select_n3A_662 : i32 to index
      %swap3A_686 = arith.index_cast %mul3A_680 : i32 to index
      %swap3A_687 = tpu.vector_load %arg9[%swap3A_685, %swap3A_686] {strides = array<i32>} : memref<16x1024xf32, #tpu.memory_space<vmem>>, vector<1x16xf32>,
      %swap3A_688 = vector.shape_cast %swap3A_687 : vector<1x16xf32> to vector<16xf32>
      %swap3A_689 = vector.shape_cast %get3A_684 : vector<16xf32> to vector<1x16xf32>
      tpu.vector_store %arg9[%swap3A_685, %swap3A_686], %swap3A_689 {add = true, strides = array<i32>} : memref<16x1024xf32, #tpu.memory_space<vmem>>, vector<1x16xf32>,
      %scan3A_690 = arith.constant 3 : i32
      %scan3A_691 = arith.addi %scan3A_544, %scan3A_690 : i32
      %jit3A_692 = arith.constant 64 : i32
      %div3A_693 = arith.divsi %scan3A_691, %jit3A_692 : i32
      %sign3A_694 = arith.constant 0 : i32
      %sign3A_695 = arith.cmpi sgt, %scan3A_691, %sign3A_694 : i32
      %sign3A_696 = arith.extui %sign3A_695 : i1 to i32
      %sign3A_697 = arith.constant 0 : i32
      %sign3A_698 = arith.cmpi slt, %scan3A_691, %sign3A_697 : i32
      %sign3A_699 = arith.extui %sign3A_698 : i1 to i32
      %sign3A_700 = arith.subi %sign3A_696, %sign3A_699 : i32
      %sign3A_701 = arith.constant 0 : i32
      %sign3A_702 = arith.cmpi sgt, %jit3A_692, %sign3A_701 : i32
      %sign3A_703 = arith.extui %sign3A_702 : i1 to i32
      %sign3A_704 = arith.constant 0 : i32
      %sign3A_705 = arith.cmpi slt, %jit3A_692, %sign3A_704 : i32
      %sign3A_706 = arith.extui %sign3A_705 : i1 to i32
      %sign3A_707 = arith.subi %sign3A_703, %sign3A_706 : i32
      %ne3A_708 = arith.cmpi ne, %sign3A_700, %sign3A_707 : i32
      %rem3A_709 = arith.remsi %scan3A_691, %jit3A_692 : i32
      %ne3A_710 = arith.constant 0 : i32
      %ne3A_711 = arith.cmpi ne, %rem3A_709, %ne3A_710 : i32
      %and3A_712 = arith.andi %ne3A_708, %ne3A_711 : i1
      %sub3A_713 = arith.constant 1 : i32
      %sub3A_714 = arith.subi %div3A_693, %sub3A_713 : i32
      %select_n3A_715 = arith.select %and3A_712, %sub3A_714, %div3A_693 : i32
      %jit3A_716 = arith.constant 64 : i32
      %eq3A_717 = arith.constant 0 : i32
      %eq3A_718 = arith.cmpi eq, %jit3A_716, %eq3A_717 : i32
      %jit3A_719 = arith.constant 1 : i32
      %select_n3A_720 = arith.select %eq3A_718, %jit3A_719, %jit3A_716 : i32
      %rem3A_721 = arith.remsi %scan3A_691, %select_n3A_720 : i32
      %ne3A_722 = arith.constant 0 : i32
      %ne3A_723 = arith.cmpi ne, %rem3A_721, %ne3A_722 : i32
      %lt3A_724 = arith.constant 0 : i32
      %lt3A_725 = arith.cmpi slt, %rem3A_721, %lt3A_724 : i32
      %lt3A_726 = arith.constant 0 : i32
      %lt3A_727 = arith.cmpi slt, %select_n3A_720, %lt3A_726 : i32
      %ne3A_728 = arith.xori %lt3A_725, %lt3A_727 : i1
      %and3A_729 = arith.andi %ne3A_728, %ne3A_723 : i1
      %add3A_730 = arith.addi %rem3A_721, %select_n3A_720 : i32
      %select_n3A_731 = arith.select %and3A_729, %add3A_730, %rem3A_721 : i32
      %mul3A_732 = arith.constant 16 : i32
      %mul3A_733 = arith.muli %select_n3A_731, %mul3A_732 : i32
      %get3A_734 = arith.index_cast %select_n3A_715 : i32 to index
      %get3A_735 = arith.index_cast %mul3A_733 : i32 to index
      %get3A_736 = tpu.vector_load %arg11[%get3A_734, %get3A_735] {strides = array<i32>} : memref<16x1024xf32, #tpu.memory_space<vmem>>, vector<1x16xf32>,
      %get3A_737 = vector.shape_cast %get3A_736 : vector<1x16xf32> to vector<16xf32>
      %swap3A_738 = arith.index_cast %select_n3A_715 : i32 to index
      %swap3A_739 = arith.index_cast %mul3A_733 : i32 to index
      %swap3A_740 = tpu.vector_load %arg9[%swap3A_738, %swap3A_739] {strides = array<i32>} : memref<16x1024xf32, #tpu.memory_space<vmem>>, vector<1x16xf32>,
      %swap3A_741 = vector.shape_cast %swap3A_740 : vector<1x16xf32> to vector<16xf32>
      %swap3A_742 = vector.shape_cast %get3A_737 : vector<16xf32> to vector<1x16xf32>
      tpu.vector_store %arg9[%swap3A_738, %swap3A_739], %swap3A_742 {add = true, strides = array<i32>} : memref<16x1024xf32, #tpu.memory_space<vmem>>, vector<1x16xf32>,
    }
    %scan3A_149 = arith.constant 1024 : i32
    %add3A_150 = arith.constant 4096 : i32
    %add3A_151 = arith.addi %add3A_150, %mul3A_2 : i32
    %add3A_152 = arith.constant 0 : i32
    %add3A_153 = arith.addi %add3A_151, %add3A_152 : i32
    %dma_start3A_154 = arith.constant 0 : i32
    %dma_start3A_155 = tpu.memref_slice %arg5[%add3A_153, %dma_start3A_154] : memref<8192x1024xf32, #tpu.memory_space<hbm>> -> memref<16x1024xf32, #tpu.memory_space<hbm>>
    %dma_start3A_156 = arith.constant 0 : i32
    %dma_start3A_157 = tpu.memref_slice %arg5[%add3A_153, %dma_start3A_156] : memref<8192x1024xf32, #tpu.memory_space<hbm>> -> memref<16x1024xf32, #tpu.memory_space<hbm>>
    tpu.enqueue_dma source(%arg9 : memref<16x1024xf32, #tpu.memory_space<vmem>>) target(%dma_start3A_157 : memref<16x1024xf32, #tpu.memory_space<hbm>>) target_semaphore(%arg19 : memref<!tpu.dma_semaphore, #tpu.memory_space<semaphore_mem>>)
    %dma_wait3A_158 = arith.constant 0 : i32
    %dma_wait3A_159 = tpu.memref_slice %arg5[%add3A_125, %dma_wait3A_158] : memref<8192x1024xf32, #tpu.memory_space<hbm>> -> memref<16x1024xf32, #tpu.memory_space<hbm>>
    %dma_wait3A_160 = arith.constant 0 : i32
    %dma_wait3A_161 = tpu.memref_slice %arg5[%add3A_125, %dma_wait3A_160] : memref<8192x1024xf32, #tpu.memory_space<hbm>> -> memref<16x1024xf32, #tpu.memory_space<hbm>>
    tpu.wait_dma2 semaphore(%arg18 : memref<!tpu.dma_semaphore, #tpu.memory_space<semaphore_mem>>) src(%arg8 : memref<16x1024xf32, #tpu.memory_space<vmem>>) dst(%dma_wait3A_161 : memref<16x1024xf32, #tpu.memory_space<hbm>>)
    %dma_start3A_162 = arith.constant 80 : i32
    %dma_start3A_163 = tpu.memref_slice %arg6[%dma_start3A_162] : memref<256xi32, #tpu.memory_space<vmem>> -> memref<16xi32, #tpu.memory_space<vmem>>
    %dma_start3A_164 = arith.constant 0 : i32
    %dma_start3A_165 = arith.constant 0 : i32
    %dma_start3A_166 = tpu.memref_slice %arg3[%dma_start3A_164, %dma_start3A_165] : memref<100000x1024xf32, #tpu.memory_space<hbm>> -> memref<100000x1024xf32, #tpu.memory_space<hbm>>
    tpu.enqueue_indirect_dma source(%dma_start3A_166 : memref<100000x1024xf32, #tpu.memory_space<hbm>>) target(%arg8 : memref<16x1024xf32, #tpu.memory_space<vmem>>) offsets(%dma_start3A_163 : memref<16xi32, #tpu.memory_space<vmem>>) semaphore(%arg14 : memref<!tpu.dma_semaphore, #tpu.memory_space<semaphore_mem>>)
    %dma_wait3A_167 = arith.constant 192 : i32
    %dma_wait3A_168 = tpu.memref_slice %arg6[%dma_wait3A_167] : memref<256xi32, #tpu.memory_space<vmem>> -> memref<16xi32, #tpu.memory_space<vmem>>
    %dma_wait3A_169 = arith.constant 0 : i32
    %dma_wait3A_170 = arith.constant 0 : i32
    %dma_wait3A_171 = tpu.memref_slice %arg3[%dma_wait3A_169, %dma_wait3A_170] : memref<100000x1024xf32, #tpu.memory_space<hbm>> -> memref<100000x1024xf32, #tpu.memory_space<hbm>>
    tpu.wait_indirect_dma semaphore(%arg16 : memref<!tpu.dma_semaphore, #tpu.memory_space<semaphore_mem>>) src(%dma_wait3A_171 : memref<100000x1024xf32, #tpu.memory_space<hbm>>) dst(%arg10 : memref<16x1024xf32, #tpu.memory_space<vmem>>)
    %scan3A_172 = arith.constant 0 : i32
    %scan3A_173 = arith.constant 0 : i32
    %scan3A_174 = arith.constant 1024 : i32
    %scan3A_175 = arith.addi %scan3A_173, %scan3A_174 : i32
    %scan3A_176 = arith.constant 4 : i32
    scf.for %scan3A_544 = %scan3A_173 to %scan3A_175 step %scan3A_176  : i32 {
      %jit3A = arith.constant 64 : i32
      %div3A = arith.divsi %scan3A_544, %jit3A : i32
      %sign3A = arith.constant 0 : i32
      %sign3A_545 = arith.cmpi sgt, %scan3A_544, %sign3A : i32
      %sign3A_546 = arith.extui %sign3A_545 : i1 to i32
      %sign3A_547 = arith.constant 0 : i32
      %sign3A_548 = arith.cmpi slt, %scan3A_544, %sign3A_547 : i32
      %sign3A_549 = arith.extui %sign3A_548 : i1 to i32
      %sign3A_550 = arith.subi %sign3A_546, %sign3A_549 : i32
      %sign3A_551 = arith.constant 0 : i32
      %sign3A_552 = arith.cmpi sgt, %jit3A, %sign3A_551 : i32
      %sign3A_553 = arith.extui %sign3A_552 : i1 to i32
      %sign3A_554 = arith.constant 0 : i32
      %sign3A_555 = arith.cmpi slt, %jit3A, %sign3A_554 : i32
      %sign3A_556 = arith.extui %sign3A_555 : i1 to i32
      %sign3A_557 = arith.subi %sign3A_553, %sign3A_556 : i32
      %ne3A = arith.cmpi ne, %sign3A_550, %sign3A_557 : i32
      %rem3A = arith.remsi %scan3A_544, %jit3A : i32
      %ne3A_558 = arith.constant 0 : i32
      %ne3A_559 = arith.cmpi ne, %rem3A, %ne3A_558 : i32
      %and3A = arith.andi %ne3A, %ne3A_559 : i1
      %sub3A = arith.constant 1 : i32
      %sub3A_560 = arith.subi %div3A, %sub3A : i32
      %select_n3A = arith.select %and3A, %sub3A_560, %div3A : i32
      %jit3A_561 = arith.constant 64 : i32
      %eq3A = arith.constant 0 : i32
      %eq3A_562 = arith.cmpi eq, %jit3A_561, %eq3A : i32
      %jit3A_563 = arith.constant 1 : i32
      %select_n3A_564 = arith.select %eq3A_562, %jit3A_563, %jit3A_561 : i32
      %rem3A_565 = arith.remsi %scan3A_544, %select_n3A_564 : i32
      %ne3A_566 = arith.constant 0 : i32
      %ne3A_567 = arith.cmpi ne, %rem3A_565, %ne3A_566 : i32
      %lt3A = arith.constant 0 : i32
      %lt3A_568 = arith.cmpi slt, %rem3A_565, %lt3A : i32
      %lt3A_569 = arith.constant 0 : i32
      %lt3A_570 = arith.cmpi slt, %select_n3A_564, %lt3A_569 : i32
      %ne3A_571 = arith.xori %lt3A_568, %lt3A_570 : i1
      %and3A_572 = arith.andi %ne3A_571, %ne3A_567 : i1
      %add3A_573 = arith.addi %rem3A_565, %select_n3A_564 : i32
      %select_n3A_574 = arith.select %and3A_572, %add3A_573, %rem3A_565 : i32
      %mul3A_575 = arith.constant 16 : i32
      %mul3A_576 = arith.muli %select_n3A_574, %mul3A_575 : i32
      %get3A = arith.index_cast %select_n3A : i32 to index
      %get3A_577 = arith.index_cast %mul3A_576 : i32 to index
      %get3A_578 = tpu.vector_load %arg11[%get3A, %get3A_577] {strides = array<i32>} : memref<16x1024xf32, #tpu.memory_space<vmem>>, vector<1x16xf32>,
      %get3A_579 = vector.shape_cast %get3A_578 : vector<1x16xf32> to vector<16xf32>
      %swap3A = arith.index_cast %select_n3A : i32 to index
      %swap3A_580 = arith.index_cast %mul3A_576 : i32 to index
      %swap3A_581 = tpu.vector_load %arg10[%swap3A, %swap3A_580] {strides = array<i32>} : memref<16x1024xf32, #tpu.memory_space<vmem>>, vector<1x16xf32>,
      %swap3A_582 = vector.shape_cast %swap3A_581 : vector<1x16xf32> to vector<16xf32>
      %swap3A_583 = vector.shape_cast %get3A_579 : vector<16xf32> to vector<1x16xf32>
      tpu.vector_store %arg10[%swap3A, %swap3A_580], %swap3A_583 {add = true, strides = array<i32>} : memref<16x1024xf32, #tpu.memory_space<vmem>>, vector<1x16xf32>,
      %scan3A_584 = arith.constant 1 : i32
      %scan3A_585 = arith.addi %scan3A_544, %scan3A_584 : i32
      %jit3A_586 = arith.constant 64 : i32
      %div3A_587 = arith.divsi %scan3A_585, %jit3A_586 : i32
      %sign3A_588 = arith.constant 0 : i32
      %sign3A_589 = arith.cmpi sgt, %scan3A_585, %sign3A_588 : i32
      %sign3A_590 = arith.extui %sign3A_589 : i1 to i32
      %sign3A_591 = arith.constant 0 : i32
      %sign3A_592 = arith.cmpi slt, %scan3A_585, %sign3A_591 : i32
      %sign3A_593 = arith.extui %sign3A_592 : i1 to i32
      %sign3A_594 = arith.subi %sign3A_590, %sign3A_593 : i32
      %sign3A_595 = arith.constant 0 : i32
      %sign3A_596 = arith.cmpi sgt, %jit3A_586, %sign3A_595 : i32
      %sign3A_597 = arith.extui %sign3A_596 : i1 to i32
      %sign3A_598 = arith.constant 0 : i32
      %sign3A_599 = arith.cmpi slt, %jit3A_586, %sign3A_598 : i32
      %sign3A_600 = arith.extui %sign3A_599 : i1 to i32
      %sign3A_601 = arith.subi %sign3A_597, %sign3A_600 : i32
      %ne3A_602 = arith.cmpi ne, %sign3A_594, %sign3A_601 : i32
      %rem3A_603 = arith.remsi %scan3A_585, %jit3A_586 : i32
      %ne3A_604 = arith.constant 0 : i32
      %ne3A_605 = arith.cmpi ne, %rem3A_603, %ne3A_604 : i32
      %and3A_606 = arith.andi %ne3A_602, %ne3A_605 : i1
      %sub3A_607 = arith.constant 1 : i32
      %sub3A_608 = arith.subi %div3A_587, %sub3A_607 : i32
      %select_n3A_609 = arith.select %and3A_606, %sub3A_608, %div3A_587 : i32
      %jit3A_610 = arith.constant 64 : i32
      %eq3A_611 = arith.constant 0 : i32
      %eq3A_612 = arith.cmpi eq, %jit3A_610, %eq3A_611 : i32
      %jit3A_613 = arith.constant 1 : i32
      %select_n3A_614 = arith.select %eq3A_612, %jit3A_613, %jit3A_610 : i32
      %rem3A_615 = arith.remsi %scan3A_585, %select_n3A_614 : i32
      %ne3A_616 = arith.constant 0 : i32
      %ne3A_617 = arith.cmpi ne, %rem3A_615, %ne3A_616 : i32
      %lt3A_618 = arith.constant 0 : i32
      %lt3A_619 = arith.cmpi slt, %rem3A_615, %lt3A_618 : i32
      %lt3A_620 = arith.constant 0 : i32
      %lt3A_621 = arith.cmpi slt, %select_n3A_614, %lt3A_620 : i32
      %ne3A_622 = arith.xori %lt3A_619, %lt3A_621 : i1
      %and3A_623 = arith.andi %ne3A_622, %ne3A_617 : i1
      %add3A_624 = arith.addi %rem3A_615, %select_n3A_614 : i32
      %select_n3A_625 = arith.select %and3A_623, %add3A_624, %rem3A_615 : i32
      %mul3A_626 = arith.constant 16 : i32
      %mul3A_627 = arith.muli %select_n3A_625, %mul3A_626 : i32
      %get3A_628 = arith.index_cast %select_n3A_609 : i32 to index
      %get3A_629 = arith.index_cast %mul3A_627 : i32 to index
      %get3A_630 = tpu.vector_load %arg11[%get3A_628, %get3A_629] {strides = array<i32>} : memref<16x1024xf32, #tpu.memory_space<vmem>>, vector<1x16xf32>,
      %get3A_631 = vector.shape_cast %get3A_630 : vector<1x16xf32> to vector<16xf32>
      %swap3A_632 = arith.index_cast %select_n3A_609 : i32 to index
      %swap3A_633 = arith.index_cast %mul3A_627 : i32 to index
      %swap3A_634 = tpu.vector_load %arg10[%swap3A_632, %swap3A_633] {strides = array<i32>} : memref<16x1024xf32, #tpu.memory_space<vmem>>, vector<1x16xf32>,
      %swap3A_635 = vector.shape_cast %swap3A_634 : vector<1x16xf32> to vector<16xf32>
      %swap3A_636 = vector.shape_cast %get3A_631 : vector<16xf32> to vector<1x16xf32>
      tpu.vector_store %arg10[%swap3A_632, %swap3A_633], %swap3A_636 {add = true, strides = array<i32>} : memref<16x1024xf32, #tpu.memory_space<vmem>>, vector<1x16xf32>,
      %scan3A_637 = arith.constant 2 : i32
      %scan3A_638 = arith.addi %scan3A_544, %scan3A_637 : i32
      %jit3A_639 = arith.constant 64 : i32
      %div3A_640 = arith.divsi %scan3A_638, %jit3A_639 : i32
      %sign3A_641 = arith.constant 0 : i32
      %sign3A_642 = arith.cmpi sgt, %scan3A_638, %sign3A_641 : i32
      %sign3A_643 = arith.extui %sign3A_642 : i1 to i32
      %sign3A_644 = arith.constant 0 : i32
      %sign3A_645 = arith.cmpi slt, %scan3A_638, %sign3A_644 : i32
      %sign3A_646 = arith.extui %sign3A_645 : i1 to i32
      %sign3A_647 = arith.subi %sign3A_643, %sign3A_646 : i32
      %sign3A_648 = arith.constant 0 : i32
      %sign3A_649 = arith.cmpi sgt, %jit3A_639, %sign3A_648 : i32
      %sign3A_650 = arith.extui %sign3A_649 : i1 to i32
      %sign3A_651 = arith.constant 0 : i32
      %sign3A_652 = arith.cmpi slt, %jit3A_639, %sign3A_651 : i32
      %sign3A_653 = arith.extui %sign3A_652 : i1 to i32
      %sign3A_654 = arith.subi %sign3A_650, %sign3A_653 : i32
      %ne3A_655 = arith.cmpi ne, %sign3A_647, %sign3A_654 : i32
      %rem3A_656 = arith.remsi %scan3A_638, %jit3A_639 : i32
      %ne3A_657 = arith.constant 0 : i32
      %ne3A_658 = arith.cmpi ne, %rem3A_656, %ne3A_657 : i32
      %and3A_659 = arith.andi %ne3A_655, %ne3A_658 : i1
      %sub3A_660 = arith.constant 1 : i32
      %sub3A_661 = arith.subi %div3A_640, %sub3A_660 : i32
      %select_n3A_662 = arith.select %and3A_659, %sub3A_661, %div3A_640 : i32
      %jit3A_663 = arith.constant 64 : i32
      %eq3A_664 = arith.constant 0 : i32
      %eq3A_665 = arith.cmpi eq, %jit3A_663, %eq3A_664 : i32
      %jit3A_666 = arith.constant 1 : i32
      %select_n3A_667 = arith.select %eq3A_665, %jit3A_666, %jit3A_663 : i32
      %rem3A_668 = arith.remsi %scan3A_638, %select_n3A_667 : i32
      %ne3A_669 = arith.constant 0 : i32
      %ne3A_670 = arith.cmpi ne, %rem3A_668, %ne3A_669 : i32
      %lt3A_671 = arith.constant 0 : i32
      %lt3A_672 = arith.cmpi slt, %rem3A_668, %lt3A_671 : i32
      %lt3A_673 = arith.constant 0 : i32
      %lt3A_674 = arith.cmpi slt, %select_n3A_667, %lt3A_673 : i32
      %ne3A_675 = arith.xori %lt3A_672, %lt3A_674 : i1
      %and3A_676 = arith.andi %ne3A_675, %ne3A_670 : i1
      %add3A_677 = arith.addi %rem3A_668, %select_n3A_667 : i32
      %select_n3A_678 = arith.select %and3A_676, %add3A_677, %rem3A_668 : i32
      %mul3A_679 = arith.constant 16 : i32
      %mul3A_680 = arith.muli %select_n3A_678, %mul3A_679 : i32
      %get3A_681 = arith.index_cast %select_n3A_662 : i32 to index
      %get3A_682 = arith.index_cast %mul3A_680 : i32 to index
      %get3A_683 = tpu.vector_load %arg11[%get3A_681, %get3A_682] {strides = array<i32>} : memref<16x1024xf32, #tpu.memory_space<vmem>>, vector<1x16xf32>,
      %get3A_684 = vector.shape_cast %get3A_683 : vector<1x16xf32> to vector<16xf32>
      %swap3A_685 = arith.index_cast %select_n3A_662 : i32 to index
      %swap3A_686 = arith.index_cast %mul3A_680 : i32 to index
      %swap3A_687 = tpu.vector_load %arg10[%swap3A_685, %swap3A_686] {strides = array<i32>} : memref<16x1024xf32, #tpu.memory_space<vmem>>, vector<1x16xf32>,
      %swap3A_688 = vector.shape_cast %swap3A_687 : vector<1x16xf32> to vector<16xf32>
      %swap3A_689 = vector.shape_cast %get3A_684 : vector<16xf32> to vector<1x16xf32>
      tpu.vector_store %arg10[%swap3A_685, %swap3A_686], %swap3A_689 {add = true, strides = array<i32>} : memref<16x1024xf32, #tpu.memory_space<vmem>>, vector<1x16xf32>,
      %scan3A_690 = arith.constant 3 : i32
      %scan3A_691 = arith.addi %scan3A_544, %scan3A_690 : i32
      %jit3A_692 = arith.constant 64 : i32
      %div3A_693 = arith.divsi %scan3A_691, %jit3A_692 : i32
      %sign3A_694 = arith.constant 0 : i32
      %sign3A_695 = arith.cmpi sgt, %scan3A_691, %sign3A_694 : i32
      %sign3A_696 = arith.extui %sign3A_695 : i1 to i32
      %sign3A_697 = arith.constant 0 : i32
      %sign3A_698 = arith.cmpi slt, %scan3A_691, %sign3A_697 : i32
      %sign3A_699 = arith.extui %sign3A_698 : i1 to i32
      %sign3A_700 = arith.subi %sign3A_696, %sign3A_699 : i32
      %sign3A_701 = arith.constant 0 : i32
      %sign3A_702 = arith.cmpi sgt, %jit3A_692, %sign3A_701 : i32
      %sign3A_703 = arith.extui %sign3A_702 : i1 to i32
      %sign3A_704 = arith.constant 0 : i32
      %sign3A_705 = arith.cmpi slt, %jit3A_692, %sign3A_704 : i32
      %sign3A_706 = arith.extui %sign3A_705 : i1 to i32
      %sign3A_707 = arith.subi %sign3A_703, %sign3A_706 : i32
      %ne3A_708 = arith.cmpi ne, %sign3A_700, %sign3A_707 : i32
      %rem3A_709 = arith.remsi %scan3A_691, %jit3A_692 : i32
      %ne3A_710 = arith.constant 0 : i32
      %ne3A_711 = arith.cmpi ne, %rem3A_709, %ne3A_710 : i32
      %and3A_712 = arith.andi %ne3A_708, %ne3A_711 : i1
      %sub3A_713 = arith.constant 1 : i32
      %sub3A_714 = arith.subi %div3A_693, %sub3A_713 : i32
      %select_n3A_715 = arith.select %and3A_712, %sub3A_714, %div3A_693 : i32
      %jit3A_716 = arith.constant 64 : i32
      %eq3A_717 = arith.constant 0 : i32
      %eq3A_718 = arith.cmpi eq, %jit3A_716, %eq3A_717 : i32
      %jit3A_719 = arith.constant 1 : i32
      %select_n3A_720 = arith.select %eq3A_718, %jit3A_719, %jit3A_716 : i32
      %rem3A_721 = arith.remsi %scan3A_691, %select_n3A_720 : i32
      %ne3A_722 = arith.constant 0 : i32
      %ne3A_723 = arith.cmpi ne, %rem3A_721, %ne3A_722 : i32
      %lt3A_724 = arith.constant 0 : i32
      %lt3A_725 = arith.cmpi slt, %rem3A_721, %lt3A_724 : i32
      %lt3A_726 = arith.constant 0 : i32
      %lt3A_727 = arith.cmpi slt, %select_n3A_720, %lt3A_726 : i32
      %ne3A_728 = arith.xori %lt3A_725, %lt3A_727 : i1
      %and3A_729 = arith.andi %ne3A_728, %ne3A_723 : i1
      %add3A_730 = arith.addi %rem3A_721, %select_n3A_720 : i32
      %select_n3A_731 = arith.select %and3A_729, %add3A_730, %rem3A_721 : i32
      %mul3A_732 = arith.constant 16 : i32
      %mul3A_733 = arith.muli %select_n3A_731, %mul3A_732 : i32
      %get3A_734 = arith.index_cast %select_n3A_715 : i32 to index
      %get3A_735 = arith.index_cast %mul3A_733 : i32 to index
      %get3A_736 = tpu.vector_load %arg11[%get3A_734, %get3A_735] {strides = array<i32>} : memref<16x1024xf32, #tpu.memory_space<vmem>>, vector<1x16xf32>,
      %get3A_737 = vector.shape_cast %get3A_736 : vector<1x16xf32> to vector<16xf32>
      %swap3A_738 = arith.index_cast %select_n3A_715 : i32 to index
      %swap3A_739 = arith.index_cast %mul3A_733 : i32 to index
      %swap3A_740 = tpu.vector_load %arg10[%swap3A_738, %swap3A_739] {strides = array<i32>} : memref<16x1024xf32, #tpu.memory_space<vmem>>, vector<1x16xf32>,
      %swap3A_741 = vector.shape_cast %swap3A_740 : vector<1x16xf32> to vector<16xf32>
      %swap3A_742 = vector.shape_cast %get3A_737 : vector<16xf32> to vector<1x16xf32>
      tpu.vector_store %arg10[%swap3A_738, %swap3A_739], %swap3A_742 {add = true, strides = array<i32>} : memref<16x1024xf32, #tpu.memory_space<vmem>>, vector<1x16xf32>,
    }
    %scan3A_177 = arith.constant 1024 : i32
    %add3A_178 = arith.constant 6144 : i32
    %add3A_179 = arith.addi %add3A_178, %mul3A_2 : i32
    %add3A_180 = arith.constant 0 : i32
    %add3A_181 = arith.addi %add3A_179, %add3A_180 : i32
    %dma_start3A_182 = arith.constant 0 : i32
    %dma_start3A_183 = tpu.memref_slice %arg5[%add3A_181, %dma_start3A_182] : memref<8192x1024xf32, #tpu.memory_space<hbm>> -> memref<16x1024xf32, #tpu.memory_space<hbm>>
    %dma_start3A_184 = arith.constant 0 : i32
    %dma_start3A_185 = tpu.memref_slice %arg5[%add3A_181, %dma_start3A_184] : memref<8192x1024xf32, #tpu.memory_space<hbm>> -> memref<16x1024xf32, #tpu.memory_space<hbm>>
    tpu.enqueue_dma source(%arg10 : memref<16x1024xf32, #tpu.memory_space<vmem>>) target(%dma_start3A_185 : memref<16x1024xf32, #tpu.memory_space<hbm>>) target_semaphore(%arg20 : memref<!tpu.dma_semaphore, #tpu.memory_space<semaphore_mem>>)
    %add3A_186 = arith.constant 32 : i32
    %add3A_187 = arith.addi %mul3A_2, %add3A_186 : i32
    %dma_start3A_188 = arith.constant 0 : i32
    %dma_start3A_189 = tpu.memref_slice %arg4[%add3A_187, %dma_start3A_188] : memref<2048x1024xf32, #tpu.memory_space<hbm>> -> memref<16x1024xf32, #tpu.memory_space<hbm>>
    %dma_start3A_190 = arith.constant 0 : i32
    %dma_start3A_191 = tpu.memref_slice %arg4[%add3A_187, %dma_start3A_190] : memref<2048x1024xf32, #tpu.memory_space<hbm>> -> memref<16x1024xf32, #tpu.memory_space<hbm>>
    tpu.enqueue_dma source(%dma_start3A_191 : memref<16x1024xf32, #tpu.memory_space<hbm>>) target(%arg11 : memref<16x1024xf32, #tpu.memory_space<vmem>>) target_semaphore(%arg21 : memref<!tpu.dma_semaphore, #tpu.memory_space<semaphore_mem>>)
    %dma_wait3A_192 = arith.constant 0 : i32
    %dma_wait3A_193 = tpu.memref_slice %arg5[%add3A_153, %dma_wait3A_192] : memref<8192x1024xf32, #tpu.memory_space<hbm>> -> memref<16x1024xf32, #tpu.memory_space<hbm>>
    %dma_wait3A_194 = arith.constant 0 : i32
    %dma_wait3A_195 = tpu.memref_slice %arg5[%add3A_153, %dma_wait3A_194] : memref<8192x1024xf32, #tpu.memory_space<hbm>> -> memref<16x1024xf32, #tpu.memory_space<hbm>>
    tpu.wait_dma2 semaphore(%arg19 : memref<!tpu.dma_semaphore, #tpu.memory_space<semaphore_mem>>) src(%arg9 : memref<16x1024xf32, #tpu.memory_space<vmem>>) dst(%dma_wait3A_195 : memref<16x1024xf32, #tpu.memory_space<hbm>>)
    %dma_start3A_196 = arith.constant 144 : i32
    %dma_start3A_197 = tpu.memref_slice %arg6[%dma_start3A_196] : memref<256xi32, #tpu.memory_space<vmem>> -> memref<16xi32, #tpu.memory_space<vmem>>
    %dma_start3A_198 = arith.constant 0 : i32
    %dma_start3A_199 = arith.constant 0 : i32
    %dma_start3A_200 = tpu.memref_slice %arg3[%dma_start3A_198, %dma_start3A_199] : memref<100000x1024xf32, #tpu.memory_space<hbm>> -> memref<100000x1024xf32, #tpu.memory_space<hbm>>
    tpu.enqueue_indirect_dma source(%dma_start3A_200 : memref<100000x1024xf32, #tpu.memory_space<hbm>>) target(%arg9 : memref<16x1024xf32, #tpu.memory_space<vmem>>) offsets(%dma_start3A_197 : memref<16xi32, #tpu.memory_space<vmem>>) semaphore(%arg15 : memref<!tpu.dma_semaphore, #tpu.memory_space<semaphore_mem>>)
    %dma_wait3A_201 = arith.constant 16 : i32
    %dma_wait3A_202 = tpu.memref_slice %arg6[%dma_wait3A_201] : memref<256xi32, #tpu.memory_space<vmem>> -> memref<16xi32, #tpu.memory_space<vmem>>
    %dma_wait3A_203 = arith.constant 0 : i32
    %dma_wait3A_204 = arith.constant 0 : i32
    %dma_wait3A_205 = tpu.memref_slice %arg3[%dma_wait3A_203, %dma_wait3A_204] : memref<100000x1024xf32, #tpu.memory_space<hbm>> -> memref<100000x1024xf32, #tpu.memory_space<hbm>>
    tpu.wait_indirect_dma semaphore(%arg13 : memref<!tpu.dma_semaphore, #tpu.memory_space<semaphore_mem>>) src(%dma_wait3A_205 : memref<100000x1024xf32, #tpu.memory_space<hbm>>) dst(%arg7 : memref<16x1024xf32, #tpu.memory_space<vmem>>)
    %dma_wait3A_206 = arith.constant 0 : i32
    %dma_wait3A_207 = tpu.memref_slice %arg4[%add3A_74, %dma_wait3A_206] : memref<2048x1024xf32, #tpu.memory_space<hbm>> -> memref<16x1024xf32, #tpu.memory_space<hbm>>
    %dma_wait3A_208 = arith.constant 0 : i32
    %dma_wait3A_209 = tpu.memref_slice %arg4[%add3A_74, %dma_wait3A_208] : memref<2048x1024xf32, #tpu.memory_space<hbm>> -> memref<16x1024xf32, #tpu.memory_space<hbm>>
    tpu.wait_dma2 semaphore(%arg22 : memref<!tpu.dma_semaphore, #tpu.memory_space<semaphore_mem>>) src(%dma_wait3A_209 : memref<16x1024xf32, #tpu.memory_space<hbm>>) dst(%arg12 : memref<16x1024xf32, #tpu.memory_space<vmem>>)
    %scan3A_210 = arith.constant 0 : i32
    %scan3A_211 = arith.constant 0 : i32
    %scan3A_212 = arith.constant 1024 : i32
    %scan3A_213 = arith.addi %scan3A_211, %scan3A_212 : i32
    %scan3A_214 = arith.constant 4 : i32
    scf.for %scan3A_544 = %scan3A_211 to %scan3A_213 step %scan3A_214  : i32 {
      %jit3A = arith.constant 64 : i32
      %div3A = arith.divsi %scan3A_544, %jit3A : i32
      %sign3A = arith.constant 0 : i32
      %sign3A_545 = arith.cmpi sgt, %scan3A_544, %sign3A : i32
      %sign3A_546 = arith.extui %sign3A_545 : i1 to i32
      %sign3A_547 = arith.constant 0 : i32
      %sign3A_548 = arith.cmpi slt, %scan3A_544, %sign3A_547 : i32
      %sign3A_549 = arith.extui %sign3A_548 : i1 to i32
      %sign3A_550 = arith.subi %sign3A_546, %sign3A_549 : i32
      %sign3A_551 = arith.constant 0 : i32
      %sign3A_552 = arith.cmpi sgt, %jit3A, %sign3A_551 : i32
      %sign3A_553 = arith.extui %sign3A_552 : i1 to i32
      %sign3A_554 = arith.constant 0 : i32
      %sign3A_555 = arith.cmpi slt, %jit3A, %sign3A_554 : i32
      %sign3A_556 = arith.extui %sign3A_555 : i1 to i32
      %sign3A_557 = arith.subi %sign3A_553, %sign3A_556 : i32
      %ne3A = arith.cmpi ne, %sign3A_550, %sign3A_557 : i32
      %rem3A = arith.remsi %scan3A_544, %jit3A : i32
      %ne3A_558 = arith.constant 0 : i32
      %ne3A_559 = arith.cmpi ne, %rem3A, %ne3A_558 : i32
      %and3A = arith.andi %ne3A, %ne3A_559 : i1
      %sub3A = arith.constant 1 : i32
      %sub3A_560 = arith.subi %div3A, %sub3A : i32
      %select_n3A = arith.select %and3A, %sub3A_560, %div3A : i32
      %jit3A_561 = arith.constant 64 : i32
      %eq3A = arith.constant 0 : i32
      %eq3A_562 = arith.cmpi eq, %jit3A_561, %eq3A : i32
      %jit3A_563 = arith.constant 1 : i32
      %select_n3A_564 = arith.select %eq3A_562, %jit3A_563, %jit3A_561 : i32
      %rem3A_565 = arith.remsi %scan3A_544, %select_n3A_564 : i32
      %ne3A_566 = arith.constant 0 : i32
      %ne3A_567 = arith.cmpi ne, %rem3A_565, %ne3A_566 : i32
      %lt3A = arith.constant 0 : i32
      %lt3A_568 = arith.cmpi slt, %rem3A_565, %lt3A : i32
      %lt3A_569 = arith.constant 0 : i32
      %lt3A_570 = arith.cmpi slt, %select_n3A_564, %lt3A_569 : i32
      %ne3A_571 = arith.xori %lt3A_568, %lt3A_570 : i1
      %and3A_572 = arith.andi %ne3A_571, %ne3A_567 : i1
      %add3A_573 = arith.addi %rem3A_565, %select_n3A_564 : i32
      %select_n3A_574 = arith.select %and3A_572, %add3A_573, %rem3A_565 : i32
      %mul3A_575 = arith.constant 16 : i32
      %mul3A_576 = arith.muli %select_n3A_574, %mul3A_575 : i32
      %get3A = arith.index_cast %select_n3A : i32 to index
      %get3A_577 = arith.index_cast %mul3A_576 : i32 to index
      %get3A_578 = tpu.vector_load %arg12[%get3A, %get3A_577] {strides = array<i32>} : memref<16x1024xf32, #tpu.memory_space<vmem>>, vector<1x16xf32>,
      %get3A_579 = vector.shape_cast %get3A_578 : vector<1x16xf32> to vector<16xf32>
      %swap3A = arith.index_cast %select_n3A : i32 to index
      %swap3A_580 = arith.index_cast %mul3A_576 : i32 to index
      %swap3A_581 = tpu.vector_load %arg7[%swap3A, %swap3A_580] {strides = array<i32>} : memref<16x1024xf32, #tpu.memory_space<vmem>>, vector<1x16xf32>,
      %swap3A_582 = vector.shape_cast %swap3A_581 : vector<1x16xf32> to vector<16xf32>
      %swap3A_583 = vector.shape_cast %get3A_579 : vector<16xf32> to vector<1x16xf32>
      tpu.vector_store %arg7[%swap3A, %swap3A_580], %swap3A_583 {add = true, strides = array<i32>} : memref<16x1024xf32, #tpu.memory_space<vmem>>, vector<1x16xf32>,
      %scan3A_584 = arith.constant 1 : i32
      %scan3A_585 = arith.addi %scan3A_544, %scan3A_584 : i32
      %jit3A_586 = arith.constant 64 : i32
      %div3A_587 = arith.divsi %scan3A_585, %jit3A_586 : i32
      %sign3A_588 = arith.constant 0 : i32
      %sign3A_589 = arith.cmpi sgt, %scan3A_585, %sign3A_588 : i32
      %sign3A_590 = arith.extui %sign3A_589 : i1 to i32
      %sign3A_591 = arith.constant 0 : i32
      %sign3A_592 = arith.cmpi slt, %scan3A_585, %sign3A_591 : i32
      %sign3A_593 = arith.extui %sign3A_592 : i1 to i32
      %sign3A_594 = arith.subi %sign3A_590, %sign3A_593 : i32
      %sign3A_595 = arith.constant 0 : i32
      %sign3A_596 = arith.cmpi sgt, %jit3A_586, %sign3A_595 : i32
      %sign3A_597 = arith.extui %sign3A_596 : i1 to i32
      %sign3A_598 = arith.constant 0 : i32
      %sign3A_599 = arith.cmpi slt, %jit3A_586, %sign3A_598 : i32
      %sign3A_600 = arith.extui %sign3A_599 : i1 to i32
      %sign3A_601 = arith.subi %sign3A_597, %sign3A_600 : i32
      %ne3A_602 = arith.cmpi ne, %sign3A_594, %sign3A_601 : i32
      %rem3A_603 = arith.remsi %scan3A_585, %jit3A_586 : i32
      %ne3A_604 = arith.constant 0 : i32
      %ne3A_605 = arith.cmpi ne, %rem3A_603, %ne3A_604 : i32
      %and3A_606 = arith.andi %ne3A_602, %ne3A_605 : i1
      %sub3A_607 = arith.constant 1 : i32
      %sub3A_608 = arith.subi %div3A_587, %sub3A_607 : i32
      %select_n3A_609 = arith.select %and3A_606, %sub3A_608, %div3A_587 : i32
      %jit3A_610 = arith.constant 64 : i32
      %eq3A_611 = arith.constant 0 : i32
      %eq3A_612 = arith.cmpi eq, %jit3A_610, %eq3A_611 : i32
      %jit3A_613 = arith.constant 1 : i32
      %select_n3A_614 = arith.select %eq3A_612, %jit3A_613, %jit3A_610 : i32
      %rem3A_615 = arith.remsi %scan3A_585, %select_n3A_614 : i32
      %ne3A_616 = arith.constant 0 : i32
      %ne3A_617 = arith.cmpi ne, %rem3A_615, %ne3A_616 : i32
      %lt3A_618 = arith.constant 0 : i32
      %lt3A_619 = arith.cmpi slt, %rem3A_615, %lt3A_618 : i32
      %lt3A_620 = arith.constant 0 : i32
      %lt3A_621 = arith.cmpi slt, %select_n3A_614, %lt3A_620 : i32
      %ne3A_622 = arith.xori %lt3A_619, %lt3A_621 : i1
      %and3A_623 = arith.andi %ne3A_622, %ne3A_617 : i1
      %add3A_624 = arith.addi %rem3A_615, %select_n3A_614 : i32
      %select_n3A_625 = arith.select %and3A_623, %add3A_624, %rem3A_615 : i32
      %mul3A_626 = arith.constant 16 : i32
      %mul3A_627 = arith.muli %select_n3A_625, %mul3A_626 : i32
      %get3A_628 = arith.index_cast %select_n3A_609 : i32 to index
      %get3A_629 = arith.index_cast %mul3A_627 : i32 to index
      %get3A_630 = tpu.vector_load %arg12[%get3A_628, %get3A_629] {strides = array<i32>} : memref<16x1024xf32, #tpu.memory_space<vmem>>, vector<1x16xf32>,
      %get3A_631 = vector.shape_cast %get3A_630 : vector<1x16xf32> to vector<16xf32>
      %swap3A_632 = arith.index_cast %select_n3A_609 : i32 to index
      %swap3A_633 = arith.index_cast %mul3A_627 : i32 to index
      %swap3A_634 = tpu.vector_load %arg7[%swap3A_632, %swap3A_633] {strides = array<i32>} : memref<16x1024xf32, #tpu.memory_space<vmem>>, vector<1x16xf32>,
      %swap3A_635 = vector.shape_cast %swap3A_634 : vector<1x16xf32> to vector<16xf32>
      %swap3A_636 = vector.shape_cast %get3A_631 : vector<16xf32> to vector<1x16xf32>
      tpu.vector_store %arg7[%swap3A_632, %swap3A_633], %swap3A_636 {add = true, strides = array<i32>} : memref<16x1024xf32, #tpu.memory_space<vmem>>, vector<1x16xf32>,
      %scan3A_637 = arith.constant 2 : i32
      %scan3A_638 = arith.addi %scan3A_544, %scan3A_637 : i32
      %jit3A_639 = arith.constant 64 : i32
      %div3A_640 = arith.divsi %scan3A_638, %jit3A_639 : i32
      %sign3A_641 = arith.constant 0 : i32
      %sign3A_642 = arith.cmpi sgt, %scan3A_638, %sign3A_641 : i32
      %sign3A_643 = arith.extui %sign3A_642 : i1 to i32
      %sign3A_644 = arith.constant 0 : i32
      %sign3A_645 = arith.cmpi slt, %scan3A_638, %sign3A_644 : i32
      %sign3A_646 = arith.extui %sign3A_645 : i1 to i32
      %sign3A_647 = arith.subi %sign3A_643, %sign3A_646 : i32
      %sign3A_648 = arith.constant 0 : i32
      %sign3A_649 = arith.cmpi sgt, %jit3A_639, %sign3A_648 : i32
      %sign3A_650 = arith.extui %sign3A_649 : i1 to i32
      %sign3A_651 = arith.constant 0 : i32
      %sign3A_652 = arith.cmpi slt, %jit3A_639, %sign3A_651 : i32
      %sign3A_653 = arith.extui %sign3A_652 : i1 to i32
      %sign3A_654 = arith.subi %sign3A_650, %sign3A_653 : i32
      %ne3A_655 = arith.cmpi ne, %sign3A_647, %sign3A_654 : i32
      %rem3A_656 = arith.remsi %scan3A_638, %jit3A_639 : i32
      %ne3A_657 = arith.constant 0 : i32
      %ne3A_658 = arith.cmpi ne, %rem3A_656, %ne3A_657 : i32
      %and3A_659 = arith.andi %ne3A_655, %ne3A_658 : i1
      %sub3A_660 = arith.constant 1 : i32
      %sub3A_661 = arith.subi %div3A_640, %sub3A_660 : i32
      %select_n3A_662 = arith.select %and3A_659, %sub3A_661, %div3A_640 : i32
      %jit3A_663 = arith.constant 64 : i32
      %eq3A_664 = arith.constant 0 : i32
      %eq3A_665 = arith.cmpi eq, %jit3A_663, %eq3A_664 : i32
      %jit3A_666 = arith.constant 1 : i32
      %select_n3A_667 = arith.select %eq3A_665, %jit3A_666, %jit3A_663 : i32
      %rem3A_668 = arith.remsi %scan3A_638, %select_n3A_667 : i32
      %ne3A_669 = arith.constant 0 : i32
      %ne3A_670 = arith.cmpi ne, %rem3A_668, %ne3A_669 : i32
      %lt3A_671 = arith.constant 0 : i32
      %lt3A_672 = arith.cmpi slt, %rem3A_668, %lt3A_671 : i32
      %lt3A_673 = arith.constant 0 : i32
      %lt3A_674 = arith.cmpi slt, %select_n3A_667, %lt3A_673 : i32
      %ne3A_675 = arith.xori %lt3A_672, %lt3A_674 : i1
      %and3A_676 = arith.andi %ne3A_675, %ne3A_670 : i1
      %add3A_677 = arith.addi %rem3A_668, %select_n3A_667 : i32
      %select_n3A_678 = arith.select %and3A_676, %add3A_677, %rem3A_668 : i32
      %mul3A_679 = arith.constant 16 : i32
      %mul3A_680 = arith.muli %select_n3A_678, %mul3A_679 : i32
      %get3A_681 = arith.index_cast %select_n3A_662 : i32 to index
      %get3A_682 = arith.index_cast %mul3A_680 : i32 to index
      %get3A_683 = tpu.vector_load %arg12[%get3A_681, %get3A_682] {strides = array<i32>} : memref<16x1024xf32, #tpu.memory_space<vmem>>, vector<1x16xf32>,
      %get3A_684 = vector.shape_cast %get3A_683 : vector<1x16xf32> to vector<16xf32>
      %swap3A_685 = arith.index_cast %select_n3A_662 : i32 to index
      %swap3A_686 = arith.index_cast %mul3A_680 : i32 to index
      %swap3A_687 = tpu.vector_load %arg7[%swap3A_685, %swap3A_686] {strides = array<i32>} : memref<16x1024xf32, #tpu.memory_space<vmem>>, vector<1x16xf32>,
      %swap3A_688 = vector.shape_cast %swap3A_687 : vector<1x16xf32> to vector<16xf32>
      %swap3A_689 = vector.shape_cast %get3A_684 : vector<16xf32> to vector<1x16xf32>
      tpu.vector_store %arg7[%swap3A_685, %swap3A_686], %swap3A_689 {add = true, strides = array<i32>} : memref<16x1024xf32, #tpu.memory_space<vmem>>, vector<1x16xf32>,
      %scan3A_690 = arith.constant 3 : i32
      %scan3A_691 = arith.addi %scan3A_544, %scan3A_690 : i32
      %jit3A_692 = arith.constant 64 : i32
      %div3A_693 = arith.divsi %scan3A_691, %jit3A_692 : i32
      %sign3A_694 = arith.constant 0 : i32
      %sign3A_695 = arith.cmpi sgt, %scan3A_691, %sign3A_694 : i32
      %sign3A_696 = arith.extui %sign3A_695 : i1 to i32
      %sign3A_697 = arith.constant 0 : i32
      %sign3A_698 = arith.cmpi slt, %scan3A_691, %sign3A_697 : i32
      %sign3A_699 = arith.extui %sign3A_698 : i1 to i32
      %sign3A_700 = arith.subi %sign3A_696, %sign3A_699 : i32
      %sign3A_701 = arith.constant 0 : i32
      %sign3A_702 = arith.cmpi sgt, %jit3A_692, %sign3A_701 : i32
      %sign3A_703 = arith.extui %sign3A_702 : i1 to i32
      %sign3A_704 = arith.constant 0 : i32
      %sign3A_705 = arith.cmpi slt, %jit3A_692, %sign3A_704 : i32
      %sign3A_706 = arith.extui %sign3A_705 : i1 to i32
      %sign3A_707 = arith.subi %sign3A_703, %sign3A_706 : i32
      %ne3A_708 = arith.cmpi ne, %sign3A_700, %sign3A_707 : i32
      %rem3A_709 = arith.remsi %scan3A_691, %jit3A_692 : i32
      %ne3A_710 = arith.constant 0 : i32
      %ne3A_711 = arith.cmpi ne, %rem3A_709, %ne3A_710 : i32
      %and3A_712 = arith.andi %ne3A_708, %ne3A_711 : i1
      %sub3A_713 = arith.constant 1 : i32
      %sub3A_714 = arith.subi %div3A_693, %sub3A_713 : i32
      %select_n3A_715 = arith.select %and3A_712, %sub3A_714, %div3A_693 : i32
      %jit3A_716 = arith.constant 64 : i32
      %eq3A_717 = arith.constant 0 : i32
      %eq3A_718 = arith.cmpi eq, %jit3A_716, %eq3A_717 : i32
      %jit3A_719 = arith.constant 1 : i32
      %select_n3A_720 = arith.select %eq3A_718, %jit3A_719, %jit3A_716 : i32
      %rem3A_721 = arith.remsi %scan3A_691, %select_n3A_720 : i32
      %ne3A_722 = arith.constant 0 : i32
      %ne3A_723 = arith.cmpi ne, %rem3A_721, %ne3A_722 : i32
      %lt3A_724 = arith.constant 0 : i32
      %lt3A_725 = arith.cmpi slt, %rem3A_721, %lt3A_724 : i32
      %lt3A_726 = arith.constant 0 : i32
      %lt3A_727 = arith.cmpi slt, %select_n3A_720, %lt3A_726 : i32
      %ne3A_728 = arith.xori %lt3A_725, %lt3A_727 : i1
      %and3A_729 = arith.andi %ne3A_728, %ne3A_723 : i1
      %add3A_730 = arith.addi %rem3A_721, %select_n3A_720 : i32
      %select_n3A_731 = arith.select %and3A_729, %add3A_730, %rem3A_721 : i32
      %mul3A_732 = arith.constant 16 : i32
      %mul3A_733 = arith.muli %select_n3A_731, %mul3A_732 : i32
      %get3A_734 = arith.index_cast %select_n3A_715 : i32 to index
      %get3A_735 = arith.index_cast %mul3A_733 : i32 to index
      %get3A_736 = tpu.vector_load %arg12[%get3A_734, %get3A_735] {strides = array<i32>} : memref<16x1024xf32, #tpu.memory_space<vmem>>, vector<1x16xf32>,
      %get3A_737 = vector.shape_cast %get3A_736 : vector<1x16xf32> to vector<16xf32>
      %swap3A_738 = arith.index_cast %select_n3A_715 : i32 to index
      %swap3A_739 = arith.index_cast %mul3A_733 : i32 to index
      %swap3A_740 = tpu.vector_load %arg7[%swap3A_738, %swap3A_739] {strides = array<i32>} : memref<16x1024xf32, #tpu.memory_space<vmem>>, vector<1x16xf32>,
      %swap3A_741 = vector.shape_cast %swap3A_740 : vector<1x16xf32> to vector<16xf32>
      %swap3A_742 = vector.shape_cast %get3A_737 : vector<16xf32> to vector<1x16xf32>
      tpu.vector_store %arg7[%swap3A_738, %swap3A_739], %swap3A_742 {add = true, strides = array<i32>} : memref<16x1024xf32, #tpu.memory_space<vmem>>, vector<1x16xf32>,
    }
    %scan3A_215 = arith.constant 1024 : i32
    %add3A_216 = arith.constant 0 : i32
    %add3A_217 = arith.addi %add3A_216, %mul3A_2 : i32
    %add3A_218 = arith.constant 16 : i32
    %add3A_219 = arith.addi %add3A_217, %add3A_218 : i32
    %dma_start3A_220 = arith.constant 0 : i32
    %dma_start3A_221 = tpu.memref_slice %arg5[%add3A_219, %dma_start3A_220] : memref<8192x1024xf32, #tpu.memory_space<hbm>> -> memref<16x1024xf32, #tpu.memory_space<hbm>>
    %dma_start3A_222 = arith.constant 0 : i32
    %dma_start3A_223 = tpu.memref_slice %arg5[%add3A_219, %dma_start3A_222] : memref<8192x1024xf32, #tpu.memory_space<hbm>> -> memref<16x1024xf32, #tpu.memory_space<hbm>>
    tpu.enqueue_dma source(%arg7 : memref<16x1024xf32, #tpu.memory_space<vmem>>) target(%dma_start3A_223 : memref<16x1024xf32, #tpu.memory_space<hbm>>) target_semaphore(%arg17 : memref<!tpu.dma_semaphore, #tpu.memory_space<semaphore_mem>>)
    %dma_wait3A_224 = arith.constant 0 : i32
    %dma_wait3A_225 = tpu.memref_slice %arg5[%add3A_181, %dma_wait3A_224] : memref<8192x1024xf32, #tpu.memory_space<hbm>> -> memref<16x1024xf32, #tpu.memory_space<hbm>>
    %dma_wait3A_226 = arith.constant 0 : i32
    %dma_wait3A_227 = tpu.memref_slice %arg5[%add3A_181, %dma_wait3A_226] : memref<8192x1024xf32, #tpu.memory_space<hbm>> -> memref<16x1024xf32, #tpu.memory_space<hbm>>
    tpu.wait_dma2 semaphore(%arg20 : memref<!tpu.dma_semaphore, #tpu.memory_space<semaphore_mem>>) src(%arg10 : memref<16x1024xf32, #tpu.memory_space<vmem>>) dst(%dma_wait3A_227 : memref<16x1024xf32, #tpu.memory_space<hbm>>)
    %dma_start3A_228 = arith.constant 208 : i32
    %dma_start3A_229 = tpu.memref_slice %arg6[%dma_start3A_228] : memref<256xi32, #tpu.memory_space<vmem>> -> memref<16xi32, #tpu.memory_space<vmem>>
    %dma_start3A_230 = arith.constant 0 : i32
    %dma_start3A_231 = arith.constant 0 : i32
    %dma_start3A_232 = tpu.memref_slice %arg3[%dma_start3A_230, %dma_start3A_231] : memref<100000x1024xf32, #tpu.memory_space<hbm>> -> memref<100000x1024xf32, #tpu.memory_space<hbm>>
    tpu.enqueue_indirect_dma source(%dma_start3A_232 : memref<100000x1024xf32, #tpu.memory_space<hbm>>) target(%arg10 : memref<16x1024xf32, #tpu.memory_space<vmem>>) offsets(%dma_start3A_229 : memref<16xi32, #tpu.memory_space<vmem>>) semaphore(%arg16 : memref<!tpu.dma_semaphore, #tpu.memory_space<semaphore_mem>>)
    %dma_wait3A_233 = arith.constant 80 : i32
    %dma_wait3A_234 = tpu.memref_slice %arg6[%dma_wait3A_233] : memref<256xi32, #tpu.memory_space<vmem>> -> memref<16xi32, #tpu.memory_space<vmem>>
    %dma_wait3A_235 = arith.constant 0 : i32
    %dma_wait3A_236 = arith.constant 0 : i32
    %dma_wait3A_237 = tpu.memref_slice %arg3[%dma_wait3A_235, %dma_wait3A_236] : memref<100000x1024xf32, #tpu.memory_space<hbm>> -> memref<100000x1024xf32, #tpu.memory_space<hbm>>
    tpu.wait_indirect_dma semaphore(%arg14 : memref<!tpu.dma_semaphore, #tpu.memory_space<semaphore_mem>>) src(%dma_wait3A_237 : memref<100000x1024xf32, #tpu.memory_space<hbm>>) dst(%arg8 : memref<16x1024xf32, #tpu.memory_space<vmem>>)
    %scan3A_238 = arith.constant 0 : i32
    %scan3A_239 = arith.constant 0 : i32
    %scan3A_240 = arith.constant 1024 : i32
    %scan3A_241 = arith.addi %scan3A_239, %scan3A_240 : i32
    %scan3A_242 = arith.constant 4 : i32
    scf.for %scan3A_544 = %scan3A_239 to %scan3A_241 step %scan3A_242  : i32 {
      %jit3A = arith.constant 64 : i32
      %div3A = arith.divsi %scan3A_544, %jit3A : i32
      %sign3A = arith.constant 0 : i32
      %sign3A_545 = arith.cmpi sgt, %scan3A_544, %sign3A : i32
      %sign3A_546 = arith.extui %sign3A_545 : i1 to i32
      %sign3A_547 = arith.constant 0 : i32
      %sign3A_548 = arith.cmpi slt, %scan3A_544, %sign3A_547 : i32
      %sign3A_549 = arith.extui %sign3A_548 : i1 to i32
      %sign3A_550 = arith.subi %sign3A_546, %sign3A_549 : i32
      %sign3A_551 = arith.constant 0 : i32
      %sign3A_552 = arith.cmpi sgt, %jit3A, %sign3A_551 : i32
      %sign3A_553 = arith.extui %sign3A_552 : i1 to i32
      %sign3A_554 = arith.constant 0 : i32
      %sign3A_555 = arith.cmpi slt, %jit3A, %sign3A_554 : i32
      %sign3A_556 = arith.extui %sign3A_555 : i1 to i32
      %sign3A_557 = arith.subi %sign3A_553, %sign3A_556 : i32
      %ne3A = arith.cmpi ne, %sign3A_550, %sign3A_557 : i32
      %rem3A = arith.remsi %scan3A_544, %jit3A : i32
      %ne3A_558 = arith.constant 0 : i32
      %ne3A_559 = arith.cmpi ne, %rem3A, %ne3A_558 : i32
      %and3A = arith.andi %ne3A, %ne3A_559 : i1
      %sub3A = arith.constant 1 : i32
      %sub3A_560 = arith.subi %div3A, %sub3A : i32
      %select_n3A = arith.select %and3A, %sub3A_560, %div3A : i32
      %jit3A_561 = arith.constant 64 : i32
      %eq3A = arith.constant 0 : i32
      %eq3A_562 = arith.cmpi eq, %jit3A_561, %eq3A : i32
      %jit3A_563 = arith.constant 1 : i32
      %select_n3A_564 = arith.select %eq3A_562, %jit3A_563, %jit3A_561 : i32
      %rem3A_565 = arith.remsi %scan3A_544, %select_n3A_564 : i32
      %ne3A_566 = arith.constant 0 : i32
      %ne3A_567 = arith.cmpi ne, %rem3A_565, %ne3A_566 : i32
      %lt3A = arith.constant 0 : i32
      %lt3A_568 = arith.cmpi slt, %rem3A_565, %lt3A : i32
      %lt3A_569 = arith.constant 0 : i32
      %lt3A_570 = arith.cmpi slt, %select_n3A_564, %lt3A_569 : i32
      %ne3A_571 = arith.xori %lt3A_568, %lt3A_570 : i1
      %and3A_572 = arith.andi %ne3A_571, %ne3A_567 : i1
      %add3A_573 = arith.addi %rem3A_565, %select_n3A_564 : i32
      %select_n3A_574 = arith.select %and3A_572, %add3A_573, %rem3A_565 : i32
      %mul3A_575 = arith.constant 16 : i32
      %mul3A_576 = arith.muli %select_n3A_574, %mul3A_575 : i32
      %get3A = arith.index_cast %select_n3A : i32 to index
      %get3A_577 = arith.index_cast %mul3A_576 : i32 to index
      %get3A_578 = tpu.vector_load %arg12[%get3A, %get3A_577] {strides = array<i32>} : memref<16x1024xf32, #tpu.memory_space<vmem>>, vector<1x16xf32>,
      %get3A_579 = vector.shape_cast %get3A_578 : vector<1x16xf32> to vector<16xf32>
      %swap3A = arith.index_cast %select_n3A : i32 to index
      %swap3A_580 = arith.index_cast %mul3A_576 : i32 to index
      %swap3A_581 = tpu.vector_load %arg8[%swap3A, %swap3A_580] {strides = array<i32>} : memref<16x1024xf32, #tpu.memory_space<vmem>>, vector<1x16xf32>,
      %swap3A_582 = vector.shape_cast %swap3A_581 : vector<1x16xf32> to vector<16xf32>
      %swap3A_583 = vector.shape_cast %get3A_579 : vector<16xf32> to vector<1x16xf32>
      tpu.vector_store %arg8[%swap3A, %swap3A_580], %swap3A_583 {add = true, strides = array<i32>} : memref<16x1024xf32, #tpu.memory_space<vmem>>, vector<1x16xf32>,
      %scan3A_584 = arith.constant 1 : i32
      %scan3A_585 = arith.addi %scan3A_544, %scan3A_584 : i32
      %jit3A_586 = arith.constant 64 : i32
      %div3A_587 = arith.divsi %scan3A_585, %jit3A_586 : i32
      %sign3A_588 = arith.constant 0 : i32
      %sign3A_589 = arith.cmpi sgt, %scan3A_585, %sign3A_588 : i32
      %sign3A_590 = arith.extui %sign3A_589 : i1 to i32
      %sign3A_591 = arith.constant 0 : i32
      %sign3A_592 = arith.cmpi slt, %scan3A_585, %sign3A_591 : i32
      %sign3A_593 = arith.extui %sign3A_592 : i1 to i32
      %sign3A_594 = arith.subi %sign3A_590, %sign3A_593 : i32
      %sign3A_595 = arith.constant 0 : i32
      %sign3A_596 = arith.cmpi sgt, %jit3A_586, %sign3A_595 : i32
      %sign3A_597 = arith.extui %sign3A_596 : i1 to i32
      %sign3A_598 = arith.constant 0 : i32
      %sign3A_599 = arith.cmpi slt, %jit3A_586, %sign3A_598 : i32
      %sign3A_600 = arith.extui %sign3A_599 : i1 to i32
      %sign3A_601 = arith.subi %sign3A_597, %sign3A_600 : i32
      %ne3A_602 = arith.cmpi ne, %sign3A_594, %sign3A_601 : i32
      %rem3A_603 = arith.remsi %scan3A_585, %jit3A_586 : i32
      %ne3A_604 = arith.constant 0 : i32
      %ne3A_605 = arith.cmpi ne, %rem3A_603, %ne3A_604 : i32
      %and3A_606 = arith.andi %ne3A_602, %ne3A_605 : i1
      %sub3A_607 = arith.constant 1 : i32
      %sub3A_608 = arith.subi %div3A_587, %sub3A_607 : i32
      %select_n3A_609 = arith.select %and3A_606, %sub3A_608, %div3A_587 : i32
      %jit3A_610 = arith.constant 64 : i32
      %eq3A_611 = arith.constant 0 : i32
      %eq3A_612 = arith.cmpi eq, %jit3A_610, %eq3A_611 : i32
      %jit3A_613 = arith.constant 1 : i32
      %select_n3A_614 = arith.select %eq3A_612, %jit3A_613, %jit3A_610 : i32
      %rem3A_615 = arith.remsi %scan3A_585, %select_n3A_614 : i32
      %ne3A_616 = arith.constant 0 : i32
      %ne3A_617 = arith.cmpi ne, %rem3A_615, %ne3A_616 : i32
      %lt3A_618 = arith.constant 0 : i32
      %lt3A_619 = arith.cmpi slt, %rem3A_615, %lt3A_618 : i32
      %lt3A_620 = arith.constant 0 : i32
      %lt3A_621 = arith.cmpi slt, %select_n3A_614, %lt3A_620 : i32
      %ne3A_622 = arith.xori %lt3A_619, %lt3A_621 : i1
      %and3A_623 = arith.andi %ne3A_622, %ne3A_617 : i1
      %add3A_624 = arith.addi %rem3A_615, %select_n3A_614 : i32
      %select_n3A_625 = arith.select %and3A_623, %add3A_624, %rem3A_615 : i32
      %mul3A_626 = arith.constant 16 : i32
      %mul3A_627 = arith.muli %select_n3A_625, %mul3A_626 : i32
      %get3A_628 = arith.index_cast %select_n3A_609 : i32 to index
      %get3A_629 = arith.index_cast %mul3A_627 : i32 to index
      %get3A_630 = tpu.vector_load %arg12[%get3A_628, %get3A_629] {strides = array<i32>} : memref<16x1024xf32, #tpu.memory_space<vmem>>, vector<1x16xf32>,
      %get3A_631 = vector.shape_cast %get3A_630 : vector<1x16xf32> to vector<16xf32>
      %swap3A_632 = arith.index_cast %select_n3A_609 : i32 to index
      %swap3A_633 = arith.index_cast %mul3A_627 : i32 to index
      %swap3A_634 = tpu.vector_load %arg8[%swap3A_632, %swap3A_633] {strides = array<i32>} : memref<16x1024xf32, #tpu.memory_space<vmem>>, vector<1x16xf32>,
      %swap3A_635 = vector.shape_cast %swap3A_634 : vector<1x16xf32> to vector<16xf32>
      %swap3A_636 = vector.shape_cast %get3A_631 : vector<16xf32> to vector<1x16xf32>
      tpu.vector_store %arg8[%swap3A_632, %swap3A_633], %swap3A_636 {add = true, strides = array<i32>} : memref<16x1024xf32, #tpu.memory_space<vmem>>, vector<1x16xf32>,
      %scan3A_637 = arith.constant 2 : i32
      %scan3A_638 = arith.addi %scan3A_544, %scan3A_637 : i32
      %jit3A_639 = arith.constant 64 : i32
      %div3A_640 = arith.divsi %scan3A_638, %jit3A_639 : i32
      %sign3A_641 = arith.constant 0 : i32
      %sign3A_642 = arith.cmpi sgt, %scan3A_638, %sign3A_641 : i32
      %sign3A_643 = arith.extui %sign3A_642 : i1 to i32
      %sign3A_644 = arith.constant 0 : i32
      %sign3A_645 = arith.cmpi slt, %scan3A_638, %sign3A_644 : i32
      %sign3A_646 = arith.extui %sign3A_645 : i1 to i32
      %sign3A_647 = arith.subi %sign3A_643, %sign3A_646 : i32
      %sign3A_648 = arith.constant 0 : i32
      %sign3A_649 = arith.cmpi sgt, %jit3A_639, %sign3A_648 : i32
      %sign3A_650 = arith.extui %sign3A_649 : i1 to i32
      %sign3A_651 = arith.constant 0 : i32
      %sign3A_652 = arith.cmpi slt, %jit3A_639, %sign3A_651 : i32
      %sign3A_653 = arith.extui %sign3A_652 : i1 to i32
      %sign3A_654 = arith.subi %sign3A_650, %sign3A_653 : i32
      %ne3A_655 = arith.cmpi ne, %sign3A_647, %sign3A_654 : i32
      %rem3A_656 = arith.remsi %scan3A_638, %jit3A_639 : i32
      %ne3A_657 = arith.constant 0 : i32
      %ne3A_658 = arith.cmpi ne, %rem3A_656, %ne3A_657 : i32
      %and3A_659 = arith.andi %ne3A_655, %ne3A_658 : i1
      %sub3A_660 = arith.constant 1 : i32
      %sub3A_661 = arith.subi %div3A_640, %sub3A_660 : i32
      %select_n3A_662 = arith.select %and3A_659, %sub3A_661, %div3A_640 : i32
      %jit3A_663 = arith.constant 64 : i32
      %eq3A_664 = arith.constant 0 : i32
      %eq3A_665 = arith.cmpi eq, %jit3A_663, %eq3A_664 : i32
      %jit3A_666 = arith.constant 1 : i32
      %select_n3A_667 = arith.select %eq3A_665, %jit3A_666, %jit3A_663 : i32
      %rem3A_668 = arith.remsi %scan3A_638, %select_n3A_667 : i32
      %ne3A_669 = arith.constant 0 : i32
      %ne3A_670 = arith.cmpi ne, %rem3A_668, %ne3A_669 : i32
      %lt3A_671 = arith.constant 0 : i32
      %lt3A_672 = arith.cmpi slt, %rem3A_668, %lt3A_671 : i32
      %lt3A_673 = arith.constant 0 : i32
      %lt3A_674 = arith.cmpi slt, %select_n3A_667, %lt3A_673 : i32
      %ne3A_675 = arith.xori %lt3A_672, %lt3A_674 : i1
      %and3A_676 = arith.andi %ne3A_675, %ne3A_670 : i1
      %add3A_677 = arith.addi %rem3A_668, %select_n3A_667 : i32
      %select_n3A_678 = arith.select %and3A_676, %add3A_677, %rem3A_668 : i32
      %mul3A_679 = arith.constant 16 : i32
      %mul3A_680 = arith.muli %select_n3A_678, %mul3A_679 : i32
      %get3A_681 = arith.index_cast %select_n3A_662 : i32 to index
      %get3A_682 = arith.index_cast %mul3A_680 : i32 to index
      %get3A_683 = tpu.vector_load %arg12[%get3A_681, %get3A_682] {strides = array<i32>} : memref<16x1024xf32, #tpu.memory_space<vmem>>, vector<1x16xf32>,
      %get3A_684 = vector.shape_cast %get3A_683 : vector<1x16xf32> to vector<16xf32>
      %swap3A_685 = arith.index_cast %select_n3A_662 : i32 to index
      %swap3A_686 = arith.index_cast %mul3A_680 : i32 to index
      %swap3A_687 = tpu.vector_load %arg8[%swap3A_685, %swap3A_686] {strides = array<i32>} : memref<16x1024xf32, #tpu.memory_space<vmem>>, vector<1x16xf32>,
      %swap3A_688 = vector.shape_cast %swap3A_687 : vector<1x16xf32> to vector<16xf32>
      %swap3A_689 = vector.shape_cast %get3A_684 : vector<16xf32> to vector<1x16xf32>
      tpu.vector_store %arg8[%swap3A_685, %swap3A_686], %swap3A_689 {add = true, strides = array<i32>} : memref<16x1024xf32, #tpu.memory_space<vmem>>, vector<1x16xf32>,
      %scan3A_690 = arith.constant 3 : i32
      %scan3A_691 = arith.addi %scan3A_544, %scan3A_690 : i32
      %jit3A_692 = arith.constant 64 : i32
      %div3A_693 = arith.divsi %scan3A_691, %jit3A_692 : i32
      %sign3A_694 = arith.constant 0 : i32
      %sign3A_695 = arith.cmpi sgt, %scan3A_691, %sign3A_694 : i32
      %sign3A_696 = arith.extui %sign3A_695 : i1 to i32
      %sign3A_697 = arith.constant 0 : i32
      %sign3A_698 = arith.cmpi slt, %scan3A_691, %sign3A_697 : i32
      %sign3A_699 = arith.extui %sign3A_698 : i1 to i32
      %sign3A_700 = arith.subi %sign3A_696, %sign3A_699 : i32
      %sign3A_701 = arith.constant 0 : i32
      %sign3A_702 = arith.cmpi sgt, %jit3A_692, %sign3A_701 : i32
      %sign3A_703 = arith.extui %sign3A_702 : i1 to i32
      %sign3A_704 = arith.constant 0 : i32
      %sign3A_705 = arith.cmpi slt, %jit3A_692, %sign3A_704 : i32
      %sign3A_706 = arith.extui %sign3A_705 : i1 to i32
      %sign3A_707 = arith.subi %sign3A_703, %sign3A_706 : i32
      %ne3A_708 = arith.cmpi ne, %sign3A_700, %sign3A_707 : i32
      %rem3A_709 = arith.remsi %scan3A_691, %jit3A_692 : i32
      %ne3A_710 = arith.constant 0 : i32
      %ne3A_711 = arith.cmpi ne, %rem3A_709, %ne3A_710 : i32
      %and3A_712 = arith.andi %ne3A_708, %ne3A_711 : i1
      %sub3A_713 = arith.constant 1 : i32
      %sub3A_714 = arith.subi %div3A_693, %sub3A_713 : i32
      %select_n3A_715 = arith.select %and3A_712, %sub3A_714, %div3A_693 : i32
      %jit3A_716 = arith.constant 64 : i32
      %eq3A_717 = arith.constant 0 : i32
      %eq3A_718 = arith.cmpi eq, %jit3A_716, %eq3A_717 : i32
      %jit3A_719 = arith.constant 1 : i32
      %select_n3A_720 = arith.select %eq3A_718, %jit3A_719, %jit3A_716 : i32
      %rem3A_721 = arith.remsi %scan3A_691, %select_n3A_720 : i32
      %ne3A_722 = arith.constant 0 : i32
      %ne3A_723 = arith.cmpi ne, %rem3A_721, %ne3A_722 : i32
      %lt3A_724 = arith.constant 0 : i32
      %lt3A_725 = arith.cmpi slt, %rem3A_721, %lt3A_724 : i32
      %lt3A_726 = arith.constant 0 : i32
      %lt3A_727 = arith.cmpi slt, %select_n3A_720, %lt3A_726 : i32
      %ne3A_728 = arith.xori %lt3A_725, %lt3A_727 : i1
      %and3A_729 = arith.andi %ne3A_728, %ne3A_723 : i1
      %add3A_730 = arith.addi %rem3A_721, %select_n3A_720 : i32
      %select_n3A_731 = arith.select %and3A_729, %add3A_730, %rem3A_721 : i32
      %mul3A_732 = arith.constant 16 : i32
      %mul3A_733 = arith.muli %select_n3A_731, %mul3A_732 : i32
      %get3A_734 = arith.index_cast %select_n3A_715 : i32 to index
      %get3A_735 = arith.index_cast %mul3A_733 : i32 to index
      %get3A_736 = tpu.vector_load %arg12[%get3A_734, %get3A_735] {strides = array<i32>} : memref<16x1024xf32, #tpu.memory_space<vmem>>, vector<1x16xf32>,
      %get3A_737 = vector.shape_cast %get3A_736 : vector<1x16xf32> to vector<16xf32>
      %swap3A_738 = arith.index_cast %select_n3A_715 : i32 to index
      %swap3A_739 = arith.index_cast %mul3A_733 : i32 to index
      %swap3A_740 = tpu.vector_load %arg8[%swap3A_738, %swap3A_739] {strides = array<i32>} : memref<16x1024xf32, #tpu.memory_space<vmem>>, vector<1x16xf32>,
      %swap3A_741 = vector.shape_cast %swap3A_740 : vector<1x16xf32> to vector<16xf32>
      %swap3A_742 = vector.shape_cast %get3A_737 : vector<16xf32> to vector<1x16xf32>
      tpu.vector_store %arg8[%swap3A_738, %swap3A_739], %swap3A_742 {add = true, strides = array<i32>} : memref<16x1024xf32, #tpu.memory_space<vmem>>, vector<1x16xf32>,
    }
    %scan3A_243 = arith.constant 1024 : i32
    %add3A_244 = arith.constant 2048 : i32
    %add3A_245 = arith.addi %add3A_244, %mul3A_2 : i32
    %add3A_246 = arith.constant 16 : i32
    %add3A_247 = arith.addi %add3A_245, %add3A_246 : i32
    %dma_start3A_248 = arith.constant 0 : i32
    %dma_start3A_249 = tpu.memref_slice %arg5[%add3A_247, %dma_start3A_248] : memref<8192x1024xf32, #tpu.memory_space<hbm>> -> memref<16x1024xf32, #tpu.memory_space<hbm>>
    %dma_start3A_250 = arith.constant 0 : i32
    %dma_start3A_251 = tpu.memref_slice %arg5[%add3A_247, %dma_start3A_250] : memref<8192x1024xf32, #tpu.memory_space<hbm>> -> memref<16x1024xf32, #tpu.memory_space<hbm>>
    tpu.enqueue_dma source(%arg8 : memref<16x1024xf32, #tpu.memory_space<vmem>>) target(%dma_start3A_251 : memref<16x1024xf32, #tpu.memory_space<hbm>>) target_semaphore(%arg18 : memref<!tpu.dma_semaphore, #tpu.memory_space<semaphore_mem>>)
    %dma_wait3A_252 = arith.constant 0 : i32
    %dma_wait3A_253 = tpu.memref_slice %arg5[%add3A_219, %dma_wait3A_252] : memref<8192x1024xf32, #tpu.memory_space<hbm>> -> memref<16x1024xf32, #tpu.memory_space<hbm>>
    %dma_wait3A_254 = arith.constant 0 : i32
    %dma_wait3A_255 = tpu.memref_slice %arg5[%add3A_219, %dma_wait3A_254] : memref<8192x1024xf32, #tpu.memory_space<hbm>> -> memref<16x1024xf32, #tpu.memory_space<hbm>>
    tpu.wait_dma2 semaphore(%arg17 : memref<!tpu.dma_semaphore, #tpu.memory_space<semaphore_mem>>) src(%arg7 : memref<16x1024xf32, #tpu.memory_space<vmem>>) dst(%dma_wait3A_255 : memref<16x1024xf32, #tpu.memory_space<hbm>>)
    %dma_start3A_256 = arith.constant 32 : i32
    %dma_start3A_257 = tpu.memref_slice %arg6[%dma_start3A_256] : memref<256xi32, #tpu.memory_space<vmem>> -> memref<16xi32, #tpu.memory_space<vmem>>
    %dma_start3A_258 = arith.constant 0 : i32
    %dma_start3A_259 = arith.constant 0 : i32
    %dma_start3A_260 = tpu.memref_slice %arg3[%dma_start3A_258, %dma_start3A_259] : memref<100000x1024xf32, #tpu.memory_space<hbm>> -> memref<100000x1024xf32, #tpu.memory_space<hbm>>
    tpu.enqueue_indirect_dma source(%dma_start3A_260 : memref<100000x1024xf32, #tpu.memory_space<hbm>>) target(%arg7 : memref<16x1024xf32, #tpu.memory_space<vmem>>) offsets(%dma_start3A_257 : memref<16xi32, #tpu.memory_space<vmem>>) semaphore(%arg13 : memref<!tpu.dma_semaphore, #tpu.memory_space<semaphore_mem>>)
    %dma_wait3A_261 = arith.constant 144 : i32
    %dma_wait3A_262 = tpu.memref_slice %arg6[%dma_wait3A_261] : memref<256xi32, #tpu.memory_space<vmem>> -> memref<16xi32, #tpu.memory_space<vmem>>
    %dma_wait3A_263 = arith.constant 0 : i32
    %dma_wait3A_264 = arith.constant 0 : i32
    %dma_wait3A_265 = tpu.memref_slice %arg3[%dma_wait3A_263, %dma_wait3A_264] : memref<100000x1024xf32, #tpu.memory_space<hbm>> -> memref<100000x1024xf32, #tpu.memory_space<hbm>>
    tpu.wait_indirect_dma semaphore(%arg15 : memref<!tpu.dma_semaphore, #tpu.memory_space<semaphore_mem>>) src(%dma_wait3A_265 : memref<100000x1024xf32, #tpu.memory_space<hbm>>) dst(%arg9 : memref<16x1024xf32, #tpu.memory_space<vmem>>)
    %scan3A_266 = arith.constant 0 : i32
    %scan3A_267 = arith.constant 0 : i32
    %scan3A_268 = arith.constant 1024 : i32
    %scan3A_269 = arith.addi %scan3A_267, %scan3A_268 : i32
    %scan3A_270 = arith.constant 4 : i32
    scf.for %scan3A_544 = %scan3A_267 to %scan3A_269 step %scan3A_270  : i32 {
      %jit3A = arith.constant 64 : i32
      %div3A = arith.divsi %scan3A_544, %jit3A : i32
      %sign3A = arith.constant 0 : i32
      %sign3A_545 = arith.cmpi sgt, %scan3A_544, %sign3A : i32
      %sign3A_546 = arith.extui %sign3A_545 : i1 to i32
      %sign3A_547 = arith.constant 0 : i32
      %sign3A_548 = arith.cmpi slt, %scan3A_544, %sign3A_547 : i32
      %sign3A_549 = arith.extui %sign3A_548 : i1 to i32
      %sign3A_550 = arith.subi %sign3A_546, %sign3A_549 : i32
      %sign3A_551 = arith.constant 0 : i32
      %sign3A_552 = arith.cmpi sgt, %jit3A, %sign3A_551 : i32
      %sign3A_553 = arith.extui %sign3A_552 : i1 to i32
      %sign3A_554 = arith.constant 0 : i32
      %sign3A_555 = arith.cmpi slt, %jit3A, %sign3A_554 : i32
      %sign3A_556 = arith.extui %sign3A_555 : i1 to i32
      %sign3A_557 = arith.subi %sign3A_553, %sign3A_556 : i32
      %ne3A = arith.cmpi ne, %sign3A_550, %sign3A_557 : i32
      %rem3A = arith.remsi %scan3A_544, %jit3A : i32
      %ne3A_558 = arith.constant 0 : i32
      %ne3A_559 = arith.cmpi ne, %rem3A, %ne3A_558 : i32
      %and3A = arith.andi %ne3A, %ne3A_559 : i1
      %sub3A = arith.constant 1 : i32
      %sub3A_560 = arith.subi %div3A, %sub3A : i32
      %select_n3A = arith.select %and3A, %sub3A_560, %div3A : i32
      %jit3A_561 = arith.constant 64 : i32
      %eq3A = arith.constant 0 : i32
      %eq3A_562 = arith.cmpi eq, %jit3A_561, %eq3A : i32
      %jit3A_563 = arith.constant 1 : i32
      %select_n3A_564 = arith.select %eq3A_562, %jit3A_563, %jit3A_561 : i32
      %rem3A_565 = arith.remsi %scan3A_544, %select_n3A_564 : i32
      %ne3A_566 = arith.constant 0 : i32
      %ne3A_567 = arith.cmpi ne, %rem3A_565, %ne3A_566 : i32
      %lt3A = arith.constant 0 : i32
      %lt3A_568 = arith.cmpi slt, %rem3A_565, %lt3A : i32
      %lt3A_569 = arith.constant 0 : i32
      %lt3A_570 = arith.cmpi slt, %select_n3A_564, %lt3A_569 : i32
      %ne3A_571 = arith.xori %lt3A_568, %lt3A_570 : i1
      %and3A_572 = arith.andi %ne3A_571, %ne3A_567 : i1
      %add3A_573 = arith.addi %rem3A_565, %select_n3A_564 : i32
      %select_n3A_574 = arith.select %and3A_572, %add3A_573, %rem3A_565 : i32
      %mul3A_575 = arith.constant 16 : i32
      %mul3A_576 = arith.muli %select_n3A_574, %mul3A_575 : i32
      %get3A = arith.index_cast %select_n3A : i32 to index
      %get3A_577 = arith.index_cast %mul3A_576 : i32 to index
      %get3A_578 = tpu.vector_load %arg12[%get3A, %get3A_577] {strides = array<i32>} : memref<16x1024xf32, #tpu.memory_space<vmem>>, vector<1x16xf32>,
      %get3A_579 = vector.shape_cast %get3A_578 : vector<1x16xf32> to vector<16xf32>
      %swap3A = arith.index_cast %select_n3A : i32 to index
      %swap3A_580 = arith.index_cast %mul3A_576 : i32 to index
      %swap3A_581 = tpu.vector_load %arg9[%swap3A, %swap3A_580] {strides = array<i32>} : memref<16x1024xf32, #tpu.memory_space<vmem>>, vector<1x16xf32>,
      %swap3A_582 = vector.shape_cast %swap3A_581 : vector<1x16xf32> to vector<16xf32>
      %swap3A_583 = vector.shape_cast %get3A_579 : vector<16xf32> to vector<1x16xf32>
      tpu.vector_store %arg9[%swap3A, %swap3A_580], %swap3A_583 {add = true, strides = array<i32>} : memref<16x1024xf32, #tpu.memory_space<vmem>>, vector<1x16xf32>,
      %scan3A_584 = arith.constant 1 : i32
      %scan3A_585 = arith.addi %scan3A_544, %scan3A_584 : i32
      %jit3A_586 = arith.constant 64 : i32
      %div3A_587 = arith.divsi %scan3A_585, %jit3A_586 : i32
      %sign3A_588 = arith.constant 0 : i32
      %sign3A_589 = arith.cmpi sgt, %scan3A_585, %sign3A_588 : i32
      %sign3A_590 = arith.extui %sign3A_589 : i1 to i32
      %sign3A_591 = arith.constant 0 : i32
      %sign3A_592 = arith.cmpi slt, %scan3A_585, %sign3A_591 : i32
      %sign3A_593 = arith.extui %sign3A_592 : i1 to i32
      %sign3A_594 = arith.subi %sign3A_590, %sign3A_593 : i32
      %sign3A_595 = arith.constant 0 : i32
      %sign3A_596 = arith.cmpi sgt, %jit3A_586, %sign3A_595 : i32
      %sign3A_597 = arith.extui %sign3A_596 : i1 to i32
      %sign3A_598 = arith.constant 0 : i32
      %sign3A_599 = arith.cmpi slt, %jit3A_586, %sign3A_598 : i32
      %sign3A_600 = arith.extui %sign3A_599 : i1 to i32
      %sign3A_601 = arith.subi %sign3A_597, %sign3A_600 : i32
      %ne3A_602 = arith.cmpi ne, %sign3A_594, %sign3A_601 : i32
      %rem3A_603 = arith.remsi %scan3A_585, %jit3A_586 : i32
      %ne3A_604 = arith.constant 0 : i32
      %ne3A_605 = arith.cmpi ne, %rem3A_603, %ne3A_604 : i32
      %and3A_606 = arith.andi %ne3A_602, %ne3A_605 : i1
      %sub3A_607 = arith.constant 1 : i32
      %sub3A_608 = arith.subi %div3A_587, %sub3A_607 : i32
      %select_n3A_609 = arith.select %and3A_606, %sub3A_608, %div3A_587 : i32
      %jit3A_610 = arith.constant 64 : i32
      %eq3A_611 = arith.constant 0 : i32
      %eq3A_612 = arith.cmpi eq, %jit3A_610, %eq3A_611 : i32
      %jit3A_613 = arith.constant 1 : i32
      %select_n3A_614 = arith.select %eq3A_612, %jit3A_613, %jit3A_610 : i32
      %rem3A_615 = arith.remsi %scan3A_585, %select_n3A_614 : i32
      %ne3A_616 = arith.constant 0 : i32
      %ne3A_617 = arith.cmpi ne, %rem3A_615, %ne3A_616 : i32
      %lt3A_618 = arith.constant 0 : i32
      %lt3A_619 = arith.cmpi slt, %rem3A_615, %lt3A_618 : i32
      %lt3A_620 = arith.constant 0 : i32
      %lt3A_621 = arith.cmpi slt, %select_n3A_614, %lt3A_620 : i32
      %ne3A_622 = arith.xori %lt3A_619, %lt3A_621 : i1
      %and3A_623 = arith.andi %ne3A_622, %ne3A_617 : i1
      %add3A_624 = arith.addi %rem3A_615, %select_n3A_614 : i32
      %select_n3A_625 = arith.select %and3A_623, %add3A_624, %rem3A_615 : i32
      %mul3A_626 = arith.constant 16 : i32
      %mul3A_627 = arith.muli %select_n3A_625, %mul3A_626 : i32
      %get3A_628 = arith.index_cast %select_n3A_609 : i32 to index
      %get3A_629 = arith.index_cast %mul3A_627 : i32 to index
      %get3A_630 = tpu.vector_load %arg12[%get3A_628, %get3A_629] {strides = array<i32>} : memref<16x1024xf32, #tpu.memory_space<vmem>>, vector<1x16xf32>,
      %get3A_631 = vector.shape_cast %get3A_630 : vector<1x16xf32> to vector<16xf32>
      %swap3A_632 = arith.index_cast %select_n3A_609 : i32 to index
      %swap3A_633 = arith.index_cast %mul3A_627 : i32 to index
      %swap3A_634 = tpu.vector_load %arg9[%swap3A_632, %swap3A_633] {strides = array<i32>} : memref<16x1024xf32, #tpu.memory_space<vmem>>, vector<1x16xf32>,
      %swap3A_635 = vector.shape_cast %swap3A_634 : vector<1x16xf32> to vector<16xf32>
      %swap3A_636 = vector.shape_cast %get3A_631 : vector<16xf32> to vector<1x16xf32>
      tpu.vector_store %arg9[%swap3A_632, %swap3A_633], %swap3A_636 {add = true, strides = array<i32>} : memref<16x1024xf32, #tpu.memory_space<vmem>>, vector<1x16xf32>,
      %scan3A_637 = arith.constant 2 : i32
      %scan3A_638 = arith.addi %scan3A_544, %scan3A_637 : i32
      %jit3A_639 = arith.constant 64 : i32
      %div3A_640 = arith.divsi %scan3A_638, %jit3A_639 : i32
      %sign3A_641 = arith.constant 0 : i32
      %sign3A_642 = arith.cmpi sgt, %scan3A_638, %sign3A_641 : i32
      %sign3A_643 = arith.extui %sign3A_642 : i1 to i32
      %sign3A_644 = arith.constant 0 : i32
      %sign3A_645 = arith.cmpi slt, %scan3A_638, %sign3A_644 : i32
      %sign3A_646 = arith.extui %sign3A_645 : i1 to i32
      %sign3A_647 = arith.subi %sign3A_643, %sign3A_646 : i32
      %sign3A_648 = arith.constant 0 : i32
      %sign3A_649 = arith.cmpi sgt, %jit3A_639, %sign3A_648 : i32
      %sign3A_650 = arith.extui %sign3A_649 : i1 to i32
      %sign3A_651 = arith.constant 0 : i32
      %sign3A_652 = arith.cmpi slt, %jit3A_639, %sign3A_651 : i32
      %sign3A_653 = arith.extui %sign3A_652 : i1 to i32
      %sign3A_654 = arith.subi %sign3A_650, %sign3A_653 : i32
      %ne3A_655 = arith.cmpi ne, %sign3A_647, %sign3A_654 : i32
      %rem3A_656 = arith.remsi %scan3A_638, %jit3A_639 : i32
      %ne3A_657 = arith.constant 0 : i32
      %ne3A_658 = arith.cmpi ne, %rem3A_656, %ne3A_657 : i32
      %and3A_659 = arith.andi %ne3A_655, %ne3A_658 : i1
      %sub3A_660 = arith.constant 1 : i32
      %sub3A_661 = arith.subi %div3A_640, %sub3A_660 : i32
      %select_n3A_662 = arith.select %and3A_659, %sub3A_661, %div3A_640 : i32
      %jit3A_663 = arith.constant 64 : i32
      %eq3A_664 = arith.constant 0 : i32
      %eq3A_665 = arith.cmpi eq, %jit3A_663, %eq3A_664 : i32
      %jit3A_666 = arith.constant 1 : i32
      %select_n3A_667 = arith.select %eq3A_665, %jit3A_666, %jit3A_663 : i32
      %rem3A_668 = arith.remsi %scan3A_638, %select_n3A_667 : i32
      %ne3A_669 = arith.constant 0 : i32
      %ne3A_670 = arith.cmpi ne, %rem3A_668, %ne3A_669 : i32
      %lt3A_671 = arith.constant 0 : i32
      %lt3A_672 = arith.cmpi slt, %rem3A_668, %lt3A_671 : i32
      %lt3A_673 = arith.constant 0 : i32
      %lt3A_674 = arith.cmpi slt, %select_n3A_667, %lt3A_673 : i32
      %ne3A_675 = arith.xori %lt3A_672, %lt3A_674 : i1
      %and3A_676 = arith.andi %ne3A_675, %ne3A_670 : i1
      %add3A_677 = arith.addi %rem3A_668, %select_n3A_667 : i32
      %select_n3A_678 = arith.select %and3A_676, %add3A_677, %rem3A_668 : i32
      %mul3A_679 = arith.constant 16 : i32
      %mul3A_680 = arith.muli %select_n3A_678, %mul3A_679 : i32
      %get3A_681 = arith.index_cast %select_n3A_662 : i32 to index
      %get3A_682 = arith.index_cast %mul3A_680 : i32 to index
      %get3A_683 = tpu.vector_load %arg12[%get3A_681, %get3A_682] {strides = array<i32>} : memref<16x1024xf32, #tpu.memory_space<vmem>>, vector<1x16xf32>,
      %get3A_684 = vector.shape_cast %get3A_683 : vector<1x16xf32> to vector<16xf32>
      %swap3A_685 = arith.index_cast %select_n3A_662 : i32 to index
      %swap3A_686 = arith.index_cast %mul3A_680 : i32 to index
      %swap3A_687 = tpu.vector_load %arg9[%swap3A_685, %swap3A_686] {strides = array<i32>} : memref<16x1024xf32, #tpu.memory_space<vmem>>, vector<1x16xf32>,
      %swap3A_688 = vector.shape_cast %swap3A_687 : vector<1x16xf32> to vector<16xf32>
      %swap3A_689 = vector.shape_cast %get3A_684 : vector<16xf32> to vector<1x16xf32>
      tpu.vector_store %arg9[%swap3A_685, %swap3A_686], %swap3A_689 {add = true, strides = array<i32>} : memref<16x1024xf32, #tpu.memory_space<vmem>>, vector<1x16xf32>,
      %scan3A_690 = arith.constant 3 : i32
      %scan3A_691 = arith.addi %scan3A_544, %scan3A_690 : i32
      %jit3A_692 = arith.constant 64 : i32
      %div3A_693 = arith.divsi %scan3A_691, %jit3A_692 : i32
      %sign3A_694 = arith.constant 0 : i32
      %sign3A_695 = arith.cmpi sgt, %scan3A_691, %sign3A_694 : i32
      %sign3A_696 = arith.extui %sign3A_695 : i1 to i32
      %sign3A_697 = arith.constant 0 : i32
      %sign3A_698 = arith.cmpi slt, %scan3A_691, %sign3A_697 : i32
      %sign3A_699 = arith.extui %sign3A_698 : i1 to i32
      %sign3A_700 = arith.subi %sign3A_696, %sign3A_699 : i32
      %sign3A_701 = arith.constant 0 : i32
      %sign3A_702 = arith.cmpi sgt, %jit3A_692, %sign3A_701 : i32
      %sign3A_703 = arith.extui %sign3A_702 : i1 to i32
      %sign3A_704 = arith.constant 0 : i32
      %sign3A_705 = arith.cmpi slt, %jit3A_692, %sign3A_704 : i32
      %sign3A_706 = arith.extui %sign3A_705 : i1 to i32
      %sign3A_707 = arith.subi %sign3A_703, %sign3A_706 : i32
      %ne3A_708 = arith.cmpi ne, %sign3A_700, %sign3A_707 : i32
      %rem3A_709 = arith.remsi %scan3A_691, %jit3A_692 : i32
      %ne3A_710 = arith.constant 0 : i32
      %ne3A_711 = arith.cmpi ne, %rem3A_709, %ne3A_710 : i32
      %and3A_712 = arith.andi %ne3A_708, %ne3A_711 : i1
      %sub3A_713 = arith.constant 1 : i32
      %sub3A_714 = arith.subi %div3A_693, %sub3A_713 : i32
      %select_n3A_715 = arith.select %and3A_712, %sub3A_714, %div3A_693 : i32
      %jit3A_716 = arith.constant 64 : i32
      %eq3A_717 = arith.constant 0 : i32
      %eq3A_718 = arith.cmpi eq, %jit3A_716, %eq3A_717 : i32
      %jit3A_719 = arith.constant 1 : i32
      %select_n3A_720 = arith.select %eq3A_718, %jit3A_719, %jit3A_716 : i32
      %rem3A_721 = arith.remsi %scan3A_691, %select_n3A_720 : i32
      %ne3A_722 = arith.constant 0 : i32
      %ne3A_723 = arith.cmpi ne, %rem3A_721, %ne3A_722 : i32
      %lt3A_724 = arith.constant 0 : i32
      %lt3A_725 = arith.cmpi slt, %rem3A_721, %lt3A_724 : i32
      %lt3A_726 = arith.constant 0 : i32
      %lt3A_727 = arith.cmpi slt, %select_n3A_720, %lt3A_726 : i32
      %ne3A_728 = arith.xori %lt3A_725, %lt3A_727 : i1
      %and3A_729 = arith.andi %ne3A_728, %ne3A_723 : i1
      %add3A_730 = arith.addi %rem3A_721, %select_n3A_720 : i32
      %select_n3A_731 = arith.select %and3A_729, %add3A_730, %rem3A_721 : i32
      %mul3A_732 = arith.constant 16 : i32
      %mul3A_733 = arith.muli %select_n3A_731, %mul3A_732 : i32
      %get3A_734 = arith.index_cast %select_n3A_715 : i32 to index
      %get3A_735 = arith.index_cast %mul3A_733 : i32 to index
      %get3A_736 = tpu.vector_load %arg12[%get3A_734, %get3A_735] {strides = array<i32>} : memref<16x1024xf32, #tpu.memory_space<vmem>>, vector<1x16xf32>,
      %get3A_737 = vector.shape_cast %get3A_736 : vector<1x16xf32> to vector<16xf32>
      %swap3A_738 = arith.index_cast %select_n3A_715 : i32 to index
      %swap3A_739 = arith.index_cast %mul3A_733 : i32 to index
      %swap3A_740 = tpu.vector_load %arg9[%swap3A_738, %swap3A_739] {strides = array<i32>} : memref<16x1024xf32, #tpu.memory_space<vmem>>, vector<1x16xf32>,
      %swap3A_741 = vector.shape_cast %swap3A_740 : vector<1x16xf32> to vector<16xf32>
      %swap3A_742 = vector.shape_cast %get3A_737 : vector<16xf32> to vector<1x16xf32>
      tpu.vector_store %arg9[%swap3A_738, %swap3A_739], %swap3A_742 {add = true, strides = array<i32>} : memref<16x1024xf32, #tpu.memory_space<vmem>>, vector<1x16xf32>,
    }
    %scan3A_271 = arith.constant 1024 : i32
    %add3A_272 = arith.constant 4096 : i32
    %add3A_273 = arith.addi %add3A_272, %mul3A_2 : i32
    %add3A_274 = arith.constant 16 : i32
    %add3A_275 = arith.addi %add3A_273, %add3A_274 : i32
    %dma_start3A_276 = arith.constant 0 : i32
    %dma_start3A_277 = tpu.memref_slice %arg5[%add3A_275, %dma_start3A_276] : memref<8192x1024xf32, #tpu.memory_space<hbm>> -> memref<16x1024xf32, #tpu.memory_space<hbm>>
    %dma_start3A_278 = arith.constant 0 : i32
    %dma_start3A_279 = tpu.memref_slice %arg5[%add3A_275, %dma_start3A_278] : memref<8192x1024xf32, #tpu.memory_space<hbm>> -> memref<16x1024xf32, #tpu.memory_space<hbm>>
    tpu.enqueue_dma source(%arg9 : memref<16x1024xf32, #tpu.memory_space<vmem>>) target(%dma_start3A_279 : memref<16x1024xf32, #tpu.memory_space<hbm>>) target_semaphore(%arg19 : memref<!tpu.dma_semaphore, #tpu.memory_space<semaphore_mem>>)
    %dma_wait3A_280 = arith.constant 0 : i32
    %dma_wait3A_281 = tpu.memref_slice %arg5[%add3A_247, %dma_wait3A_280] : memref<8192x1024xf32, #tpu.memory_space<hbm>> -> memref<16x1024xf32, #tpu.memory_space<hbm>>
    %dma_wait3A_282 = arith.constant 0 : i32
    %dma_wait3A_283 = tpu.memref_slice %arg5[%add3A_247, %dma_wait3A_282] : memref<8192x1024xf32, #tpu.memory_space<hbm>> -> memref<16x1024xf32, #tpu.memory_space<hbm>>
    tpu.wait_dma2 semaphore(%arg18 : memref<!tpu.dma_semaphore, #tpu.memory_space<semaphore_mem>>) src(%arg8 : memref<16x1024xf32, #tpu.memory_space<vmem>>) dst(%dma_wait3A_283 : memref<16x1024xf32, #tpu.memory_space<hbm>>)
    %dma_start3A_284 = arith.constant 96 : i32
    %dma_start3A_285 = tpu.memref_slice %arg6[%dma_start3A_284] : memref<256xi32, #tpu.memory_space<vmem>> -> memref<16xi32, #tpu.memory_space<vmem>>
    %dma_start3A_286 = arith.constant 0 : i32
    %dma_start3A_287 = arith.constant 0 : i32
    %dma_start3A_288 = tpu.memref_slice %arg3[%dma_start3A_286, %dma_start3A_287] : memref<100000x1024xf32, #tpu.memory_space<hbm>> -> memref<100000x1024xf32, #tpu.memory_space<hbm>>
    tpu.enqueue_indirect_dma source(%dma_start3A_288 : memref<100000x1024xf32, #tpu.memory_space<hbm>>) target(%arg8 : memref<16x1024xf32, #tpu.memory_space<vmem>>) offsets(%dma_start3A_285 : memref<16xi32, #tpu.memory_space<vmem>>) semaphore(%arg14 : memref<!tpu.dma_semaphore, #tpu.memory_space<semaphore_mem>>)
    %dma_wait3A_289 = arith.constant 208 : i32
    %dma_wait3A_290 = tpu.memref_slice %arg6[%dma_wait3A_289] : memref<256xi32, #tpu.memory_space<vmem>> -> memref<16xi32, #tpu.memory_space<vmem>>
    %dma_wait3A_291 = arith.constant 0 : i32
    %dma_wait3A_292 = arith.constant 0 : i32
    %dma_wait3A_293 = tpu.memref_slice %arg3[%dma_wait3A_291, %dma_wait3A_292] : memref<100000x1024xf32, #tpu.memory_space<hbm>> -> memref<100000x1024xf32, #tpu.memory_space<hbm>>
    tpu.wait_indirect_dma semaphore(%arg16 : memref<!tpu.dma_semaphore, #tpu.memory_space<semaphore_mem>>) src(%dma_wait3A_293 : memref<100000x1024xf32, #tpu.memory_space<hbm>>) dst(%arg10 : memref<16x1024xf32, #tpu.memory_space<vmem>>)
    %scan3A_294 = arith.constant 0 : i32
    %scan3A_295 = arith.constant 0 : i32
    %scan3A_296 = arith.constant 1024 : i32
    %scan3A_297 = arith.addi %scan3A_295, %scan3A_296 : i32
    %scan3A_298 = arith.constant 4 : i32
    scf.for %scan3A_544 = %scan3A_295 to %scan3A_297 step %scan3A_298  : i32 {
      %jit3A = arith.constant 64 : i32
      %div3A = arith.divsi %scan3A_544, %jit3A : i32
      %sign3A = arith.constant 0 : i32
      %sign3A_545 = arith.cmpi sgt, %scan3A_544, %sign3A : i32
      %sign3A_546 = arith.extui %sign3A_545 : i1 to i32
      %sign3A_547 = arith.constant 0 : i32
      %sign3A_548 = arith.cmpi slt, %scan3A_544, %sign3A_547 : i32
      %sign3A_549 = arith.extui %sign3A_548 : i1 to i32
      %sign3A_550 = arith.subi %sign3A_546, %sign3A_549 : i32
      %sign3A_551 = arith.constant 0 : i32
      %sign3A_552 = arith.cmpi sgt, %jit3A, %sign3A_551 : i32
      %sign3A_553 = arith.extui %sign3A_552 : i1 to i32
      %sign3A_554 = arith.constant 0 : i32
      %sign3A_555 = arith.cmpi slt, %jit3A, %sign3A_554 : i32
      %sign3A_556 = arith.extui %sign3A_555 : i1 to i32
      %sign3A_557 = arith.subi %sign3A_553, %sign3A_556 : i32
      %ne3A = arith.cmpi ne, %sign3A_550, %sign3A_557 : i32
      %rem3A = arith.remsi %scan3A_544, %jit3A : i32
      %ne3A_558 = arith.constant 0 : i32
      %ne3A_559 = arith.cmpi ne, %rem3A, %ne3A_558 : i32
      %and3A = arith.andi %ne3A, %ne3A_559 : i1
      %sub3A = arith.constant 1 : i32
      %sub3A_560 = arith.subi %div3A, %sub3A : i32
      %select_n3A = arith.select %and3A, %sub3A_560, %div3A : i32
      %jit3A_561 = arith.constant 64 : i32
      %eq3A = arith.constant 0 : i32
      %eq3A_562 = arith.cmpi eq, %jit3A_561, %eq3A : i32
      %jit3A_563 = arith.constant 1 : i32
      %select_n3A_564 = arith.select %eq3A_562, %jit3A_563, %jit3A_561 : i32
      %rem3A_565 = arith.remsi %scan3A_544, %select_n3A_564 : i32
      %ne3A_566 = arith.constant 0 : i32
      %ne3A_567 = arith.cmpi ne, %rem3A_565, %ne3A_566 : i32
      %lt3A = arith.constant 0 : i32
      %lt3A_568 = arith.cmpi slt, %rem3A_565, %lt3A : i32
      %lt3A_569 = arith.constant 0 : i32
      %lt3A_570 = arith.cmpi slt, %select_n3A_564, %lt3A_569 : i32
      %ne3A_571 = arith.xori %lt3A_568, %lt3A_570 : i1
      %and3A_572 = arith.andi %ne3A_571, %ne3A_567 : i1
      %add3A_573 = arith.addi %rem3A_565, %select_n3A_564 : i32
      %select_n3A_574 = arith.select %and3A_572, %add3A_573, %rem3A_565 : i32
      %mul3A_575 = arith.constant 16 : i32
      %mul3A_576 = arith.muli %select_n3A_574, %mul3A_575 : i32
      %get3A = arith.index_cast %select_n3A : i32 to index
      %get3A_577 = arith.index_cast %mul3A_576 : i32 to index
      %get3A_578 = tpu.vector_load %arg12[%get3A, %get3A_577] {strides = array<i32>} : memref<16x1024xf32, #tpu.memory_space<vmem>>, vector<1x16xf32>,
      %get3A_579 = vector.shape_cast %get3A_578 : vector<1x16xf32> to vector<16xf32>
      %swap3A = arith.index_cast %select_n3A : i32 to index
      %swap3A_580 = arith.index_cast %mul3A_576 : i32 to index
      %swap3A_581 = tpu.vector_load %arg10[%swap3A, %swap3A_580] {strides = array<i32>} : memref<16x1024xf32, #tpu.memory_space<vmem>>, vector<1x16xf32>,
      %swap3A_582 = vector.shape_cast %swap3A_581 : vector<1x16xf32> to vector<16xf32>
      %swap3A_583 = vector.shape_cast %get3A_579 : vector<16xf32> to vector<1x16xf32>
      tpu.vector_store %arg10[%swap3A, %swap3A_580], %swap3A_583 {add = true, strides = array<i32>} : memref<16x1024xf32, #tpu.memory_space<vmem>>, vector<1x16xf32>,
      %scan3A_584 = arith.constant 1 : i32
      %scan3A_585 = arith.addi %scan3A_544, %scan3A_584 : i32
      %jit3A_586 = arith.constant 64 : i32
      %div3A_587 = arith.divsi %scan3A_585, %jit3A_586 : i32
      %sign3A_588 = arith.constant 0 : i32
      %sign3A_589 = arith.cmpi sgt, %scan3A_585, %sign3A_588 : i32
      %sign3A_590 = arith.extui %sign3A_589 : i1 to i32
      %sign3A_591 = arith.constant 0 : i32
      %sign3A_592 = arith.cmpi slt, %scan3A_585, %sign3A_591 : i32
      %sign3A_593 = arith.extui %sign3A_592 : i1 to i32
      %sign3A_594 = arith.subi %sign3A_590, %sign3A_593 : i32
      %sign3A_595 = arith.constant 0 : i32
      %sign3A_596 = arith.cmpi sgt, %jit3A_586, %sign3A_595 : i32
      %sign3A_597 = arith.extui %sign3A_596 : i1 to i32
      %sign3A_598 = arith.constant 0 : i32
      %sign3A_599 = arith.cmpi slt, %jit3A_586, %sign3A_598 : i32
      %sign3A_600 = arith.extui %sign3A_599 : i1 to i32
      %sign3A_601 = arith.subi %sign3A_597, %sign3A_600 : i32
      %ne3A_602 = arith.cmpi ne, %sign3A_594, %sign3A_601 : i32
      %rem3A_603 = arith.remsi %scan3A_585, %jit3A_586 : i32
      %ne3A_604 = arith.constant 0 : i32
      %ne3A_605 = arith.cmpi ne, %rem3A_603, %ne3A_604 : i32
      %and3A_606 = arith.andi %ne3A_602, %ne3A_605 : i1
      %sub3A_607 = arith.constant 1 : i32
      %sub3A_608 = arith.subi %div3A_587, %sub3A_607 : i32
      %select_n3A_609 = arith.select %and3A_606, %sub3A_608, %div3A_587 : i32
      %jit3A_610 = arith.constant 64 : i32
      %eq3A_611 = arith.constant 0 : i32
      %eq3A_612 = arith.cmpi eq, %jit3A_610, %eq3A_611 : i32
      %jit3A_613 = arith.constant 1 : i32
      %select_n3A_614 = arith.select %eq3A_612, %jit3A_613, %jit3A_610 : i32
      %rem3A_615 = arith.remsi %scan3A_585, %select_n3A_614 : i32
      %ne3A_616 = arith.constant 0 : i32
      %ne3A_617 = arith.cmpi ne, %rem3A_615, %ne3A_616 : i32
      %lt3A_618 = arith.constant 0 : i32
      %lt3A_619 = arith.cmpi slt, %rem3A_615, %lt3A_618 : i32
      %lt3A_620 = arith.constant 0 : i32
      %lt3A_621 = arith.cmpi slt, %select_n3A_614, %lt3A_620 : i32
      %ne3A_622 = arith.xori %lt3A_619, %lt3A_621 : i1
      %and3A_623 = arith.andi %ne3A_622, %ne3A_617 : i1
      %add3A_624 = arith.addi %rem3A_615, %select_n3A_614 : i32
      %select_n3A_625 = arith.select %and3A_623, %add3A_624, %rem3A_615 : i32
      %mul3A_626 = arith.constant 16 : i32
      %mul3A_627 = arith.muli %select_n3A_625, %mul3A_626 : i32
      %get3A_628 = arith.index_cast %select_n3A_609 : i32 to index
      %get3A_629 = arith.index_cast %mul3A_627 : i32 to index
      %get3A_630 = tpu.vector_load %arg12[%get3A_628, %get3A_629] {strides = array<i32>} : memref<16x1024xf32, #tpu.memory_space<vmem>>, vector<1x16xf32>,
      %get3A_631 = vector.shape_cast %get3A_630 : vector<1x16xf32> to vector<16xf32>
      %swap3A_632 = arith.index_cast %select_n3A_609 : i32 to index
      %swap3A_633 = arith.index_cast %mul3A_627 : i32 to index
      %swap3A_634 = tpu.vector_load %arg10[%swap3A_632, %swap3A_633] {strides = array<i32>} : memref<16x1024xf32, #tpu.memory_space<vmem>>, vector<1x16xf32>,
      %swap3A_635 = vector.shape_cast %swap3A_634 : vector<1x16xf32> to vector<16xf32>
      %swap3A_636 = vector.shape_cast %get3A_631 : vector<16xf32> to vector<1x16xf32>
      tpu.vector_store %arg10[%swap3A_632, %swap3A_633], %swap3A_636 {add = true, strides = array<i32>} : memref<16x1024xf32, #tpu.memory_space<vmem>>, vector<1x16xf32>,
      %scan3A_637 = arith.constant 2 : i32
      %scan3A_638 = arith.addi %scan3A_544, %scan3A_637 : i32
      %jit3A_639 = arith.constant 64 : i32
      %div3A_640 = arith.divsi %scan3A_638, %jit3A_639 : i32
      %sign3A_641 = arith.constant 0 : i32
      %sign3A_642 = arith.cmpi sgt, %scan3A_638, %sign3A_641 : i32
      %sign3A_643 = arith.extui %sign3A_642 : i1 to i32
      %sign3A_644 = arith.constant 0 : i32
      %sign3A_645 = arith.cmpi slt, %scan3A_638, %sign3A_644 : i32
      %sign3A_646 = arith.extui %sign3A_645 : i1 to i32
      %sign3A_647 = arith.subi %sign3A_643, %sign3A_646 : i32
      %sign3A_648 = arith.constant 0 : i32
      %sign3A_649 = arith.cmpi sgt, %jit3A_639, %sign3A_648 : i32
      %sign3A_650 = arith.extui %sign3A_649 : i1 to i32
      %sign3A_651 = arith.constant 0 : i32
      %sign3A_652 = arith.cmpi slt, %jit3A_639, %sign3A_651 : i32
      %sign3A_653 = arith.extui %sign3A_652 : i1 to i32
      %sign3A_654 = arith.subi %sign3A_650, %sign3A_653 : i32
      %ne3A_655 = arith.cmpi ne, %sign3A_647, %sign3A_654 : i32
      %rem3A_656 = arith.remsi %scan3A_638, %jit3A_639 : i32
      %ne3A_657 = arith.constant 0 : i32
      %ne3A_658 = arith.cmpi ne, %rem3A_656, %ne3A_657 : i32
      %and3A_659 = arith.andi %ne3A_655, %ne3A_658 : i1
      %sub3A_660 = arith.constant 1 : i32
      %sub3A_661 = arith.subi %div3A_640, %sub3A_660 : i32
      %select_n3A_662 = arith.select %and3A_659, %sub3A_661, %div3A_640 : i32
      %jit3A_663 = arith.constant 64 : i32
      %eq3A_664 = arith.constant 0 : i32
      %eq3A_665 = arith.cmpi eq, %jit3A_663, %eq3A_664 : i32
      %jit3A_666 = arith.constant 1 : i32
      %select_n3A_667 = arith.select %eq3A_665, %jit3A_666, %jit3A_663 : i32
      %rem3A_668 = arith.remsi %scan3A_638, %select_n3A_667 : i32
      %ne3A_669 = arith.constant 0 : i32
      %ne3A_670 = arith.cmpi ne, %rem3A_668, %ne3A_669 : i32
      %lt3A_671 = arith.constant 0 : i32
      %lt3A_672 = arith.cmpi slt, %rem3A_668, %lt3A_671 : i32
      %lt3A_673 = arith.constant 0 : i32
      %lt3A_674 = arith.cmpi slt, %select_n3A_667, %lt3A_673 : i32
      %ne3A_675 = arith.xori %lt3A_672, %lt3A_674 : i1
      %and3A_676 = arith.andi %ne3A_675, %ne3A_670 : i1
      %add3A_677 = arith.addi %rem3A_668, %select_n3A_667 : i32
      %select_n3A_678 = arith.select %and3A_676, %add3A_677, %rem3A_668 : i32
      %mul3A_679 = arith.constant 16 : i32
      %mul3A_680 = arith.muli %select_n3A_678, %mul3A_679 : i32
      %get3A_681 = arith.index_cast %select_n3A_662 : i32 to index
      %get3A_682 = arith.index_cast %mul3A_680 : i32 to index
      %get3A_683 = tpu.vector_load %arg12[%get3A_681, %get3A_682] {strides = array<i32>} : memref<16x1024xf32, #tpu.memory_space<vmem>>, vector<1x16xf32>,
      %get3A_684 = vector.shape_cast %get3A_683 : vector<1x16xf32> to vector<16xf32>
      %swap3A_685 = arith.index_cast %select_n3A_662 : i32 to index
      %swap3A_686 = arith.index_cast %mul3A_680 : i32 to index
      %swap3A_687 = tpu.vector_load %arg10[%swap3A_685, %swap3A_686] {strides = array<i32>} : memref<16x1024xf32, #tpu.memory_space<vmem>>, vector<1x16xf32>,
      %swap3A_688 = vector.shape_cast %swap3A_687 : vector<1x16xf32> to vector<16xf32>
      %swap3A_689 = vector.shape_cast %get3A_684 : vector<16xf32> to vector<1x16xf32>
      tpu.vector_store %arg10[%swap3A_685, %swap3A_686], %swap3A_689 {add = true, strides = array<i32>} : memref<16x1024xf32, #tpu.memory_space<vmem>>, vector<1x16xf32>,
      %scan3A_690 = arith.constant 3 : i32
      %scan3A_691 = arith.addi %scan3A_544, %scan3A_690 : i32
      %jit3A_692 = arith.constant 64 : i32
      %div3A_693 = arith.divsi %scan3A_691, %jit3A_692 : i32
      %sign3A_694 = arith.constant 0 : i32
      %sign3A_695 = arith.cmpi sgt, %scan3A_691, %sign3A_694 : i32
      %sign3A_696 = arith.extui %sign3A_695 : i1 to i32
      %sign3A_697 = arith.constant 0 : i32
      %sign3A_698 = arith.cmpi slt, %scan3A_691, %sign3A_697 : i32
      %sign3A_699 = arith.extui %sign3A_698 : i1 to i32
      %sign3A_700 = arith.subi %sign3A_696, %sign3A_699 : i32
      %sign3A_701 = arith.constant 0 : i32
      %sign3A_702 = arith.cmpi sgt, %jit3A_692, %sign3A_701 : i32
      %sign3A_703 = arith.extui %sign3A_702 : i1 to i32
      %sign3A_704 = arith.constant 0 : i32
      %sign3A_705 = arith.cmpi slt, %jit3A_692, %sign3A_704 : i32
      %sign3A_706 = arith.extui %sign3A_705 : i1 to i32
      %sign3A_707 = arith.subi %sign3A_703, %sign3A_706 : i32
      %ne3A_708 = arith.cmpi ne, %sign3A_700, %sign3A_707 : i32
      %rem3A_709 = arith.remsi %scan3A_691, %jit3A_692 : i32
      %ne3A_710 = arith.constant 0 : i32
      %ne3A_711 = arith.cmpi ne, %rem3A_709, %ne3A_710 : i32
      %and3A_712 = arith.andi %ne3A_708, %ne3A_711 : i1
      %sub3A_713 = arith.constant 1 : i32
      %sub3A_714 = arith.subi %div3A_693, %sub3A_713 : i32
      %select_n3A_715 = arith.select %and3A_712, %sub3A_714, %div3A_693 : i32
      %jit3A_716 = arith.constant 64 : i32
      %eq3A_717 = arith.constant 0 : i32
      %eq3A_718 = arith.cmpi eq, %jit3A_716, %eq3A_717 : i32
      %jit3A_719 = arith.constant 1 : i32
      %select_n3A_720 = arith.select %eq3A_718, %jit3A_719, %jit3A_716 : i32
      %rem3A_721 = arith.remsi %scan3A_691, %select_n3A_720 : i32
      %ne3A_722 = arith.constant 0 : i32
      %ne3A_723 = arith.cmpi ne, %rem3A_721, %ne3A_722 : i32
      %lt3A_724 = arith.constant 0 : i32
      %lt3A_725 = arith.cmpi slt, %rem3A_721, %lt3A_724 : i32
      %lt3A_726 = arith.constant 0 : i32
      %lt3A_727 = arith.cmpi slt, %select_n3A_720, %lt3A_726 : i32
      %ne3A_728 = arith.xori %lt3A_725, %lt3A_727 : i1
      %and3A_729 = arith.andi %ne3A_728, %ne3A_723 : i1
      %add3A_730 = arith.addi %rem3A_721, %select_n3A_720 : i32
      %select_n3A_731 = arith.select %and3A_729, %add3A_730, %rem3A_721 : i32
      %mul3A_732 = arith.constant 16 : i32
      %mul3A_733 = arith.muli %select_n3A_731, %mul3A_732 : i32
      %get3A_734 = arith.index_cast %select_n3A_715 : i32 to index
      %get3A_735 = arith.index_cast %mul3A_733 : i32 to index
      %get3A_736 = tpu.vector_load %arg12[%get3A_734, %get3A_735] {strides = array<i32>} : memref<16x1024xf32, #tpu.memory_space<vmem>>, vector<1x16xf32>,
      %get3A_737 = vector.shape_cast %get3A_736 : vector<1x16xf32> to vector<16xf32>
      %swap3A_738 = arith.index_cast %select_n3A_715 : i32 to index
      %swap3A_739 = arith.index_cast %mul3A_733 : i32 to index
      %swap3A_740 = tpu.vector_load %arg10[%swap3A_738, %swap3A_739] {strides = array<i32>} : memref<16x1024xf32, #tpu.memory_space<vmem>>, vector<1x16xf32>,
      %swap3A_741 = vector.shape_cast %swap3A_740 : vector<1x16xf32> to vector<16xf32>
      %swap3A_742 = vector.shape_cast %get3A_737 : vector<16xf32> to vector<1x16xf32>
      tpu.vector_store %arg10[%swap3A_738, %swap3A_739], %swap3A_742 {add = true, strides = array<i32>} : memref<16x1024xf32, #tpu.memory_space<vmem>>, vector<1x16xf32>,
    }
    %scan3A_299 = arith.constant 1024 : i32
    %add3A_300 = arith.constant 6144 : i32
    %add3A_301 = arith.addi %add3A_300, %mul3A_2 : i32
    %add3A_302 = arith.constant 16 : i32
    %add3A_303 = arith.addi %add3A_301, %add3A_302 : i32
    %dma_start3A_304 = arith.constant 0 : i32
    %dma_start3A_305 = tpu.memref_slice %arg5[%add3A_303, %dma_start3A_304] : memref<8192x1024xf32, #tpu.memory_space<hbm>> -> memref<16x1024xf32, #tpu.memory_space<hbm>>
    %dma_start3A_306 = arith.constant 0 : i32
    %dma_start3A_307 = tpu.memref_slice %arg5[%add3A_303, %dma_start3A_306] : memref<8192x1024xf32, #tpu.memory_space<hbm>> -> memref<16x1024xf32, #tpu.memory_space<hbm>>
    tpu.enqueue_dma source(%arg10 : memref<16x1024xf32, #tpu.memory_space<vmem>>) target(%dma_start3A_307 : memref<16x1024xf32, #tpu.memory_space<hbm>>) target_semaphore(%arg20 : memref<!tpu.dma_semaphore, #tpu.memory_space<semaphore_mem>>)
    %add3A_308 = arith.constant 48 : i32
    %add3A_309 = arith.addi %mul3A_2, %add3A_308 : i32
    %dma_start3A_310 = arith.constant 0 : i32
    %dma_start3A_311 = tpu.memref_slice %arg4[%add3A_309, %dma_start3A_310] : memref<2048x1024xf32, #tpu.memory_space<hbm>> -> memref<16x1024xf32, #tpu.memory_space<hbm>>
    %dma_start3A_312 = arith.constant 0 : i32
    %dma_start3A_313 = tpu.memref_slice %arg4[%add3A_309, %dma_start3A_312] : memref<2048x1024xf32, #tpu.memory_space<hbm>> -> memref<16x1024xf32, #tpu.memory_space<hbm>>
    tpu.enqueue_dma source(%dma_start3A_313 : memref<16x1024xf32, #tpu.memory_space<hbm>>) target(%arg12 : memref<16x1024xf32, #tpu.memory_space<vmem>>) target_semaphore(%arg22 : memref<!tpu.dma_semaphore, #tpu.memory_space<semaphore_mem>>)
    %dma_wait3A_314 = arith.constant 0 : i32
    %dma_wait3A_315 = tpu.memref_slice %arg5[%add3A_275, %dma_wait3A_314] : memref<8192x1024xf32, #tpu.memory_space<hbm>> -> memref<16x1024xf32, #tpu.memory_space<hbm>>
    %dma_wait3A_316 = arith.constant 0 : i32
    %dma_wait3A_317 = tpu.memref_slice %arg5[%add3A_275, %dma_wait3A_316] : memref<8192x1024xf32, #tpu.memory_space<hbm>> -> memref<16x1024xf32, #tpu.memory_space<hbm>>
    tpu.wait_dma2 semaphore(%arg19 : memref<!tpu.dma_semaphore, #tpu.memory_space<semaphore_mem>>) src(%arg9 : memref<16x1024xf32, #tpu.memory_space<vmem>>) dst(%dma_wait3A_317 : memref<16x1024xf32, #tpu.memory_space<hbm>>)
    %dma_start3A_318 = arith.constant 160 : i32
    %dma_start3A_319 = tpu.memref_slice %arg6[%dma_start3A_318] : memref<256xi32, #tpu.memory_space<vmem>> -> memref<16xi32, #tpu.memory_space<vmem>>
    %dma_start3A_320 = arith.constant 0 : i32
    %dma_start3A_321 = arith.constant 0 : i32
    %dma_start3A_322 = tpu.memref_slice %arg3[%dma_start3A_320, %dma_start3A_321] : memref<100000x1024xf32, #tpu.memory_space<hbm>> -> memref<100000x1024xf32, #tpu.memory_space<hbm>>
    tpu.enqueue_indirect_dma source(%dma_start3A_322 : memref<100000x1024xf32, #tpu.memory_space<hbm>>) target(%arg9 : memref<16x1024xf32, #tpu.memory_space<vmem>>) offsets(%dma_start3A_319 : memref<16xi32, #tpu.memory_space<vmem>>) semaphore(%arg15 : memref<!tpu.dma_semaphore, #tpu.memory_space<semaphore_mem>>)
    %dma_wait3A_323 = arith.constant 32 : i32
    %dma_wait3A_324 = tpu.memref_slice %arg6[%dma_wait3A_323] : memref<256xi32, #tpu.memory_space<vmem>> -> memref<16xi32, #tpu.memory_space<vmem>>
    %dma_wait3A_325 = arith.constant 0 : i32
    %dma_wait3A_326 = arith.constant 0 : i32
    %dma_wait3A_327 = tpu.memref_slice %arg3[%dma_wait3A_325, %dma_wait3A_326] : memref<100000x1024xf32, #tpu.memory_space<hbm>> -> memref<100000x1024xf32, #tpu.memory_space<hbm>>
    tpu.wait_indirect_dma semaphore(%arg13 : memref<!tpu.dma_semaphore, #tpu.memory_space<semaphore_mem>>) src(%dma_wait3A_327 : memref<100000x1024xf32, #tpu.memory_space<hbm>>) dst(%arg7 : memref<16x1024xf32, #tpu.memory_space<vmem>>)
    %dma_wait3A_328 = arith.constant 0 : i32
    %dma_wait3A_329 = tpu.memref_slice %arg4[%add3A_187, %dma_wait3A_328] : memref<2048x1024xf32, #tpu.memory_space<hbm>> -> memref<16x1024xf32, #tpu.memory_space<hbm>>
    %dma_wait3A_330 = arith.constant 0 : i32
    %dma_wait3A_331 = tpu.memref_slice %arg4[%add3A_187, %dma_wait3A_330] : memref<2048x1024xf32, #tpu.memory_space<hbm>> -> memref<16x1024xf32, #tpu.memory_space<hbm>>
    tpu.wait_dma2 semaphore(%arg21 : memref<!tpu.dma_semaphore, #tpu.memory_space<semaphore_mem>>) src(%dma_wait3A_331 : memref<16x1024xf32, #tpu.memory_space<hbm>>) dst(%arg11 : memref<16x1024xf32, #tpu.memory_space<vmem>>)
    %scan3A_332 = arith.constant 0 : i32
    %scan3A_333 = arith.constant 0 : i32
    %scan3A_334 = arith.constant 1024 : i32
    %scan3A_335 = arith.addi %scan3A_333, %scan3A_334 : i32
    %scan3A_336 = arith.constant 4 : i32
    scf.for %scan3A_544 = %scan3A_333 to %scan3A_335 step %scan3A_336  : i32 {
      %jit3A = arith.constant 64 : i32
      %div3A = arith.divsi %scan3A_544, %jit3A : i32
      %sign3A = arith.constant 0 : i32
      %sign3A_545 = arith.cmpi sgt, %scan3A_544, %sign3A : i32
      %sign3A_546 = arith.extui %sign3A_545 : i1 to i32
      %sign3A_547 = arith.constant 0 : i32
      %sign3A_548 = arith.cmpi slt, %scan3A_544, %sign3A_547 : i32
      %sign3A_549 = arith.extui %sign3A_548 : i1 to i32
      %sign3A_550 = arith.subi %sign3A_546, %sign3A_549 : i32
      %sign3A_551 = arith.constant 0 : i32
      %sign3A_552 = arith.cmpi sgt, %jit3A, %sign3A_551 : i32
      %sign3A_553 = arith.extui %sign3A_552 : i1 to i32
      %sign3A_554 = arith.constant 0 : i32
      %sign3A_555 = arith.cmpi slt, %jit3A, %sign3A_554 : i32
      %sign3A_556 = arith.extui %sign3A_555 : i1 to i32
      %sign3A_557 = arith.subi %sign3A_553, %sign3A_556 : i32
      %ne3A = arith.cmpi ne, %sign3A_550, %sign3A_557 : i32
      %rem3A = arith.remsi %scan3A_544, %jit3A : i32
      %ne3A_558 = arith.constant 0 : i32
      %ne3A_559 = arith.cmpi ne, %rem3A, %ne3A_558 : i32
      %and3A = arith.andi %ne3A, %ne3A_559 : i1
      %sub3A = arith.constant 1 : i32
      %sub3A_560 = arith.subi %div3A, %sub3A : i32
      %select_n3A = arith.select %and3A, %sub3A_560, %div3A : i32
      %jit3A_561 = arith.constant 64 : i32
      %eq3A = arith.constant 0 : i32
      %eq3A_562 = arith.cmpi eq, %jit3A_561, %eq3A : i32
      %jit3A_563 = arith.constant 1 : i32
      %select_n3A_564 = arith.select %eq3A_562, %jit3A_563, %jit3A_561 : i32
      %rem3A_565 = arith.remsi %scan3A_544, %select_n3A_564 : i32
      %ne3A_566 = arith.constant 0 : i32
      %ne3A_567 = arith.cmpi ne, %rem3A_565, %ne3A_566 : i32
      %lt3A = arith.constant 0 : i32
      %lt3A_568 = arith.cmpi slt, %rem3A_565, %lt3A : i32
      %lt3A_569 = arith.constant 0 : i32
      %lt3A_570 = arith.cmpi slt, %select_n3A_564, %lt3A_569 : i32
      %ne3A_571 = arith.xori %lt3A_568, %lt3A_570 : i1
      %and3A_572 = arith.andi %ne3A_571, %ne3A_567 : i1
      %add3A_573 = arith.addi %rem3A_565, %select_n3A_564 : i32
      %select_n3A_574 = arith.select %and3A_572, %add3A_573, %rem3A_565 : i32
      %mul3A_575 = arith.constant 16 : i32
      %mul3A_576 = arith.muli %select_n3A_574, %mul3A_575 : i32
      %get3A = arith.index_cast %select_n3A : i32 to index
      %get3A_577 = arith.index_cast %mul3A_576 : i32 to index
      %get3A_578 = tpu.vector_load %arg11[%get3A, %get3A_577] {strides = array<i32>} : memref<16x1024xf32, #tpu.memory_space<vmem>>, vector<1x16xf32>,
      %get3A_579 = vector.shape_cast %get3A_578 : vector<1x16xf32> to vector<16xf32>
      %swap3A = arith.index_cast %select_n3A : i32 to index
      %swap3A_580 = arith.index_cast %mul3A_576 : i32 to index
      %swap3A_581 = tpu.vector_load %arg7[%swap3A, %swap3A_580] {strides = array<i32>} : memref<16x1024xf32, #tpu.memory_space<vmem>>, vector<1x16xf32>,
      %swap3A_582 = vector.shape_cast %swap3A_581 : vector<1x16xf32> to vector<16xf32>
      %swap3A_583 = vector.shape_cast %get3A_579 : vector<16xf32> to vector<1x16xf32>
      tpu.vector_store %arg7[%swap3A, %swap3A_580], %swap3A_583 {add = true, strides = array<i32>} : memref<16x1024xf32, #tpu.memory_space<vmem>>, vector<1x16xf32>,
      %scan3A_584 = arith.constant 1 : i32
      %scan3A_585 = arith.addi %scan3A_544, %scan3A_584 : i32
      %jit3A_586 = arith.constant 64 : i32
      %div3A_587 = arith.divsi %scan3A_585, %jit3A_586 : i32
      %sign3A_588 = arith.constant 0 : i32
      %sign3A_589 = arith.cmpi sgt, %scan3A_585, %sign3A_588 : i32
      %sign3A_590 = arith.extui %sign3A_589 : i1 to i32
      %sign3A_591 = arith.constant 0 : i32
      %sign3A_592 = arith.cmpi slt, %scan3A_585, %sign3A_591 : i32
      %sign3A_593 = arith.extui %sign3A_592 : i1 to i32
      %sign3A_594 = arith.subi %sign3A_590, %sign3A_593 : i32
      %sign3A_595 = arith.constant 0 : i32
      %sign3A_596 = arith.cmpi sgt, %jit3A_586, %sign3A_595 : i32
      %sign3A_597 = arith.extui %sign3A_596 : i1 to i32
      %sign3A_598 = arith.constant 0 : i32
      %sign3A_599 = arith.cmpi slt, %jit3A_586, %sign3A_598 : i32
      %sign3A_600 = arith.extui %sign3A_599 : i1 to i32
      %sign3A_601 = arith.subi %sign3A_597, %sign3A_600 : i32
      %ne3A_602 = arith.cmpi ne, %sign3A_594, %sign3A_601 : i32
      %rem3A_603 = arith.remsi %scan3A_585, %jit3A_586 : i32
      %ne3A_604 = arith.constant 0 : i32
      %ne3A_605 = arith.cmpi ne, %rem3A_603, %ne3A_604 : i32
      %and3A_606 = arith.andi %ne3A_602, %ne3A_605 : i1
      %sub3A_607 = arith.constant 1 : i32
      %sub3A_608 = arith.subi %div3A_587, %sub3A_607 : i32
      %select_n3A_609 = arith.select %and3A_606, %sub3A_608, %div3A_587 : i32
      %jit3A_610 = arith.constant 64 : i32
      %eq3A_611 = arith.constant 0 : i32
      %eq3A_612 = arith.cmpi eq, %jit3A_610, %eq3A_611 : i32
      %jit3A_613 = arith.constant 1 : i32
      %select_n3A_614 = arith.select %eq3A_612, %jit3A_613, %jit3A_610 : i32
      %rem3A_615 = arith.remsi %scan3A_585, %select_n3A_614 : i32
      %ne3A_616 = arith.constant 0 : i32
      %ne3A_617 = arith.cmpi ne, %rem3A_615, %ne3A_616 : i32
      %lt3A_618 = arith.constant 0 : i32
      %lt3A_619 = arith.cmpi slt, %rem3A_615, %lt3A_618 : i32
      %lt3A_620 = arith.constant 0 : i32
      %lt3A_621 = arith.cmpi slt, %select_n3A_614, %lt3A_620 : i32
      %ne3A_622 = arith.xori %lt3A_619, %lt3A_621 : i1
      %and3A_623 = arith.andi %ne3A_622, %ne3A_617 : i1
      %add3A_624 = arith.addi %rem3A_615, %select_n3A_614 : i32
      %select_n3A_625 = arith.select %and3A_623, %add3A_624, %rem3A_615 : i32
      %mul3A_626 = arith.constant 16 : i32
      %mul3A_627 = arith.muli %select_n3A_625, %mul3A_626 : i32
      %get3A_628 = arith.index_cast %select_n3A_609 : i32 to index
      %get3A_629 = arith.index_cast %mul3A_627 : i32 to index
      %get3A_630 = tpu.vector_load %arg11[%get3A_628, %get3A_629] {strides = array<i32>} : memref<16x1024xf32, #tpu.memory_space<vmem>>, vector<1x16xf32>,
      %get3A_631 = vector.shape_cast %get3A_630 : vector<1x16xf32> to vector<16xf32>
      %swap3A_632 = arith.index_cast %select_n3A_609 : i32 to index
      %swap3A_633 = arith.index_cast %mul3A_627 : i32 to index
      %swap3A_634 = tpu.vector_load %arg7[%swap3A_632, %swap3A_633] {strides = array<i32>} : memref<16x1024xf32, #tpu.memory_space<vmem>>, vector<1x16xf32>,
      %swap3A_635 = vector.shape_cast %swap3A_634 : vector<1x16xf32> to vector<16xf32>
      %swap3A_636 = vector.shape_cast %get3A_631 : vector<16xf32> to vector<1x16xf32>
      tpu.vector_store %arg7[%swap3A_632, %swap3A_633], %swap3A_636 {add = true, strides = array<i32>} : memref<16x1024xf32, #tpu.memory_space<vmem>>, vector<1x16xf32>,
      %scan3A_637 = arith.constant 2 : i32
      %scan3A_638 = arith.addi %scan3A_544, %scan3A_637 : i32
      %jit3A_639 = arith.constant 64 : i32
      %div3A_640 = arith.divsi %scan3A_638, %jit3A_639 : i32
      %sign3A_641 = arith.constant 0 : i32
      %sign3A_642 = arith.cmpi sgt, %scan3A_638, %sign3A_641 : i32
      %sign3A_643 = arith.extui %sign3A_642 : i1 to i32
      %sign3A_644 = arith.constant 0 : i32
      %sign3A_645 = arith.cmpi slt, %scan3A_638, %sign3A_644 : i32
      %sign3A_646 = arith.extui %sign3A_645 : i1 to i32
      %sign3A_647 = arith.subi %sign3A_643, %sign3A_646 : i32
      %sign3A_648 = arith.constant 0 : i32
      %sign3A_649 = arith.cmpi sgt, %jit3A_639, %sign3A_648 : i32
      %sign3A_650 = arith.extui %sign3A_649 : i1 to i32
      %sign3A_651 = arith.constant 0 : i32
      %sign3A_652 = arith.cmpi slt, %jit3A_639, %sign3A_651 : i32
      %sign3A_653 = arith.extui %sign3A_652 : i1 to i32
      %sign3A_654 = arith.subi %sign3A_650, %sign3A_653 : i32
      %ne3A_655 = arith.cmpi ne, %sign3A_647, %sign3A_654 : i32
      %rem3A_656 = arith.remsi %scan3A_638, %jit3A_639 : i32
      %ne3A_657 = arith.constant 0 : i32
      %ne3A_658 = arith.cmpi ne, %rem3A_656, %ne3A_657 : i32
      %and3A_659 = arith.andi %ne3A_655, %ne3A_658 : i1
      %sub3A_660 = arith.constant 1 : i32
      %sub3A_661 = arith.subi %div3A_640, %sub3A_660 : i32
      %select_n3A_662 = arith.select %and3A_659, %sub3A_661, %div3A_640 : i32
      %jit3A_663 = arith.constant 64 : i32
      %eq3A_664 = arith.constant 0 : i32
      %eq3A_665 = arith.cmpi eq, %jit3A_663, %eq3A_664 : i32
      %jit3A_666 = arith.constant 1 : i32
      %select_n3A_667 = arith.select %eq3A_665, %jit3A_666, %jit3A_663 : i32
      %rem3A_668 = arith.remsi %scan3A_638, %select_n3A_667 : i32
      %ne3A_669 = arith.constant 0 : i32
      %ne3A_670 = arith.cmpi ne, %rem3A_668, %ne3A_669 : i32
      %lt3A_671 = arith.constant 0 : i32
      %lt3A_672 = arith.cmpi slt, %rem3A_668, %lt3A_671 : i32
      %lt3A_673 = arith.constant 0 : i32
      %lt3A_674 = arith.cmpi slt, %select_n3A_667, %lt3A_673 : i32
      %ne3A_675 = arith.xori %lt3A_672, %lt3A_674 : i1
      %and3A_676 = arith.andi %ne3A_675, %ne3A_670 : i1
      %add3A_677 = arith.addi %rem3A_668, %select_n3A_667 : i32
      %select_n3A_678 = arith.select %and3A_676, %add3A_677, %rem3A_668 : i32
      %mul3A_679 = arith.constant 16 : i32
      %mul3A_680 = arith.muli %select_n3A_678, %mul3A_679 : i32
      %get3A_681 = arith.index_cast %select_n3A_662 : i32 to index
      %get3A_682 = arith.index_cast %mul3A_680 : i32 to index
      %get3A_683 = tpu.vector_load %arg11[%get3A_681, %get3A_682] {strides = array<i32>} : memref<16x1024xf32, #tpu.memory_space<vmem>>, vector<1x16xf32>,
      %get3A_684 = vector.shape_cast %get3A_683 : vector<1x16xf32> to vector<16xf32>
      %swap3A_685 = arith.index_cast %select_n3A_662 : i32 to index
      %swap3A_686 = arith.index_cast %mul3A_680 : i32 to index
      %swap3A_687 = tpu.vector_load %arg7[%swap3A_685, %swap3A_686] {strides = array<i32>} : memref<16x1024xf32, #tpu.memory_space<vmem>>, vector<1x16xf32>,
      %swap3A_688 = vector.shape_cast %swap3A_687 : vector<1x16xf32> to vector<16xf32>
      %swap3A_689 = vector.shape_cast %get3A_684 : vector<16xf32> to vector<1x16xf32>
      tpu.vector_store %arg7[%swap3A_685, %swap3A_686], %swap3A_689 {add = true, strides = array<i32>} : memref<16x1024xf32, #tpu.memory_space<vmem>>, vector<1x16xf32>,
      %scan3A_690 = arith.constant 3 : i32
      %scan3A_691 = arith.addi %scan3A_544, %scan3A_690 : i32
      %jit3A_692 = arith.constant 64 : i32
      %div3A_693 = arith.divsi %scan3A_691, %jit3A_692 : i32
      %sign3A_694 = arith.constant 0 : i32
      %sign3A_695 = arith.cmpi sgt, %scan3A_691, %sign3A_694 : i32
      %sign3A_696 = arith.extui %sign3A_695 : i1 to i32
      %sign3A_697 = arith.constant 0 : i32
      %sign3A_698 = arith.cmpi slt, %scan3A_691, %sign3A_697 : i32
      %sign3A_699 = arith.extui %sign3A_698 : i1 to i32
      %sign3A_700 = arith.subi %sign3A_696, %sign3A_699 : i32
      %sign3A_701 = arith.constant 0 : i32
      %sign3A_702 = arith.cmpi sgt, %jit3A_692, %sign3A_701 : i32
      %sign3A_703 = arith.extui %sign3A_702 : i1 to i32
      %sign3A_704 = arith.constant 0 : i32
      %sign3A_705 = arith.cmpi slt, %jit3A_692, %sign3A_704 : i32
      %sign3A_706 = arith.extui %sign3A_705 : i1 to i32
      %sign3A_707 = arith.subi %sign3A_703, %sign3A_706 : i32
      %ne3A_708 = arith.cmpi ne, %sign3A_700, %sign3A_707 : i32
      %rem3A_709 = arith.remsi %scan3A_691, %jit3A_692 : i32
      %ne3A_710 = arith.constant 0 : i32
      %ne3A_711 = arith.cmpi ne, %rem3A_709, %ne3A_710 : i32
      %and3A_712 = arith.andi %ne3A_708, %ne3A_711 : i1
      %sub3A_713 = arith.constant 1 : i32
      %sub3A_714 = arith.subi %div3A_693, %sub3A_713 : i32
      %select_n3A_715 = arith.select %and3A_712, %sub3A_714, %div3A_693 : i32
      %jit3A_716 = arith.constant 64 : i32
      %eq3A_717 = arith.constant 0 : i32
      %eq3A_718 = arith.cmpi eq, %jit3A_716, %eq3A_717 : i32
      %jit3A_719 = arith.constant 1 : i32
      %select_n3A_720 = arith.select %eq3A_718, %jit3A_719, %jit3A_716 : i32
      %rem3A_721 = arith.remsi %scan3A_691, %select_n3A_720 : i32
      %ne3A_722 = arith.constant 0 : i32
      %ne3A_723 = arith.cmpi ne, %rem3A_721, %ne3A_722 : i32
      %lt3A_724 = arith.constant 0 : i32
      %lt3A_725 = arith.cmpi slt, %rem3A_721, %lt3A_724 : i32
      %lt3A_726 = arith.constant 0 : i32
      %lt3A_727 = arith.cmpi slt, %select_n3A_720, %lt3A_726 : i32
      %ne3A_728 = arith.xori %lt3A_725, %lt3A_727 : i1
      %and3A_729 = arith.andi %ne3A_728, %ne3A_723 : i1
      %add3A_730 = arith.addi %rem3A_721, %select_n3A_720 : i32
      %select_n3A_731 = arith.select %and3A_729, %add3A_730, %rem3A_721 : i32
      %mul3A_732 = arith.constant 16 : i32
      %mul3A_733 = arith.muli %select_n3A_731, %mul3A_732 : i32
      %get3A_734 = arith.index_cast %select_n3A_715 : i32 to index
      %get3A_735 = arith.index_cast %mul3A_733 : i32 to index
      %get3A_736 = tpu.vector_load %arg11[%get3A_734, %get3A_735] {strides = array<i32>} : memref<16x1024xf32, #tpu.memory_space<vmem>>, vector<1x16xf32>,
      %get3A_737 = vector.shape_cast %get3A_736 : vector<1x16xf32> to vector<16xf32>
      %swap3A_738 = arith.index_cast %select_n3A_715 : i32 to index
      %swap3A_739 = arith.index_cast %mul3A_733 : i32 to index
      %swap3A_740 = tpu.vector_load %arg7[%swap3A_738, %swap3A_739] {strides = array<i32>} : memref<16x1024xf32, #tpu.memory_space<vmem>>, vector<1x16xf32>,
      %swap3A_741 = vector.shape_cast %swap3A_740 : vector<1x16xf32> to vector<16xf32>
      %swap3A_742 = vector.shape_cast %get3A_737 : vector<16xf32> to vector<1x16xf32>
      tpu.vector_store %arg7[%swap3A_738, %swap3A_739], %swap3A_742 {add = true, strides = array<i32>} : memref<16x1024xf32, #tpu.memory_space<vmem>>, vector<1x16xf32>,
    }
    %scan3A_337 = arith.constant 1024 : i32
    %add3A_338 = arith.constant 0 : i32
    %add3A_339 = arith.addi %add3A_338, %mul3A_2 : i32
    %add3A_340 = arith.constant 32 : i32
    %add3A_341 = arith.addi %add3A_339, %add3A_340 : i32
    %dma_start3A_342 = arith.constant 0 : i32
    %dma_start3A_343 = tpu.memref_slice %arg5[%add3A_341, %dma_start3A_342] : memref<8192x1024xf32, #tpu.memory_space<hbm>> -> memref<16x1024xf32, #tpu.memory_space<hbm>>
    %dma_start3A_344 = arith.constant 0 : i32
    %dma_start3A_345 = tpu.memref_slice %arg5[%add3A_341, %dma_start3A_344] : memref<8192x1024xf32, #tpu.memory_space<hbm>> -> memref<16x1024xf32, #tpu.memory_space<hbm>>
    tpu.enqueue_dma source(%arg7 : memref<16x1024xf32, #tpu.memory_space<vmem>>) target(%dma_start3A_345 : memref<16x1024xf32, #tpu.memory_space<hbm>>) target_semaphore(%arg17 : memref<!tpu.dma_semaphore, #tpu.memory_space<semaphore_mem>>)
    %dma_wait3A_346 = arith.constant 0 : i32
    %dma_wait3A_347 = tpu.memref_slice %arg5[%add3A_303, %dma_wait3A_346] : memref<8192x1024xf32, #tpu.memory_space<hbm>> -> memref<16x1024xf32, #tpu.memory_space<hbm>>
    %dma_wait3A_348 = arith.constant 0 : i32
    %dma_wait3A_349 = tpu.memref_slice %arg5[%add3A_303, %dma_wait3A_348] : memref<8192x1024xf32, #tpu.memory_space<hbm>> -> memref<16x1024xf32, #tpu.memory_space<hbm>>
    tpu.wait_dma2 semaphore(%arg20 : memref<!tpu.dma_semaphore, #tpu.memory_space<semaphore_mem>>) src(%arg10 : memref<16x1024xf32, #tpu.memory_space<vmem>>) dst(%dma_wait3A_349 : memref<16x1024xf32, #tpu.memory_space<hbm>>)
    %dma_start3A_350 = arith.constant 224 : i32
    %dma_start3A_351 = tpu.memref_slice %arg6[%dma_start3A_350] : memref<256xi32, #tpu.memory_space<vmem>> -> memref<16xi32, #tpu.memory_space<vmem>>
    %dma_start3A_352 = arith.constant 0 : i32
    %dma_start3A_353 = arith.constant 0 : i32
    %dma_start3A_354 = tpu.memref_slice %arg3[%dma_start3A_352, %dma_start3A_353] : memref<100000x1024xf32, #tpu.memory_space<hbm>> -> memref<100000x1024xf32, #tpu.memory_space<hbm>>
    tpu.enqueue_indirect_dma source(%dma_start3A_354 : memref<100000x1024xf32, #tpu.memory_space<hbm>>) target(%arg10 : memref<16x1024xf32, #tpu.memory_space<vmem>>) offsets(%dma_start3A_351 : memref<16xi32, #tpu.memory_space<vmem>>) semaphore(%arg16 : memref<!tpu.dma_semaphore, #tpu.memory_space<semaphore_mem>>)
    %dma_wait3A_355 = arith.constant 96 : i32
    %dma_wait3A_356 = tpu.memref_slice %arg6[%dma_wait3A_355] : memref<256xi32, #tpu.memory_space<vmem>> -> memref<16xi32, #tpu.memory_space<vmem>>
    %dma_wait3A_357 = arith.constant 0 : i32
    %dma_wait3A_358 = arith.constant 0 : i32
    %dma_wait3A_359 = tpu.memref_slice %arg3[%dma_wait3A_357, %dma_wait3A_358] : memref<100000x1024xf32, #tpu.memory_space<hbm>> -> memref<100000x1024xf32, #tpu.memory_space<hbm>>
    tpu.wait_indirect_dma semaphore(%arg14 : memref<!tpu.dma_semaphore, #tpu.memory_space<semaphore_mem>>) src(%dma_wait3A_359 : memref<100000x1024xf32, #tpu.memory_space<hbm>>) dst(%arg8 : memref<16x1024xf32, #tpu.memory_space<vmem>>)
    %scan3A_360 = arith.constant 0 : i32
    %scan3A_361 = arith.constant 0 : i32
    %scan3A_362 = arith.constant 1024 : i32
    %scan3A_363 = arith.addi %scan3A_361, %scan3A_362 : i32
    %scan3A_364 = arith.constant 4 : i32
    scf.for %scan3A_544 = %scan3A_361 to %scan3A_363 step %scan3A_364  : i32 {
      %jit3A = arith.constant 64 : i32
      %div3A = arith.divsi %scan3A_544, %jit3A : i32
      %sign3A = arith.constant 0 : i32
      %sign3A_545 = arith.cmpi sgt, %scan3A_544, %sign3A : i32
      %sign3A_546 = arith.extui %sign3A_545 : i1 to i32
      %sign3A_547 = arith.constant 0 : i32
      %sign3A_548 = arith.cmpi slt, %scan3A_544, %sign3A_547 : i32
      %sign3A_549 = arith.extui %sign3A_548 : i1 to i32
      %sign3A_550 = arith.subi %sign3A_546, %sign3A_549 : i32
      %sign3A_551 = arith.constant 0 : i32
      %sign3A_552 = arith.cmpi sgt, %jit3A, %sign3A_551 : i32
      %sign3A_553 = arith.extui %sign3A_552 : i1 to i32
      %sign3A_554 = arith.constant 0 : i32
      %sign3A_555 = arith.cmpi slt, %jit3A, %sign3A_554 : i32
      %sign3A_556 = arith.extui %sign3A_555 : i1 to i32
      %sign3A_557 = arith.subi %sign3A_553, %sign3A_556 : i32
      %ne3A = arith.cmpi ne, %sign3A_550, %sign3A_557 : i32
      %rem3A = arith.remsi %scan3A_544, %jit3A : i32
      %ne3A_558 = arith.constant 0 : i32
      %ne3A_559 = arith.cmpi ne, %rem3A, %ne3A_558 : i32
      %and3A = arith.andi %ne3A, %ne3A_559 : i1
      %sub3A = arith.constant 1 : i32
      %sub3A_560 = arith.subi %div3A, %sub3A : i32
      %select_n3A = arith.select %and3A, %sub3A_560, %div3A : i32
      %jit3A_561 = arith.constant 64 : i32
      %eq3A = arith.constant 0 : i32
      %eq3A_562 = arith.cmpi eq, %jit3A_561, %eq3A : i32
      %jit3A_563 = arith.constant 1 : i32
      %select_n3A_564 = arith.select %eq3A_562, %jit3A_563, %jit3A_561 : i32
      %rem3A_565 = arith.remsi %scan3A_544, %select_n3A_564 : i32
      %ne3A_566 = arith.constant 0 : i32
      %ne3A_567 = arith.cmpi ne, %rem3A_565, %ne3A_566 : i32
      %lt3A = arith.constant 0 : i32
      %lt3A_568 = arith.cmpi slt, %rem3A_565, %lt3A : i32
      %lt3A_569 = arith.constant 0 : i32
      %lt3A_570 = arith.cmpi slt, %select_n3A_564, %lt3A_569 : i32
      %ne3A_571 = arith.xori %lt3A_568, %lt3A_570 : i1
      %and3A_572 = arith.andi %ne3A_571, %ne3A_567 : i1
      %add3A_573 = arith.addi %rem3A_565, %select_n3A_564 : i32
      %select_n3A_574 = arith.select %and3A_572, %add3A_573, %rem3A_565 : i32
      %mul3A_575 = arith.constant 16 : i32
      %mul3A_576 = arith.muli %select_n3A_574, %mul3A_575 : i32
      %get3A = arith.index_cast %select_n3A : i32 to index
      %get3A_577 = arith.index_cast %mul3A_576 : i32 to index
      %get3A_578 = tpu.vector_load %arg11[%get3A, %get3A_577] {strides = array<i32>} : memref<16x1024xf32, #tpu.memory_space<vmem>>, vector<1x16xf32>,
      %get3A_579 = vector.shape_cast %get3A_578 : vector<1x16xf32> to vector<16xf32>
      %swap3A = arith.index_cast %select_n3A : i32 to index
      %swap3A_580 = arith.index_cast %mul3A_576 : i32 to index
      %swap3A_581 = tpu.vector_load %arg8[%swap3A, %swap3A_580] {strides = array<i32>} : memref<16x1024xf32, #tpu.memory_space<vmem>>, vector<1x16xf32>,
      %swap3A_582 = vector.shape_cast %swap3A_581 : vector<1x16xf32> to vector<16xf32>
      %swap3A_583 = vector.shape_cast %get3A_579 : vector<16xf32> to vector<1x16xf32>
      tpu.vector_store %arg8[%swap3A, %swap3A_580], %swap3A_583 {add = true, strides = array<i32>} : memref<16x1024xf32, #tpu.memory_space<vmem>>, vector<1x16xf32>,
      %scan3A_584 = arith.constant 1 : i32
      %scan3A_585 = arith.addi %scan3A_544, %scan3A_584 : i32
      %jit3A_586 = arith.constant 64 : i32
      %div3A_587 = arith.divsi %scan3A_585, %jit3A_586 : i32
      %sign3A_588 = arith.constant 0 : i32
      %sign3A_589 = arith.cmpi sgt, %scan3A_585, %sign3A_588 : i32
      %sign3A_590 = arith.extui %sign3A_589 : i1 to i32
      %sign3A_591 = arith.constant 0 : i32
      %sign3A_592 = arith.cmpi slt, %scan3A_585, %sign3A_591 : i32
      %sign3A_593 = arith.extui %sign3A_592 : i1 to i32
      %sign3A_594 = arith.subi %sign3A_590, %sign3A_593 : i32
      %sign3A_595 = arith.constant 0 : i32
      %sign3A_596 = arith.cmpi sgt, %jit3A_586, %sign3A_595 : i32
      %sign3A_597 = arith.extui %sign3A_596 : i1 to i32
      %sign3A_598 = arith.constant 0 : i32
      %sign3A_599 = arith.cmpi slt, %jit3A_586, %sign3A_598 : i32
      %sign3A_600 = arith.extui %sign3A_599 : i1 to i32
      %sign3A_601 = arith.subi %sign3A_597, %sign3A_600 : i32
      %ne3A_602 = arith.cmpi ne, %sign3A_594, %sign3A_601 : i32
      %rem3A_603 = arith.remsi %scan3A_585, %jit3A_586 : i32
      %ne3A_604 = arith.constant 0 : i32
      %ne3A_605 = arith.cmpi ne, %rem3A_603, %ne3A_604 : i32
      %and3A_606 = arith.andi %ne3A_602, %ne3A_605 : i1
      %sub3A_607 = arith.constant 1 : i32
      %sub3A_608 = arith.subi %div3A_587, %sub3A_607 : i32
      %select_n3A_609 = arith.select %and3A_606, %sub3A_608, %div3A_587 : i32
      %jit3A_610 = arith.constant 64 : i32
      %eq3A_611 = arith.constant 0 : i32
      %eq3A_612 = arith.cmpi eq, %jit3A_610, %eq3A_611 : i32
      %jit3A_613 = arith.constant 1 : i32
      %select_n3A_614 = arith.select %eq3A_612, %jit3A_613, %jit3A_610 : i32
      %rem3A_615 = arith.remsi %scan3A_585, %select_n3A_614 : i32
      %ne3A_616 = arith.constant 0 : i32
      %ne3A_617 = arith.cmpi ne, %rem3A_615, %ne3A_616 : i32
      %lt3A_618 = arith.constant 0 : i32
      %lt3A_619 = arith.cmpi slt, %rem3A_615, %lt3A_618 : i32
      %lt3A_620 = arith.constant 0 : i32
      %lt3A_621 = arith.cmpi slt, %select_n3A_614, %lt3A_620 : i32
      %ne3A_622 = arith.xori %lt3A_619, %lt3A_621 : i1
      %and3A_623 = arith.andi %ne3A_622, %ne3A_617 : i1
      %add3A_624 = arith.addi %rem3A_615, %select_n3A_614 : i32
      %select_n3A_625 = arith.select %and3A_623, %add3A_624, %rem3A_615 : i32
      %mul3A_626 = arith.constant 16 : i32
      %mul3A_627 = arith.muli %select_n3A_625, %mul3A_626 : i32
      %get3A_628 = arith.index_cast %select_n3A_609 : i32 to index
      %get3A_629 = arith.index_cast %mul3A_627 : i32 to index
      %get3A_630 = tpu.vector_load %arg11[%get3A_628, %get3A_629] {strides = array<i32>} : memref<16x1024xf32, #tpu.memory_space<vmem>>, vector<1x16xf32>,
      %get3A_631 = vector.shape_cast %get3A_630 : vector<1x16xf32> to vector<16xf32>
      %swap3A_632 = arith.index_cast %select_n3A_609 : i32 to index
      %swap3A_633 = arith.index_cast %mul3A_627 : i32 to index
      %swap3A_634 = tpu.vector_load %arg8[%swap3A_632, %swap3A_633] {strides = array<i32>} : memref<16x1024xf32, #tpu.memory_space<vmem>>, vector<1x16xf32>,
      %swap3A_635 = vector.shape_cast %swap3A_634 : vector<1x16xf32> to vector<16xf32>
      %swap3A_636 = vector.shape_cast %get3A_631 : vector<16xf32> to vector<1x16xf32>
      tpu.vector_store %arg8[%swap3A_632, %swap3A_633], %swap3A_636 {add = true, strides = array<i32>} : memref<16x1024xf32, #tpu.memory_space<vmem>>, vector<1x16xf32>,
      %scan3A_637 = arith.constant 2 : i32
      %scan3A_638 = arith.addi %scan3A_544, %scan3A_637 : i32
      %jit3A_639 = arith.constant 64 : i32
      %div3A_640 = arith.divsi %scan3A_638, %jit3A_639 : i32
      %sign3A_641 = arith.constant 0 : i32
      %sign3A_642 = arith.cmpi sgt, %scan3A_638, %sign3A_641 : i32
      %sign3A_643 = arith.extui %sign3A_642 : i1 to i32
      %sign3A_644 = arith.constant 0 : i32
      %sign3A_645 = arith.cmpi slt, %scan3A_638, %sign3A_644 : i32
      %sign3A_646 = arith.extui %sign3A_645 : i1 to i32
      %sign3A_647 = arith.subi %sign3A_643, %sign3A_646 : i32
      %sign3A_648 = arith.constant 0 : i32
      %sign3A_649 = arith.cmpi sgt, %jit3A_639, %sign3A_648 : i32
      %sign3A_650 = arith.extui %sign3A_649 : i1 to i32
      %sign3A_651 = arith.constant 0 : i32
      %sign3A_652 = arith.cmpi slt, %jit3A_639, %sign3A_651 : i32
      %sign3A_653 = arith.extui %sign3A_652 : i1 to i32
      %sign3A_654 = arith.subi %sign3A_650, %sign3A_653 : i32
      %ne3A_655 = arith.cmpi ne, %sign3A_647, %sign3A_654 : i32
      %rem3A_656 = arith.remsi %scan3A_638, %jit3A_639 : i32
      %ne3A_657 = arith.constant 0 : i32
      %ne3A_658 = arith.cmpi ne, %rem3A_656, %ne3A_657 : i32
      %and3A_659 = arith.andi %ne3A_655, %ne3A_658 : i1
      %sub3A_660 = arith.constant 1 : i32
      %sub3A_661 = arith.subi %div3A_640, %sub3A_660 : i32
      %select_n3A_662 = arith.select %and3A_659, %sub3A_661, %div3A_640 : i32
      %jit3A_663 = arith.constant 64 : i32
      %eq3A_664 = arith.constant 0 : i32
      %eq3A_665 = arith.cmpi eq, %jit3A_663, %eq3A_664 : i32
      %jit3A_666 = arith.constant 1 : i32
      %select_n3A_667 = arith.select %eq3A_665, %jit3A_666, %jit3A_663 : i32
      %rem3A_668 = arith.remsi %scan3A_638, %select_n3A_667 : i32
      %ne3A_669 = arith.constant 0 : i32
      %ne3A_670 = arith.cmpi ne, %rem3A_668, %ne3A_669 : i32
      %lt3A_671 = arith.constant 0 : i32
      %lt3A_672 = arith.cmpi slt, %rem3A_668, %lt3A_671 : i32
      %lt3A_673 = arith.constant 0 : i32
      %lt3A_674 = arith.cmpi slt, %select_n3A_667, %lt3A_673 : i32
      %ne3A_675 = arith.xori %lt3A_672, %lt3A_674 : i1
      %and3A_676 = arith.andi %ne3A_675, %ne3A_670 : i1
      %add3A_677 = arith.addi %rem3A_668, %select_n3A_667 : i32
      %select_n3A_678 = arith.select %and3A_676, %add3A_677, %rem3A_668 : i32
      %mul3A_679 = arith.constant 16 : i32
      %mul3A_680 = arith.muli %select_n3A_678, %mul3A_679 : i32
      %get3A_681 = arith.index_cast %select_n3A_662 : i32 to index
      %get3A_682 = arith.index_cast %mul3A_680 : i32 to index
      %get3A_683 = tpu.vector_load %arg11[%get3A_681, %get3A_682] {strides = array<i32>} : memref<16x1024xf32, #tpu.memory_space<vmem>>, vector<1x16xf32>,
      %get3A_684 = vector.shape_cast %get3A_683 : vector<1x16xf32> to vector<16xf32>
      %swap3A_685 = arith.index_cast %select_n3A_662 : i32 to index
      %swap3A_686 = arith.index_cast %mul3A_680 : i32 to index
      %swap3A_687 = tpu.vector_load %arg8[%swap3A_685, %swap3A_686] {strides = array<i32>} : memref<16x1024xf32, #tpu.memory_space<vmem>>, vector<1x16xf32>,
      %swap3A_688 = vector.shape_cast %swap3A_687 : vector<1x16xf32> to vector<16xf32>
      %swap3A_689 = vector.shape_cast %get3A_684 : vector<16xf32> to vector<1x16xf32>
      tpu.vector_store %arg8[%swap3A_685, %swap3A_686], %swap3A_689 {add = true, strides = array<i32>} : memref<16x1024xf32, #tpu.memory_space<vmem>>, vector<1x16xf32>,
      %scan3A_690 = arith.constant 3 : i32
      %scan3A_691 = arith.addi %scan3A_544, %scan3A_690 : i32
      %jit3A_692 = arith.constant 64 : i32
      %div3A_693 = arith.divsi %scan3A_691, %jit3A_692 : i32
      %sign3A_694 = arith.constant 0 : i32
      %sign3A_695 = arith.cmpi sgt, %scan3A_691, %sign3A_694 : i32
      %sign3A_696 = arith.extui %sign3A_695 : i1 to i32
      %sign3A_697 = arith.constant 0 : i32
      %sign3A_698 = arith.cmpi slt, %scan3A_691, %sign3A_697 : i32
      %sign3A_699 = arith.extui %sign3A_698 : i1 to i32
      %sign3A_700 = arith.subi %sign3A_696, %sign3A_699 : i32
      %sign3A_701 = arith.constant 0 : i32
      %sign3A_702 = arith.cmpi sgt, %jit3A_692, %sign3A_701 : i32
      %sign3A_703 = arith.extui %sign3A_702 : i1 to i32
      %sign3A_704 = arith.constant 0 : i32
      %sign3A_705 = arith.cmpi slt, %jit3A_692, %sign3A_704 : i32
      %sign3A_706 = arith.extui %sign3A_705 : i1 to i32
      %sign3A_707 = arith.subi %sign3A_703, %sign3A_706 : i32
      %ne3A_708 = arith.cmpi ne, %sign3A_700, %sign3A_707 : i32
      %rem3A_709 = arith.remsi %scan3A_691, %jit3A_692 : i32
      %ne3A_710 = arith.constant 0 : i32
      %ne3A_711 = arith.cmpi ne, %rem3A_709, %ne3A_710 : i32
      %and3A_712 = arith.andi %ne3A_708, %ne3A_711 : i1
      %sub3A_713 = arith.constant 1 : i32
      %sub3A_714 = arith.subi %div3A_693, %sub3A_713 : i32
      %select_n3A_715 = arith.select %and3A_712, %sub3A_714, %div3A_693 : i32
      %jit3A_716 = arith.constant 64 : i32
      %eq3A_717 = arith.constant 0 : i32
      %eq3A_718 = arith.cmpi eq, %jit3A_716, %eq3A_717 : i32
      %jit3A_719 = arith.constant 1 : i32
      %select_n3A_720 = arith.select %eq3A_718, %jit3A_719, %jit3A_716 : i32
      %rem3A_721 = arith.remsi %scan3A_691, %select_n3A_720 : i32
      %ne3A_722 = arith.constant 0 : i32
      %ne3A_723 = arith.cmpi ne, %rem3A_721, %ne3A_722 : i32
      %lt3A_724 = arith.constant 0 : i32
      %lt3A_725 = arith.cmpi slt, %rem3A_721, %lt3A_724 : i32
      %lt3A_726 = arith.constant 0 : i32
      %lt3A_727 = arith.cmpi slt, %select_n3A_720, %lt3A_726 : i32
      %ne3A_728 = arith.xori %lt3A_725, %lt3A_727 : i1
      %and3A_729 = arith.andi %ne3A_728, %ne3A_723 : i1
      %add3A_730 = arith.addi %rem3A_721, %select_n3A_720 : i32
      %select_n3A_731 = arith.select %and3A_729, %add3A_730, %rem3A_721 : i32
      %mul3A_732 = arith.constant 16 : i32
      %mul3A_733 = arith.muli %select_n3A_731, %mul3A_732 : i32
      %get3A_734 = arith.index_cast %select_n3A_715 : i32 to index
      %get3A_735 = arith.index_cast %mul3A_733 : i32 to index
      %get3A_736 = tpu.vector_load %arg11[%get3A_734, %get3A_735] {strides = array<i32>} : memref<16x1024xf32, #tpu.memory_space<vmem>>, vector<1x16xf32>,
      %get3A_737 = vector.shape_cast %get3A_736 : vector<1x16xf32> to vector<16xf32>
      %swap3A_738 = arith.index_cast %select_n3A_715 : i32 to index
      %swap3A_739 = arith.index_cast %mul3A_733 : i32 to index
      %swap3A_740 = tpu.vector_load %arg8[%swap3A_738, %swap3A_739] {strides = array<i32>} : memref<16x1024xf32, #tpu.memory_space<vmem>>, vector<1x16xf32>,
      %swap3A_741 = vector.shape_cast %swap3A_740 : vector<1x16xf32> to vector<16xf32>
      %swap3A_742 = vector.shape_cast %get3A_737 : vector<16xf32> to vector<1x16xf32>
      tpu.vector_store %arg8[%swap3A_738, %swap3A_739], %swap3A_742 {add = true, strides = array<i32>} : memref<16x1024xf32, #tpu.memory_space<vmem>>, vector<1x16xf32>,
    }
    %scan3A_365 = arith.constant 1024 : i32
    %add3A_366 = arith.constant 2048 : i32
    %add3A_367 = arith.addi %add3A_366, %mul3A_2 : i32
    %add3A_368 = arith.constant 32 : i32
    %add3A_369 = arith.addi %add3A_367, %add3A_368 : i32
    %dma_start3A_370 = arith.constant 0 : i32
    %dma_start3A_371 = tpu.memref_slice %arg5[%add3A_369, %dma_start3A_370] : memref<8192x1024xf32, #tpu.memory_space<hbm>> -> memref<16x1024xf32, #tpu.memory_space<hbm>>
    %dma_start3A_372 = arith.constant 0 : i32
    %dma_start3A_373 = tpu.memref_slice %arg5[%add3A_369, %dma_start3A_372] : memref<8192x1024xf32, #tpu.memory_space<hbm>> -> memref<16x1024xf32, #tpu.memory_space<hbm>>
    tpu.enqueue_dma source(%arg8 : memref<16x1024xf32, #tpu.memory_space<vmem>>) target(%dma_start3A_373 : memref<16x1024xf32, #tpu.memory_space<hbm>>) target_semaphore(%arg18 : memref<!tpu.dma_semaphore, #tpu.memory_space<semaphore_mem>>)
    %dma_wait3A_374 = arith.constant 0 : i32
    %dma_wait3A_375 = tpu.memref_slice %arg5[%add3A_341, %dma_wait3A_374] : memref<8192x1024xf32, #tpu.memory_space<hbm>> -> memref<16x1024xf32, #tpu.memory_space<hbm>>
    %dma_wait3A_376 = arith.constant 0 : i32
    %dma_wait3A_377 = tpu.memref_slice %arg5[%add3A_341, %dma_wait3A_376] : memref<8192x1024xf32, #tpu.memory_space<hbm>> -> memref<16x1024xf32, #tpu.memory_space<hbm>>
    tpu.wait_dma2 semaphore(%arg17 : memref<!tpu.dma_semaphore, #tpu.memory_space<semaphore_mem>>) src(%arg7 : memref<16x1024xf32, #tpu.memory_space<vmem>>) dst(%dma_wait3A_377 : memref<16x1024xf32, #tpu.memory_space<hbm>>)
    %dma_start3A_378 = arith.constant 48 : i32
    %dma_start3A_379 = tpu.memref_slice %arg6[%dma_start3A_378] : memref<256xi32, #tpu.memory_space<vmem>> -> memref<16xi32, #tpu.memory_space<vmem>>
    %dma_start3A_380 = arith.constant 0 : i32
    %dma_start3A_381 = arith.constant 0 : i32
    %dma_start3A_382 = tpu.memref_slice %arg3[%dma_start3A_380, %dma_start3A_381] : memref<100000x1024xf32, #tpu.memory_space<hbm>> -> memref<100000x1024xf32, #tpu.memory_space<hbm>>
    tpu.enqueue_indirect_dma source(%dma_start3A_382 : memref<100000x1024xf32, #tpu.memory_space<hbm>>) target(%arg7 : memref<16x1024xf32, #tpu.memory_space<vmem>>) offsets(%dma_start3A_379 : memref<16xi32, #tpu.memory_space<vmem>>) semaphore(%arg13 : memref<!tpu.dma_semaphore, #tpu.memory_space<semaphore_mem>>)
    %dma_wait3A_383 = arith.constant 160 : i32
    %dma_wait3A_384 = tpu.memref_slice %arg6[%dma_wait3A_383] : memref<256xi32, #tpu.memory_space<vmem>> -> memref<16xi32, #tpu.memory_space<vmem>>
    %dma_wait3A_385 = arith.constant 0 : i32
    %dma_wait3A_386 = arith.constant 0 : i32
    %dma_wait3A_387 = tpu.memref_slice %arg3[%dma_wait3A_385, %dma_wait3A_386] : memref<100000x1024xf32, #tpu.memory_space<hbm>> -> memref<100000x1024xf32, #tpu.memory_space<hbm>>
    tpu.wait_indirect_dma semaphore(%arg15 : memref<!tpu.dma_semaphore, #tpu.memory_space<semaphore_mem>>) src(%dma_wait3A_387 : memref<100000x1024xf32, #tpu.memory_space<hbm>>) dst(%arg9 : memref<16x1024xf32, #tpu.memory_space<vmem>>)
    %scan3A_388 = arith.constant 0 : i32
    %scan3A_389 = arith.constant 0 : i32
    %scan3A_390 = arith.constant 1024 : i32
    %scan3A_391 = arith.addi %scan3A_389, %scan3A_390 : i32
    %scan3A_392 = arith.constant 4 : i32
    scf.for %scan3A_544 = %scan3A_389 to %scan3A_391 step %scan3A_392  : i32 {
      %jit3A = arith.constant 64 : i32
      %div3A = arith.divsi %scan3A_544, %jit3A : i32
      %sign3A = arith.constant 0 : i32
      %sign3A_545 = arith.cmpi sgt, %scan3A_544, %sign3A : i32
      %sign3A_546 = arith.extui %sign3A_545 : i1 to i32
      %sign3A_547 = arith.constant 0 : i32
      %sign3A_548 = arith.cmpi slt, %scan3A_544, %sign3A_547 : i32
      %sign3A_549 = arith.extui %sign3A_548 : i1 to i32
      %sign3A_550 = arith.subi %sign3A_546, %sign3A_549 : i32
      %sign3A_551 = arith.constant 0 : i32
      %sign3A_552 = arith.cmpi sgt, %jit3A, %sign3A_551 : i32
      %sign3A_553 = arith.extui %sign3A_552 : i1 to i32
      %sign3A_554 = arith.constant 0 : i32
      %sign3A_555 = arith.cmpi slt, %jit3A, %sign3A_554 : i32
      %sign3A_556 = arith.extui %sign3A_555 : i1 to i32
      %sign3A_557 = arith.subi %sign3A_553, %sign3A_556 : i32
      %ne3A = arith.cmpi ne, %sign3A_550, %sign3A_557 : i32
      %rem3A = arith.remsi %scan3A_544, %jit3A : i32
      %ne3A_558 = arith.constant 0 : i32
      %ne3A_559 = arith.cmpi ne, %rem3A, %ne3A_558 : i32
      %and3A = arith.andi %ne3A, %ne3A_559 : i1
      %sub3A = arith.constant 1 : i32
      %sub3A_560 = arith.subi %div3A, %sub3A : i32
      %select_n3A = arith.select %and3A, %sub3A_560, %div3A : i32
      %jit3A_561 = arith.constant 64 : i32
      %eq3A = arith.constant 0 : i32
      %eq3A_562 = arith.cmpi eq, %jit3A_561, %eq3A : i32
      %jit3A_563 = arith.constant 1 : i32
      %select_n3A_564 = arith.select %eq3A_562, %jit3A_563, %jit3A_561 : i32
      %rem3A_565 = arith.remsi %scan3A_544, %select_n3A_564 : i32
      %ne3A_566 = arith.constant 0 : i32
      %ne3A_567 = arith.cmpi ne, %rem3A_565, %ne3A_566 : i32
      %lt3A = arith.constant 0 : i32
      %lt3A_568 = arith.cmpi slt, %rem3A_565, %lt3A : i32
      %lt3A_569 = arith.constant 0 : i32
      %lt3A_570 = arith.cmpi slt, %select_n3A_564, %lt3A_569 : i32
      %ne3A_571 = arith.xori %lt3A_568, %lt3A_570 : i1
      %and3A_572 = arith.andi %ne3A_571, %ne3A_567 : i1
      %add3A_573 = arith.addi %rem3A_565, %select_n3A_564 : i32
      %select_n3A_574 = arith.select %and3A_572, %add3A_573, %rem3A_565 : i32
      %mul3A_575 = arith.constant 16 : i32
      %mul3A_576 = arith.muli %select_n3A_574, %mul3A_575 : i32
      %get3A = arith.index_cast %select_n3A : i32 to index
      %get3A_577 = arith.index_cast %mul3A_576 : i32 to index
      %get3A_578 = tpu.vector_load %arg11[%get3A, %get3A_577] {strides = array<i32>} : memref<16x1024xf32, #tpu.memory_space<vmem>>, vector<1x16xf32>,
      %get3A_579 = vector.shape_cast %get3A_578 : vector<1x16xf32> to vector<16xf32>
      %swap3A = arith.index_cast %select_n3A : i32 to index
      %swap3A_580 = arith.index_cast %mul3A_576 : i32 to index
      %swap3A_581 = tpu.vector_load %arg9[%swap3A, %swap3A_580] {strides = array<i32>} : memref<16x1024xf32, #tpu.memory_space<vmem>>, vector<1x16xf32>,
      %swap3A_582 = vector.shape_cast %swap3A_581 : vector<1x16xf32> to vector<16xf32>
      %swap3A_583 = vector.shape_cast %get3A_579 : vector<16xf32> to vector<1x16xf32>
      tpu.vector_store %arg9[%swap3A, %swap3A_580], %swap3A_583 {add = true, strides = array<i32>} : memref<16x1024xf32, #tpu.memory_space<vmem>>, vector<1x16xf32>,
      %scan3A_584 = arith.constant 1 : i32
      %scan3A_585 = arith.addi %scan3A_544, %scan3A_584 : i32
      %jit3A_586 = arith.constant 64 : i32
      %div3A_587 = arith.divsi %scan3A_585, %jit3A_586 : i32
      %sign3A_588 = arith.constant 0 : i32
      %sign3A_589 = arith.cmpi sgt, %scan3A_585, %sign3A_588 : i32
      %sign3A_590 = arith.extui %sign3A_589 : i1 to i32
      %sign3A_591 = arith.constant 0 : i32
      %sign3A_592 = arith.cmpi slt, %scan3A_585, %sign3A_591 : i32
      %sign3A_593 = arith.extui %sign3A_592 : i1 to i32
      %sign3A_594 = arith.subi %sign3A_590, %sign3A_593 : i32
      %sign3A_595 = arith.constant 0 : i32
      %sign3A_596 = arith.cmpi sgt, %jit3A_586, %sign3A_595 : i32
      %sign3A_597 = arith.extui %sign3A_596 : i1 to i32
      %sign3A_598 = arith.constant 0 : i32
      %sign3A_599 = arith.cmpi slt, %jit3A_586, %sign3A_598 : i32
      %sign3A_600 = arith.extui %sign3A_599 : i1 to i32
      %sign3A_601 = arith.subi %sign3A_597, %sign3A_600 : i32
      %ne3A_602 = arith.cmpi ne, %sign3A_594, %sign3A_601 : i32
      %rem3A_603 = arith.remsi %scan3A_585, %jit3A_586 : i32
      %ne3A_604 = arith.constant 0 : i32
      %ne3A_605 = arith.cmpi ne, %rem3A_603, %ne3A_604 : i32
      %and3A_606 = arith.andi %ne3A_602, %ne3A_605 : i1
      %sub3A_607 = arith.constant 1 : i32
      %sub3A_608 = arith.subi %div3A_587, %sub3A_607 : i32
      %select_n3A_609 = arith.select %and3A_606, %sub3A_608, %div3A_587 : i32
      %jit3A_610 = arith.constant 64 : i32
      %eq3A_611 = arith.constant 0 : i32
      %eq3A_612 = arith.cmpi eq, %jit3A_610, %eq3A_611 : i32
      %jit3A_613 = arith.constant 1 : i32
      %select_n3A_614 = arith.select %eq3A_612, %jit3A_613, %jit3A_610 : i32
      %rem3A_615 = arith.remsi %scan3A_585, %select_n3A_614 : i32
      %ne3A_616 = arith.constant 0 : i32
      %ne3A_617 = arith.cmpi ne, %rem3A_615, %ne3A_616 : i32
      %lt3A_618 = arith.constant 0 : i32
      %lt3A_619 = arith.cmpi slt, %rem3A_615, %lt3A_618 : i32
      %lt3A_620 = arith.constant 0 : i32
      %lt3A_621 = arith.cmpi slt, %select_n3A_614, %lt3A_620 : i32
      %ne3A_622 = arith.xori %lt3A_619, %lt3A_621 : i1
      %and3A_623 = arith.andi %ne3A_622, %ne3A_617 : i1
      %add3A_624 = arith.addi %rem3A_615, %select_n3A_614 : i32
      %select_n3A_625 = arith.select %and3A_623, %add3A_624, %rem3A_615 : i32
      %mul3A_626 = arith.constant 16 : i32
      %mul3A_627 = arith.muli %select_n3A_625, %mul3A_626 : i32
      %get3A_628 = arith.index_cast %select_n3A_609 : i32 to index
      %get3A_629 = arith.index_cast %mul3A_627 : i32 to index
      %get3A_630 = tpu.vector_load %arg11[%get3A_628, %get3A_629] {strides = array<i32>} : memref<16x1024xf32, #tpu.memory_space<vmem>>, vector<1x16xf32>,
      %get3A_631 = vector.shape_cast %get3A_630 : vector<1x16xf32> to vector<16xf32>
      %swap3A_632 = arith.index_cast %select_n3A_609 : i32 to index
      %swap3A_633 = arith.index_cast %mul3A_627 : i32 to index
      %swap3A_634 = tpu.vector_load %arg9[%swap3A_632, %swap3A_633] {strides = array<i32>} : memref<16x1024xf32, #tpu.memory_space<vmem>>, vector<1x16xf32>,
      %swap3A_635 = vector.shape_cast %swap3A_634 : vector<1x16xf32> to vector<16xf32>
      %swap3A_636 = vector.shape_cast %get3A_631 : vector<16xf32> to vector<1x16xf32>
      tpu.vector_store %arg9[%swap3A_632, %swap3A_633], %swap3A_636 {add = true, strides = array<i32>} : memref<16x1024xf32, #tpu.memory_space<vmem>>, vector<1x16xf32>,
      %scan3A_637 = arith.constant 2 : i32
      %scan3A_638 = arith.addi %scan3A_544, %scan3A_637 : i32
      %jit3A_639 = arith.constant 64 : i32
      %div3A_640 = arith.divsi %scan3A_638, %jit3A_639 : i32
      %sign3A_641 = arith.constant 0 : i32
      %sign3A_642 = arith.cmpi sgt, %scan3A_638, %sign3A_641 : i32
      %sign3A_643 = arith.extui %sign3A_642 : i1 to i32
      %sign3A_644 = arith.constant 0 : i32
      %sign3A_645 = arith.cmpi slt, %scan3A_638, %sign3A_644 : i32
      %sign3A_646 = arith.extui %sign3A_645 : i1 to i32
      %sign3A_647 = arith.subi %sign3A_643, %sign3A_646 : i32
      %sign3A_648 = arith.constant 0 : i32
      %sign3A_649 = arith.cmpi sgt, %jit3A_639, %sign3A_648 : i32
      %sign3A_650 = arith.extui %sign3A_649 : i1 to i32
      %sign3A_651 = arith.constant 0 : i32
      %sign3A_652 = arith.cmpi slt, %jit3A_639, %sign3A_651 : i32
      %sign3A_653 = arith.extui %sign3A_652 : i1 to i32
      %sign3A_654 = arith.subi %sign3A_650, %sign3A_653 : i32
      %ne3A_655 = arith.cmpi ne, %sign3A_647, %sign3A_654 : i32
      %rem3A_656 = arith.remsi %scan3A_638, %jit3A_639 : i32
      %ne3A_657 = arith.constant 0 : i32
      %ne3A_658 = arith.cmpi ne, %rem3A_656, %ne3A_657 : i32
      %and3A_659 = arith.andi %ne3A_655, %ne3A_658 : i1
      %sub3A_660 = arith.constant 1 : i32
      %sub3A_661 = arith.subi %div3A_640, %sub3A_660 : i32
      %select_n3A_662 = arith.select %and3A_659, %sub3A_661, %div3A_640 : i32
      %jit3A_663 = arith.constant 64 : i32
      %eq3A_664 = arith.constant 0 : i32
      %eq3A_665 = arith.cmpi eq, %jit3A_663, %eq3A_664 : i32
      %jit3A_666 = arith.constant 1 : i32
      %select_n3A_667 = arith.select %eq3A_665, %jit3A_666, %jit3A_663 : i32
      %rem3A_668 = arith.remsi %scan3A_638, %select_n3A_667 : i32
      %ne3A_669 = arith.constant 0 : i32
      %ne3A_670 = arith.cmpi ne, %rem3A_668, %ne3A_669 : i32
      %lt3A_671 = arith.constant 0 : i32
      %lt3A_672 = arith.cmpi slt, %rem3A_668, %lt3A_671 : i32
      %lt3A_673 = arith.constant 0 : i32
      %lt3A_674 = arith.cmpi slt, %select_n3A_667, %lt3A_673 : i32
      %ne3A_675 = arith.xori %lt3A_672, %lt3A_674 : i1
      %and3A_676 = arith.andi %ne3A_675, %ne3A_670 : i1
      %add3A_677 = arith.addi %rem3A_668, %select_n3A_667 : i32
      %select_n3A_678 = arith.select %and3A_676, %add3A_677, %rem3A_668 : i32
      %mul3A_679 = arith.constant 16 : i32
      %mul3A_680 = arith.muli %select_n3A_678, %mul3A_679 : i32
      %get3A_681 = arith.index_cast %select_n3A_662 : i32 to index
      %get3A_682 = arith.index_cast %mul3A_680 : i32 to index
      %get3A_683 = tpu.vector_load %arg11[%get3A_681, %get3A_682] {strides = array<i32>} : memref<16x1024xf32, #tpu.memory_space<vmem>>, vector<1x16xf32>,
      %get3A_684 = vector.shape_cast %get3A_683 : vector<1x16xf32> to vector<16xf32>
      %swap3A_685 = arith.index_cast %select_n3A_662 : i32 to index
      %swap3A_686 = arith.index_cast %mul3A_680 : i32 to index
      %swap3A_687 = tpu.vector_load %arg9[%swap3A_685, %swap3A_686] {strides = array<i32>} : memref<16x1024xf32, #tpu.memory_space<vmem>>, vector<1x16xf32>,
      %swap3A_688 = vector.shape_cast %swap3A_687 : vector<1x16xf32> to vector<16xf32>
      %swap3A_689 = vector.shape_cast %get3A_684 : vector<16xf32> to vector<1x16xf32>
      tpu.vector_store %arg9[%swap3A_685, %swap3A_686], %swap3A_689 {add = true, strides = array<i32>} : memref<16x1024xf32, #tpu.memory_space<vmem>>, vector<1x16xf32>,
      %scan3A_690 = arith.constant 3 : i32
      %scan3A_691 = arith.addi %scan3A_544, %scan3A_690 : i32
      %jit3A_692 = arith.constant 64 : i32
      %div3A_693 = arith.divsi %scan3A_691, %jit3A_692 : i32
      %sign3A_694 = arith.constant 0 : i32
      %sign3A_695 = arith.cmpi sgt, %scan3A_691, %sign3A_694 : i32
      %sign3A_696 = arith.extui %sign3A_695 : i1 to i32
      %sign3A_697 = arith.constant 0 : i32
      %sign3A_698 = arith.cmpi slt, %scan3A_691, %sign3A_697 : i32
      %sign3A_699 = arith.extui %sign3A_698 : i1 to i32
      %sign3A_700 = arith.subi %sign3A_696, %sign3A_699 : i32
      %sign3A_701 = arith.constant 0 : i32
      %sign3A_702 = arith.cmpi sgt, %jit3A_692, %sign3A_701 : i32
      %sign3A_703 = arith.extui %sign3A_702 : i1 to i32
      %sign3A_704 = arith.constant 0 : i32
      %sign3A_705 = arith.cmpi slt, %jit3A_692, %sign3A_704 : i32
      %sign3A_706 = arith.extui %sign3A_705 : i1 to i32
      %sign3A_707 = arith.subi %sign3A_703, %sign3A_706 : i32
      %ne3A_708 = arith.cmpi ne, %sign3A_700, %sign3A_707 : i32
      %rem3A_709 = arith.remsi %scan3A_691, %jit3A_692 : i32
      %ne3A_710 = arith.constant 0 : i32
      %ne3A_711 = arith.cmpi ne, %rem3A_709, %ne3A_710 : i32
      %and3A_712 = arith.andi %ne3A_708, %ne3A_711 : i1
      %sub3A_713 = arith.constant 1 : i32
      %sub3A_714 = arith.subi %div3A_693, %sub3A_713 : i32
      %select_n3A_715 = arith.select %and3A_712, %sub3A_714, %div3A_693 : i32
      %jit3A_716 = arith.constant 64 : i32
      %eq3A_717 = arith.constant 0 : i32
      %eq3A_718 = arith.cmpi eq, %jit3A_716, %eq3A_717 : i32
      %jit3A_719 = arith.constant 1 : i32
      %select_n3A_720 = arith.select %eq3A_718, %jit3A_719, %jit3A_716 : i32
      %rem3A_721 = arith.remsi %scan3A_691, %select_n3A_720 : i32
      %ne3A_722 = arith.constant 0 : i32
      %ne3A_723 = arith.cmpi ne, %rem3A_721, %ne3A_722 : i32
      %lt3A_724 = arith.constant 0 : i32
      %lt3A_725 = arith.cmpi slt, %rem3A_721, %lt3A_724 : i32
      %lt3A_726 = arith.constant 0 : i32
      %lt3A_727 = arith.cmpi slt, %select_n3A_720, %lt3A_726 : i32
      %ne3A_728 = arith.xori %lt3A_725, %lt3A_727 : i1
      %and3A_729 = arith.andi %ne3A_728, %ne3A_723 : i1
      %add3A_730 = arith.addi %rem3A_721, %select_n3A_720 : i32
      %select_n3A_731 = arith.select %and3A_729, %add3A_730, %rem3A_721 : i32
      %mul3A_732 = arith.constant 16 : i32
      %mul3A_733 = arith.muli %select_n3A_731, %mul3A_732 : i32
      %get3A_734 = arith.index_cast %select_n3A_715 : i32 to index
      %get3A_735 = arith.index_cast %mul3A_733 : i32 to index
      %get3A_736 = tpu.vector_load %arg11[%get3A_734, %get3A_735] {strides = array<i32>} : memref<16x1024xf32, #tpu.memory_space<vmem>>, vector<1x16xf32>,
      %get3A_737 = vector.shape_cast %get3A_736 : vector<1x16xf32> to vector<16xf32>
      %swap3A_738 = arith.index_cast %select_n3A_715 : i32 to index
      %swap3A_739 = arith.index_cast %mul3A_733 : i32 to index
      %swap3A_740 = tpu.vector_load %arg9[%swap3A_738, %swap3A_739] {strides = array<i32>} : memref<16x1024xf32, #tpu.memory_space<vmem>>, vector<1x16xf32>,
      %swap3A_741 = vector.shape_cast %swap3A_740 : vector<1x16xf32> to vector<16xf32>
      %swap3A_742 = vector.shape_cast %get3A_737 : vector<16xf32> to vector<1x16xf32>
      tpu.vector_store %arg9[%swap3A_738, %swap3A_739], %swap3A_742 {add = true, strides = array<i32>} : memref<16x1024xf32, #tpu.memory_space<vmem>>, vector<1x16xf32>,
    }
    %scan3A_393 = arith.constant 1024 : i32
    %add3A_394 = arith.constant 4096 : i32
    %add3A_395 = arith.addi %add3A_394, %mul3A_2 : i32
    %add3A_396 = arith.constant 32 : i32
    %add3A_397 = arith.addi %add3A_395, %add3A_396 : i32
    %dma_start3A_398 = arith.constant 0 : i32
    %dma_start3A_399 = tpu.memref_slice %arg5[%add3A_397, %dma_start3A_398] : memref<8192x1024xf32, #tpu.memory_space<hbm>> -> memref<16x1024xf32, #tpu.memory_space<hbm>>
    %dma_start3A_400 = arith.constant 0 : i32
    %dma_start3A_401 = tpu.memref_slice %arg5[%add3A_397, %dma_start3A_400] : memref<8192x1024xf32, #tpu.memory_space<hbm>> -> memref<16x1024xf32, #tpu.memory_space<hbm>>
    tpu.enqueue_dma source(%arg9 : memref<16x1024xf32, #tpu.memory_space<vmem>>) target(%dma_start3A_401 : memref<16x1024xf32, #tpu.memory_space<hbm>>) target_semaphore(%arg19 : memref<!tpu.dma_semaphore, #tpu.memory_space<semaphore_mem>>)
    %dma_wait3A_402 = arith.constant 0 : i32
    %dma_wait3A_403 = tpu.memref_slice %arg5[%add3A_369, %dma_wait3A_402] : memref<8192x1024xf32, #tpu.memory_space<hbm>> -> memref<16x1024xf32, #tpu.memory_space<hbm>>
    %dma_wait3A_404 = arith.constant 0 : i32
    %dma_wait3A_405 = tpu.memref_slice %arg5[%add3A_369, %dma_wait3A_404] : memref<8192x1024xf32, #tpu.memory_space<hbm>> -> memref<16x1024xf32, #tpu.memory_space<hbm>>
    tpu.wait_dma2 semaphore(%arg18 : memref<!tpu.dma_semaphore, #tpu.memory_space<semaphore_mem>>) src(%arg8 : memref<16x1024xf32, #tpu.memory_space<vmem>>) dst(%dma_wait3A_405 : memref<16x1024xf32, #tpu.memory_space<hbm>>)
    %dma_start3A_406 = arith.constant 112 : i32
    %dma_start3A_407 = tpu.memref_slice %arg6[%dma_start3A_406] : memref<256xi32, #tpu.memory_space<vmem>> -> memref<16xi32, #tpu.memory_space<vmem>>
    %dma_start3A_408 = arith.constant 0 : i32
    %dma_start3A_409 = arith.constant 0 : i32
    %dma_start3A_410 = tpu.memref_slice %arg3[%dma_start3A_408, %dma_start3A_409] : memref<100000x1024xf32, #tpu.memory_space<hbm>> -> memref<100000x1024xf32, #tpu.memory_space<hbm>>
    tpu.enqueue_indirect_dma source(%dma_start3A_410 : memref<100000x1024xf32, #tpu.memory_space<hbm>>) target(%arg8 : memref<16x1024xf32, #tpu.memory_space<vmem>>) offsets(%dma_start3A_407 : memref<16xi32, #tpu.memory_space<vmem>>) semaphore(%arg14 : memref<!tpu.dma_semaphore, #tpu.memory_space<semaphore_mem>>)
    %dma_wait3A_411 = arith.constant 224 : i32
    %dma_wait3A_412 = tpu.memref_slice %arg6[%dma_wait3A_411] : memref<256xi32, #tpu.memory_space<vmem>> -> memref<16xi32, #tpu.memory_space<vmem>>
    %dma_wait3A_413 = arith.constant 0 : i32
    %dma_wait3A_414 = arith.constant 0 : i32
    %dma_wait3A_415 = tpu.memref_slice %arg3[%dma_wait3A_413, %dma_wait3A_414] : memref<100000x1024xf32, #tpu.memory_space<hbm>> -> memref<100000x1024xf32, #tpu.memory_space<hbm>>
    tpu.wait_indirect_dma semaphore(%arg16 : memref<!tpu.dma_semaphore, #tpu.memory_space<semaphore_mem>>) src(%dma_wait3A_415 : memref<100000x1024xf32, #tpu.memory_space<hbm>>) dst(%arg10 : memref<16x1024xf32, #tpu.memory_space<vmem>>)
    %scan3A_416 = arith.constant 0 : i32
    %scan3A_417 = arith.constant 0 : i32
    %scan3A_418 = arith.constant 1024 : i32
    %scan3A_419 = arith.addi %scan3A_417, %scan3A_418 : i32
    %scan3A_420 = arith.constant 4 : i32
    scf.for %scan3A_544 = %scan3A_417 to %scan3A_419 step %scan3A_420  : i32 {
      %jit3A = arith.constant 64 : i32
      %div3A = arith.divsi %scan3A_544, %jit3A : i32
      %sign3A = arith.constant 0 : i32
      %sign3A_545 = arith.cmpi sgt, %scan3A_544, %sign3A : i32
      %sign3A_546 = arith.extui %sign3A_545 : i1 to i32
      %sign3A_547 = arith.constant 0 : i32
      %sign3A_548 = arith.cmpi slt, %scan3A_544, %sign3A_547 : i32
      %sign3A_549 = arith.extui %sign3A_548 : i1 to i32
      %sign3A_550 = arith.subi %sign3A_546, %sign3A_549 : i32
      %sign3A_551 = arith.constant 0 : i32
      %sign3A_552 = arith.cmpi sgt, %jit3A, %sign3A_551 : i32
      %sign3A_553 = arith.extui %sign3A_552 : i1 to i32
      %sign3A_554 = arith.constant 0 : i32
      %sign3A_555 = arith.cmpi slt, %jit3A, %sign3A_554 : i32
      %sign3A_556 = arith.extui %sign3A_555 : i1 to i32
      %sign3A_557 = arith.subi %sign3A_553, %sign3A_556 : i32
      %ne3A = arith.cmpi ne, %sign3A_550, %sign3A_557 : i32
      %rem3A = arith.remsi %scan3A_544, %jit3A : i32
      %ne3A_558 = arith.constant 0 : i32
      %ne3A_559 = arith.cmpi ne, %rem3A, %ne3A_558 : i32
      %and3A = arith.andi %ne3A, %ne3A_559 : i1
      %sub3A = arith.constant 1 : i32
      %sub3A_560 = arith.subi %div3A, %sub3A : i32
      %select_n3A = arith.select %and3A, %sub3A_560, %div3A : i32
      %jit3A_561 = arith.constant 64 : i32
      %eq3A = arith.constant 0 : i32
      %eq3A_562 = arith.cmpi eq, %jit3A_561, %eq3A : i32
      %jit3A_563 = arith.constant 1 : i32
      %select_n3A_564 = arith.select %eq3A_562, %jit3A_563, %jit3A_561 : i32
      %rem3A_565 = arith.remsi %scan3A_544, %select_n3A_564 : i32
      %ne3A_566 = arith.constant 0 : i32
      %ne3A_567 = arith.cmpi ne, %rem3A_565, %ne3A_566 : i32
      %lt3A = arith.constant 0 : i32
      %lt3A_568 = arith.cmpi slt, %rem3A_565, %lt3A : i32
      %lt3A_569 = arith.constant 0 : i32
      %lt3A_570 = arith.cmpi slt, %select_n3A_564, %lt3A_569 : i32
      %ne3A_571 = arith.xori %lt3A_568, %lt3A_570 : i1
      %and3A_572 = arith.andi %ne3A_571, %ne3A_567 : i1
      %add3A_573 = arith.addi %rem3A_565, %select_n3A_564 : i32
      %select_n3A_574 = arith.select %and3A_572, %add3A_573, %rem3A_565 : i32
      %mul3A_575 = arith.constant 16 : i32
      %mul3A_576 = arith.muli %select_n3A_574, %mul3A_575 : i32
      %get3A = arith.index_cast %select_n3A : i32 to index
      %get3A_577 = arith.index_cast %mul3A_576 : i32 to index
      %get3A_578 = tpu.vector_load %arg11[%get3A, %get3A_577] {strides = array<i32>} : memref<16x1024xf32, #tpu.memory_space<vmem>>, vector<1x16xf32>,
      %get3A_579 = vector.shape_cast %get3A_578 : vector<1x16xf32> to vector<16xf32>
      %swap3A = arith.index_cast %select_n3A : i32 to index
      %swap3A_580 = arith.index_cast %mul3A_576 : i32 to index
      %swap3A_581 = tpu.vector_load %arg10[%swap3A, %swap3A_580] {strides = array<i32>} : memref<16x1024xf32, #tpu.memory_space<vmem>>, vector<1x16xf32>,
      %swap3A_582 = vector.shape_cast %swap3A_581 : vector<1x16xf32> to vector<16xf32>
      %swap3A_583 = vector.shape_cast %get3A_579 : vector<16xf32> to vector<1x16xf32>
      tpu.vector_store %arg10[%swap3A, %swap3A_580], %swap3A_583 {add = true, strides = array<i32>} : memref<16x1024xf32, #tpu.memory_space<vmem>>, vector<1x16xf32>,
      %scan3A_584 = arith.constant 1 : i32
      %scan3A_585 = arith.addi %scan3A_544, %scan3A_584 : i32
      %jit3A_586 = arith.constant 64 : i32
      %div3A_587 = arith.divsi %scan3A_585, %jit3A_586 : i32
      %sign3A_588 = arith.constant 0 : i32
      %sign3A_589 = arith.cmpi sgt, %scan3A_585, %sign3A_588 : i32
      %sign3A_590 = arith.extui %sign3A_589 : i1 to i32
      %sign3A_591 = arith.constant 0 : i32
      %sign3A_592 = arith.cmpi slt, %scan3A_585, %sign3A_591 : i32
      %sign3A_593 = arith.extui %sign3A_592 : i1 to i32
      %sign3A_594 = arith.subi %sign3A_590, %sign3A_593 : i32
      %sign3A_595 = arith.constant 0 : i32
      %sign3A_596 = arith.cmpi sgt, %jit3A_586, %sign3A_595 : i32
      %sign3A_597 = arith.extui %sign3A_596 : i1 to i32
      %sign3A_598 = arith.constant 0 : i32
      %sign3A_599 = arith.cmpi slt, %jit3A_586, %sign3A_598 : i32
      %sign3A_600 = arith.extui %sign3A_599 : i1 to i32
      %sign3A_601 = arith.subi %sign3A_597, %sign3A_600 : i32
      %ne3A_602 = arith.cmpi ne, %sign3A_594, %sign3A_601 : i32
      %rem3A_603 = arith.remsi %scan3A_585, %jit3A_586 : i32
      %ne3A_604 = arith.constant 0 : i32
      %ne3A_605 = arith.cmpi ne, %rem3A_603, %ne3A_604 : i32
      %and3A_606 = arith.andi %ne3A_602, %ne3A_605 : i1
      %sub3A_607 = arith.constant 1 : i32
      %sub3A_608 = arith.subi %div3A_587, %sub3A_607 : i32
      %select_n3A_609 = arith.select %and3A_606, %sub3A_608, %div3A_587 : i32
      %jit3A_610 = arith.constant 64 : i32
      %eq3A_611 = arith.constant 0 : i32
      %eq3A_612 = arith.cmpi eq, %jit3A_610, %eq3A_611 : i32
      %jit3A_613 = arith.constant 1 : i32
      %select_n3A_614 = arith.select %eq3A_612, %jit3A_613, %jit3A_610 : i32
      %rem3A_615 = arith.remsi %scan3A_585, %select_n3A_614 : i32
      %ne3A_616 = arith.constant 0 : i32
      %ne3A_617 = arith.cmpi ne, %rem3A_615, %ne3A_616 : i32
      %lt3A_618 = arith.constant 0 : i32
      %lt3A_619 = arith.cmpi slt, %rem3A_615, %lt3A_618 : i32
      %lt3A_620 = arith.constant 0 : i32
      %lt3A_621 = arith.cmpi slt, %select_n3A_614, %lt3A_620 : i32
      %ne3A_622 = arith.xori %lt3A_619, %lt3A_621 : i1
      %and3A_623 = arith.andi %ne3A_622, %ne3A_617 : i1
      %add3A_624 = arith.addi %rem3A_615, %select_n3A_614 : i32
      %select_n3A_625 = arith.select %and3A_623, %add3A_624, %rem3A_615 : i32
      %mul3A_626 = arith.constant 16 : i32
      %mul3A_627 = arith.muli %select_n3A_625, %mul3A_626 : i32
      %get3A_628 = arith.index_cast %select_n3A_609 : i32 to index
      %get3A_629 = arith.index_cast %mul3A_627 : i32 to index
      %get3A_630 = tpu.vector_load %arg11[%get3A_628, %get3A_629] {strides = array<i32>} : memref<16x1024xf32, #tpu.memory_space<vmem>>, vector<1x16xf32>,
      %get3A_631 = vector.shape_cast %get3A_630 : vector<1x16xf32> to vector<16xf32>
      %swap3A_632 = arith.index_cast %select_n3A_609 : i32 to index
      %swap3A_633 = arith.index_cast %mul3A_627 : i32 to index
      %swap3A_634 = tpu.vector_load %arg10[%swap3A_632, %swap3A_633] {strides = array<i32>} : memref<16x1024xf32, #tpu.memory_space<vmem>>, vector<1x16xf32>,
      %swap3A_635 = vector.shape_cast %swap3A_634 : vector<1x16xf32> to vector<16xf32>
      %swap3A_636 = vector.shape_cast %get3A_631 : vector<16xf32> to vector<1x16xf32>
      tpu.vector_store %arg10[%swap3A_632, %swap3A_633], %swap3A_636 {add = true, strides = array<i32>} : memref<16x1024xf32, #tpu.memory_space<vmem>>, vector<1x16xf32>,
      %scan3A_637 = arith.constant 2 : i32
      %scan3A_638 = arith.addi %scan3A_544, %scan3A_637 : i32
      %jit3A_639 = arith.constant 64 : i32
      %div3A_640 = arith.divsi %scan3A_638, %jit3A_639 : i32
      %sign3A_641 = arith.constant 0 : i32
      %sign3A_642 = arith.cmpi sgt, %scan3A_638, %sign3A_641 : i32
      %sign3A_643 = arith.extui %sign3A_642 : i1 to i32
      %sign3A_644 = arith.constant 0 : i32
      %sign3A_645 = arith.cmpi slt, %scan3A_638, %sign3A_644 : i32
      %sign3A_646 = arith.extui %sign3A_645 : i1 to i32
      %sign3A_647 = arith.subi %sign3A_643, %sign3A_646 : i32
      %sign3A_648 = arith.constant 0 : i32
      %sign3A_649 = arith.cmpi sgt, %jit3A_639, %sign3A_648 : i32
      %sign3A_650 = arith.extui %sign3A_649 : i1 to i32
      %sign3A_651 = arith.constant 0 : i32
      %sign3A_652 = arith.cmpi slt, %jit3A_639, %sign3A_651 : i32
      %sign3A_653 = arith.extui %sign3A_652 : i1 to i32
      %sign3A_654 = arith.subi %sign3A_650, %sign3A_653 : i32
      %ne3A_655 = arith.cmpi ne, %sign3A_647, %sign3A_654 : i32
      %rem3A_656 = arith.remsi %scan3A_638, %jit3A_639 : i32
      %ne3A_657 = arith.constant 0 : i32
      %ne3A_658 = arith.cmpi ne, %rem3A_656, %ne3A_657 : i32
      %and3A_659 = arith.andi %ne3A_655, %ne3A_658 : i1
      %sub3A_660 = arith.constant 1 : i32
      %sub3A_661 = arith.subi %div3A_640, %sub3A_660 : i32
      %select_n3A_662 = arith.select %and3A_659, %sub3A_661, %div3A_640 : i32
      %jit3A_663 = arith.constant 64 : i32
      %eq3A_664 = arith.constant 0 : i32
      %eq3A_665 = arith.cmpi eq, %jit3A_663, %eq3A_664 : i32
      %jit3A_666 = arith.constant 1 : i32
      %select_n3A_667 = arith.select %eq3A_665, %jit3A_666, %jit3A_663 : i32
      %rem3A_668 = arith.remsi %scan3A_638, %select_n3A_667 : i32
      %ne3A_669 = arith.constant 0 : i32
      %ne3A_670 = arith.cmpi ne, %rem3A_668, %ne3A_669 : i32
      %lt3A_671 = arith.constant 0 : i32
      %lt3A_672 = arith.cmpi slt, %rem3A_668, %lt3A_671 : i32
      %lt3A_673 = arith.constant 0 : i32
      %lt3A_674 = arith.cmpi slt, %select_n3A_667, %lt3A_673 : i32
      %ne3A_675 = arith.xori %lt3A_672, %lt3A_674 : i1
      %and3A_676 = arith.andi %ne3A_675, %ne3A_670 : i1
      %add3A_677 = arith.addi %rem3A_668, %select_n3A_667 : i32
      %select_n3A_678 = arith.select %and3A_676, %add3A_677, %rem3A_668 : i32
      %mul3A_679 = arith.constant 16 : i32
      %mul3A_680 = arith.muli %select_n3A_678, %mul3A_679 : i32
      %get3A_681 = arith.index_cast %select_n3A_662 : i32 to index
      %get3A_682 = arith.index_cast %mul3A_680 : i32 to index
      %get3A_683 = tpu.vector_load %arg11[%get3A_681, %get3A_682] {strides = array<i32>} : memref<16x1024xf32, #tpu.memory_space<vmem>>, vector<1x16xf32>,
      %get3A_684 = vector.shape_cast %get3A_683 : vector<1x16xf32> to vector<16xf32>
      %swap3A_685 = arith.index_cast %select_n3A_662 : i32 to index
      %swap3A_686 = arith.index_cast %mul3A_680 : i32 to index
      %swap3A_687 = tpu.vector_load %arg10[%swap3A_685, %swap3A_686] {strides = array<i32>} : memref<16x1024xf32, #tpu.memory_space<vmem>>, vector<1x16xf32>,
      %swap3A_688 = vector.shape_cast %swap3A_687 : vector<1x16xf32> to vector<16xf32>
      %swap3A_689 = vector.shape_cast %get3A_684 : vector<16xf32> to vector<1x16xf32>
      tpu.vector_store %arg10[%swap3A_685, %swap3A_686], %swap3A_689 {add = true, strides = array<i32>} : memref<16x1024xf32, #tpu.memory_space<vmem>>, vector<1x16xf32>,
      %scan3A_690 = arith.constant 3 : i32
      %scan3A_691 = arith.addi %scan3A_544, %scan3A_690 : i32
      %jit3A_692 = arith.constant 64 : i32
      %div3A_693 = arith.divsi %scan3A_691, %jit3A_692 : i32
      %sign3A_694 = arith.constant 0 : i32
      %sign3A_695 = arith.cmpi sgt, %scan3A_691, %sign3A_694 : i32
      %sign3A_696 = arith.extui %sign3A_695 : i1 to i32
      %sign3A_697 = arith.constant 0 : i32
      %sign3A_698 = arith.cmpi slt, %scan3A_691, %sign3A_697 : i32
      %sign3A_699 = arith.extui %sign3A_698 : i1 to i32
      %sign3A_700 = arith.subi %sign3A_696, %sign3A_699 : i32
      %sign3A_701 = arith.constant 0 : i32
      %sign3A_702 = arith.cmpi sgt, %jit3A_692, %sign3A_701 : i32
      %sign3A_703 = arith.extui %sign3A_702 : i1 to i32
      %sign3A_704 = arith.constant 0 : i32
      %sign3A_705 = arith.cmpi slt, %jit3A_692, %sign3A_704 : i32
      %sign3A_706 = arith.extui %sign3A_705 : i1 to i32
      %sign3A_707 = arith.subi %sign3A_703, %sign3A_706 : i32
      %ne3A_708 = arith.cmpi ne, %sign3A_700, %sign3A_707 : i32
      %rem3A_709 = arith.remsi %scan3A_691, %jit3A_692 : i32
      %ne3A_710 = arith.constant 0 : i32
      %ne3A_711 = arith.cmpi ne, %rem3A_709, %ne3A_710 : i32
      %and3A_712 = arith.andi %ne3A_708, %ne3A_711 : i1
      %sub3A_713 = arith.constant 1 : i32
      %sub3A_714 = arith.subi %div3A_693, %sub3A_713 : i32
      %select_n3A_715 = arith.select %and3A_712, %sub3A_714, %div3A_693 : i32
      %jit3A_716 = arith.constant 64 : i32
      %eq3A_717 = arith.constant 0 : i32
      %eq3A_718 = arith.cmpi eq, %jit3A_716, %eq3A_717 : i32
      %jit3A_719 = arith.constant 1 : i32
      %select_n3A_720 = arith.select %eq3A_718, %jit3A_719, %jit3A_716 : i32
      %rem3A_721 = arith.remsi %scan3A_691, %select_n3A_720 : i32
      %ne3A_722 = arith.constant 0 : i32
      %ne3A_723 = arith.cmpi ne, %rem3A_721, %ne3A_722 : i32
      %lt3A_724 = arith.constant 0 : i32
      %lt3A_725 = arith.cmpi slt, %rem3A_721, %lt3A_724 : i32
      %lt3A_726 = arith.constant 0 : i32
      %lt3A_727 = arith.cmpi slt, %select_n3A_720, %lt3A_726 : i32
      %ne3A_728 = arith.xori %lt3A_725, %lt3A_727 : i1
      %and3A_729 = arith.andi %ne3A_728, %ne3A_723 : i1
      %add3A_730 = arith.addi %rem3A_721, %select_n3A_720 : i32
      %select_n3A_731 = arith.select %and3A_729, %add3A_730, %rem3A_721 : i32
      %mul3A_732 = arith.constant 16 : i32
      %mul3A_733 = arith.muli %select_n3A_731, %mul3A_732 : i32
      %get3A_734 = arith.index_cast %select_n3A_715 : i32 to index
      %get3A_735 = arith.index_cast %mul3A_733 : i32 to index
      %get3A_736 = tpu.vector_load %arg11[%get3A_734, %get3A_735] {strides = array<i32>} : memref<16x1024xf32, #tpu.memory_space<vmem>>, vector<1x16xf32>,
      %get3A_737 = vector.shape_cast %get3A_736 : vector<1x16xf32> to vector<16xf32>
      %swap3A_738 = arith.index_cast %select_n3A_715 : i32 to index
      %swap3A_739 = arith.index_cast %mul3A_733 : i32 to index
      %swap3A_740 = tpu.vector_load %arg10[%swap3A_738, %swap3A_739] {strides = array<i32>} : memref<16x1024xf32, #tpu.memory_space<vmem>>, vector<1x16xf32>,
      %swap3A_741 = vector.shape_cast %swap3A_740 : vector<1x16xf32> to vector<16xf32>
      %swap3A_742 = vector.shape_cast %get3A_737 : vector<16xf32> to vector<1x16xf32>
      tpu.vector_store %arg10[%swap3A_738, %swap3A_739], %swap3A_742 {add = true, strides = array<i32>} : memref<16x1024xf32, #tpu.memory_space<vmem>>, vector<1x16xf32>,
    }
    %scan3A_421 = arith.constant 1024 : i32
    %add3A_422 = arith.constant 6144 : i32
    %add3A_423 = arith.addi %add3A_422, %mul3A_2 : i32
    %add3A_424 = arith.constant 32 : i32
    %add3A_425 = arith.addi %add3A_423, %add3A_424 : i32
    %dma_start3A_426 = arith.constant 0 : i32
    %dma_start3A_427 = tpu.memref_slice %arg5[%add3A_425, %dma_start3A_426] : memref<8192x1024xf32, #tpu.memory_space<hbm>> -> memref<16x1024xf32, #tpu.memory_space<hbm>>
    %dma_start3A_428 = arith.constant 0 : i32
    %dma_start3A_429 = tpu.memref_slice %arg5[%add3A_425, %dma_start3A_428] : memref<8192x1024xf32, #tpu.memory_space<hbm>> -> memref<16x1024xf32, #tpu.memory_space<hbm>>
    tpu.enqueue_dma source(%arg10 : memref<16x1024xf32, #tpu.memory_space<vmem>>) target(%dma_start3A_429 : memref<16x1024xf32, #tpu.memory_space<hbm>>) target_semaphore(%arg20 : memref<!tpu.dma_semaphore, #tpu.memory_space<semaphore_mem>>)
    %dma_wait3A_430 = arith.constant 0 : i32
    %dma_wait3A_431 = tpu.memref_slice %arg5[%add3A_397, %dma_wait3A_430] : memref<8192x1024xf32, #tpu.memory_space<hbm>> -> memref<16x1024xf32, #tpu.memory_space<hbm>>
    %dma_wait3A_432 = arith.constant 0 : i32
    %dma_wait3A_433 = tpu.memref_slice %arg5[%add3A_397, %dma_wait3A_432] : memref<8192x1024xf32, #tpu.memory_space<hbm>> -> memref<16x1024xf32, #tpu.memory_space<hbm>>
    tpu.wait_dma2 semaphore(%arg19 : memref<!tpu.dma_semaphore, #tpu.memory_space<semaphore_mem>>) src(%arg9 : memref<16x1024xf32, #tpu.memory_space<vmem>>) dst(%dma_wait3A_433 : memref<16x1024xf32, #tpu.memory_space<hbm>>)
    %dma_start3A_434 = arith.constant 176 : i32
    %dma_start3A_435 = tpu.memref_slice %arg6[%dma_start3A_434] : memref<256xi32, #tpu.memory_space<vmem>> -> memref<16xi32, #tpu.memory_space<vmem>>
    %dma_start3A_436 = arith.constant 0 : i32
    %dma_start3A_437 = arith.constant 0 : i32
    %dma_start3A_438 = tpu.memref_slice %arg3[%dma_start3A_436, %dma_start3A_437] : memref<100000x1024xf32, #tpu.memory_space<hbm>> -> memref<100000x1024xf32, #tpu.memory_space<hbm>>
    tpu.enqueue_indirect_dma source(%dma_start3A_438 : memref<100000x1024xf32, #tpu.memory_space<hbm>>) target(%arg9 : memref<16x1024xf32, #tpu.memory_space<vmem>>) offsets(%dma_start3A_435 : memref<16xi32, #tpu.memory_space<vmem>>) semaphore(%arg15 : memref<!tpu.dma_semaphore, #tpu.memory_space<semaphore_mem>>)
    %dma_wait3A_439 = arith.constant 48 : i32
    %dma_wait3A_440 = tpu.memref_slice %arg6[%dma_wait3A_439] : memref<256xi32, #tpu.memory_space<vmem>> -> memref<16xi32, #tpu.memory_space<vmem>>
    %dma_wait3A_441 = arith.constant 0 : i32
    %dma_wait3A_442 = arith.constant 0 : i32
    %dma_wait3A_443 = tpu.memref_slice %arg3[%dma_wait3A_441, %dma_wait3A_442] : memref<100000x1024xf32, #tpu.memory_space<hbm>> -> memref<100000x1024xf32, #tpu.memory_space<hbm>>
    tpu.wait_indirect_dma semaphore(%arg13 : memref<!tpu.dma_semaphore, #tpu.memory_space<semaphore_mem>>) src(%dma_wait3A_443 : memref<100000x1024xf32, #tpu.memory_space<hbm>>) dst(%arg7 : memref<16x1024xf32, #tpu.memory_space<vmem>>)
    %dma_wait3A_444 = arith.constant 0 : i32
    %dma_wait3A_445 = tpu.memref_slice %arg4[%add3A_309, %dma_wait3A_444] : memref<2048x1024xf32, #tpu.memory_space<hbm>> -> memref<16x1024xf32, #tpu.memory_space<hbm>>
    %dma_wait3A_446 = arith.constant 0 : i32
    %dma_wait3A_447 = tpu.memref_slice %arg4[%add3A_309, %dma_wait3A_446] : memref<2048x1024xf32, #tpu.memory_space<hbm>> -> memref<16x1024xf32, #tpu.memory_space<hbm>>
    tpu.wait_dma2 semaphore(%arg22 : memref<!tpu.dma_semaphore, #tpu.memory_space<semaphore_mem>>) src(%dma_wait3A_447 : memref<16x1024xf32, #tpu.memory_space<hbm>>) dst(%arg12 : memref<16x1024xf32, #tpu.memory_space<vmem>>)
    %scan3A_448 = arith.constant 0 : i32
    %scan3A_449 = arith.constant 0 : i32
    %scan3A_450 = arith.constant 1024 : i32
    %scan3A_451 = arith.addi %scan3A_449, %scan3A_450 : i32
    %scan3A_452 = arith.constant 4 : i32
    scf.for %scan3A_544 = %scan3A_449 to %scan3A_451 step %scan3A_452  : i32 {
      %jit3A = arith.constant 64 : i32
      %div3A = arith.divsi %scan3A_544, %jit3A : i32
      %sign3A = arith.constant 0 : i32
      %sign3A_545 = arith.cmpi sgt, %scan3A_544, %sign3A : i32
      %sign3A_546 = arith.extui %sign3A_545 : i1 to i32
      %sign3A_547 = arith.constant 0 : i32
      %sign3A_548 = arith.cmpi slt, %scan3A_544, %sign3A_547 : i32
      %sign3A_549 = arith.extui %sign3A_548 : i1 to i32
      %sign3A_550 = arith.subi %sign3A_546, %sign3A_549 : i32
      %sign3A_551 = arith.constant 0 : i32
      %sign3A_552 = arith.cmpi sgt, %jit3A, %sign3A_551 : i32
      %sign3A_553 = arith.extui %sign3A_552 : i1 to i32
      %sign3A_554 = arith.constant 0 : i32
      %sign3A_555 = arith.cmpi slt, %jit3A, %sign3A_554 : i32
      %sign3A_556 = arith.extui %sign3A_555 : i1 to i32
      %sign3A_557 = arith.subi %sign3A_553, %sign3A_556 : i32
      %ne3A = arith.cmpi ne, %sign3A_550, %sign3A_557 : i32
      %rem3A = arith.remsi %scan3A_544, %jit3A : i32
      %ne3A_558 = arith.constant 0 : i32
      %ne3A_559 = arith.cmpi ne, %rem3A, %ne3A_558 : i32
      %and3A = arith.andi %ne3A, %ne3A_559 : i1
      %sub3A = arith.constant 1 : i32
      %sub3A_560 = arith.subi %div3A, %sub3A : i32
      %select_n3A = arith.select %and3A, %sub3A_560, %div3A : i32
      %jit3A_561 = arith.constant 64 : i32
      %eq3A = arith.constant 0 : i32
      %eq3A_562 = arith.cmpi eq, %jit3A_561, %eq3A : i32
      %jit3A_563 = arith.constant 1 : i32
      %select_n3A_564 = arith.select %eq3A_562, %jit3A_563, %jit3A_561 : i32
      %rem3A_565 = arith.remsi %scan3A_544, %select_n3A_564 : i32
      %ne3A_566 = arith.constant 0 : i32
      %ne3A_567 = arith.cmpi ne, %rem3A_565, %ne3A_566 : i32
      %lt3A = arith.constant 0 : i32
      %lt3A_568 = arith.cmpi slt, %rem3A_565, %lt3A : i32
      %lt3A_569 = arith.constant 0 : i32
      %lt3A_570 = arith.cmpi slt, %select_n3A_564, %lt3A_569 : i32
      %ne3A_571 = arith.xori %lt3A_568, %lt3A_570 : i1
      %and3A_572 = arith.andi %ne3A_571, %ne3A_567 : i1
      %add3A_573 = arith.addi %rem3A_565, %select_n3A_564 : i32
      %select_n3A_574 = arith.select %and3A_572, %add3A_573, %rem3A_565 : i32
      %mul3A_575 = arith.constant 16 : i32
      %mul3A_576 = arith.muli %select_n3A_574, %mul3A_575 : i32
      %get3A = arith.index_cast %select_n3A : i32 to index
      %get3A_577 = arith.index_cast %mul3A_576 : i32 to index
      %get3A_578 = tpu.vector_load %arg12[%get3A, %get3A_577] {strides = array<i32>} : memref<16x1024xf32, #tpu.memory_space<vmem>>, vector<1x16xf32>,
      %get3A_579 = vector.shape_cast %get3A_578 : vector<1x16xf32> to vector<16xf32>
      %swap3A = arith.index_cast %select_n3A : i32 to index
      %swap3A_580 = arith.index_cast %mul3A_576 : i32 to index
      %swap3A_581 = tpu.vector_load %arg7[%swap3A, %swap3A_580] {strides = array<i32>} : memref<16x1024xf32, #tpu.memory_space<vmem>>, vector<1x16xf32>,
      %swap3A_582 = vector.shape_cast %swap3A_581 : vector<1x16xf32> to vector<16xf32>
      %swap3A_583 = vector.shape_cast %get3A_579 : vector<16xf32> to vector<1x16xf32>
      tpu.vector_store %arg7[%swap3A, %swap3A_580], %swap3A_583 {add = true, strides = array<i32>} : memref<16x1024xf32, #tpu.memory_space<vmem>>, vector<1x16xf32>,
      %scan3A_584 = arith.constant 1 : i32
      %scan3A_585 = arith.addi %scan3A_544, %scan3A_584 : i32
      %jit3A_586 = arith.constant 64 : i32
      %div3A_587 = arith.divsi %scan3A_585, %jit3A_586 : i32
      %sign3A_588 = arith.constant 0 : i32
      %sign3A_589 = arith.cmpi sgt, %scan3A_585, %sign3A_588 : i32
      %sign3A_590 = arith.extui %sign3A_589 : i1 to i32
      %sign3A_591 = arith.constant 0 : i32
      %sign3A_592 = arith.cmpi slt, %scan3A_585, %sign3A_591 : i32
      %sign3A_593 = arith.extui %sign3A_592 : i1 to i32
      %sign3A_594 = arith.subi %sign3A_590, %sign3A_593 : i32
      %sign3A_595 = arith.constant 0 : i32
      %sign3A_596 = arith.cmpi sgt, %jit3A_586, %sign3A_595 : i32
      %sign3A_597 = arith.extui %sign3A_596 : i1 to i32
      %sign3A_598 = arith.constant 0 : i32
      %sign3A_599 = arith.cmpi slt, %jit3A_586, %sign3A_598 : i32
      %sign3A_600 = arith.extui %sign3A_599 : i1 to i32
      %sign3A_601 = arith.subi %sign3A_597, %sign3A_600 : i32
      %ne3A_602 = arith.cmpi ne, %sign3A_594, %sign3A_601 : i32
      %rem3A_603 = arith.remsi %scan3A_585, %jit3A_586 : i32
      %ne3A_604 = arith.constant 0 : i32
      %ne3A_605 = arith.cmpi ne, %rem3A_603, %ne3A_604 : i32
      %and3A_606 = arith.andi %ne3A_602, %ne3A_605 : i1
      %sub3A_607 = arith.constant 1 : i32
      %sub3A_608 = arith.subi %div3A_587, %sub3A_607 : i32
      %select_n3A_609 = arith.select %and3A_606, %sub3A_608, %div3A_587 : i32
      %jit3A_610 = arith.constant 64 : i32
      %eq3A_611 = arith.constant 0 : i32
      %eq3A_612 = arith.cmpi eq, %jit3A_610, %eq3A_611 : i32
      %jit3A_613 = arith.constant 1 : i32
      %select_n3A_614 = arith.select %eq3A_612, %jit3A_613, %jit3A_610 : i32
      %rem3A_615 = arith.remsi %scan3A_585, %select_n3A_614 : i32
      %ne3A_616 = arith.constant 0 : i32
      %ne3A_617 = arith.cmpi ne, %rem3A_615, %ne3A_616 : i32
      %lt3A_618 = arith.constant 0 : i32
      %lt3A_619 = arith.cmpi slt, %rem3A_615, %lt3A_618 : i32
      %lt3A_620 = arith.constant 0 : i32
      %lt3A_621 = arith.cmpi slt, %select_n3A_614, %lt3A_620 : i32
      %ne3A_622 = arith.xori %lt3A_619, %lt3A_621 : i1
      %and3A_623 = arith.andi %ne3A_622, %ne3A_617 : i1
      %add3A_624 = arith.addi %rem3A_615, %select_n3A_614 : i32
      %select_n3A_625 = arith.select %and3A_623, %add3A_624, %rem3A_615 : i32
      %mul3A_626 = arith.constant 16 : i32
      %mul3A_627 = arith.muli %select_n3A_625, %mul3A_626 : i32
      %get3A_628 = arith.index_cast %select_n3A_609 : i32 to index
      %get3A_629 = arith.index_cast %mul3A_627 : i32 to index
      %get3A_630 = tpu.vector_load %arg12[%get3A_628, %get3A_629] {strides = array<i32>} : memref<16x1024xf32, #tpu.memory_space<vmem>>, vector<1x16xf32>,
      %get3A_631 = vector.shape_cast %get3A_630 : vector<1x16xf32> to vector<16xf32>
      %swap3A_632 = arith.index_cast %select_n3A_609 : i32 to index
      %swap3A_633 = arith.index_cast %mul3A_627 : i32 to index
      %swap3A_634 = tpu.vector_load %arg7[%swap3A_632, %swap3A_633] {strides = array<i32>} : memref<16x1024xf32, #tpu.memory_space<vmem>>, vector<1x16xf32>,
      %swap3A_635 = vector.shape_cast %swap3A_634 : vector<1x16xf32> to vector<16xf32>
      %swap3A_636 = vector.shape_cast %get3A_631 : vector<16xf32> to vector<1x16xf32>
      tpu.vector_store %arg7[%swap3A_632, %swap3A_633], %swap3A_636 {add = true, strides = array<i32>} : memref<16x1024xf32, #tpu.memory_space<vmem>>, vector<1x16xf32>,
      %scan3A_637 = arith.constant 2 : i32
      %scan3A_638 = arith.addi %scan3A_544, %scan3A_637 : i32
      %jit3A_639 = arith.constant 64 : i32
      %div3A_640 = arith.divsi %scan3A_638, %jit3A_639 : i32
      %sign3A_641 = arith.constant 0 : i32
      %sign3A_642 = arith.cmpi sgt, %scan3A_638, %sign3A_641 : i32
      %sign3A_643 = arith.extui %sign3A_642 : i1 to i32
      %sign3A_644 = arith.constant 0 : i32
      %sign3A_645 = arith.cmpi slt, %scan3A_638, %sign3A_644 : i32
      %sign3A_646 = arith.extui %sign3A_645 : i1 to i32
      %sign3A_647 = arith.subi %sign3A_643, %sign3A_646 : i32
      %sign3A_648 = arith.constant 0 : i32
      %sign3A_649 = arith.cmpi sgt, %jit3A_639, %sign3A_648 : i32
      %sign3A_650 = arith.extui %sign3A_649 : i1 to i32
      %sign3A_651 = arith.constant 0 : i32
      %sign3A_652 = arith.cmpi slt, %jit3A_639, %sign3A_651 : i32
      %sign3A_653 = arith.extui %sign3A_652 : i1 to i32
      %sign3A_654 = arith.subi %sign3A_650, %sign3A_653 : i32
      %ne3A_655 = arith.cmpi ne, %sign3A_647, %sign3A_654 : i32
      %rem3A_656 = arith.remsi %scan3A_638, %jit3A_639 : i32
      %ne3A_657 = arith.constant 0 : i32
      %ne3A_658 = arith.cmpi ne, %rem3A_656, %ne3A_657 : i32
      %and3A_659 = arith.andi %ne3A_655, %ne3A_658 : i1
      %sub3A_660 = arith.constant 1 : i32
      %sub3A_661 = arith.subi %div3A_640, %sub3A_660 : i32
      %select_n3A_662 = arith.select %and3A_659, %sub3A_661, %div3A_640 : i32
      %jit3A_663 = arith.constant 64 : i32
      %eq3A_664 = arith.constant 0 : i32
      %eq3A_665 = arith.cmpi eq, %jit3A_663, %eq3A_664 : i32
      %jit3A_666 = arith.constant 1 : i32
      %select_n3A_667 = arith.select %eq3A_665, %jit3A_666, %jit3A_663 : i32
      %rem3A_668 = arith.remsi %scan3A_638, %select_n3A_667 : i32
      %ne3A_669 = arith.constant 0 : i32
      %ne3A_670 = arith.cmpi ne, %rem3A_668, %ne3A_669 : i32
      %lt3A_671 = arith.constant 0 : i32
      %lt3A_672 = arith.cmpi slt, %rem3A_668, %lt3A_671 : i32
      %lt3A_673 = arith.constant 0 : i32
      %lt3A_674 = arith.cmpi slt, %select_n3A_667, %lt3A_673 : i32
      %ne3A_675 = arith.xori %lt3A_672, %lt3A_674 : i1
      %and3A_676 = arith.andi %ne3A_675, %ne3A_670 : i1
      %add3A_677 = arith.addi %rem3A_668, %select_n3A_667 : i32
      %select_n3A_678 = arith.select %and3A_676, %add3A_677, %rem3A_668 : i32
      %mul3A_679 = arith.constant 16 : i32
      %mul3A_680 = arith.muli %select_n3A_678, %mul3A_679 : i32
      %get3A_681 = arith.index_cast %select_n3A_662 : i32 to index
      %get3A_682 = arith.index_cast %mul3A_680 : i32 to index
      %get3A_683 = tpu.vector_load %arg12[%get3A_681, %get3A_682] {strides = array<i32>} : memref<16x1024xf32, #tpu.memory_space<vmem>>, vector<1x16xf32>,
      %get3A_684 = vector.shape_cast %get3A_683 : vector<1x16xf32> to vector<16xf32>
      %swap3A_685 = arith.index_cast %select_n3A_662 : i32 to index
      %swap3A_686 = arith.index_cast %mul3A_680 : i32 to index
      %swap3A_687 = tpu.vector_load %arg7[%swap3A_685, %swap3A_686] {strides = array<i32>} : memref<16x1024xf32, #tpu.memory_space<vmem>>, vector<1x16xf32>,
      %swap3A_688 = vector.shape_cast %swap3A_687 : vector<1x16xf32> to vector<16xf32>
      %swap3A_689 = vector.shape_cast %get3A_684 : vector<16xf32> to vector<1x16xf32>
      tpu.vector_store %arg7[%swap3A_685, %swap3A_686], %swap3A_689 {add = true, strides = array<i32>} : memref<16x1024xf32, #tpu.memory_space<vmem>>, vector<1x16xf32>,
      %scan3A_690 = arith.constant 3 : i32
      %scan3A_691 = arith.addi %scan3A_544, %scan3A_690 : i32
      %jit3A_692 = arith.constant 64 : i32
      %div3A_693 = arith.divsi %scan3A_691, %jit3A_692 : i32
      %sign3A_694 = arith.constant 0 : i32
      %sign3A_695 = arith.cmpi sgt, %scan3A_691, %sign3A_694 : i32
      %sign3A_696 = arith.extui %sign3A_695 : i1 to i32
      %sign3A_697 = arith.constant 0 : i32
      %sign3A_698 = arith.cmpi slt, %scan3A_691, %sign3A_697 : i32
      %sign3A_699 = arith.extui %sign3A_698 : i1 to i32
      %sign3A_700 = arith.subi %sign3A_696, %sign3A_699 : i32
      %sign3A_701 = arith.constant 0 : i32
      %sign3A_702 = arith.cmpi sgt, %jit3A_692, %sign3A_701 : i32
      %sign3A_703 = arith.extui %sign3A_702 : i1 to i32
      %sign3A_704 = arith.constant 0 : i32
      %sign3A_705 = arith.cmpi slt, %jit3A_692, %sign3A_704 : i32
      %sign3A_706 = arith.extui %sign3A_705 : i1 to i32
      %sign3A_707 = arith.subi %sign3A_703, %sign3A_706 : i32
      %ne3A_708 = arith.cmpi ne, %sign3A_700, %sign3A_707 : i32
      %rem3A_709 = arith.remsi %scan3A_691, %jit3A_692 : i32
      %ne3A_710 = arith.constant 0 : i32
      %ne3A_711 = arith.cmpi ne, %rem3A_709, %ne3A_710 : i32
      %and3A_712 = arith.andi %ne3A_708, %ne3A_711 : i1
      %sub3A_713 = arith.constant 1 : i32
      %sub3A_714 = arith.subi %div3A_693, %sub3A_713 : i32
      %select_n3A_715 = arith.select %and3A_712, %sub3A_714, %div3A_693 : i32
      %jit3A_716 = arith.constant 64 : i32
      %eq3A_717 = arith.constant 0 : i32
      %eq3A_718 = arith.cmpi eq, %jit3A_716, %eq3A_717 : i32
      %jit3A_719 = arith.constant 1 : i32
      %select_n3A_720 = arith.select %eq3A_718, %jit3A_719, %jit3A_716 : i32
      %rem3A_721 = arith.remsi %scan3A_691, %select_n3A_720 : i32
      %ne3A_722 = arith.constant 0 : i32
      %ne3A_723 = arith.cmpi ne, %rem3A_721, %ne3A_722 : i32
      %lt3A_724 = arith.constant 0 : i32
      %lt3A_725 = arith.cmpi slt, %rem3A_721, %lt3A_724 : i32
      %lt3A_726 = arith.constant 0 : i32
      %lt3A_727 = arith.cmpi slt, %select_n3A_720, %lt3A_726 : i32
      %ne3A_728 = arith.xori %lt3A_725, %lt3A_727 : i1
      %and3A_729 = arith.andi %ne3A_728, %ne3A_723 : i1
      %add3A_730 = arith.addi %rem3A_721, %select_n3A_720 : i32
      %select_n3A_731 = arith.select %and3A_729, %add3A_730, %rem3A_721 : i32
      %mul3A_732 = arith.constant 16 : i32
      %mul3A_733 = arith.muli %select_n3A_731, %mul3A_732 : i32
      %get3A_734 = arith.index_cast %select_n3A_715 : i32 to index
      %get3A_735 = arith.index_cast %mul3A_733 : i32 to index
      %get3A_736 = tpu.vector_load %arg12[%get3A_734, %get3A_735] {strides = array<i32>} : memref<16x1024xf32, #tpu.memory_space<vmem>>, vector<1x16xf32>,
      %get3A_737 = vector.shape_cast %get3A_736 : vector<1x16xf32> to vector<16xf32>
      %swap3A_738 = arith.index_cast %select_n3A_715 : i32 to index
      %swap3A_739 = arith.index_cast %mul3A_733 : i32 to index
      %swap3A_740 = tpu.vector_load %arg7[%swap3A_738, %swap3A_739] {strides = array<i32>} : memref<16x1024xf32, #tpu.memory_space<vmem>>, vector<1x16xf32>,
      %swap3A_741 = vector.shape_cast %swap3A_740 : vector<1x16xf32> to vector<16xf32>
      %swap3A_742 = vector.shape_cast %get3A_737 : vector<16xf32> to vector<1x16xf32>
      tpu.vector_store %arg7[%swap3A_738, %swap3A_739], %swap3A_742 {add = true, strides = array<i32>} : memref<16x1024xf32, #tpu.memory_space<vmem>>, vector<1x16xf32>,
    }
    %scan3A_453 = arith.constant 1024 : i32
    %add3A_454 = arith.constant 0 : i32
    %add3A_455 = arith.addi %add3A_454, %mul3A_2 : i32
    %add3A_456 = arith.constant 48 : i32
    %add3A_457 = arith.addi %add3A_455, %add3A_456 : i32
    %dma_start3A_458 = arith.constant 0 : i32
    %dma_start3A_459 = tpu.memref_slice %arg5[%add3A_457, %dma_start3A_458] : memref<8192x1024xf32, #tpu.memory_space<hbm>> -> memref<16x1024xf32, #tpu.memory_space<hbm>>
    %dma_start3A_460 = arith.constant 0 : i32
    %dma_start3A_461 = tpu.memref_slice %arg5[%add3A_457, %dma_start3A_460] : memref<8192x1024xf32, #tpu.memory_space<hbm>> -> memref<16x1024xf32, #tpu.memory_space<hbm>>
    tpu.enqueue_dma source(%arg7 : memref<16x1024xf32, #tpu.memory_space<vmem>>) target(%dma_start3A_461 : memref<16x1024xf32, #tpu.memory_space<hbm>>) target_semaphore(%arg17 : memref<!tpu.dma_semaphore, #tpu.memory_space<semaphore_mem>>)
    %dma_wait3A_462 = arith.constant 0 : i32
    %dma_wait3A_463 = tpu.memref_slice %arg5[%add3A_425, %dma_wait3A_462] : memref<8192x1024xf32, #tpu.memory_space<hbm>> -> memref<16x1024xf32, #tpu.memory_space<hbm>>
    %dma_wait3A_464 = arith.constant 0 : i32
    %dma_wait3A_465 = tpu.memref_slice %arg5[%add3A_425, %dma_wait3A_464] : memref<8192x1024xf32, #tpu.memory_space<hbm>> -> memref<16x1024xf32, #tpu.memory_space<hbm>>
    tpu.wait_dma2 semaphore(%arg20 : memref<!tpu.dma_semaphore, #tpu.memory_space<semaphore_mem>>) src(%arg10 : memref<16x1024xf32, #tpu.memory_space<vmem>>) dst(%dma_wait3A_465 : memref<16x1024xf32, #tpu.memory_space<hbm>>)
    %dma_start3A_466 = arith.constant 240 : i32
    %dma_start3A_467 = tpu.memref_slice %arg6[%dma_start3A_466] : memref<256xi32, #tpu.memory_space<vmem>> -> memref<16xi32, #tpu.memory_space<vmem>>
    %dma_start3A_468 = arith.constant 0 : i32
    %dma_start3A_469 = arith.constant 0 : i32
    %dma_start3A_470 = tpu.memref_slice %arg3[%dma_start3A_468, %dma_start3A_469] : memref<100000x1024xf32, #tpu.memory_space<hbm>> -> memref<100000x1024xf32, #tpu.memory_space<hbm>>
    tpu.enqueue_indirect_dma source(%dma_start3A_470 : memref<100000x1024xf32, #tpu.memory_space<hbm>>) target(%arg10 : memref<16x1024xf32, #tpu.memory_space<vmem>>) offsets(%dma_start3A_467 : memref<16xi32, #tpu.memory_space<vmem>>) semaphore(%arg16 : memref<!tpu.dma_semaphore, #tpu.memory_space<semaphore_mem>>)
    %dma_wait3A_471 = arith.constant 112 : i32
    %dma_wait3A_472 = tpu.memref_slice %arg6[%dma_wait3A_471] : memref<256xi32, #tpu.memory_space<vmem>> -> memref<16xi32, #tpu.memory_space<vmem>>
    %dma_wait3A_473 = arith.constant 0 : i32
    %dma_wait3A_474 = arith.constant 0 : i32
    %dma_wait3A_475 = tpu.memref_slice %arg3[%dma_wait3A_473, %dma_wait3A_474] : memref<100000x1024xf32, #tpu.memory_space<hbm>> -> memref<100000x1024xf32, #tpu.memory_space<hbm>>
    tpu.wait_indirect_dma semaphore(%arg14 : memref<!tpu.dma_semaphore, #tpu.memory_space<semaphore_mem>>) src(%dma_wait3A_475 : memref<100000x1024xf32, #tpu.memory_space<hbm>>) dst(%arg8 : memref<16x1024xf32, #tpu.memory_space<vmem>>)
    %scan3A_476 = arith.constant 0 : i32
    %scan3A_477 = arith.constant 0 : i32
    %scan3A_478 = arith.constant 1024 : i32
    %scan3A_479 = arith.addi %scan3A_477, %scan3A_478 : i32
    %scan3A_480 = arith.constant 4 : i32
    scf.for %scan3A_544 = %scan3A_477 to %scan3A_479 step %scan3A_480  : i32 {
      %jit3A = arith.constant 64 : i32
      %div3A = arith.divsi %scan3A_544, %jit3A : i32
      %sign3A = arith.constant 0 : i32
      %sign3A_545 = arith.cmpi sgt, %scan3A_544, %sign3A : i32
      %sign3A_546 = arith.extui %sign3A_545 : i1 to i32
      %sign3A_547 = arith.constant 0 : i32
      %sign3A_548 = arith.cmpi slt, %scan3A_544, %sign3A_547 : i32
      %sign3A_549 = arith.extui %sign3A_548 : i1 to i32
      %sign3A_550 = arith.subi %sign3A_546, %sign3A_549 : i32
      %sign3A_551 = arith.constant 0 : i32
      %sign3A_552 = arith.cmpi sgt, %jit3A, %sign3A_551 : i32
      %sign3A_553 = arith.extui %sign3A_552 : i1 to i32
      %sign3A_554 = arith.constant 0 : i32
      %sign3A_555 = arith.cmpi slt, %jit3A, %sign3A_554 : i32
      %sign3A_556 = arith.extui %sign3A_555 : i1 to i32
      %sign3A_557 = arith.subi %sign3A_553, %sign3A_556 : i32
      %ne3A = arith.cmpi ne, %sign3A_550, %sign3A_557 : i32
      %rem3A = arith.remsi %scan3A_544, %jit3A : i32
      %ne3A_558 = arith.constant 0 : i32
      %ne3A_559 = arith.cmpi ne, %rem3A, %ne3A_558 : i32
      %and3A = arith.andi %ne3A, %ne3A_559 : i1
      %sub3A = arith.constant 1 : i32
      %sub3A_560 = arith.subi %div3A, %sub3A : i32
      %select_n3A = arith.select %and3A, %sub3A_560, %div3A : i32
      %jit3A_561 = arith.constant 64 : i32
      %eq3A = arith.constant 0 : i32
      %eq3A_562 = arith.cmpi eq, %jit3A_561, %eq3A : i32
      %jit3A_563 = arith.constant 1 : i32
      %select_n3A_564 = arith.select %eq3A_562, %jit3A_563, %jit3A_561 : i32
      %rem3A_565 = arith.remsi %scan3A_544, %select_n3A_564 : i32
      %ne3A_566 = arith.constant 0 : i32
      %ne3A_567 = arith.cmpi ne, %rem3A_565, %ne3A_566 : i32
      %lt3A = arith.constant 0 : i32
      %lt3A_568 = arith.cmpi slt, %rem3A_565, %lt3A : i32
      %lt3A_569 = arith.constant 0 : i32
      %lt3A_570 = arith.cmpi slt, %select_n3A_564, %lt3A_569 : i32
      %ne3A_571 = arith.xori %lt3A_568, %lt3A_570 : i1
      %and3A_572 = arith.andi %ne3A_571, %ne3A_567 : i1
      %add3A_573 = arith.addi %rem3A_565, %select_n3A_564 : i32
      %select_n3A_574 = arith.select %and3A_572, %add3A_573, %rem3A_565 : i32
      %mul3A_575 = arith.constant 16 : i32
      %mul3A_576 = arith.muli %select_n3A_574, %mul3A_575 : i32
      %get3A = arith.index_cast %select_n3A : i32 to index
      %get3A_577 = arith.index_cast %mul3A_576 : i32 to index
      %get3A_578 = tpu.vector_load %arg12[%get3A, %get3A_577] {strides = array<i32>} : memref<16x1024xf32, #tpu.memory_space<vmem>>, vector<1x16xf32>,
      %get3A_579 = vector.shape_cast %get3A_578 : vector<1x16xf32> to vector<16xf32>
      %swap3A = arith.index_cast %select_n3A : i32 to index
      %swap3A_580 = arith.index_cast %mul3A_576 : i32 to index
      %swap3A_581 = tpu.vector_load %arg8[%swap3A, %swap3A_580] {strides = array<i32>} : memref<16x1024xf32, #tpu.memory_space<vmem>>, vector<1x16xf32>,
      %swap3A_582 = vector.shape_cast %swap3A_581 : vector<1x16xf32> to vector<16xf32>
      %swap3A_583 = vector.shape_cast %get3A_579 : vector<16xf32> to vector<1x16xf32>
      tpu.vector_store %arg8[%swap3A, %swap3A_580], %swap3A_583 {add = true, strides = array<i32>} : memref<16x1024xf32, #tpu.memory_space<vmem>>, vector<1x16xf32>,
      %scan3A_584 = arith.constant 1 : i32
      %scan3A_585 = arith.addi %scan3A_544, %scan3A_584 : i32
      %jit3A_586 = arith.constant 64 : i32
      %div3A_587 = arith.divsi %scan3A_585, %jit3A_586 : i32
      %sign3A_588 = arith.constant 0 : i32
      %sign3A_589 = arith.cmpi sgt, %scan3A_585, %sign3A_588 : i32
      %sign3A_590 = arith.extui %sign3A_589 : i1 to i32
      %sign3A_591 = arith.constant 0 : i32
      %sign3A_592 = arith.cmpi slt, %scan3A_585, %sign3A_591 : i32
      %sign3A_593 = arith.extui %sign3A_592 : i1 to i32
      %sign3A_594 = arith.subi %sign3A_590, %sign3A_593 : i32
      %sign3A_595 = arith.constant 0 : i32
      %sign3A_596 = arith.cmpi sgt, %jit3A_586, %sign3A_595 : i32
      %sign3A_597 = arith.extui %sign3A_596 : i1 to i32
      %sign3A_598 = arith.constant 0 : i32
      %sign3A_599 = arith.cmpi slt, %jit3A_586, %sign3A_598 : i32
      %sign3A_600 = arith.extui %sign3A_599 : i1 to i32
      %sign3A_601 = arith.subi %sign3A_597, %sign3A_600 : i32
      %ne3A_602 = arith.cmpi ne, %sign3A_594, %sign3A_601 : i32
      %rem3A_603 = arith.remsi %scan3A_585, %jit3A_586 : i32
      %ne3A_604 = arith.constant 0 : i32
      %ne3A_605 = arith.cmpi ne, %rem3A_603, %ne3A_604 : i32
      %and3A_606 = arith.andi %ne3A_602, %ne3A_605 : i1
      %sub3A_607 = arith.constant 1 : i32
      %sub3A_608 = arith.subi %div3A_587, %sub3A_607 : i32
      %select_n3A_609 = arith.select %and3A_606, %sub3A_608, %div3A_587 : i32
      %jit3A_610 = arith.constant 64 : i32
      %eq3A_611 = arith.constant 0 : i32
      %eq3A_612 = arith.cmpi eq, %jit3A_610, %eq3A_611 : i32
      %jit3A_613 = arith.constant 1 : i32
      %select_n3A_614 = arith.select %eq3A_612, %jit3A_613, %jit3A_610 : i32
      %rem3A_615 = arith.remsi %scan3A_585, %select_n3A_614 : i32
      %ne3A_616 = arith.constant 0 : i32
      %ne3A_617 = arith.cmpi ne, %rem3A_615, %ne3A_616 : i32
      %lt3A_618 = arith.constant 0 : i32
      %lt3A_619 = arith.cmpi slt, %rem3A_615, %lt3A_618 : i32
      %lt3A_620 = arith.constant 0 : i32
      %lt3A_621 = arith.cmpi slt, %select_n3A_614, %lt3A_620 : i32
      %ne3A_622 = arith.xori %lt3A_619, %lt3A_621 : i1
      %and3A_623 = arith.andi %ne3A_622, %ne3A_617 : i1
      %add3A_624 = arith.addi %rem3A_615, %select_n3A_614 : i32
      %select_n3A_625 = arith.select %and3A_623, %add3A_624, %rem3A_615 : i32
      %mul3A_626 = arith.constant 16 : i32
      %mul3A_627 = arith.muli %select_n3A_625, %mul3A_626 : i32
      %get3A_628 = arith.index_cast %select_n3A_609 : i32 to index
      %get3A_629 = arith.index_cast %mul3A_627 : i32 to index
      %get3A_630 = tpu.vector_load %arg12[%get3A_628, %get3A_629] {strides = array<i32>} : memref<16x1024xf32, #tpu.memory_space<vmem>>, vector<1x16xf32>,
      %get3A_631 = vector.shape_cast %get3A_630 : vector<1x16xf32> to vector<16xf32>
      %swap3A_632 = arith.index_cast %select_n3A_609 : i32 to index
      %swap3A_633 = arith.index_cast %mul3A_627 : i32 to index
      %swap3A_634 = tpu.vector_load %arg8[%swap3A_632, %swap3A_633] {strides = array<i32>} : memref<16x1024xf32, #tpu.memory_space<vmem>>, vector<1x16xf32>,
      %swap3A_635 = vector.shape_cast %swap3A_634 : vector<1x16xf32> to vector<16xf32>
      %swap3A_636 = vector.shape_cast %get3A_631 : vector<16xf32> to vector<1x16xf32>
      tpu.vector_store %arg8[%swap3A_632, %swap3A_633], %swap3A_636 {add = true, strides = array<i32>} : memref<16x1024xf32, #tpu.memory_space<vmem>>, vector<1x16xf32>,
      %scan3A_637 = arith.constant 2 : i32
      %scan3A_638 = arith.addi %scan3A_544, %scan3A_637 : i32
      %jit3A_639 = arith.constant 64 : i32
      %div3A_640 = arith.divsi %scan3A_638, %jit3A_639 : i32
      %sign3A_641 = arith.constant 0 : i32
      %sign3A_642 = arith.cmpi sgt, %scan3A_638, %sign3A_641 : i32
      %sign3A_643 = arith.extui %sign3A_642 : i1 to i32
      %sign3A_644 = arith.constant 0 : i32
      %sign3A_645 = arith.cmpi slt, %scan3A_638, %sign3A_644 : i32
      %sign3A_646 = arith.extui %sign3A_645 : i1 to i32
      %sign3A_647 = arith.subi %sign3A_643, %sign3A_646 : i32
      %sign3A_648 = arith.constant 0 : i32
      %sign3A_649 = arith.cmpi sgt, %jit3A_639, %sign3A_648 : i32
      %sign3A_650 = arith.extui %sign3A_649 : i1 to i32
      %sign3A_651 = arith.constant 0 : i32
      %sign3A_652 = arith.cmpi slt, %jit3A_639, %sign3A_651 : i32
      %sign3A_653 = arith.extui %sign3A_652 : i1 to i32
      %sign3A_654 = arith.subi %sign3A_650, %sign3A_653 : i32
      %ne3A_655 = arith.cmpi ne, %sign3A_647, %sign3A_654 : i32
      %rem3A_656 = arith.remsi %scan3A_638, %jit3A_639 : i32
      %ne3A_657 = arith.constant 0 : i32
      %ne3A_658 = arith.cmpi ne, %rem3A_656, %ne3A_657 : i32
      %and3A_659 = arith.andi %ne3A_655, %ne3A_658 : i1
      %sub3A_660 = arith.constant 1 : i32
      %sub3A_661 = arith.subi %div3A_640, %sub3A_660 : i32
      %select_n3A_662 = arith.select %and3A_659, %sub3A_661, %div3A_640 : i32
      %jit3A_663 = arith.constant 64 : i32
      %eq3A_664 = arith.constant 0 : i32
      %eq3A_665 = arith.cmpi eq, %jit3A_663, %eq3A_664 : i32
      %jit3A_666 = arith.constant 1 : i32
      %select_n3A_667 = arith.select %eq3A_665, %jit3A_666, %jit3A_663 : i32
      %rem3A_668 = arith.remsi %scan3A_638, %select_n3A_667 : i32
      %ne3A_669 = arith.constant 0 : i32
      %ne3A_670 = arith.cmpi ne, %rem3A_668, %ne3A_669 : i32
      %lt3A_671 = arith.constant 0 : i32
      %lt3A_672 = arith.cmpi slt, %rem3A_668, %lt3A_671 : i32
      %lt3A_673 = arith.constant 0 : i32
      %lt3A_674 = arith.cmpi slt, %select_n3A_667, %lt3A_673 : i32
      %ne3A_675 = arith.xori %lt3A_672, %lt3A_674 : i1
      %and3A_676 = arith.andi %ne3A_675, %ne3A_670 : i1
      %add3A_677 = arith.addi %rem3A_668, %select_n3A_667 : i32
      %select_n3A_678 = arith.select %and3A_676, %add3A_677, %rem3A_668 : i32
      %mul3A_679 = arith.constant 16 : i32
      %mul3A_680 = arith.muli %select_n3A_678, %mul3A_679 : i32
      %get3A_681 = arith.index_cast %select_n3A_662 : i32 to index
      %get3A_682 = arith.index_cast %mul3A_680 : i32 to index
      %get3A_683 = tpu.vector_load %arg12[%get3A_681, %get3A_682] {strides = array<i32>} : memref<16x1024xf32, #tpu.memory_space<vmem>>, vector<1x16xf32>,
      %get3A_684 = vector.shape_cast %get3A_683 : vector<1x16xf32> to vector<16xf32>
      %swap3A_685 = arith.index_cast %select_n3A_662 : i32 to index
      %swap3A_686 = arith.index_cast %mul3A_680 : i32 to index
      %swap3A_687 = tpu.vector_load %arg8[%swap3A_685, %swap3A_686] {strides = array<i32>} : memref<16x1024xf32, #tpu.memory_space<vmem>>, vector<1x16xf32>,
      %swap3A_688 = vector.shape_cast %swap3A_687 : vector<1x16xf32> to vector<16xf32>
      %swap3A_689 = vector.shape_cast %get3A_684 : vector<16xf32> to vector<1x16xf32>
      tpu.vector_store %arg8[%swap3A_685, %swap3A_686], %swap3A_689 {add = true, strides = array<i32>} : memref<16x1024xf32, #tpu.memory_space<vmem>>, vector<1x16xf32>,
      %scan3A_690 = arith.constant 3 : i32
      %scan3A_691 = arith.addi %scan3A_544, %scan3A_690 : i32
      %jit3A_692 = arith.constant 64 : i32
      %div3A_693 = arith.divsi %scan3A_691, %jit3A_692 : i32
      %sign3A_694 = arith.constant 0 : i32
      %sign3A_695 = arith.cmpi sgt, %scan3A_691, %sign3A_694 : i32
      %sign3A_696 = arith.extui %sign3A_695 : i1 to i32
      %sign3A_697 = arith.constant 0 : i32
      %sign3A_698 = arith.cmpi slt, %scan3A_691, %sign3A_697 : i32
      %sign3A_699 = arith.extui %sign3A_698 : i1 to i32
      %sign3A_700 = arith.subi %sign3A_696, %sign3A_699 : i32
      %sign3A_701 = arith.constant 0 : i32
      %sign3A_702 = arith.cmpi sgt, %jit3A_692, %sign3A_701 : i32
      %sign3A_703 = arith.extui %sign3A_702 : i1 to i32
      %sign3A_704 = arith.constant 0 : i32
      %sign3A_705 = arith.cmpi slt, %jit3A_692, %sign3A_704 : i32
      %sign3A_706 = arith.extui %sign3A_705 : i1 to i32
      %sign3A_707 = arith.subi %sign3A_703, %sign3A_706 : i32
      %ne3A_708 = arith.cmpi ne, %sign3A_700, %sign3A_707 : i32
      %rem3A_709 = arith.remsi %scan3A_691, %jit3A_692 : i32
      %ne3A_710 = arith.constant 0 : i32
      %ne3A_711 = arith.cmpi ne, %rem3A_709, %ne3A_710 : i32
      %and3A_712 = arith.andi %ne3A_708, %ne3A_711 : i1
      %sub3A_713 = arith.constant 1 : i32
      %sub3A_714 = arith.subi %div3A_693, %sub3A_713 : i32
      %select_n3A_715 = arith.select %and3A_712, %sub3A_714, %div3A_693 : i32
      %jit3A_716 = arith.constant 64 : i32
      %eq3A_717 = arith.constant 0 : i32
      %eq3A_718 = arith.cmpi eq, %jit3A_716, %eq3A_717 : i32
      %jit3A_719 = arith.constant 1 : i32
      %select_n3A_720 = arith.select %eq3A_718, %jit3A_719, %jit3A_716 : i32
      %rem3A_721 = arith.remsi %scan3A_691, %select_n3A_720 : i32
      %ne3A_722 = arith.constant 0 : i32
      %ne3A_723 = arith.cmpi ne, %rem3A_721, %ne3A_722 : i32
      %lt3A_724 = arith.constant 0 : i32
      %lt3A_725 = arith.cmpi slt, %rem3A_721, %lt3A_724 : i32
      %lt3A_726 = arith.constant 0 : i32
      %lt3A_727 = arith.cmpi slt, %select_n3A_720, %lt3A_726 : i32
      %ne3A_728 = arith.xori %lt3A_725, %lt3A_727 : i1
      %and3A_729 = arith.andi %ne3A_728, %ne3A_723 : i1
      %add3A_730 = arith.addi %rem3A_721, %select_n3A_720 : i32
      %select_n3A_731 = arith.select %and3A_729, %add3A_730, %rem3A_721 : i32
      %mul3A_732 = arith.constant 16 : i32
      %mul3A_733 = arith.muli %select_n3A_731, %mul3A_732 : i32
      %get3A_734 = arith.index_cast %select_n3A_715 : i32 to index
      %get3A_735 = arith.index_cast %mul3A_733 : i32 to index
      %get3A_736 = tpu.vector_load %arg12[%get3A_734, %get3A_735] {strides = array<i32>} : memref<16x1024xf32, #tpu.memory_space<vmem>>, vector<1x16xf32>,
      %get3A_737 = vector.shape_cast %get3A_736 : vector<1x16xf32> to vector<16xf32>
      %swap3A_738 = arith.index_cast %select_n3A_715 : i32 to index
      %swap3A_739 = arith.index_cast %mul3A_733 : i32 to index
      %swap3A_740 = tpu.vector_load %arg8[%swap3A_738, %swap3A_739] {strides = array<i32>} : memref<16x1024xf32, #tpu.memory_space<vmem>>, vector<1x16xf32>,
      %swap3A_741 = vector.shape_cast %swap3A_740 : vector<1x16xf32> to vector<16xf32>
      %swap3A_742 = vector.shape_cast %get3A_737 : vector<16xf32> to vector<1x16xf32>
      tpu.vector_store %arg8[%swap3A_738, %swap3A_739], %swap3A_742 {add = true, strides = array<i32>} : memref<16x1024xf32, #tpu.memory_space<vmem>>, vector<1x16xf32>,
    }
    %scan3A_481 = arith.constant 1024 : i32
    %add3A_482 = arith.constant 2048 : i32
    %add3A_483 = arith.addi %add3A_482, %mul3A_2 : i32
    %add3A_484 = arith.constant 48 : i32
    %add3A_485 = arith.addi %add3A_483, %add3A_484 : i32
    %dma_start3A_486 = arith.constant 0 : i32
    %dma_start3A_487 = tpu.memref_slice %arg5[%add3A_485, %dma_start3A_486] : memref<8192x1024xf32, #tpu.memory_space<hbm>> -> memref<16x1024xf32, #tpu.memory_space<hbm>>
    %dma_start3A_488 = arith.constant 0 : i32
    %dma_start3A_489 = tpu.memref_slice %arg5[%add3A_485, %dma_start3A_488] : memref<8192x1024xf32, #tpu.memory_space<hbm>> -> memref<16x1024xf32, #tpu.memory_space<hbm>>
    tpu.enqueue_dma source(%arg8 : memref<16x1024xf32, #tpu.memory_space<vmem>>) target(%dma_start3A_489 : memref<16x1024xf32, #tpu.memory_space<hbm>>) target_semaphore(%arg18 : memref<!tpu.dma_semaphore, #tpu.memory_space<semaphore_mem>>)
    %dma_wait3A_490 = arith.constant 176 : i32
    %dma_wait3A_491 = tpu.memref_slice %arg6[%dma_wait3A_490] : memref<256xi32, #tpu.memory_space<vmem>> -> memref<16xi32, #tpu.memory_space<vmem>>
    %dma_wait3A_492 = arith.constant 0 : i32
    %dma_wait3A_493 = arith.constant 0 : i32
    %dma_wait3A_494 = tpu.memref_slice %arg3[%dma_wait3A_492, %dma_wait3A_493] : memref<100000x1024xf32, #tpu.memory_space<hbm>> -> memref<100000x1024xf32, #tpu.memory_space<hbm>>
    tpu.wait_indirect_dma semaphore(%arg15 : memref<!tpu.dma_semaphore, #tpu.memory_space<semaphore_mem>>) src(%dma_wait3A_494 : memref<100000x1024xf32, #tpu.memory_space<hbm>>) dst(%arg9 : memref<16x1024xf32, #tpu.memory_space<vmem>>)
    %scan3A_495 = arith.constant 0 : i32
    %scan3A_496 = arith.constant 0 : i32
    %scan3A_497 = arith.constant 1024 : i32
    %scan3A_498 = arith.addi %scan3A_496, %scan3A_497 : i32
    %scan3A_499 = arith.constant 4 : i32
    scf.for %scan3A_544 = %scan3A_496 to %scan3A_498 step %scan3A_499  : i32 {
      %jit3A = arith.constant 64 : i32
      %div3A = arith.divsi %scan3A_544, %jit3A : i32
      %sign3A = arith.constant 0 : i32
      %sign3A_545 = arith.cmpi sgt, %scan3A_544, %sign3A : i32
      %sign3A_546 = arith.extui %sign3A_545 : i1 to i32
      %sign3A_547 = arith.constant 0 : i32
      %sign3A_548 = arith.cmpi slt, %scan3A_544, %sign3A_547 : i32
      %sign3A_549 = arith.extui %sign3A_548 : i1 to i32
      %sign3A_550 = arith.subi %sign3A_546, %sign3A_549 : i32
      %sign3A_551 = arith.constant 0 : i32
      %sign3A_552 = arith.cmpi sgt, %jit3A, %sign3A_551 : i32
      %sign3A_553 = arith.extui %sign3A_552 : i1 to i32
      %sign3A_554 = arith.constant 0 : i32
      %sign3A_555 = arith.cmpi slt, %jit3A, %sign3A_554 : i32
      %sign3A_556 = arith.extui %sign3A_555 : i1 to i32
      %sign3A_557 = arith.subi %sign3A_553, %sign3A_556 : i32
      %ne3A = arith.cmpi ne, %sign3A_550, %sign3A_557 : i32
      %rem3A = arith.remsi %scan3A_544, %jit3A : i32
      %ne3A_558 = arith.constant 0 : i32
      %ne3A_559 = arith.cmpi ne, %rem3A, %ne3A_558 : i32
      %and3A = arith.andi %ne3A, %ne3A_559 : i1
      %sub3A = arith.constant 1 : i32
      %sub3A_560 = arith.subi %div3A, %sub3A : i32
      %select_n3A = arith.select %and3A, %sub3A_560, %div3A : i32
      %jit3A_561 = arith.constant 64 : i32
      %eq3A = arith.constant 0 : i32
      %eq3A_562 = arith.cmpi eq, %jit3A_561, %eq3A : i32
      %jit3A_563 = arith.constant 1 : i32
      %select_n3A_564 = arith.select %eq3A_562, %jit3A_563, %jit3A_561 : i32
      %rem3A_565 = arith.remsi %scan3A_544, %select_n3A_564 : i32
      %ne3A_566 = arith.constant 0 : i32
      %ne3A_567 = arith.cmpi ne, %rem3A_565, %ne3A_566 : i32
      %lt3A = arith.constant 0 : i32
      %lt3A_568 = arith.cmpi slt, %rem3A_565, %lt3A : i32
      %lt3A_569 = arith.constant 0 : i32
      %lt3A_570 = arith.cmpi slt, %select_n3A_564, %lt3A_569 : i32
      %ne3A_571 = arith.xori %lt3A_568, %lt3A_570 : i1
      %and3A_572 = arith.andi %ne3A_571, %ne3A_567 : i1
      %add3A_573 = arith.addi %rem3A_565, %select_n3A_564 : i32
      %select_n3A_574 = arith.select %and3A_572, %add3A_573, %rem3A_565 : i32
      %mul3A_575 = arith.constant 16 : i32
      %mul3A_576 = arith.muli %select_n3A_574, %mul3A_575 : i32
      %get3A = arith.index_cast %select_n3A : i32 to index
      %get3A_577 = arith.index_cast %mul3A_576 : i32 to index
      %get3A_578 = tpu.vector_load %arg12[%get3A, %get3A_577] {strides = array<i32>} : memref<16x1024xf32, #tpu.memory_space<vmem>>, vector<1x16xf32>,
      %get3A_579 = vector.shape_cast %get3A_578 : vector<1x16xf32> to vector<16xf32>
      %swap3A = arith.index_cast %select_n3A : i32 to index
      %swap3A_580 = arith.index_cast %mul3A_576 : i32 to index
      %swap3A_581 = tpu.vector_load %arg9[%swap3A, %swap3A_580] {strides = array<i32>} : memref<16x1024xf32, #tpu.memory_space<vmem>>, vector<1x16xf32>,
      %swap3A_582 = vector.shape_cast %swap3A_581 : vector<1x16xf32> to vector<16xf32>
      %swap3A_583 = vector.shape_cast %get3A_579 : vector<16xf32> to vector<1x16xf32>
      tpu.vector_store %arg9[%swap3A, %swap3A_580], %swap3A_583 {add = true, strides = array<i32>} : memref<16x1024xf32, #tpu.memory_space<vmem>>, vector<1x16xf32>,
      %scan3A_584 = arith.constant 1 : i32
      %scan3A_585 = arith.addi %scan3A_544, %scan3A_584 : i32
      %jit3A_586 = arith.constant 64 : i32
      %div3A_587 = arith.divsi %scan3A_585, %jit3A_586 : i32
      %sign3A_588 = arith.constant 0 : i32
      %sign3A_589 = arith.cmpi sgt, %scan3A_585, %sign3A_588 : i32
      %sign3A_590 = arith.extui %sign3A_589 : i1 to i32
      %sign3A_591 = arith.constant 0 : i32
      %sign3A_592 = arith.cmpi slt, %scan3A_585, %sign3A_591 : i32
      %sign3A_593 = arith.extui %sign3A_592 : i1 to i32
      %sign3A_594 = arith.subi %sign3A_590, %sign3A_593 : i32
      %sign3A_595 = arith.constant 0 : i32
      %sign3A_596 = arith.cmpi sgt, %jit3A_586, %sign3A_595 : i32
      %sign3A_597 = arith.extui %sign3A_596 : i1 to i32
      %sign3A_598 = arith.constant 0 : i32
      %sign3A_599 = arith.cmpi slt, %jit3A_586, %sign3A_598 : i32
      %sign3A_600 = arith.extui %sign3A_599 : i1 to i32
      %sign3A_601 = arith.subi %sign3A_597, %sign3A_600 : i32
      %ne3A_602 = arith.cmpi ne, %sign3A_594, %sign3A_601 : i32
      %rem3A_603 = arith.remsi %scan3A_585, %jit3A_586 : i32
      %ne3A_604 = arith.constant 0 : i32
      %ne3A_605 = arith.cmpi ne, %rem3A_603, %ne3A_604 : i32
      %and3A_606 = arith.andi %ne3A_602, %ne3A_605 : i1
      %sub3A_607 = arith.constant 1 : i32
      %sub3A_608 = arith.subi %div3A_587, %sub3A_607 : i32
      %select_n3A_609 = arith.select %and3A_606, %sub3A_608, %div3A_587 : i32
      %jit3A_610 = arith.constant 64 : i32
      %eq3A_611 = arith.constant 0 : i32
      %eq3A_612 = arith.cmpi eq, %jit3A_610, %eq3A_611 : i32
      %jit3A_613 = arith.constant 1 : i32
      %select_n3A_614 = arith.select %eq3A_612, %jit3A_613, %jit3A_610 : i32
      %rem3A_615 = arith.remsi %scan3A_585, %select_n3A_614 : i32
      %ne3A_616 = arith.constant 0 : i32
      %ne3A_617 = arith.cmpi ne, %rem3A_615, %ne3A_616 : i32
      %lt3A_618 = arith.constant 0 : i32
      %lt3A_619 = arith.cmpi slt, %rem3A_615, %lt3A_618 : i32
      %lt3A_620 = arith.constant 0 : i32
      %lt3A_621 = arith.cmpi slt, %select_n3A_614, %lt3A_620 : i32
      %ne3A_622 = arith.xori %lt3A_619, %lt3A_621 : i1
      %and3A_623 = arith.andi %ne3A_622, %ne3A_617 : i1
      %add3A_624 = arith.addi %rem3A_615, %select_n3A_614 : i32
      %select_n3A_625 = arith.select %and3A_623, %add3A_624, %rem3A_615 : i32
      %mul3A_626 = arith.constant 16 : i32
      %mul3A_627 = arith.muli %select_n3A_625, %mul3A_626 : i32
      %get3A_628 = arith.index_cast %select_n3A_609 : i32 to index
      %get3A_629 = arith.index_cast %mul3A_627 : i32 to index
      %get3A_630 = tpu.vector_load %arg12[%get3A_628, %get3A_629] {strides = array<i32>} : memref<16x1024xf32, #tpu.memory_space<vmem>>, vector<1x16xf32>,
      %get3A_631 = vector.shape_cast %get3A_630 : vector<1x16xf32> to vector<16xf32>
      %swap3A_632 = arith.index_cast %select_n3A_609 : i32 to index
      %swap3A_633 = arith.index_cast %mul3A_627 : i32 to index
      %swap3A_634 = tpu.vector_load %arg9[%swap3A_632, %swap3A_633] {strides = array<i32>} : memref<16x1024xf32, #tpu.memory_space<vmem>>, vector<1x16xf32>,
      %swap3A_635 = vector.shape_cast %swap3A_634 : vector<1x16xf32> to vector<16xf32>
      %swap3A_636 = vector.shape_cast %get3A_631 : vector<16xf32> to vector<1x16xf32>
      tpu.vector_store %arg9[%swap3A_632, %swap3A_633], %swap3A_636 {add = true, strides = array<i32>} : memref<16x1024xf32, #tpu.memory_space<vmem>>, vector<1x16xf32>,
      %scan3A_637 = arith.constant 2 : i32
      %scan3A_638 = arith.addi %scan3A_544, %scan3A_637 : i32
      %jit3A_639 = arith.constant 64 : i32
      %div3A_640 = arith.divsi %scan3A_638, %jit3A_639 : i32
      %sign3A_641 = arith.constant 0 : i32
      %sign3A_642 = arith.cmpi sgt, %scan3A_638, %sign3A_641 : i32
      %sign3A_643 = arith.extui %sign3A_642 : i1 to i32
      %sign3A_644 = arith.constant 0 : i32
      %sign3A_645 = arith.cmpi slt, %scan3A_638, %sign3A_644 : i32
      %sign3A_646 = arith.extui %sign3A_645 : i1 to i32
      %sign3A_647 = arith.subi %sign3A_643, %sign3A_646 : i32
      %sign3A_648 = arith.constant 0 : i32
      %sign3A_649 = arith.cmpi sgt, %jit3A_639, %sign3A_648 : i32
      %sign3A_650 = arith.extui %sign3A_649 : i1 to i32
      %sign3A_651 = arith.constant 0 : i32
      %sign3A_652 = arith.cmpi slt, %jit3A_639, %sign3A_651 : i32
      %sign3A_653 = arith.extui %sign3A_652 : i1 to i32
      %sign3A_654 = arith.subi %sign3A_650, %sign3A_653 : i32
      %ne3A_655 = arith.cmpi ne, %sign3A_647, %sign3A_654 : i32
      %rem3A_656 = arith.remsi %scan3A_638, %jit3A_639 : i32
      %ne3A_657 = arith.constant 0 : i32
      %ne3A_658 = arith.cmpi ne, %rem3A_656, %ne3A_657 : i32
      %and3A_659 = arith.andi %ne3A_655, %ne3A_658 : i1
      %sub3A_660 = arith.constant 1 : i32
      %sub3A_661 = arith.subi %div3A_640, %sub3A_660 : i32
      %select_n3A_662 = arith.select %and3A_659, %sub3A_661, %div3A_640 : i32
      %jit3A_663 = arith.constant 64 : i32
      %eq3A_664 = arith.constant 0 : i32
      %eq3A_665 = arith.cmpi eq, %jit3A_663, %eq3A_664 : i32
      %jit3A_666 = arith.constant 1 : i32
      %select_n3A_667 = arith.select %eq3A_665, %jit3A_666, %jit3A_663 : i32
      %rem3A_668 = arith.remsi %scan3A_638, %select_n3A_667 : i32
      %ne3A_669 = arith.constant 0 : i32
      %ne3A_670 = arith.cmpi ne, %rem3A_668, %ne3A_669 : i32
      %lt3A_671 = arith.constant 0 : i32
      %lt3A_672 = arith.cmpi slt, %rem3A_668, %lt3A_671 : i32
      %lt3A_673 = arith.constant 0 : i32
      %lt3A_674 = arith.cmpi slt, %select_n3A_667, %lt3A_673 : i32
      %ne3A_675 = arith.xori %lt3A_672, %lt3A_674 : i1
      %and3A_676 = arith.andi %ne3A_675, %ne3A_670 : i1
      %add3A_677 = arith.addi %rem3A_668, %select_n3A_667 : i32
      %select_n3A_678 = arith.select %and3A_676, %add3A_677, %rem3A_668 : i32
      %mul3A_679 = arith.constant 16 : i32
      %mul3A_680 = arith.muli %select_n3A_678, %mul3A_679 : i32
      %get3A_681 = arith.index_cast %select_n3A_662 : i32 to index
      %get3A_682 = arith.index_cast %mul3A_680 : i32 to index
      %get3A_683 = tpu.vector_load %arg12[%get3A_681, %get3A_682] {strides = array<i32>} : memref<16x1024xf32, #tpu.memory_space<vmem>>, vector<1x16xf32>,
      %get3A_684 = vector.shape_cast %get3A_683 : vector<1x16xf32> to vector<16xf32>
      %swap3A_685 = arith.index_cast %select_n3A_662 : i32 to index
      %swap3A_686 = arith.index_cast %mul3A_680 : i32 to index
      %swap3A_687 = tpu.vector_load %arg9[%swap3A_685, %swap3A_686] {strides = array<i32>} : memref<16x1024xf32, #tpu.memory_space<vmem>>, vector<1x16xf32>,
      %swap3A_688 = vector.shape_cast %swap3A_687 : vector<1x16xf32> to vector<16xf32>
      %swap3A_689 = vector.shape_cast %get3A_684 : vector<16xf32> to vector<1x16xf32>
      tpu.vector_store %arg9[%swap3A_685, %swap3A_686], %swap3A_689 {add = true, strides = array<i32>} : memref<16x1024xf32, #tpu.memory_space<vmem>>, vector<1x16xf32>,
      %scan3A_690 = arith.constant 3 : i32
      %scan3A_691 = arith.addi %scan3A_544, %scan3A_690 : i32
      %jit3A_692 = arith.constant 64 : i32
      %div3A_693 = arith.divsi %scan3A_691, %jit3A_692 : i32
      %sign3A_694 = arith.constant 0 : i32
      %sign3A_695 = arith.cmpi sgt, %scan3A_691, %sign3A_694 : i32
      %sign3A_696 = arith.extui %sign3A_695 : i1 to i32
      %sign3A_697 = arith.constant 0 : i32
      %sign3A_698 = arith.cmpi slt, %scan3A_691, %sign3A_697 : i32
      %sign3A_699 = arith.extui %sign3A_698 : i1 to i32
      %sign3A_700 = arith.subi %sign3A_696, %sign3A_699 : i32
      %sign3A_701 = arith.constant 0 : i32
      %sign3A_702 = arith.cmpi sgt, %jit3A_692, %sign3A_701 : i32
      %sign3A_703 = arith.extui %sign3A_702 : i1 to i32
      %sign3A_704 = arith.constant 0 : i32
      %sign3A_705 = arith.cmpi slt, %jit3A_692, %sign3A_704 : i32
      %sign3A_706 = arith.extui %sign3A_705 : i1 to i32
      %sign3A_707 = arith.subi %sign3A_703, %sign3A_706 : i32
      %ne3A_708 = arith.cmpi ne, %sign3A_700, %sign3A_707 : i32
      %rem3A_709 = arith.remsi %scan3A_691, %jit3A_692 : i32
      %ne3A_710 = arith.constant 0 : i32
      %ne3A_711 = arith.cmpi ne, %rem3A_709, %ne3A_710 : i32
      %and3A_712 = arith.andi %ne3A_708, %ne3A_711 : i1
      %sub3A_713 = arith.constant 1 : i32
      %sub3A_714 = arith.subi %div3A_693, %sub3A_713 : i32
      %select_n3A_715 = arith.select %and3A_712, %sub3A_714, %div3A_693 : i32
      %jit3A_716 = arith.constant 64 : i32
      %eq3A_717 = arith.constant 0 : i32
      %eq3A_718 = arith.cmpi eq, %jit3A_716, %eq3A_717 : i32
      %jit3A_719 = arith.constant 1 : i32
      %select_n3A_720 = arith.select %eq3A_718, %jit3A_719, %jit3A_716 : i32
      %rem3A_721 = arith.remsi %scan3A_691, %select_n3A_720 : i32
      %ne3A_722 = arith.constant 0 : i32
      %ne3A_723 = arith.cmpi ne, %rem3A_721, %ne3A_722 : i32
      %lt3A_724 = arith.constant 0 : i32
      %lt3A_725 = arith.cmpi slt, %rem3A_721, %lt3A_724 : i32
      %lt3A_726 = arith.constant 0 : i32
      %lt3A_727 = arith.cmpi slt, %select_n3A_720, %lt3A_726 : i32
      %ne3A_728 = arith.xori %lt3A_725, %lt3A_727 : i1
      %and3A_729 = arith.andi %ne3A_728, %ne3A_723 : i1
      %add3A_730 = arith.addi %rem3A_721, %select_n3A_720 : i32
      %select_n3A_731 = arith.select %and3A_729, %add3A_730, %rem3A_721 : i32
      %mul3A_732 = arith.constant 16 : i32
      %mul3A_733 = arith.muli %select_n3A_731, %mul3A_732 : i32
      %get3A_734 = arith.index_cast %select_n3A_715 : i32 to index
      %get3A_735 = arith.index_cast %mul3A_733 : i32 to index
      %get3A_736 = tpu.vector_load %arg12[%get3A_734, %get3A_735] {strides = array<i32>} : memref<16x1024xf32, #tpu.memory_space<vmem>>, vector<1x16xf32>,
      %get3A_737 = vector.shape_cast %get3A_736 : vector<1x16xf32> to vector<16xf32>
      %swap3A_738 = arith.index_cast %select_n3A_715 : i32 to index
      %swap3A_739 = arith.index_cast %mul3A_733 : i32 to index
      %swap3A_740 = tpu.vector_load %arg9[%swap3A_738, %swap3A_739] {strides = array<i32>} : memref<16x1024xf32, #tpu.memory_space<vmem>>, vector<1x16xf32>,
      %swap3A_741 = vector.shape_cast %swap3A_740 : vector<1x16xf32> to vector<16xf32>
      %swap3A_742 = vector.shape_cast %get3A_737 : vector<16xf32> to vector<1x16xf32>
      tpu.vector_store %arg9[%swap3A_738, %swap3A_739], %swap3A_742 {add = true, strides = array<i32>} : memref<16x1024xf32, #tpu.memory_space<vmem>>, vector<1x16xf32>,
    }
    %scan3A_500 = arith.constant 1024 : i32
    %add3A_501 = arith.constant 4096 : i32
    %add3A_502 = arith.addi %add3A_501, %mul3A_2 : i32
    %add3A_503 = arith.constant 48 : i32
    %add3A_504 = arith.addi %add3A_502, %add3A_503 : i32
    %dma_start3A_505 = arith.constant 0 : i32
    %dma_start3A_506 = tpu.memref_slice %arg5[%add3A_504, %dma_start3A_505] : memref<8192x1024xf32, #tpu.memory_space<hbm>> -> memref<16x1024xf32, #tpu.memory_space<hbm>>
    %dma_start3A_507 = arith.constant 0 : i32
    %dma_start3A_508 = tpu.memref_slice %arg5[%add3A_504, %dma_start3A_507] : memref<8192x1024xf32, #tpu.memory_space<hbm>> -> memref<16x1024xf32, #tpu.memory_space<hbm>>
    tpu.enqueue_dma source(%arg9 : memref<16x1024xf32, #tpu.memory_space<vmem>>) target(%dma_start3A_508 : memref<16x1024xf32, #tpu.memory_space<hbm>>) target_semaphore(%arg19 : memref<!tpu.dma_semaphore, #tpu.memory_space<semaphore_mem>>)
    %dma_wait3A_509 = arith.constant 240 : i32
    %dma_wait3A_510 = tpu.memref_slice %arg6[%dma_wait3A_509] : memref<256xi32, #tpu.memory_space<vmem>> -> memref<16xi32, #tpu.memory_space<vmem>>
    %dma_wait3A_511 = arith.constant 0 : i32
    %dma_wait3A_512 = arith.constant 0 : i32
    %dma_wait3A_513 = tpu.memref_slice %arg3[%dma_wait3A_511, %dma_wait3A_512] : memref<100000x1024xf32, #tpu.memory_space<hbm>> -> memref<100000x1024xf32, #tpu.memory_space<hbm>>
    tpu.wait_indirect_dma semaphore(%arg16 : memref<!tpu.dma_semaphore, #tpu.memory_space<semaphore_mem>>) src(%dma_wait3A_513 : memref<100000x1024xf32, #tpu.memory_space<hbm>>) dst(%arg10 : memref<16x1024xf32, #tpu.memory_space<vmem>>)
    %scan3A_514 = arith.constant 0 : i32
    %scan3A_515 = arith.constant 0 : i32
    %scan3A_516 = arith.constant 1024 : i32
    %scan3A_517 = arith.addi %scan3A_515, %scan3A_516 : i32
    %scan3A_518 = arith.constant 4 : i32
    scf.for %scan3A_544 = %scan3A_515 to %scan3A_517 step %scan3A_518  : i32 {
      %jit3A = arith.constant 64 : i32
      %div3A = arith.divsi %scan3A_544, %jit3A : i32
      %sign3A = arith.constant 0 : i32
      %sign3A_545 = arith.cmpi sgt, %scan3A_544, %sign3A : i32
      %sign3A_546 = arith.extui %sign3A_545 : i1 to i32
      %sign3A_547 = arith.constant 0 : i32
      %sign3A_548 = arith.cmpi slt, %scan3A_544, %sign3A_547 : i32
      %sign3A_549 = arith.extui %sign3A_548 : i1 to i32
      %sign3A_550 = arith.subi %sign3A_546, %sign3A_549 : i32
      %sign3A_551 = arith.constant 0 : i32
      %sign3A_552 = arith.cmpi sgt, %jit3A, %sign3A_551 : i32
      %sign3A_553 = arith.extui %sign3A_552 : i1 to i32
      %sign3A_554 = arith.constant 0 : i32
      %sign3A_555 = arith.cmpi slt, %jit3A, %sign3A_554 : i32
      %sign3A_556 = arith.extui %sign3A_555 : i1 to i32
      %sign3A_557 = arith.subi %sign3A_553, %sign3A_556 : i32
      %ne3A = arith.cmpi ne, %sign3A_550, %sign3A_557 : i32
      %rem3A = arith.remsi %scan3A_544, %jit3A : i32
      %ne3A_558 = arith.constant 0 : i32
      %ne3A_559 = arith.cmpi ne, %rem3A, %ne3A_558 : i32
      %and3A = arith.andi %ne3A, %ne3A_559 : i1
      %sub3A = arith.constant 1 : i32
      %sub3A_560 = arith.subi %div3A, %sub3A : i32
      %select_n3A = arith.select %and3A, %sub3A_560, %div3A : i32
      %jit3A_561 = arith.constant 64 : i32
      %eq3A = arith.constant 0 : i32
      %eq3A_562 = arith.cmpi eq, %jit3A_561, %eq3A : i32
      %jit3A_563 = arith.constant 1 : i32
      %select_n3A_564 = arith.select %eq3A_562, %jit3A_563, %jit3A_561 : i32
      %rem3A_565 = arith.remsi %scan3A_544, %select_n3A_564 : i32
      %ne3A_566 = arith.constant 0 : i32
      %ne3A_567 = arith.cmpi ne, %rem3A_565, %ne3A_566 : i32
      %lt3A = arith.constant 0 : i32
      %lt3A_568 = arith.cmpi slt, %rem3A_565, %lt3A : i32
      %lt3A_569 = arith.constant 0 : i32
      %lt3A_570 = arith.cmpi slt, %select_n3A_564, %lt3A_569 : i32
      %ne3A_571 = arith.xori %lt3A_568, %lt3A_570 : i1
      %and3A_572 = arith.andi %ne3A_571, %ne3A_567 : i1
      %add3A_573 = arith.addi %rem3A_565, %select_n3A_564 : i32
      %select_n3A_574 = arith.select %and3A_572, %add3A_573, %rem3A_565 : i32
      %mul3A_575 = arith.constant 16 : i32
      %mul3A_576 = arith.muli %select_n3A_574, %mul3A_575 : i32
      %get3A = arith.index_cast %select_n3A : i32 to index
      %get3A_577 = arith.index_cast %mul3A_576 : i32 to index
      %get3A_578 = tpu.vector_load %arg12[%get3A, %get3A_577] {strides = array<i32>} : memref<16x1024xf32, #tpu.memory_space<vmem>>, vector<1x16xf32>,
      %get3A_579 = vector.shape_cast %get3A_578 : vector<1x16xf32> to vector<16xf32>
      %swap3A = arith.index_cast %select_n3A : i32 to index
      %swap3A_580 = arith.index_cast %mul3A_576 : i32 to index
      %swap3A_581 = tpu.vector_load %arg10[%swap3A, %swap3A_580] {strides = array<i32>} : memref<16x1024xf32, #tpu.memory_space<vmem>>, vector<1x16xf32>,
      %swap3A_582 = vector.shape_cast %swap3A_581 : vector<1x16xf32> to vector<16xf32>
      %swap3A_583 = vector.shape_cast %get3A_579 : vector<16xf32> to vector<1x16xf32>
      tpu.vector_store %arg10[%swap3A, %swap3A_580], %swap3A_583 {add = true, strides = array<i32>} : memref<16x1024xf32, #tpu.memory_space<vmem>>, vector<1x16xf32>,
      %scan3A_584 = arith.constant 1 : i32
      %scan3A_585 = arith.addi %scan3A_544, %scan3A_584 : i32
      %jit3A_586 = arith.constant 64 : i32
      %div3A_587 = arith.divsi %scan3A_585, %jit3A_586 : i32
      %sign3A_588 = arith.constant 0 : i32
      %sign3A_589 = arith.cmpi sgt, %scan3A_585, %sign3A_588 : i32
      %sign3A_590 = arith.extui %sign3A_589 : i1 to i32
      %sign3A_591 = arith.constant 0 : i32
      %sign3A_592 = arith.cmpi slt, %scan3A_585, %sign3A_591 : i32
      %sign3A_593 = arith.extui %sign3A_592 : i1 to i32
      %sign3A_594 = arith.subi %sign3A_590, %sign3A_593 : i32
      %sign3A_595 = arith.constant 0 : i32
      %sign3A_596 = arith.cmpi sgt, %jit3A_586, %sign3A_595 : i32
      %sign3A_597 = arith.extui %sign3A_596 : i1 to i32
      %sign3A_598 = arith.constant 0 : i32
      %sign3A_599 = arith.cmpi slt, %jit3A_586, %sign3A_598 : i32
      %sign3A_600 = arith.extui %sign3A_599 : i1 to i32
      %sign3A_601 = arith.subi %sign3A_597, %sign3A_600 : i32
      %ne3A_602 = arith.cmpi ne, %sign3A_594, %sign3A_601 : i32
      %rem3A_603 = arith.remsi %scan3A_585, %jit3A_586 : i32
      %ne3A_604 = arith.constant 0 : i32
      %ne3A_605 = arith.cmpi ne, %rem3A_603, %ne3A_604 : i32
      %and3A_606 = arith.andi %ne3A_602, %ne3A_605 : i1
      %sub3A_607 = arith.constant 1 : i32
      %sub3A_608 = arith.subi %div3A_587, %sub3A_607 : i32
      %select_n3A_609 = arith.select %and3A_606, %sub3A_608, %div3A_587 : i32
      %jit3A_610 = arith.constant 64 : i32
      %eq3A_611 = arith.constant 0 : i32
      %eq3A_612 = arith.cmpi eq, %jit3A_610, %eq3A_611 : i32
      %jit3A_613 = arith.constant 1 : i32
      %select_n3A_614 = arith.select %eq3A_612, %jit3A_613, %jit3A_610 : i32
      %rem3A_615 = arith.remsi %scan3A_585, %select_n3A_614 : i32
      %ne3A_616 = arith.constant 0 : i32
      %ne3A_617 = arith.cmpi ne, %rem3A_615, %ne3A_616 : i32
      %lt3A_618 = arith.constant 0 : i32
      %lt3A_619 = arith.cmpi slt, %rem3A_615, %lt3A_618 : i32
      %lt3A_620 = arith.constant 0 : i32
      %lt3A_621 = arith.cmpi slt, %select_n3A_614, %lt3A_620 : i32
      %ne3A_622 = arith.xori %lt3A_619, %lt3A_621 : i1
      %and3A_623 = arith.andi %ne3A_622, %ne3A_617 : i1
      %add3A_624 = arith.addi %rem3A_615, %select_n3A_614 : i32
      %select_n3A_625 = arith.select %and3A_623, %add3A_624, %rem3A_615 : i32
      %mul3A_626 = arith.constant 16 : i32
      %mul3A_627 = arith.muli %select_n3A_625, %mul3A_626 : i32
      %get3A_628 = arith.index_cast %select_n3A_609 : i32 to index
      %get3A_629 = arith.index_cast %mul3A_627 : i32 to index
      %get3A_630 = tpu.vector_load %arg12[%get3A_628, %get3A_629] {strides = array<i32>} : memref<16x1024xf32, #tpu.memory_space<vmem>>, vector<1x16xf32>,
      %get3A_631 = vector.shape_cast %get3A_630 : vector<1x16xf32> to vector<16xf32>
      %swap3A_632 = arith.index_cast %select_n3A_609 : i32 to index
      %swap3A_633 = arith.index_cast %mul3A_627 : i32 to index
      %swap3A_634 = tpu.vector_load %arg10[%swap3A_632, %swap3A_633] {strides = array<i32>} : memref<16x1024xf32, #tpu.memory_space<vmem>>, vector<1x16xf32>,
      %swap3A_635 = vector.shape_cast %swap3A_634 : vector<1x16xf32> to vector<16xf32>
      %swap3A_636 = vector.shape_cast %get3A_631 : vector<16xf32> to vector<1x16xf32>
      tpu.vector_store %arg10[%swap3A_632, %swap3A_633], %swap3A_636 {add = true, strides = array<i32>} : memref<16x1024xf32, #tpu.memory_space<vmem>>, vector<1x16xf32>,
      %scan3A_637 = arith.constant 2 : i32
      %scan3A_638 = arith.addi %scan3A_544, %scan3A_637 : i32
      %jit3A_639 = arith.constant 64 : i32
      %div3A_640 = arith.divsi %scan3A_638, %jit3A_639 : i32
      %sign3A_641 = arith.constant 0 : i32
      %sign3A_642 = arith.cmpi sgt, %scan3A_638, %sign3A_641 : i32
      %sign3A_643 = arith.extui %sign3A_642 : i1 to i32
      %sign3A_644 = arith.constant 0 : i32
      %sign3A_645 = arith.cmpi slt, %scan3A_638, %sign3A_644 : i32
      %sign3A_646 = arith.extui %sign3A_645 : i1 to i32
      %sign3A_647 = arith.subi %sign3A_643, %sign3A_646 : i32
      %sign3A_648 = arith.constant 0 : i32
      %sign3A_649 = arith.cmpi sgt, %jit3A_639, %sign3A_648 : i32
      %sign3A_650 = arith.extui %sign3A_649 : i1 to i32
      %sign3A_651 = arith.constant 0 : i32
      %sign3A_652 = arith.cmpi slt, %jit3A_639, %sign3A_651 : i32
      %sign3A_653 = arith.extui %sign3A_652 : i1 to i32
      %sign3A_654 = arith.subi %sign3A_650, %sign3A_653 : i32
      %ne3A_655 = arith.cmpi ne, %sign3A_647, %sign3A_654 : i32
      %rem3A_656 = arith.remsi %scan3A_638, %jit3A_639 : i32
      %ne3A_657 = arith.constant 0 : i32
      %ne3A_658 = arith.cmpi ne, %rem3A_656, %ne3A_657 : i32
      %and3A_659 = arith.andi %ne3A_655, %ne3A_658 : i1
      %sub3A_660 = arith.constant 1 : i32
      %sub3A_661 = arith.subi %div3A_640, %sub3A_660 : i32
      %select_n3A_662 = arith.select %and3A_659, %sub3A_661, %div3A_640 : i32
      %jit3A_663 = arith.constant 64 : i32
      %eq3A_664 = arith.constant 0 : i32
      %eq3A_665 = arith.cmpi eq, %jit3A_663, %eq3A_664 : i32
      %jit3A_666 = arith.constant 1 : i32
      %select_n3A_667 = arith.select %eq3A_665, %jit3A_666, %jit3A_663 : i32
      %rem3A_668 = arith.remsi %scan3A_638, %select_n3A_667 : i32
      %ne3A_669 = arith.constant 0 : i32
      %ne3A_670 = arith.cmpi ne, %rem3A_668, %ne3A_669 : i32
      %lt3A_671 = arith.constant 0 : i32
      %lt3A_672 = arith.cmpi slt, %rem3A_668, %lt3A_671 : i32
      %lt3A_673 = arith.constant 0 : i32
      %lt3A_674 = arith.cmpi slt, %select_n3A_667, %lt3A_673 : i32
      %ne3A_675 = arith.xori %lt3A_672, %lt3A_674 : i1
      %and3A_676 = arith.andi %ne3A_675, %ne3A_670 : i1
      %add3A_677 = arith.addi %rem3A_668, %select_n3A_667 : i32
      %select_n3A_678 = arith.select %and3A_676, %add3A_677, %rem3A_668 : i32
      %mul3A_679 = arith.constant 16 : i32
      %mul3A_680 = arith.muli %select_n3A_678, %mul3A_679 : i32
      %get3A_681 = arith.index_cast %select_n3A_662 : i32 to index
      %get3A_682 = arith.index_cast %mul3A_680 : i32 to index
      %get3A_683 = tpu.vector_load %arg12[%get3A_681, %get3A_682] {strides = array<i32>} : memref<16x1024xf32, #tpu.memory_space<vmem>>, vector<1x16xf32>,
      %get3A_684 = vector.shape_cast %get3A_683 : vector<1x16xf32> to vector<16xf32>
      %swap3A_685 = arith.index_cast %select_n3A_662 : i32 to index
      %swap3A_686 = arith.index_cast %mul3A_680 : i32 to index
      %swap3A_687 = tpu.vector_load %arg10[%swap3A_685, %swap3A_686] {strides = array<i32>} : memref<16x1024xf32, #tpu.memory_space<vmem>>, vector<1x16xf32>,
      %swap3A_688 = vector.shape_cast %swap3A_687 : vector<1x16xf32> to vector<16xf32>
      %swap3A_689 = vector.shape_cast %get3A_684 : vector<16xf32> to vector<1x16xf32>
      tpu.vector_store %arg10[%swap3A_685, %swap3A_686], %swap3A_689 {add = true, strides = array<i32>} : memref<16x1024xf32, #tpu.memory_space<vmem>>, vector<1x16xf32>,
      %scan3A_690 = arith.constant 3 : i32
      %scan3A_691 = arith.addi %scan3A_544, %scan3A_690 : i32
      %jit3A_692 = arith.constant 64 : i32
      %div3A_693 = arith.divsi %scan3A_691, %jit3A_692 : i32
      %sign3A_694 = arith.constant 0 : i32
      %sign3A_695 = arith.cmpi sgt, %scan3A_691, %sign3A_694 : i32
      %sign3A_696 = arith.extui %sign3A_695 : i1 to i32
      %sign3A_697 = arith.constant 0 : i32
      %sign3A_698 = arith.cmpi slt, %scan3A_691, %sign3A_697 : i32
      %sign3A_699 = arith.extui %sign3A_698 : i1 to i32
      %sign3A_700 = arith.subi %sign3A_696, %sign3A_699 : i32
      %sign3A_701 = arith.constant 0 : i32
      %sign3A_702 = arith.cmpi sgt, %jit3A_692, %sign3A_701 : i32
      %sign3A_703 = arith.extui %sign3A_702 : i1 to i32
      %sign3A_704 = arith.constant 0 : i32
      %sign3A_705 = arith.cmpi slt, %jit3A_692, %sign3A_704 : i32
      %sign3A_706 = arith.extui %sign3A_705 : i1 to i32
      %sign3A_707 = arith.subi %sign3A_703, %sign3A_706 : i32
      %ne3A_708 = arith.cmpi ne, %sign3A_700, %sign3A_707 : i32
      %rem3A_709 = arith.remsi %scan3A_691, %jit3A_692 : i32
      %ne3A_710 = arith.constant 0 : i32
      %ne3A_711 = arith.cmpi ne, %rem3A_709, %ne3A_710 : i32
      %and3A_712 = arith.andi %ne3A_708, %ne3A_711 : i1
      %sub3A_713 = arith.constant 1 : i32
      %sub3A_714 = arith.subi %div3A_693, %sub3A_713 : i32
      %select_n3A_715 = arith.select %and3A_712, %sub3A_714, %div3A_693 : i32
      %jit3A_716 = arith.constant 64 : i32
      %eq3A_717 = arith.constant 0 : i32
      %eq3A_718 = arith.cmpi eq, %jit3A_716, %eq3A_717 : i32
      %jit3A_719 = arith.constant 1 : i32
      %select_n3A_720 = arith.select %eq3A_718, %jit3A_719, %jit3A_716 : i32
      %rem3A_721 = arith.remsi %scan3A_691, %select_n3A_720 : i32
      %ne3A_722 = arith.constant 0 : i32
      %ne3A_723 = arith.cmpi ne, %rem3A_721, %ne3A_722 : i32
      %lt3A_724 = arith.constant 0 : i32
      %lt3A_725 = arith.cmpi slt, %rem3A_721, %lt3A_724 : i32
      %lt3A_726 = arith.constant 0 : i32
      %lt3A_727 = arith.cmpi slt, %select_n3A_720, %lt3A_726 : i32
      %ne3A_728 = arith.xori %lt3A_725, %lt3A_727 : i1
      %and3A_729 = arith.andi %ne3A_728, %ne3A_723 : i1
      %add3A_730 = arith.addi %rem3A_721, %select_n3A_720 : i32
      %select_n3A_731 = arith.select %and3A_729, %add3A_730, %rem3A_721 : i32
      %mul3A_732 = arith.constant 16 : i32
      %mul3A_733 = arith.muli %select_n3A_731, %mul3A_732 : i32
      %get3A_734 = arith.index_cast %select_n3A_715 : i32 to index
      %get3A_735 = arith.index_cast %mul3A_733 : i32 to index
      %get3A_736 = tpu.vector_load %arg12[%get3A_734, %get3A_735] {strides = array<i32>} : memref<16x1024xf32, #tpu.memory_space<vmem>>, vector<1x16xf32>,
      %get3A_737 = vector.shape_cast %get3A_736 : vector<1x16xf32> to vector<16xf32>
      %swap3A_738 = arith.index_cast %select_n3A_715 : i32 to index
      %swap3A_739 = arith.index_cast %mul3A_733 : i32 to index
      %swap3A_740 = tpu.vector_load %arg10[%swap3A_738, %swap3A_739] {strides = array<i32>} : memref<16x1024xf32, #tpu.memory_space<vmem>>, vector<1x16xf32>,
      %swap3A_741 = vector.shape_cast %swap3A_740 : vector<1x16xf32> to vector<16xf32>
      %swap3A_742 = vector.shape_cast %get3A_737 : vector<16xf32> to vector<1x16xf32>
      tpu.vector_store %arg10[%swap3A_738, %swap3A_739], %swap3A_742 {add = true, strides = array<i32>} : memref<16x1024xf32, #tpu.memory_space<vmem>>, vector<1x16xf32>,
    }
    %scan3A_519 = arith.constant 1024 : i32
    %add3A_520 = arith.constant 6144 : i32
    %add3A_521 = arith.addi %add3A_520, %mul3A_2 : i32
    %add3A_522 = arith.constant 48 : i32
    %add3A_523 = arith.addi %add3A_521, %add3A_522 : i32
    %dma_start3A_524 = arith.constant 0 : i32
    %dma_start3A_525 = tpu.memref_slice %arg5[%add3A_523, %dma_start3A_524] : memref<8192x1024xf32, #tpu.memory_space<hbm>> -> memref<16x1024xf32, #tpu.memory_space<hbm>>
    %dma_start3A_526 = arith.constant 0 : i32
    %dma_start3A_527 = tpu.memref_slice %arg5[%add3A_523, %dma_start3A_526] : memref<8192x1024xf32, #tpu.memory_space<hbm>> -> memref<16x1024xf32, #tpu.memory_space<hbm>>
    tpu.enqueue_dma source(%arg10 : memref<16x1024xf32, #tpu.memory_space<vmem>>) target(%dma_start3A_527 : memref<16x1024xf32, #tpu.memory_space<hbm>>) target_semaphore(%arg20 : memref<!tpu.dma_semaphore, #tpu.memory_space<semaphore_mem>>)
    %dma_wait3A_528 = arith.constant 0 : i32
    %dma_wait3A_529 = tpu.memref_slice %arg5[%add3A_457, %dma_wait3A_528] : memref<8192x1024xf32, #tpu.memory_space<hbm>> -> memref<16x1024xf32, #tpu.memory_space<hbm>>
    %dma_wait3A_530 = arith.constant 0 : i32
    %dma_wait3A_531 = tpu.memref_slice %arg5[%add3A_457, %dma_wait3A_530] : memref<8192x1024xf32, #tpu.memory_space<hbm>> -> memref<16x1024xf32, #tpu.memory_space<hbm>>
    tpu.wait_dma2 semaphore(%arg17 : memref<!tpu.dma_semaphore, #tpu.memory_space<semaphore_mem>>) src(%arg7 : memref<16x1024xf32, #tpu.memory_space<vmem>>) dst(%dma_wait3A_531 : memref<16x1024xf32, #tpu.memory_space<hbm>>)
    %dma_wait3A_532 = arith.constant 0 : i32
    %dma_wait3A_533 = tpu.memref_slice %arg5[%add3A_485, %dma_wait3A_532] : memref<8192x1024xf32, #tpu.memory_space<hbm>> -> memref<16x1024xf32, #tpu.memory_space<hbm>>
    %dma_wait3A_534 = arith.constant 0 : i32
    %dma_wait3A_535 = tpu.memref_slice %arg5[%add3A_485, %dma_wait3A_534] : memref<8192x1024xf32, #tpu.memory_space<hbm>> -> memref<16x1024xf32, #tpu.memory_space<hbm>>
    tpu.wait_dma2 semaphore(%arg18 : memref<!tpu.dma_semaphore, #tpu.memory_space<semaphore_mem>>) src(%arg8 : memref<16x1024xf32, #tpu.memory_space<vmem>>) dst(%dma_wait3A_535 : memref<16x1024xf32, #tpu.memory_space<hbm>>)
    %dma_wait3A_536 = arith.constant 0 : i32
    %dma_wait3A_537 = tpu.memref_slice %arg5[%add3A_504, %dma_wait3A_536] : memref<8192x1024xf32, #tpu.memory_space<hbm>> -> memref<16x1024xf32, #tpu.memory_space<hbm>>
    %dma_wait3A_538 = arith.constant 0 : i32
    %dma_wait3A_539 = tpu.memref_slice %arg5[%add3A_504, %dma_wait3A_538] : memref<8192x1024xf32, #tpu.memory_space<hbm>> -> memref<16x1024xf32, #tpu.memory_space<hbm>>
    tpu.wait_dma2 semaphore(%arg19 : memref<!tpu.dma_semaphore, #tpu.memory_space<semaphore_mem>>) src(%arg9 : memref<16x1024xf32, #tpu.memory_space<vmem>>) dst(%dma_wait3A_539 : memref<16x1024xf32, #tpu.memory_space<hbm>>)
    %dma_wait3A_540 = arith.constant 0 : i32
    %dma_wait3A_541 = tpu.memref_slice %arg5[%add3A_523, %dma_wait3A_540] : memref<8192x1024xf32, #tpu.memory_space<hbm>> -> memref<16x1024xf32, #tpu.memory_space<hbm>>
    %dma_wait3A_542 = arith.constant 0 : i32
    %dma_wait3A_543 = tpu.memref_slice %arg5[%add3A_523, %dma_wait3A_542] : memref<8192x1024xf32, #tpu.memory_space<hbm>> -> memref<16x1024xf32, #tpu.memory_space<hbm>>
    tpu.wait_dma2 semaphore(%arg20 : memref<!tpu.dma_semaphore, #tpu.memory_space<semaphore_mem>>) src(%arg10 : memref<16x1024xf32, #tpu.memory_space<vmem>>) dst(%dma_wait3A_543 : memref<16x1024xf32, #tpu.memory_space<hbm>>)
    return
  }
}

</mosaic_0001>

<sc_bundles>
// kernel: kernel.3.cloned.1.call-start
scs
__scs_entry_jumppad:
0x0: {  	(pc) =	sbr.rel $0x88, $3  }
0x1: {  	(tag) =	ssettag $0x0;
	lr =	simm.s32 $0x1  }
0x2: {  	[smem:$0x3F9E] =	sst lr;
	_ =	strace $0xD0000000  }
0x3: {  	_ = 	snop  }
0x4: {  	_ = 	snop  }
0x5: {  	_ = 	snop  }
0x6: {  	_ = 	snop  }
0x7: {  	_ = 	snop  }
__scs_overlays_trampoline_lowered:
0x8: {  	[smem:$0x3FAD] =	sst s0  }
0x9: {  	[smem:$0x3FAE] =	sst s1  }
0xa: {  	[smem:$0x3FAF] =	sst s2  }
0xb: {  	[smem:$0x3FB0] =	sst s3  }
0xc: {  	[smem:$0x3FB1] =	sst s4  }
0xd: {  	[smem:$0x3FB2] =	sst s5  }
0xe: {  	[smem:$0x3FB3] =	sst s6  }
0xf: {  	[smem:$0x3FB4] =	sst s7  }
0x10: {  	[smem:$0x3FB5] =	sst s8  }
0x11: {  	[smem:$0x3FB6] =	sst s9;
	s0 =	simm.s32 @!p0 $0x0  }
0x12: {  	s1 =	sld [smem:$0x3F9C];
	s0 =	simm.s32 @p0 $0x1  }
0x13: {  	[smem:$0x3FB7] =	sst s0;
	s0 =	simm.s32 @!p1 $0x0  }
0x14: {  	s2 =	sld [smem:$0x3F9B];
	s0 =	simm.s32 @p1 $0x1  }
0x15: {  	[smem:$0x3FB8] =	sst s0;
	s0 =	simm.s32 @!p2 $0x0  }
0x16: {  	s3 =	sld [smem:$0x3FDB];
	s0 =	simm.s32 @p2 $0x1  }
0x17: {  	s4 =	simm.s32 $0x1BF5;
	[smem:$0x3FBA] =	sst s0  }
0x18: {  	s0 =	sld [smem:$0x3F9D];
	_ =	swait.ge [sflag:s4], $0x0  }
0x19: {  	s7 =	sld [smem:$0x3F9E]  }
0x1a: {  	s8 =	sadd.s32 $0xFFFFE003, lr  }
0x1b: {  	s9 =	sadd.s32 $0xFFFFFEF7, lr;
	s5 =	simm.s32 $0xFFFFFFFF;
	p2 =	slt.u32 s8, $0xFFFFF086  }
0x1c: {  	p1 =	slt.u32 s9, $0xF7A;
	s5 =	simm.s32 @!p2 $0x0  }
0x1d: {  	s5 =	simm.s32 @p1 $0x1;
	p0 =	seq.s32 s7, s2  }
0x1e: {  	s7 =	smul.u32 @!p0 $0xF7A, s2;
	p2 =	seq.s32 @!p0 s5, $0x0  }
0x1f: {  	s9 =	smul.u32 $0xF7A, s1;
	s8 =	simm.s32 @!p0 $0x1BF5;
	p2 =	por !p2, p0  }
0x20: {  	[sflag:s8] =	ssyncset.s32 @!p0 $0xFFFFF086;
	s6 =	sadd.s32 @!p0 s3, s7;
	s7 =	simm.s32 @!p0 $0x108  }
0x21: {  	s3 =	sadd.s32 s3, s9;
	s6 =	sadd.s32 @!p0 $0x88, s6;
	s7 =	simm.s32 @p2 $0x1082  }
0x22: {  	[simem:s7], [sflag:s8] =	dma.local @!p0 [hbm:s6], $0xF7A  }
0x23: {  	s9 =	sor.u32 $0xD0000000, s2;
	s6 =	simm.s32 $0x108;
	_ =	swait.ge @!p0 [sflag:s8], $0x0  }
0x24: {  	s3 =	sadd.s32 $0x88, s3;
	s6 =	simm.s32 @!p1 $0x1082;
	[sflag:s4] =	ssyncset.s32 $0xFFFFF086  }
0x25: {  	[simem:s6], [sflag:s4] =	dma.local [hbm:s3], $0xF7A  }
0x26: {  	[smem:$0x3F9E] =	sst s1;
	(tag) =	ssettag s2;
	_ =	strace s9  }
0x27: {  	s1 =	sld [smem:$0x3FAE]  }
0x28: {  	s2 =	sld [smem:$0x3FAF]  }
0x29: {  	s4 =	sld [smem:$0x3FB1]  }
0x2a: {  	p0 =	seq.s32 s5, $0x0;
	s5 =	sld [smem:$0x3FB2]  }
0x2b: {  	s6 =	sld [smem:$0x3FB3]  }
0x2c: {  	s7 =	sld [smem:$0x3FB4]  }
0x2d: {  	s3 =	simm.s32 $0x108;
	s8 =	sld [smem:$0x3FB5]  }
0x2e: {  	s3 =	simm.s32 @!p0 $0x1082;
	s9 =	sld [smem:$0x3FB6]  }
0x2f: {  	lr =	sadd.s32 s0, s3;
	s0 =	sld [smem:$0x3FAD]  }
0x30: {  	s3 =	sld [smem:$0x3FB0]  }
0x31: {  	[smem:$0x3FB9] =	sst s10  }
0x32: {  	s10 =	sld [smem:$0x3FB7];
	_ =	sdelay $0x3  }
0x33: {  	p0 =	seq.s32 s10, $0x1;
	s10 =	sld [smem:$0x3FB9];
	_ =	sdelay $0x3  }
0x34: {  	[smem:$0x3FB9] =	sst s10  }
0x35: {  	s10 =	sld [smem:$0x3FB8];
	_ =	sdelay $0x3  }
0x36: {  	p1 =	seq.s32 s10, $0x1;
	s10 =	sld [smem:$0x3FB9];
	_ =	sdelay $0x3  }
0x37: {  	[smem:$0x3FB9] =	sst s10  }
0x38: {  	s10 =	sld [smem:$0x3FBA]  }
0x39: {  	_ = 	snop;
	(pc) =	sbr.ind lr, $3  }
0x3a: {  	_ = 	snop  }
0x3b: {  	_ = 	snop  }
0x3c: {  	p2 =	seq.s32 s10, $0x1;
	s10 =	sld [smem:$0x3FB9]  }
0x3d: {  	_ =	shalt  }
0x3e: {  	_ =	shalt  }
0x3f: {  	_ =	shalt  }
0x40: {  	_ =	shalt  }
0x41: {  	_ =	shalt  }
0x42: {  	_ =	shalt  }
0x43: {  	_ =	shalt  }
0x44: {  	_ =	shalt  }
0x45: {  	_ =	shalt  }
0x46: {  	_ =	shalt  }
0x47: {  	_ =	shalt  }
0x48: {  	_ =	shalt  }
0x49: {  	_ =	shalt  }
0x4a: {  	_ =	shalt  }
0x4b: {  	_ =	shalt  }
0x4c: {  	_ =	shalt  }
0x4d: {  	_ =	shalt  }
0x4e: {  	_ =	shalt  }
0x4f: {  	_ =	shalt  }
0x50: {  	_ =	shalt  }
0x51: {  	_ =	shalt  }
0x52: {  	_ =	shalt  }
0x53: {  	_ =	shalt  }
0x54: {  	_ =	shalt  }
0x55: {  	_ =	shalt  }
0x56: {  	_ =	shalt  }
0x57: {  	_ =	shalt  }
0x58: {  	_ =	shalt  }
0x59: {  	_ =	shalt  }
0x5a: {  	_ =	shalt  }
0x5b: {  	_ =	shalt  }
0x5c: {  	_ =	shalt  }
0x5d: {  	_ =	shalt  }
0x5e: {  	_ =	shalt  }
0x5f: {  	_ =	shalt  }
0x60: {  	_ =	shalt  }
0x61: {  	_ =	shalt  }
0x62: {  	_ =	shalt  }
0x63: {  	_ =	shalt  }
0x64: {  	_ =	shalt  }
0x65: {  	_ =	shalt  }
0x66: {  	_ =	shalt  }
0x67: {  	_ =	shalt  }
0x68: {  	_ =	shalt  }
0x69: {  	_ =	shalt  }
0x6a: {  	_ =	shalt  }
0x6b: {  	_ =	shalt  }
0x6c: {  	_ =	shalt  }
0x6d: {  	_ =	shalt  }
0x6e: {  	_ =	shalt  }
0x6f: {  	_ =	shalt  }
0x70: {  	_ =	shalt  }
0x71: {  	_ =	shalt  }
0x72: {  	_ =	shalt  }
0x73: {  	_ =	shalt  }
0x74: {  	_ =	shalt  }
0x75: {  	_ =	shalt  }
0x76: {  	_ =	shalt  }
0x77: {  	_ =	shalt  }
0x78: {  	_ =	shalt  }
0x79: {  	_ =	shalt  }
0x7a: {  	_ =	shalt  }
0x7b: {  	_ =	shalt  }
0x7c: {  	_ =	shalt  }
0x7d: {  	_ =	shalt  }
0x7e: {  	_ =	shalt  }
0x7f: {  	_ =	shalt  }
0x80: {  	_ =	shalt  }
0x81: {  	_ =	shalt  }
0x82: {  	_ =	shalt  }
0x83: {  	_ =	shalt  }
0x84: {  	_ =	shalt  }
0x85: {  	_ =	shalt  }
0x86: {  	_ =	shalt  }
0x87: {  	_ =	shalt  }
.Lfunc_end0:
.L_simem_size_0:
called_computation_lowered:
.L_overlay_start_0:
0x88: {  	s2 =	sld [smem:$0x3FD9]  }
0x89: {  	s3 =	sld [smem:$0x3FFE];
	_ =	sdelay $0x1  }
0x8a: {  	s1 =	srdreg.scid  }
0x8b: {  	s0 =	sand.u32 $0x1, s1  }
0x8c: {  	s17 =	sshll.u32 s0, $0xA;
	s2 =	sadd.s32 s3, s2  }
0x8d: {  	s2 =	sadd.s32 s2, s17  }
0x8e: {  	[smem:$0x3FC5] =	sst s2  }
0x8f: {  	_ = 	snop  }
0x90: {  	s2 =	sld [smem:$0x3FC8]  }
0x91: {  	s18 =	sld [smem:$0x3FC7]  }
0x92: {  	s4 =	sld [smem:$0x3FD0];
	(tm) =	ssettm $0x1  }
0x93: {  	s5 =	sld [smem:$0x3FFB];
	_ =	sdelay $0x3  }
0x94: {  	_ =	strace s5  }
0x95: {  	s5 =	sld [smem:$0x3FFC];
	_ =	sdelay $0x3  }
0x96: {  	_ =	strace s5  }
0x97: {  	s5 =	sld [smem:$0x3FFD];
	_ =	sdelay $0x3  }
0x98: {  	_ =	strace s5  }
0x99: {  	_ =	strace $0x8FFFFFFF  }
0x9a: {  	s19 =	sld [smem:$0x3FDB];
	_ =	sdelay $0x1  }
0x9b: {  	s6 =	simm.s32 $_scs_section_size  }
0x9c: {  	s7 =	simm.s32 $_size__tile_overlayer_lowered;
	s8 =	simm.s32 $_tile_overlayer_lowered  }
0x9d: {  	s22 =	simm.s32 $0x1BFF;
	s21 =	sshll.u32 s8, $0x1;
	s5 =	sadd.s32 s6, s19  }
0x9e: {  	s9 =	simm.s32 $0x0;
	s20 =	sshll.u32 s7, $0x1;
	s7 =	sadd.s32 s21, s5  }
0x9f: {  	[timem:s9], [sflag:s22] =	dma.local [hbm:s7], s20  }
0xa0: {  	_ =	swait.ge [sflag:s22], s20  }
0xa1: {  	s6 =	ssub.s32 $0x0, s20;
	[sflag:s22] =	ssyncset.done $0x0  }
0xa2: {  	[sflag:s22] =	ssyncadd.s32 s6;
	_ =	sdelay $0x1  }
0xa3: {  	s23 =	simm.s32 $0x1B8B  }
0xa4: {  	_ =	swait.ge [sflag:s23], $0x1  }
0xa5: {  	[sflag:s23] =	ssyncset.done $0x0  }
0xa6: {  	s25 =	simm.s32 $0x1B8E;
	s24 =	sld [smem:$0x3FFE];
	[sflag:s23] =	ssyncadd.s32 $0xFFFFFFFF  }
0xa7: {  	s26 =	simm.s32 $execute0_lowered;
	[smem:$0x3FD2] =	sst s25  }
0xa8: {  	s7 =	sshll.u32 s26, $0x1;
	_ =	strace $0x80000046;
	[dreg:$0x1] =	wrdreg $0xFFFFFFFF  }
0xa9: {  	s28 =	simm.s32 $_size_execute0_lowered;
	s5 =	sadd.s32 s5, s7;
	[dreg:$0x0] =	wrdreg $0x0  }
0xaa: {  	s7 =	sshll.u32 s28, $0x1;
	[dreg:$0x2] =	wrdreg s5  }
0xab: {  	[dreg:$0x3] =	wrdreg s7  }
0xac: {  	[dreg:$0x4] =	wrdreg $0xC0  }
0xad: {  	_ =	task [dreg:s9], $0x5FFFF  }
0xae: {  	[dreg:$0x1] =	wrdreg $0xFFFFFFFF  }
0xaf: {  	[dreg:$0x0] =	wrdreg $0x60  }
0xb0: {  	[dreg:$0x2] =	wrdreg s24  }
0xb1: {  	[dreg:$0x3] =	wrdreg s2  }
0xb2: {  	[dreg:$0x4] =	wrdreg s18  }
0xb3: {  	[dreg:$0x5] =	wrdreg s4  }
0xb4: {  	[dreg:$0x6] =	wrdreg $0x9  }
0xb5: {  	_ =	task.clear_ibuf [dreg:s9], $0x7FFFF;
	_ =	strace $0x90000046  }
0xb6: {  	s29 =	simm.s32 $0x9;
	_ =	strace $0x80000048  }
0xb7: {  	_ =	swait.ge [sflag:s29], $0x1  }
0xb8: {  	[sflag:s29] =	ssyncadd.s32 $0xFFFFFFFF  }
0xb9: {  	_ =	strace $0x90000048  }
0xba: {  	_ =	sfence  }
0xbb: {  	s30 =	sld [smem:$0x0];
	_ =	sdelay $0x2  }
0xbc: {  	s31 =	sshll.u32 s1, $0xD;
	s1 =	sshrl.u32 s1, $0x2  }
0xbd: {  	s3 =	sand.u32 $0x4000, s31;
	s1 =	sadd.s32 s1, s30  }
0xbe: {  	s0 =	sor.u32 s3, s0;
	s1 =	sshll.u32 s1, $0x11  }
0xbf: {  	s0 =	sor.u32 s1, s0  }
0xc0: {  	s0 =	sadd.s32 $0x8F2B, s0  }
0xc1: {  	[sflag:s0] =	ssyncadd.remote.s32 $0x1  }
0xc2: {  	_ =	sfence.sel $0xFFFF  }
0xc3: {  	[dreg:$0x0] =	wrdreg $0xFFFFFFFF;
	(pc) =	sbr.abs _section_cstart, $3  }
0xc4: {  	[dreg:$0x1] =	wrdreg $0xFFFFFFFF  }
0xc5: {  	_ =	task.clear_ibuf [dreg:s9], $0x2FFFF;
	_ =	strace $0x9FFFFFFF  }
0xc6: {  	(tm) =	ssettm $0x7FFFFFFF  }
0xc7: {  	_ =	shalt  }
tec
execute0_lowered:
.L_overlay_start_1:
0x0: {  	(tag) =	ssettag $0x1  }
0x1: {  	s0 =	rddreg [dreg:$0x0]  }
0x2: {  	s1 =	rddreg [dreg:$0x1]  }
0x3: {  	s2 =	rddreg [dreg:$0x2]  }
0x4: {  	s4 =	rddreg [dreg:$0x3];
	s3 =	simm.s32 $0x0;
	s5 =	srdreg.scid  }
0x5: {  	s6 =	stileid.u32;
	s28 =	simm.s32 $0xA;
	s5 =	sand.u32 $0x1, s5  }
0x6: {  	s29 =	simm.s32 $0x0;
	s6 =	sshll.u32 s6, $0x7;
	s7 =	sshll.u32 s5, $0x6  }
0x7: {  	[smem:$0x7FF] =	sst s3;
	s0 =	sadd.s32 $0x400, s0;
	s6 =	sor.u32 s7, s6  }
0x8: {  	_ =	strace $0x80000047;
	s8 =	sshll.u32 s6, $0x7;
	s9 =	sshrl.u32 s6, $0x3  }
0x9: {  	s24 =	sor.u32 $0x800, s6;
	s12 =	sor.u32 $0x1000, s6;
	s22 =	sadd.s32 s2, s8  }
0xa: {  	s6 =	sor.u32 $0x1800, s6;
	s23 =	sadd.s32 s0, s9;
	[dreg:$0x5] =	wrdreg s22  }
0xb: {  	s25 =	sshrl.u32 s24, $0x3;
	s31 =	sadd.s32 s4, s8;
	[dreg:$0x6] =	wrdreg s23  }
0xc: {  	s10 =	sshrl.u32 s12, $0x3;
	s9 =	sadd.s32 s0, s25;
	[dreg:$0xb] =	wrdreg s31  }
0xd: {  	s11 =	sshrl.u32 s6, $0x3;
	s26 =	sadd.s32 s0, s10;
	[dreg:$0x7] =	wrdreg s9  }
0xe: {  	s30 =	sor.u32 $0x800, s8;
	s0 =	sadd.s32 s0, s11;
	[dreg:$0x8] =	wrdreg s26  }
0xf: {  	s7 =	sshll.u32 s24, $0x7;
	s13 =	sadd.s32 s2, s30;
	[dreg:$0x9] =	wrdreg s0  }
0x10: {  	s6 =	sshll.u32 s6, $0x7;
	s7 =	sadd.s32 s4, s7;
	[dreg:$0xa] =	wrdreg s13  }
0x11: {  	s15 =	sor.u32 $0x1000, s8;
	s6 =	sadd.s32 s4, s6;
	[dreg:$0xc] =	wrdreg s7  }
0x12: {  	s5 =	ssub.s32 $0x2, s5;
	s16 =	sadd.s32 s2, s15;
	[dreg:$0xe] =	wrdreg s6  }
0x13: {  	s21 =	sshrl.u32 s5, $0x1;
	s17 =	sadd.s32 $0x40800, s31;
	[dreg:$0xf] =	wrdreg s16  }
0x14: {  	s19 =	sor.u32 $0x1800, s8;
	s18 =	sadd.s32 $0x80800, s31;
	[dreg:$0x11] =	wrdreg s17  }
0x15: {  	s5 =	ssub.s32 s5, s21;
	s2 =	sadd.s32 s2, s19;
	[dreg:$0x12] =	wrdreg s18  }
0x16: {  	s14 =	sshll.u32 s12, $0x7;
	s20 =	sadd.s32 s4, s15;
	[dreg:$0x13] =	wrdreg s2  }
0x17: {  	s10 =	sadd.s32 $0x200, s1;
	s21 =	sadd.s32 $0xC0800, s31;
	[dreg:$0x14] =	wrdreg s20  }
0x18: {  	s11 =	sadd.s32 $0x300, s1;
	s22 =	smax.u32 s5, $0x1;
	[dreg:$0x16] =	wrdreg s21  }
0x19: {  	s23 =	sadd.s32 $0x41000, s31;
	s24 =	sadd.s32 $0x81000, s31;
	[dreg:$0x17] =	wrdreg s22  }
0x1a: {  	s25 =	sadd.s32 $0xC1000, s31;
	s5 =	simm.s32 $0x100;
	[dreg:$0x18] =	wrdreg s23  }
0x1b: {  	s9 =	sadd.s32 $0x100, s1;
	s7 =	sadd.s32 s4, s14;
	[dreg:$0x19] =	wrdreg s24  }
0x1c: {  	s0 =	sadd.s32 s4, s30;
	[dreg:$0x1a] =	wrdreg s25;
	s26 =	sadd.s32 $0x41800, s31  }
0x1d: {  	s30 =	sadd.s32 $0x81800, s31;
	s31 =	sadd.s32 $0xC1800, s31;
	s16 =	simm.s32 $0x4100  }
0x1e: {  	s25 =	simm.s32 $0x8100;
	s13 =	simm.s32 $0x1;
	s6 =	simm.s32 $0x9  }
0x1f: {  	s17 =	simm.s32 $0xF100;
	s18 =	simm.s32 $0xF900;
	[dreg:$0xd] =	wrdreg s7  }
0x20: {  	s20 =	simm.s32 $0x5;
	s21 =	simm.s32 $0x3;
	[dreg:$0x10] =	wrdreg s0  }
0x21: {  	s22 =	simm.s32 $0x6;
	s23 =	simm.s32 $0x4;
	[dreg:$0x1b] =	wrdreg s26  }
0x22: {  	v2 =	vlaneseq.u32;
	s24 =	simm.s32 $0x8;
	s0 =	sadd.s32 s4, s19;
	[dreg:$0x1c] =	wrdreg s30  }
0x23: {  	vm0 =	vmmov $0xffff;
	v1 =	vshrl.u32 v2, $0x3;
	[dreg:$0x1d] =	wrdreg s31;
	s4 =	simm.s32 $0xB;
	s7 =	simm.s32 $0xC100  }
0x24: {  	v0 =	vand.u32 $0x7, v2;
	v2 =	vor.u32 $0x8, v2;
	v1 =	vmul.u32 $0x8, v1;
	s19 =	simm.s32 $0x2;
	s26 =	simm.s32 $0x7;
	[dreg:$0x15] =	wrdreg s0  }
.LBB2_1:
0x25: {  	s0 =	rddreg [dreg:$0x5];
	s2 =	simm.s32 $0x10100  }
0x26: {  	[tilespmem:s2], [sflag:$0x9] =	stream.linear.gather [hbm4b:s0+s3], $0x4000, $0x38;
	[tilespmem:$0x18100] =	vst v63  }
0x27: {  	s2 =	rddreg [dreg:$0x6]  }
0x28: {  	[tilespmem:s3], [sflag:$0xB] =	stream.linear.gather [hbm4b:s2+s3], $0x40, $0x38;
	[tilespmem:$0x18100] =	vst v63  }
0x29: {  	s8 =	rddreg [dreg:$0x7];
	s12 =	simm.s32 $0x40  }
0x2a: {  	[tilespmem:s12], [sflag:$0xB] =	stream.linear.gather [hbm4b:s8+s3], $0x40, $0x38;
	[tilespmem:$0x18100] =	vst v63  }
0x2b: {  	s14 =	rddreg [dreg:$0x8];
	s15 =	simm.s32 $0x80  }
0x2c: {  	[tilespmem:s15], [sflag:$0xB] =	stream.linear.gather [hbm4b:s14+s3], $0x40, $0x38;
	[tilespmem:$0x18100] =	vst v63  }
0x2d: {  	s8 =	rddreg [dreg:$0x9];
	s12 =	simm.s32 $0xC0  }
0x2e: {  	[tilespmem:s12], [sflag:$0xB] =	stream.linear.gather [hbm4b:s8+s3], $0x40, $0x38;
	[tilespmem:$0x18100] =	vst v63  }
0x2f: {  	_ =	swait.ge [sflag:s4], $0x40  }
0x30: {  	[sflag:s4] =	ssyncset.done $0x0  }
0x31: {  	[sflag:s4] =	ssyncadd.s32 $0xFFFFFFC0  }
0x32: {  	_ =	swait.ge [sflag:s4], $0x40  }
0x33: {  	[sflag:s4] =	ssyncset.done $0x0  }
0x34: {  	[sflag:s4] =	ssyncadd.s32 $0xFFFFFFC0  }
0x35: {  	_ =	swait.ge [sflag:s4], $0x40  }
0x36: {  	[sflag:s4] =	ssyncset.done $0x0  }
0x37: {  	[sflag:s4] =	ssyncadd.s32 $0xFFFFFFC0  }
0x38: {  	_ =	swait.ge [sflag:s4], $0x40  }
0x39: {  	[sflag:s4] =	ssyncset.done $0x0  }
0x3a: {  	[sflag:s4] =	ssyncadd.s32 $0xFFFFFFC0  }
0x3b: {  	v3 =	vld [tilespmem:$0x0];
	_ =	sdelay $0x4  }
0x3c: {  	v4 =	vshll.u32 v3, $0x3  }
0x3d: {  	v3 =	vand.u32 $0x7, v3;
	v4 =	vand.u32 $0xFFFFFFC0, v4  }
0x3e: {  	v3 =	vor.u32 v3, v4  }
0x3f: {  	v4 =	vperm.xlane v3, v0;
	_ =	sdelay $0x1  }
0x40: {  	v4 =	vadd.s32 v1, v4;
	_ =	sdelay $0x4  }
0x41: {  	[tilespmem:s5], [sflag:$0x1] =	stream.indirect_vreg.gather [hbm4b:s1+s3], $0x80, v4, vm0, $0xb8;
	[tilespmem:$0x18100] =	vst v63  }
0x42: {  	s14 =	simm.s32 $0x900;
	v3 =	vperm.xlane v3, v2  }
0x43: {  	[tilespmem:s14], [sflag:$0x1] =	stream.indirect_vreg.gather [hbm4b:s9+s3], $0x80, v4, vm0, $0xb8;
	[tilespmem:$0x18100] =	vst v63  }
0x44: {  	s15 =	simm.s32 $0x1100;
	v3 =	vadd.s32 v1, v3  }
0x45: {  	[tilespmem:s15], [sflag:$0x1] =	stream.indirect_vreg.gather [hbm4b:s10+s3], $0x80, v4, vm0, $0xb8;
	[tilespmem:$0x18100] =	vst v63  }
0x46: {  	s2 =	simm.s32 $0x1900  }
0x47: {  	[tilespmem:s2], [sflag:$0x1] =	stream.indirect_vreg.gather [hbm4b:s11+s3], $0x80, v4, vm0, $0xb8;
	[tilespmem:$0x18100] =	vst v63  }
0x48: {  	s8 =	simm.s32 $0x2100  }
0x49: {  	[tilespmem:s8], [sflag:$0x1] =	stream.indirect_vreg.gather [hbm4b:s1+s3], $0x80, v3, vm0, $0xb8;
	[tilespmem:$0x18100] =	vst v63  }
0x4a: {  	s12 =	simm.s32 $0x2900  }
0x4b: {  	[tilespmem:s12], [sflag:$0x1] =	stream.indirect_vreg.gather [hbm4b:s9+s3], $0x80, v3, vm0, $0xb8;
	[tilespmem:$0x18100] =	vst v63  }
0x4c: {  	s14 =	simm.s32 $0x3100  }
0x4d: {  	[tilespmem:s14], [sflag:$0x1] =	stream.indirect_vreg.gather [hbm4b:s10+s3], $0x80, v3, vm0, $0xb8;
	[tilespmem:$0x18100] =	vst v63  }
0x4e: {  	s15 =	simm.s32 $0x3900  }
0x4f: {  	[tilespmem:s15], [sflag:$0x1] =	stream.indirect_vreg.gather [hbm4b:s11+s3], $0x80, v3, vm0, $0xb8;
	[tilespmem:$0x18100] =	vst v63  }
0x50: {  	v3 =	vld [tilespmem:$0x40];
	_ =	sdelay $0x4  }
0x51: {  	v4 =	vshll.u32 v3, $0x3  }
0x52: {  	v3 =	vand.u32 $0x7, v3;
	v4 =	vand.u32 $0xFFFFFFC0, v4  }
0x53: {  	v3 =	vor.u32 v3, v4  }
0x54: {  	v4 =	vperm.xlane v3, v0;
	_ =	sdelay $0x1  }
0x55: {  	v4 =	vadd.s32 v1, v4;
	_ =	sdelay $0x4  }
0x56: {  	[tilespmem:s16], [sflag:$0x2] =	stream.indirect_vreg.gather [hbm4b:s1+s3], $0x80, v4, vm0, $0xb8;
	[tilespmem:$0x18100] =	vst v63  }
0x57: {  	s2 =	simm.s32 $0x4900;
	v3 =	vperm.xlane v3, v2  }
0x58: {  	[tilespmem:s2], [sflag:$0x2] =	stream.indirect_vreg.gather [hbm4b:s9+s3], $0x80, v4, vm0, $0xb8;
	[tilespmem:$0x18100] =	vst v63  }
0x59: {  	s8 =	simm.s32 $0x5100;
	v3 =	vadd.s32 v1, v3  }
0x5a: {  	[tilespmem:s8], [sflag:$0x2] =	stream.indirect_vreg.gather [hbm4b:s10+s3], $0x80, v4, vm0, $0xb8;
	[tilespmem:$0x18100] =	vst v63  }
0x5b: {  	s12 =	simm.s32 $0x5900  }
0x5c: {  	[tilespmem:s12], [sflag:$0x2] =	stream.indirect_vreg.gather [hbm4b:s11+s3], $0x80, v4, vm0, $0xb8;
	[tilespmem:$0x18100] =	vst v63  }
0x5d: {  	s14 =	simm.s32 $0x6100  }
0x5e: {  	[tilespmem:s14], [sflag:$0x2] =	stream.indirect_vreg.gather [hbm4b:s1+s3], $0x80, v3, vm0, $0xb8;
	[tilespmem:$0x18100] =	vst v63  }
0x5f: {  	s15 =	simm.s32 $0x6900  }
0x60: {  	[tilespmem:s15], [sflag:$0x2] =	stream.indirect_vreg.gather [hbm4b:s9+s3], $0x80, v3, vm0, $0xb8;
	[tilespmem:$0x18100] =	vst v63  }
0x61: {  	s2 =	simm.s32 $0x7100  }
0x62: {  	[tilespmem:s2], [sflag:$0x2] =	stream.indirect_vreg.gather [hbm4b:s10+s3], $0x80, v3, vm0, $0xb8;
	[tilespmem:$0x18100] =	vst v63  }
0x63: {  	s8 =	simm.s32 $0x7900  }
0x64: {  	[tilespmem:s8], [sflag:$0x2] =	stream.indirect_vreg.gather [hbm4b:s11+s3], $0x80, v3, vm0, $0xb8;
	[tilespmem:$0x18100] =	vst v63  }
0x65: {  	s12 =	rddreg [dreg:$0xa];
	s14 =	simm.s32 $0x14100  }
0x66: {  	[tilespmem:s14], [sflag:$0xA] =	stream.linear.gather [hbm4b:s12+s3], $0x4000, $0x38;
	[tilespmem:$0x18100] =	vst v63  }
0x67: {  	v3 =	vld [tilespmem:$0x80];
	_ =	sdelay $0x4  }
0x68: {  	v4 =	vshll.u32 v3, $0x3  }
0x69: {  	v3 =	vand.u32 $0x7, v3;
	v4 =	vand.u32 $0xFFFFFFC0, v4  }
0x6a: {  	v3 =	vor.u32 v3, v4  }
0x6b: {  	v4 =	vperm.xlane v3, v0;
	_ =	sdelay $0x1  }
0x6c: {  	v4 =	vadd.s32 v1, v4;
	_ =	sdelay $0x4  }
0x6d: {  	[tilespmem:s25], [sflag:$0x3] =	stream.indirect_vreg.gather [hbm4b:s1+s3], $0x80, v4, vm0, $0xb8;
	[tilespmem:$0x18100] =	vst v63  }
0x6e: {  	s15 =	simm.s32 $0x8900;
	v3 =	vperm.xlane v3, v2  }
0x6f: {  	[tilespmem:s15], [sflag:$0x3] =	stream.indirect_vreg.gather [hbm4b:s9+s3], $0x80, v4, vm0, $0xb8;
	[tilespmem:$0x18100] =	vst v63  }
0x70: {  	s2 =	simm.s32 $0x9100;
	v3 =	vadd.s32 v1, v3  }
0x71: {  	[tilespmem:s2], [sflag:$0x3] =	stream.indirect_vreg.gather [hbm4b:s10+s3], $0x80, v4, vm0, $0xb8;
	[tilespmem:$0x18100] =	vst v63  }
0x72: {  	s8 =	simm.s32 $0x9900  }
0x73: {  	[tilespmem:s8], [sflag:$0x3] =	stream.indirect_vreg.gather [hbm4b:s11+s3], $0x80, v4, vm0, $0xb8;
	[tilespmem:$0x18100] =	vst v63  }
0x74: {  	s12 =	simm.s32 $0xA100  }
0x75: {  	[tilespmem:s12], [sflag:$0x3] =	stream.indirect_vreg.gather [hbm4b:s1+s3], $0x80, v3, vm0, $0xb8;
	[tilespmem:$0x18100] =	vst v63  }
0x76: {  	s14 =	simm.s32 $0xA900  }
0x77: {  	[tilespmem:s14], [sflag:$0x3] =	stream.indirect_vreg.gather [hbm4b:s9+s3], $0x80, v3, vm0, $0xb8;
	[tilespmem:$0x18100] =	vst v63  }
0x78: {  	s15 =	simm.s32 $0xB100  }
0x79: {  	[tilespmem:s15], [sflag:$0x3] =	stream.indirect_vreg.gather [hbm4b:s10+s3], $0x80, v3, vm0, $0xb8;
	[tilespmem:$0x18100] =	vst v63  }
0x7a: {  	s2 =	simm.s32 $0xB900  }
0x7b: {  	[tilespmem:s2], [sflag:$0x3] =	stream.indirect_vreg.gather [hbm4b:s11+s3], $0x80, v3, vm0, $0xb8;
	[tilespmem:$0x18100] =	vst v63  }
0x7c: {  	s8 =	simm.s32 $0x0;
	_ =	swait.ge [sflag:s13], $0x4000  }
0x7d: {  	s0 =	sand.u32 $0x2000, s8;
	[sflag:s13] =	ssyncset.done $0x0  }
0x7e: {  	s8 =	simm.s32 $0x0;
	s12 =	sand.u32 $0x1C00, s3;
	[sflag:s13] =	ssyncadd.s32 $0xFFFFC000  }
0x7f: {  	s0 =	sor.u32 s12, s0;
	s14 =	sand.u32 $0x380, s8;
	_ =	swait.ge [sflag:s6], $0x4000  }
0x80: {  	s0 =	sor.u32 s14, s0;
	s15 =	sand.u32 $0x40, s3;
	[sflag:s6] =	ssyncset.done $0x0  }
0x81: {  	s31 =	sor.u32 s15, s0;
	[sflag:s6] =	ssyncadd.s32 $0xFFFFC000  }
0x82: {  	v4 =	vld [tilespmem:s31+$0x10130]  }
0x83: {  	v5 =	vld [tilespmem:s31+$0x10100]  }
0x84: {  	v6 =	vld [tilespmem:s31+$0x10110]  }
0x85: {  	s30 =	simm.s32 $0x200;
	s2 =	simm.s32 $0x40  }
0x86: {  	s12 =	simm.s32 $0x8;
	s8 =	sand.u32 $0x1C00, s30;
	s0 =	sand.u32 $0x2000, s2;
	v3 =	vld [tilespmem:s31+$0x10120]  }
0x87: {  	s14 =	sand.u32 $0x380, s12;
	s0 =	sor.u32 s8, s0;
	s8 =	simm.s32 $0x40;
	[tilespmem:s31+$0x130] =	vst.add.f32.msk $0xffff, v4  }
0x88: {  	s0 =	sor.u32 s14, s0;
	s15 =	sand.u32 $0x40, s8;
	[tilespmem:s31+$0x100] =	vst.add.f32.msk $0xffff, v5  }
0x89: {  	s0 =	sor.u32 s15, s0;
	[tilespmem:s31+$0x110] =	vst.add.f32.msk $0xffff, v6  }
0x8a: {  	v5 =	vld [tilespmem:s0+$0x10130]  }
0x8b: {  	s2 =	simm.s32 $0x4;
	v4 =	vld [tilespmem:s0+$0x10100]  }
.LBB2_2:
0x8c: {  	s2 =	sadd.s32 $0x4, s2;
	v6 =	vld [tilespmem:s0+$0x10110];
	s30 =	sadd.s32 $0x200, s30  }
0x8d: {  	s8 =	sadd.s32 $0x40, s8;
	s12 =	sshll.u32 s2, $0x4;
	p0 =	slt.u32 s2, $0x3FC;
	v7 =	vld [tilespmem:s0+$0x10120]  }
0x8e: {  	s14 =	sand.u32 $0x1C00, s30;
	s15 =	sshll.u32 s2, $0x1;
	s12 =	sand.u32 $0x2000, s12;
	[tilespmem:s31+$0x120] =	vst.add.f32.msk $0xffff, v3  }
.Ltmp0:
0x8f: {  	s12 =	sor.u32 s14, s12;
	s14 =	sand.u32 $0x380, s15;
	[tilespmem:s0+$0x130] =	vst.add.f32.msk $0xffff, v5;
	(pc) =	sbr.rel @p0 .LBB2_2-.Ltmp0, $4  }
0x90: {  	s31 =	smov.u32 s0;
	s15 =	sand.u32 $0x40, s8;
	s12 =	sor.u32 s14, s12;
	[tilespmem:s0+$0x100] =	vst.add.f32.msk $0xffff, v4  }
0x91: {  	s0 =	sor.u32 s15, s12;
	[tilespmem:s31+$0x110] =	vst.add.f32.msk $0xffff, v6  }
0x92: {  	v5 =	vld [tilespmem:s0+$0x10130];
	v3 =	vmov v7  }
0x93: {  	v4 =	vld [tilespmem:s0+$0x10100]  }
0x94: {  	v6 =	vld [tilespmem:s0+$0x10110]  }
0x95: {  	v7 =	vld [tilespmem:s0+$0x10120]  }
0x96: {  	[tilespmem:s31+$0x120] =	vst.add.f32.msk $0xffff, v3  }
0x97: {  	[tilespmem:s0+$0x130] =	vst.add.f32.msk $0xffff, v5  }
0x98: {  	[tilespmem:s0+$0x100] =	vst.add.f32.msk $0xffff, v4  }
0x99: {  	[tilespmem:s0+$0x110] =	vst.add.f32.msk $0xffff, v6  }
0x9a: {  	s2 =	rddreg [dreg:$0xb];
	[tilespmem:s0+$0x120] =	vst.add.f32.msk $0xffff, v7;
	s0 =	simm.s32 $0x0  }
0x9b: {  	[hbm4b:s2+s0] =	stream.linear.scatter [tilespmem:s5], [sflag:$0x5], $0x4000, $0x38;
	[tilespmem:$0x18100] =	vst v63  }
0x9c: {  	v3 =	vld [tilespmem:$0xC0];
	_ =	sdelay $0x4  }
0x9d: {  	v4 =	vshll.u32 v3, $0x3  }
0x9e: {  	v3 =	vand.u32 $0x7, v3;
	v4 =	vand.u32 $0xFFFFFFC0, v4  }
0x9f: {  	v3 =	vor.u32 v3, v4  }
0xa0: {  	v4 =	vperm.xlane v3, v0;
	_ =	sdelay $0x1  }
0xa1: {  	v4 =	vadd.s32 v1, v4;
	_ =	sdelay $0x4  }
0xa2: {  	[tilespmem:s7], [sflag:$0x4] =	stream.indirect_vreg.gather [hbm4b:s1+s0], $0x80, v4, vm0, $0xb8;
	[tilespmem:$0x18100] =	vst v63  }
0xa3: {  	s12 =	simm.s32 $0xC900;
	v3 =	vperm.xlane v3, v2  }
0xa4: {  	[tilespmem:s12], [sflag:$0x4] =	stream.indirect_vreg.gather [hbm4b:s9+s0], $0x80, v4, vm0, $0xb8;
	[tilespmem:$0x18100] =	vst v63  }
0xa5: {  	s14 =	simm.s32 $0xD100;
	v3 =	vadd.s32 v1, v3  }
0xa6: {  	[tilespmem:s14], [sflag:$0x4] =	stream.indirect_vreg.gather [hbm4b:s10+s0], $0x80, v4, vm0, $0xb8;
	[tilespmem:$0x18100] =	vst v63  }
0xa7: {  	s15 =	simm.s32 $0xD900  }
0xa8: {  	[tilespmem:s15], [sflag:$0x4] =	stream.indirect_vreg.gather [hbm4b:s11+s0], $0x80, v4, vm0, $0xb8;
	[tilespmem:$0x18100] =	vst v63  }
0xa9: {  	s8 =	simm.s32 $0xE100  }
0xaa: {  	[tilespmem:s8], [sflag:$0x4] =	stream.indirect_vreg.gather [hbm4b:s1+s0], $0x80, v3, vm0, $0xb8;
	[tilespmem:$0x18100] =	vst v63  }
0xab: {  	s12 =	simm.s32 $0xE900  }
0xac: {  	[tilespmem:s12], [sflag:$0x4] =	stream.indirect_vreg.gather [hbm4b:s9+s0], $0x80, v3, vm0, $0xb8;
	[tilespmem:$0x18100] =	vst v63  }
0xad: {  	s14 =	simm.s32 $0x0  }
0xae: {  	[tilespmem:s17], [sflag:$0x4] =	stream.indirect_vreg.gather [hbm4b:s10+s0], $0x80, v3, vm0, $0xb8;
	[tilespmem:$0x18100] =	vst v63  }
0xaf: {  	s2 =	sand.u32 $0x2000, s14;
	s8 =	sand.u32 $0x1C00, s0;
	s12 =	simm.s32 $0x0  }
0xb0: {  	[tilespmem:s18], [sflag:$0x4] =	stream.indirect_vreg.gather [hbm4b:s11+s0], $0x80, v3, vm0, $0xb8;
	[tilespmem:$0x18100] =	vst v63  }
0xb1: {  	s2 =	sor.u32 s8, s2;
	s15 =	sand.u32 $0x380, s12;
	_ =	swait.ge [sflag:s19], $0x4000  }
0xb2: {  	s2 =	sor.u32 s15, s2;
	s0 =	sand.u32 $0x40, s0;
	[sflag:s19] =	ssyncset.done $0x0  }
0xb3: {  	s31 =	sor.u32 s0, s2;
	[sflag:s19] =	ssyncadd.s32 $0xFFFFC000  }
0xb4: {  	v4 =	vld [tilespmem:s31+$0x10130]  }
0xb5: {  	v5 =	vld [tilespmem:s31+$0x10100]  }
0xb6: {  	v6 =	vld [tilespmem:s31+$0x10110]  }
0xb7: {  	s30 =	simm.s32 $0x200;
	s2 =	simm.s32 $0x40  }
0xb8: {  	s8 =	sand.u32 $0x1C00, s30;
	s12 =	simm.s32 $0x8;
	s0 =	sand.u32 $0x2000, s2;
	v3 =	vld [tilespmem:s31+$0x10120]  }
0xb9: {  	s14 =	sand.u32 $0x380, s12;
	s0 =	sor.u32 s8, s0;
	s8 =	simm.s32 $0x40;
	[tilespmem:s31+$0x4130] =	vst.add.f32.msk $0xffff, v4  }
0xba: {  	s15 =	sand.u32 $0x40, s8;
	s0 =	sor.u32 s14, s0;
	[tilespmem:s31+$0x4100] =	vst.add.f32.msk $0xffff, v5  }
0xbb: {  	s0 =	sor.u32 s15, s0;
	[tilespmem:s31+$0x4110] =	vst.add.f32.msk $0xffff, v6  }
0xbc: {  	v5 =	vld [tilespmem:s0+$0x10130]  }
0xbd: {  	s2 =	simm.s32 $0x4;
	v4 =	vld [tilespmem:s0+$0x10100]  }
.LBB2_4:
0xbe: {  	s2 =	sadd.s32 $0x4, s2;
	v6 =	vld [tilespmem:s0+$0x10110];
	s30 =	sadd.s32 $0x200, s30  }
0xbf: {  	s8 =	sadd.s32 $0x40, s8;
	s12 =	sshll.u32 s2, $0x4;
	p0 =	slt.u32 s2, $0x3FC;
	v7 =	vld [tilespmem:s0+$0x10120]  }
0xc0: {  	s14 =	sand.u32 $0x1C00, s30;
	s15 =	sshll.u32 s2, $0x1;
	s12 =	sand.u32 $0x2000, s12;
	[tilespmem:s31+$0x4120] =	vst.add.f32.msk $0xffff, v3  }
.Ltmp1:
0xc1: {  	s12 =	sor.u32 s14, s12;
	s14 =	sand.u32 $0x380, s15;
	[tilespmem:s0+$0x4130] =	vst.add.f32.msk $0xffff, v5;
	(pc) =	sbr.rel @p0 .LBB2_4-.Ltmp1, $4  }
0xc2: {  	s31 =	smov.u32 s0;
	s15 =	sand.u32 $0x40, s8;
	s12 =	sor.u32 s14, s12;
	[tilespmem:s0+$0x4100] =	vst.add.f32.msk $0xffff, v4  }
0xc3: {  	s0 =	sor.u32 s15, s12;
	[tilespmem:s31+$0x4110] =	vst.add.f32.msk $0xffff, v6  }
0xc4: {  	v5 =	vld [tilespmem:s0+$0x10130];
	v3 =	vmov v7  }
0xc5: {  	v4 =	vld [tilespmem:s0+$0x10100]  }
0xc6: {  	v6 =	vld [tilespmem:s0+$0x10110]  }
0xc7: {  	v7 =	vld [tilespmem:s0+$0x10120]  }
0xc8: {  	[tilespmem:s31+$0x4120] =	vst.add.f32.msk $0xffff, v3  }
0xc9: {  	[tilespmem:s0+$0x4130] =	vst.add.f32.msk $0xffff, v5  }
0xca: {  	[tilespmem:s0+$0x4100] =	vst.add.f32.msk $0xffff, v4  }
0xcb: {  	[tilespmem:s0+$0x4110] =	vst.add.f32.msk $0xffff, v6  }
0xcc: {  	s2 =	rddreg [dreg:$0xc];
	[tilespmem:s0+$0x4120] =	vst.add.f32.msk $0xffff, v7;
	s0 =	simm.s32 $0x0  }
0xcd: {  	[hbm4b:s2+s0] =	stream.linear.scatter [tilespmem:s16], [sflag:$0x6], $0x4000, $0x38;
	[tilespmem:$0x18100] =	vst v63  }
0xce: {  	_ =	swait.ge [sflag:s20], $0x4000  }
0xcf: {  	[sflag:s20] =	ssyncset.done $0x0  }
0xd0: {  	[sflag:s20] =	ssyncadd.s32 $0xFFFFC000  }
0xd1: {  	v3 =	vld [tilespmem:$0x10];
	_ =	sdelay $0x4  }
0xd2: {  	v4 =	vshll.u32 v3, $0x3  }
0xd3: {  	v3 =	vand.u32 $0x7, v3;
	v4 =	vand.u32 $0xFFFFFFC0, v4  }
0xd4: {  	v3 =	vor.u32 v3, v4  }
0xd5: {  	v4 =	vperm.xlane v3, v0;
	_ =	sdelay $0x1  }
0xd6: {  	v4 =	vadd.s32 v1, v4;
	_ =	sdelay $0x4  }
0xd7: {  	[tilespmem:s5], [sflag:$0x1] =	stream.indirect_vreg.gather [hbm4b:s1+s0], $0x80, v4, vm0, $0xb8;
	[tilespmem:$0x18100] =	vst v63  }
0xd8: {  	s15 =	simm.s32 $0x900;
	v3 =	vperm.xlane v3, v2  }
0xd9: {  	[tilespmem:s15], [sflag:$0x1] =	stream.indirect_vreg.gather [hbm4b:s9+s0], $0x80, v4, vm0, $0xb8;
	[tilespmem:$0x18100] =	vst v63  }
0xda: {  	s8 =	simm.s32 $0x1100;
	v3 =	vadd.s32 v1, v3  }
0xdb: {  	[tilespmem:s8], [sflag:$0x1] =	stream.indirect_vreg.gather [hbm4b:s10+s0], $0x80, v4, vm0, $0xb8;
	[tilespmem:$0x18100] =	vst v63  }
0xdc: {  	s12 =	simm.s32 $0x1900  }
0xdd: {  	[tilespmem:s12], [sflag:$0x1] =	stream.indirect_vreg.gather [hbm4b:s11+s0], $0x80, v4, vm0, $0xb8;
	[tilespmem:$0x18100] =	vst v63  }
0xde: {  	s14 =	simm.s32 $0x2100  }
0xdf: {  	[tilespmem:s14], [sflag:$0x1] =	stream.indirect_vreg.gather [hbm4b:s1+s0], $0x80, v3, vm0, $0xb8;
	[tilespmem:$0x18100] =	vst v63  }
0xe0: {  	s15 =	simm.s32 $0x2900  }
0xe1: {  	[tilespmem:s15], [sflag:$0x1] =	stream.indirect_vreg.gather [hbm4b:s9+s0], $0x80, v3, vm0, $0xb8;
	[tilespmem:$0x18100] =	vst v63  }
0xe2: {  	s8 =	simm.s32 $0x3100  }
0xe3: {  	[tilespmem:s8], [sflag:$0x1] =	stream.indirect_vreg.gather [hbm4b:s10+s0], $0x80, v3, vm0, $0xb8;
	[tilespmem:$0x18100] =	vst v63  }
0xe4: {  	s12 =	simm.s32 $0x3900;
	s14 =	simm.s32 $0x0  }
0xe5: {  	[tilespmem:s12], [sflag:$0x1] =	stream.indirect_vreg.gather [hbm4b:s11+s0], $0x80, v3, vm0, $0xb8;
	[tilespmem:$0x18100] =	vst v63  }
0xe6: {  	s2 =	sand.u32 $0x2000, s14;
	s8 =	sand.u32 $0x1C00, s0;
	s12 =	simm.s32 $0x0  }
0xe7: {  	s2 =	sor.u32 s8, s2;
	_ =	swait.ge [sflag:s21], $0x4000;
	s15 =	sand.u32 $0x380, s12  }
0xe8: {  	s0 =	sand.u32 $0x40, s0;
	[sflag:s21] =	ssyncset.done $0x0;
	s2 =	sor.u32 s15, s2  }
0xe9: {  	[sflag:s21] =	ssyncadd.s32 $0xFFFFC000;
	s31 =	sor.u32 s0, s2  }
0xea: {  	v4 =	vld [tilespmem:s31+$0x10130]  }
0xeb: {  	v5 =	vld [tilespmem:s31+$0x10100]  }
0xec: {  	v6 =	vld [tilespmem:s31+$0x10110]  }
0xed: {  	s30 =	simm.s32 $0x200;
	s2 =	simm.s32 $0x40  }
0xee: {  	s8 =	sand.u32 $0x1C00, s30;
	s12 =	simm.s32 $0x8;
	v3 =	vld [tilespmem:s31+$0x10120];
	s0 =	sand.u32 $0x2000, s2  }
0xef: {  	s14 =	sand.u32 $0x380, s12;
	s0 =	sor.u32 s8, s0;
	s8 =	simm.s32 $0x40;
	[tilespmem:s31+$0x8130] =	vst.add.f32.msk $0xffff, v4  }
0xf0: {  	s15 =	sand.u32 $0x40, s8;
	s0 =	sor.u32 s14, s0;
	[tilespmem:s31+$0x8100] =	vst.add.f32.msk $0xffff, v5  }
0xf1: {  	s0 =	sor.u32 s15, s0;
	[tilespmem:s31+$0x8110] =	vst.add.f32.msk $0xffff, v6  }
0xf2: {  	v5 =	vld [tilespmem:s0+$0x10130]  }
0xf3: {  	s2 =	simm.s32 $0x4;
	v4 =	vld [tilespmem:s0+$0x10100]  }
.LBB2_6:
0xf4: {  	s2 =	sadd.s32 $0x4, s2;
	v6 =	vld [tilespmem:s0+$0x10110];
	s30 =	sadd.s32 $0x200, s30  }
0xf5: {  	s8 =	sadd.s32 $0x40, s8;
	s12 =	sshll.u32 s2, $0x4;
	p0 =	slt.u32 s2, $0x3FC;
	v7 =	vld [tilespmem:s0+$0x10120]  }
0xf6: {  	s14 =	sand.u32 $0x1C00, s30;
	s15 =	sshll.u32 s2, $0x1;
	s12 =	sand.u32 $0x2000, s12;
	[tilespmem:s31+$0x8120] =	vst.add.f32.msk $0xffff, v3  }
.Ltmp2:
0xf7: {  	s12 =	sor.u32 s14, s12;
	s14 =	sand.u32 $0x380, s15;
	[tilespmem:s0+$0x8130] =	vst.add.f32.msk $0xffff, v5;
	(pc) =	sbr.rel @p0 .LBB2_6-.Ltmp2, $4  }
0xf8: {  	s31 =	smov.u32 s0;
	s15 =	sand.u32 $0x40, s8;
	s12 =	sor.u32 s14, s12;
	[tilespmem:s0+$0x8100] =	vst.add.f32.msk $0xffff, v4  }
0xf9: {  	s0 =	sor.u32 s15, s12;
	[tilespmem:s31+$0x8110] =	vst.add.f32.msk $0xffff, v6  }
0xfa: {  	v5 =	vld [tilespmem:s0+$0x10130];
	v3 =	vmov v7  }
0xfb: {  	v4 =	vld [tilespmem:s0+$0x10100]  }
0xfc: {  	v6 =	vld [tilespmem:s0+$0x10110]  }
0xfd: {  	v7 =	vld [tilespmem:s0+$0x10120]  }
0xfe: {  	[tilespmem:s31+$0x8120] =	vst.add.f32.msk $0xffff, v3  }
0xff: {  	[tilespmem:s0+$0x8130] =	vst.add.f32.msk $0xffff, v5  }
0x100: {  	[tilespmem:s0+$0x8100] =	vst.add.f32.msk $0xffff, v4  }
0x101: {  	[tilespmem:s0+$0x8110] =	vst.add.f32.msk $0xffff, v6  }
0x102: {  	s2 =	rddreg [dreg:$0xd];
	[tilespmem:s0+$0x8120] =	vst.add.f32.msk $0xffff, v7;
	s0 =	simm.s32 $0x0  }
0x103: {  	[hbm4b:s2+s0] =	stream.linear.scatter [tilespmem:s25], [sflag:$0x7], $0x4000, $0x38;
	[tilespmem:$0x18100] =	vst v63  }
0x104: {  	_ =	swait.ge [sflag:s22], $0x4000  }
0x105: {  	[sflag:s22] =	ssyncset.done $0x0  }
0x106: {  	[sflag:s22] =	ssyncadd.s32 $0xFFFFC000  }
0x107: {  	v3 =	vld [tilespmem:$0x50];
	_ =	sdelay $0x4  }
0x108: {  	v4 =	vshll.u32 v3, $0x3  }
0x109: {  	v3 =	vand.u32 $0x7, v3;
	v4 =	vand.u32 $0xFFFFFFC0, v4  }
0x10a: {  	v3 =	vor.u32 v3, v4  }
0x10b: {  	v4 =	vperm.xlane v3, v0;
	_ =	sdelay $0x1  }
0x10c: {  	v4 =	vadd.s32 v1, v4;
	_ =	sdelay $0x4  }
0x10d: {  	[tilespmem:s16], [sflag:$0x2] =	stream.indirect_vreg.gather [hbm4b:s1+s0], $0x80, v4, vm0, $0xb8;
	[tilespmem:$0x18100] =	vst v63  }
0x10e: {  	s15 =	simm.s32 $0x4900;
	v3 =	vperm.xlane v3, v2  }
0x10f: {  	[tilespmem:s15], [sflag:$0x2] =	stream.indirect_vreg.gather [hbm4b:s9+s0], $0x80, v4, vm0, $0xb8;
	[tilespmem:$0x18100] =	vst v63  }
0x110: {  	s8 =	simm.s32 $0x5100;
	v3 =	vadd.s32 v1, v3  }
0x111: {  	[tilespmem:s8], [sflag:$0x2] =	stream.indirect_vreg.gather [hbm4b:s10+s0], $0x80, v4, vm0, $0xb8;
	[tilespmem:$0x18100] =	vst v63  }
0x112: {  	s12 =	simm.s32 $0x5900  }
0x113: {  	[tilespmem:s12], [sflag:$0x2] =	stream.indirect_vreg.gather [hbm4b:s11+s0], $0x80, v4, vm0, $0xb8;
	[tilespmem:$0x18100] =	vst v63  }
0x114: {  	s14 =	simm.s32 $0x6100  }
0x115: {  	[tilespmem:s14], [sflag:$0x2] =	stream.indirect_vreg.gather [hbm4b:s1+s0], $0x80, v3, vm0, $0xb8;
	[tilespmem:$0x18100] =	vst v63  }
0x116: {  	s15 =	simm.s32 $0x6900  }
0x117: {  	[tilespmem:s15], [sflag:$0x2] =	stream.indirect_vreg.gather [hbm4b:s9+s0], $0x80, v3, vm0, $0xb8;
	[tilespmem:$0x18100] =	vst v63  }
0x118: {  	s8 =	simm.s32 $0x7100  }
0x119: {  	[tilespmem:s8], [sflag:$0x2] =	stream.indirect_vreg.gather [hbm4b:s10+s0], $0x80, v3, vm0, $0xb8;
	[tilespmem:$0x18100] =	vst v63  }
0x11a: {  	s12 =	simm.s32 $0x7900;
	s14 =	simm.s32 $0x0  }
0x11b: {  	[tilespmem:s12], [sflag:$0x2] =	stream.indirect_vreg.gather [hbm4b:s11+s0], $0x80, v3, vm0, $0xb8;
	[tilespmem:$0x18100] =	vst v63  }
0x11c: {  	s2 =	sand.u32 $0x2000, s14;
	s8 =	sand.u32 $0x1C00, s0;
	s12 =	simm.s32 $0x0  }
0x11d: {  	s2 =	sor.u32 s8, s2;
	_ =	swait.ge [sflag:s23], $0x4000;
	s15 =	sand.u32 $0x380, s12  }
0x11e: {  	s0 =	sand.u32 $0x40, s0;
	[sflag:s23] =	ssyncset.done $0x0;
	s2 =	sor.u32 s15, s2  }
0x11f: {  	[sflag:s23] =	ssyncadd.s32 $0xFFFFC000;
	s31 =	sor.u32 s0, s2  }
0x120: {  	v4 =	vld [tilespmem:s31+$0x10130]  }
0x121: {  	v5 =	vld [tilespmem:s31+$0x10100]  }
0x122: {  	v6 =	vld [tilespmem:s31+$0x10110]  }
0x123: {  	s30 =	simm.s32 $0x200;
	s2 =	simm.s32 $0x40  }
0x124: {  	s8 =	sand.u32 $0x1C00, s30;
	s12 =	simm.s32 $0x8;
	v3 =	vld [tilespmem:s31+$0x10120];
	s0 =	sand.u32 $0x2000, s2  }
0x125: {  	s14 =	sand.u32 $0x380, s12;
	s0 =	sor.u32 s8, s0;
	s8 =	simm.s32 $0x40;
	[tilespmem:s31+$0xC130] =	vst.add.f32.msk $0xffff, v4  }
0x126: {  	s15 =	sand.u32 $0x40, s8;
	s0 =	sor.u32 s14, s0;
	[tilespmem:s31+$0xC100] =	vst.add.f32.msk $0xffff, v5  }
0x127: {  	s0 =	sor.u32 s15, s0;
	[tilespmem:s31+$0xC110] =	vst.add.f32.msk $0xffff, v6  }
0x128: {  	v5 =	vld [tilespmem:s0+$0x10130]  }
0x129: {  	s2 =	simm.s32 $0x4;
	v4 =	vld [tilespmem:s0+$0x10100]  }
.LBB2_8:
0x12a: {  	s2 =	sadd.s32 $0x4, s2;
	v6 =	vld [tilespmem:s0+$0x10110];
	s30 =	sadd.s32 $0x200, s30  }
0x12b: {  	s8 =	sadd.s32 $0x40, s8;
	s12 =	sshll.u32 s2, $0x4;
	p0 =	slt.u32 s2, $0x3FC;
	v7 =	vld [tilespmem:s0+$0x10120]  }
0x12c: {  	s14 =	sand.u32 $0x1C00, s30;
	s15 =	sshll.u32 s2, $0x1;
	s12 =	sand.u32 $0x2000, s12;
	[tilespmem:s31+$0xC120] =	vst.add.f32.msk $0xffff, v3  }
.Ltmp3:
0x12d: {  	s12 =	sor.u32 s14, s12;
	s14 =	sand.u32 $0x380, s15;
	[tilespmem:s0+$0xC130] =	vst.add.f32.msk $0xffff, v5;
	(pc) =	sbr.rel @p0 .LBB2_8-.Ltmp3, $4  }
0x12e: {  	s31 =	smov.u32 s0;
	s15 =	sand.u32 $0x40, s8;
	s12 =	sor.u32 s14, s12;
	[tilespmem:s0+$0xC100] =	vst.add.f32.msk $0xffff, v4  }
0x12f: {  	s0 =	sor.u32 s15, s12;
	[tilespmem:s31+$0xC110] =	vst.add.f32.msk $0xffff, v6  }
0x130: {  	v5 =	vld [tilespmem:s0+$0x10130];
	v3 =	vmov v7  }
0x131: {  	v4 =	vld [tilespmem:s0+$0x10100]  }
0x132: {  	v6 =	vld [tilespmem:s0+$0x10110]  }
0x133: {  	v7 =	vld [tilespmem:s0+$0x10120]  }
0x134: {  	[tilespmem:s31+$0xC120] =	vst.add.f32.msk $0xffff, v3  }
0x135: {  	[tilespmem:s0+$0xC130] =	vst.add.f32.msk $0xffff, v5  }
0x136: {  	[tilespmem:s0+$0xC100] =	vst.add.f32.msk $0xffff, v4  }
0x137: {  	[tilespmem:s0+$0xC110] =	vst.add.f32.msk $0xffff, v6  }
0x138: {  	s2 =	rddreg [dreg:$0xe];
	[tilespmem:s0+$0xC120] =	vst.add.f32.msk $0xffff, v7;
	s0 =	simm.s32 $0x0  }
0x139: {  	[hbm4b:s2+s0] =	stream.linear.scatter [tilespmem:s7], [sflag:$0x8], $0x4000, $0x38;
	[tilespmem:$0x18100] =	vst v63  }
0x13a: {  	s12 =	rddreg [dreg:$0xf];
	s8 =	simm.s32 $0x10100  }
0x13b: {  	[tilespmem:s8], [sflag:$0x9] =	stream.linear.gather [hbm4b:s12+s0], $0x4000, $0x38;
	[tilespmem:$0x18100] =	vst v63  }
0x13c: {  	_ =	swait.ge [sflag:s26], $0x4000  }
0x13d: {  	[sflag:s26] =	ssyncset.done $0x0  }
0x13e: {  	[sflag:s26] =	ssyncadd.s32 $0xFFFFC000  }
0x13f: {  	v3 =	vld [tilespmem:$0x90];
	_ =	sdelay $0x4  }
0x140: {  	v4 =	vshll.u32 v3, $0x3  }
0x141: {  	v3 =	vand.u32 $0x7, v3;
	v4 =	vand.u32 $0xFFFFFFC0, v4  }
0x142: {  	v3 =	vor.u32 v3, v4  }
0x143: {  	v4 =	vperm.xlane v3, v0;
	_ =	sdelay $0x1  }
0x144: {  	v4 =	vadd.s32 v1, v4;
	_ =	sdelay $0x4  }
0x145: {  	[tilespmem:s25], [sflag:$0x3] =	stream.indirect_vreg.gather [hbm4b:s1+s0], $0x80, v4, vm0, $0xb8;
	[tilespmem:$0x18100] =	vst v63  }
0x146: {  	s14 =	simm.s32 $0x8900;
	v3 =	vperm.xlane v3, v2  }
0x147: {  	[tilespmem:s14], [sflag:$0x3] =	stream.indirect_vreg.gather [hbm4b:s9+s0], $0x80, v4, vm0, $0xb8;
	[tilespmem:$0x18100] =	vst v63  }
0x148: {  	s15 =	simm.s32 $0x9100;
	v3 =	vadd.s32 v1, v3  }
0x149: {  	[tilespmem:s15], [sflag:$0x3] =	stream.indirect_vreg.gather [hbm4b:s10+s0], $0x80, v4, vm0, $0xb8;
	[tilespmem:$0x18100] =	vst v63  }
0x14a: {  	s8 =	simm.s32 $0x9900  }
0x14b: {  	[tilespmem:s8], [sflag:$0x3] =	stream.indirect_vreg.gather [hbm4b:s11+s0], $0x80, v4, vm0, $0xb8;
	[tilespmem:$0x18100] =	vst v63  }
0x14c: {  	s12 =	simm.s32 $0xA100  }
0x14d: {  	[tilespmem:s12], [sflag:$0x3] =	stream.indirect_vreg.gather [hbm4b:s1+s0], $0x80, v3, vm0, $0xb8;
	[tilespmem:$0x18100] =	vst v63  }
0x14e: {  	s14 =	simm.s32 $0xA900  }
0x14f: {  	[tilespmem:s14], [sflag:$0x3] =	stream.indirect_vreg.gather [hbm4b:s9+s0], $0x80, v3, vm0, $0xb8;
	[tilespmem:$0x18100] =	vst v63  }
0x150: {  	s15 =	simm.s32 $0xB100  }
0x151: {  	[tilespmem:s15], [sflag:$0x3] =	stream.indirect_vreg.gather [hbm4b:s10+s0], $0x80, v3, vm0, $0xb8;
	[tilespmem:$0x18100] =	vst v63  }
0x152: {  	s8 =	simm.s32 $0xB900  }
0x153: {  	[tilespmem:s8], [sflag:$0x3] =	stream.indirect_vreg.gather [hbm4b:s11+s0], $0x80, v3, vm0, $0xb8;
	[tilespmem:$0x18100] =	vst v63  }
0x154: {  	s12 =	simm.s32 $0x0;
	_ =	swait.ge [sflag:s13], $0x4000  }
0x155: {  	s2 =	sand.u32 $0x2000, s12;
	[sflag:s13] =	ssyncset.done $0x0  }
0x156: {  	s12 =	simm.s32 $0x0;
	s14 =	sand.u32 $0x1C00, s0;
	[sflag:s13] =	ssyncadd.s32 $0xFFFFC000  }
0x157: {  	s2 =	sor.u32 s14, s2;
	s15 =	sand.u32 $0x380, s12;
	_ =	swait.ge [sflag:s28], $0x4000  }
0x158: {  	s2 =	sor.u32 s15, s2;
	s0 =	sand.u32 $0x40, s0;
	[sflag:s28] =	ssyncset.done $0x0  }
0x159: {  	s31 =	sor.u32 s0, s2;
	[sflag:s28] =	ssyncadd.s32 $0xFFFFC000  }
0x15a: {  	v4 =	vld [tilespmem:s31+$0x14130]  }
0x15b: {  	v5 =	vld [tilespmem:s31+$0x14100]  }
0x15c: {  	v6 =	vld [tilespmem:s31+$0x14110]  }
0x15d: {  	s30 =	simm.s32 $0x200;
	s2 =	simm.s32 $0x40  }
0x15e: {  	s12 =	simm.s32 $0x8;
	s8 =	sand.u32 $0x1C00, s30;
	s0 =	sand.u32 $0x2000, s2;
	v3 =	vld [tilespmem:s31+$0x14120]  }
0x15f: {  	s14 =	sand.u32 $0x380, s12;
	s0 =	sor.u32 s8, s0;
	s8 =	simm.s32 $0x40;
	[tilespmem:s31+$0x130] =	vst.add.f32.msk $0xffff, v4  }
0x160: {  	s15 =	sand.u32 $0x40, s8;
	s0 =	sor.u32 s14, s0;
	[tilespmem:s31+$0x100] =	vst.add.f32.msk $0xffff, v5  }
0x161: {  	s0 =	sor.u32 s15, s0;
	[tilespmem:s31+$0x110] =	vst.add.f32.msk $0xffff, v6  }
0x162: {  	v5 =	vld [tilespmem:s0+$0x14130]  }
0x163: {  	s2 =	simm.s32 $0x4;
	v4 =	vld [tilespmem:s0+$0x14100]  }
.LBB2_10:
0x164: {  	s2 =	sadd.s32 $0x4, s2;
	v6 =	vld [tilespmem:s0+$0x14110];
	s30 =	sadd.s32 $0x200, s30  }
0x165: {  	s8 =	sadd.s32 $0x40, s8;
	s12 =	sshll.u32 s2, $0x4;
	p0 =	slt.u32 s2, $0x3FC;
	v7 =	vld [tilespmem:s0+$0x14120]  }
0x166: {  	s14 =	sand.u32 $0x1C00, s30;
	s15 =	sshll.u32 s2, $0x1;
	s12 =	sand.u32 $0x2000, s12;
	[tilespmem:s31+$0x120] =	vst.add.f32.msk $0xffff, v3  }
.Ltmp4:
0x167: {  	s12 =	sor.u32 s14, s12;
	s14 =	sand.u32 $0x380, s15;
	[tilespmem:s0+$0x130] =	vst.add.f32.msk $0xffff, v5;
	(pc) =	sbr.rel @p0 .LBB2_10-.Ltmp4, $4  }
0x168: {  	s31 =	smov.u32 s0;
	s15 =	sand.u32 $0x40, s8;
	s12 =	sor.u32 s14, s12;
	[tilespmem:s0+$0x100] =	vst.add.f32.msk $0xffff, v4  }
0x169: {  	s0 =	sor.u32 s15, s12;
	[tilespmem:s31+$0x110] =	vst.add.f32.msk $0xffff, v6  }
0x16a: {  	v5 =	vld [tilespmem:s0+$0x14130];
	v3 =	vmov v7  }
0x16b: {  	v4 =	vld [tilespmem:s0+$0x14100]  }
0x16c: {  	v6 =	vld [tilespmem:s0+$0x14110]  }
0x16d: {  	v7 =	vld [tilespmem:s0+$0x14120]  }
0x16e: {  	[tilespmem:s31+$0x120] =	vst.add.f32.msk $0xffff, v3  }
0x16f: {  	[tilespmem:s0+$0x130] =	vst.add.f32.msk $0xffff, v5  }
0x170: {  	[tilespmem:s0+$0x100] =	vst.add.f32.msk $0xffff, v4  }
0x171: {  	[tilespmem:s0+$0x110] =	vst.add.f32.msk $0xffff, v6  }
0x172: {  	s2 =	rddreg [dreg:$0x10];
	[tilespmem:s0+$0x120] =	vst.add.f32.msk $0xffff, v7;
	s0 =	simm.s32 $0x0  }
0x173: {  	[hbm4b:s2+s0] =	stream.linear.scatter [tilespmem:s5], [sflag:$0x5], $0x4000, $0x38;
	[tilespmem:$0x18100] =	vst v63  }
0x174: {  	_ =	swait.ge [sflag:s24], $0x4000  }
0x175: {  	[sflag:s24] =	ssyncset.done $0x0  }
0x176: {  	[sflag:s24] =	ssyncadd.s32 $0xFFFFC000  }
0x177: {  	v3 =	vld [tilespmem:$0xD0];
	_ =	sdelay $0x4  }
0x178: {  	v4 =	vshll.u32 v3, $0x3  }
0x179: {  	v3 =	vand.u32 $0x7, v3;
	v4 =	vand.u32 $0xFFFFFFC0, v4  }
0x17a: {  	v3 =	vor.u32 v3, v4  }
0x17b: {  	v4 =	vperm.xlane v3, v0;
	_ =	sdelay $0x1  }
0x17c: {  	v4 =	vadd.s32 v1, v4;
	_ =	sdelay $0x4  }
0x17d: {  	[tilespmem:s7], [sflag:$0x4] =	stream.indirect_vreg.gather [hbm4b:s1+s0], $0x80, v4, vm0, $0xb8;
	[tilespmem:$0x18100] =	vst v63  }
0x17e: {  	s12 =	simm.s32 $0xC900;
	v3 =	vperm.xlane v3, v2  }
0x17f: {  	[tilespmem:s12], [sflag:$0x4] =	stream.indirect_vreg.gather [hbm4b:s9+s0], $0x80, v4, vm0, $0xb8;
	[tilespmem:$0x18100] =	vst v63  }
0x180: {  	s14 =	simm.s32 $0xD100;
	v3 =	vadd.s32 v1, v3  }
0x181: {  	[tilespmem:s14], [sflag:$0x4] =	stream.indirect_vreg.gather [hbm4b:s10+s0], $0x80, v4, vm0, $0xb8;
	[tilespmem:$0x18100] =	vst v63  }
0x182: {  	s15 =	simm.s32 $0xD900  }
0x183: {  	[tilespmem:s15], [sflag:$0x4] =	stream.indirect_vreg.gather [hbm4b:s11+s0], $0x80, v4, vm0, $0xb8;
	[tilespmem:$0x18100] =	vst v63  }
0x184: {  	s8 =	simm.s32 $0xE100  }
0x185: {  	[tilespmem:s8], [sflag:$0x4] =	stream.indirect_vreg.gather [hbm4b:s1+s0], $0x80, v3, vm0, $0xb8;
	[tilespmem:$0x18100] =	vst v63  }
0x186: {  	s12 =	simm.s32 $0xE900  }
0x187: {  	[tilespmem:s12], [sflag:$0x4] =	stream.indirect_vreg.gather [hbm4b:s9+s0], $0x80, v3, vm0, $0xb8;
	[tilespmem:$0x18100] =	vst v63  }
0x188: {  	s14 =	simm.s32 $0x0  }
0x189: {  	[tilespmem:s17], [sflag:$0x4] =	stream.indirect_vreg.gather [hbm4b:s10+s0], $0x80, v3, vm0, $0xb8;
	[tilespmem:$0x18100] =	vst v63  }
0x18a: {  	s2 =	sand.u32 $0x2000, s14;
	s8 =	sand.u32 $0x1C00, s0;
	s12 =	simm.s32 $0x0  }
0x18b: {  	[tilespmem:s18], [sflag:$0x4] =	stream.indirect_vreg.gather [hbm4b:s11+s0], $0x80, v3, vm0, $0xb8;
	[tilespmem:$0x18100] =	vst v63  }
0x18c: {  	s2 =	sor.u32 s8, s2;
	s15 =	sand.u32 $0x380, s12;
	_ =	swait.ge [sflag:s19], $0x4000  }
0x18d: {  	s2 =	sor.u32 s15, s2;
	s0 =	sand.u32 $0x40, s0;
	[sflag:s19] =	ssyncset.done $0x0  }
0x18e: {  	s31 =	sor.u32 s0, s2;
	[sflag:s19] =	ssyncadd.s32 $0xFFFFC000  }
0x18f: {  	v4 =	vld [tilespmem:s31+$0x14130]  }
0x190: {  	v5 =	vld [tilespmem:s31+$0x14100]  }
0x191: {  	v6 =	vld [tilespmem:s31+$0x14110]  }
0x192: {  	s30 =	simm.s32 $0x200;
	s2 =	simm.s32 $0x40  }
0x193: {  	s8 =	sand.u32 $0x1C00, s30;
	s12 =	simm.s32 $0x8;
	s0 =	sand.u32 $0x2000, s2;
	v3 =	vld [tilespmem:s31+$0x14120]  }
0x194: {  	s14 =	sand.u32 $0x380, s12;
	s0 =	sor.u32 s8, s0;
	s8 =	simm.s32 $0x40;
	[tilespmem:s31+$0x4130] =	vst.add.f32.msk $0xffff, v4  }
0x195: {  	s15 =	sand.u32 $0x40, s8;
	s0 =	sor.u32 s14, s0;
	[tilespmem:s31+$0x4100] =	vst.add.f32.msk $0xffff, v5  }
0x196: {  	s0 =	sor.u32 s15, s0;
	[tilespmem:s31+$0x4110] =	vst.add.f32.msk $0xffff, v6  }
0x197: {  	v5 =	vld [tilespmem:s0+$0x14130]  }
0x198: {  	s2 =	simm.s32 $0x4;
	v4 =	vld [tilespmem:s0+$0x14100]  }
.LBB2_12:
0x199: {  	s2 =	sadd.s32 $0x4, s2;
	v6 =	vld [tilespmem:s0+$0x14110];
	s30 =	sadd.s32 $0x200, s30  }
0x19a: {  	s8 =	sadd.s32 $0x40, s8;
	s12 =	sshll.u32 s2, $0x4;
	p0 =	slt.u32 s2, $0x3FC;
	v7 =	vld [tilespmem:s0+$0x14120]  }
0x19b: {  	s14 =	sand.u32 $0x1C00, s30;
	s15 =	sshll.u32 s2, $0x1;
	s12 =	sand.u32 $0x2000, s12;
	[tilespmem:s31+$0x4120] =	vst.add.f32.msk $0xffff, v3  }
.Ltmp5:
0x19c: {  	s12 =	sor.u32 s14, s12;
	s14 =	sand.u32 $0x380, s15;
	[tilespmem:s0+$0x4130] =	vst.add.f32.msk $0xffff, v5;
	(pc) =	sbr.rel @p0 .LBB2_12-.Ltmp5, $4  }
0x19d: {  	s31 =	smov.u32 s0;
	s15 =	sand.u32 $0x40, s8;
	s12 =	sor.u32 s14, s12;
	[tilespmem:s0+$0x4100] =	vst.add.f32.msk $0xffff, v4  }
0x19e: {  	s0 =	sor.u32 s15, s12;
	[tilespmem:s31+$0x4110] =	vst.add.f32.msk $0xffff, v6  }
0x19f: {  	v5 =	vld [tilespmem:s0+$0x14130];
	v3 =	vmov v7  }
0x1a0: {  	v4 =	vld [tilespmem:s0+$0x14100]  }
0x1a1: {  	v6 =	vld [tilespmem:s0+$0x14110]  }
0x1a2: {  	v7 =	vld [tilespmem:s0+$0x14120]  }
0x1a3: {  	[tilespmem:s31+$0x4120] =	vst.add.f32.msk $0xffff, v3  }
0x1a4: {  	[tilespmem:s0+$0x4130] =	vst.add.f32.msk $0xffff, v5  }
0x1a5: {  	[tilespmem:s0+$0x4100] =	vst.add.f32.msk $0xffff, v4  }
0x1a6: {  	[tilespmem:s0+$0x4110] =	vst.add.f32.msk $0xffff, v6  }
0x1a7: {  	s2 =	rddreg [dreg:$0x11];
	[tilespmem:s0+$0x4120] =	vst.add.f32.msk $0xffff, v7;
	s0 =	simm.s32 $0x0  }
0x1a8: {  	[hbm4b:s2+s0] =	stream.linear.scatter [tilespmem:s16], [sflag:$0x6], $0x4000, $0x38;
	[tilespmem:$0x18100] =	vst v63  }
0x1a9: {  	_ =	swait.ge [sflag:s20], $0x4000  }
0x1aa: {  	[sflag:s20] =	ssyncset.done $0x0  }
0x1ab: {  	[sflag:s20] =	ssyncadd.s32 $0xFFFFC000  }
0x1ac: {  	v3 =	vld [tilespmem:$0x20];
	_ =	sdelay $0x4  }
0x1ad: {  	v4 =	vshll.u32 v3, $0x3  }
0x1ae: {  	v3 =	vand.u32 $0x7, v3;
	v4 =	vand.u32 $0xFFFFFFC0, v4  }
0x1af: {  	v3 =	vor.u32 v3, v4  }
0x1b0: {  	v4 =	vperm.xlane v3, v0;
	_ =	sdelay $0x1  }
0x1b1: {  	v4 =	vadd.s32 v1, v4;
	_ =	sdelay $0x4  }
0x1b2: {  	[tilespmem:s5], [sflag:$0x1] =	stream.indirect_vreg.gather [hbm4b:s1+s0], $0x80, v4, vm0, $0xb8;
	[tilespmem:$0x18100] =	vst v63  }
0x1b3: {  	s15 =	simm.s32 $0x900;
	v3 =	vperm.xlane v3, v2  }
0x1b4: {  	[tilespmem:s15], [sflag:$0x1] =	stream.indirect_vreg.gather [hbm4b:s9+s0], $0x80, v4, vm0, $0xb8;
	[tilespmem:$0x18100] =	vst v63  }
0x1b5: {  	s8 =	simm.s32 $0x1100;
	v3 =	vadd.s32 v1, v3  }
0x1b6: {  	[tilespmem:s8], [sflag:$0x1] =	stream.indirect_vreg.gather [hbm4b:s10+s0], $0x80, v4, vm0, $0xb8;
	[tilespmem:$0x18100] =	vst v63  }
0x1b7: {  	s12 =	simm.s32 $0x1900  }
0x1b8: {  	[tilespmem:s12], [sflag:$0x1] =	stream.indirect_vreg.gather [hbm4b:s11+s0], $0x80, v4, vm0, $0xb8;
	[tilespmem:$0x18100] =	vst v63  }
0x1b9: {  	s14 =	simm.s32 $0x2100  }
0x1ba: {  	[tilespmem:s14], [sflag:$0x1] =	stream.indirect_vreg.gather [hbm4b:s1+s0], $0x80, v3, vm0, $0xb8;
	[tilespmem:$0x18100] =	vst v63  }
0x1bb: {  	s15 =	simm.s32 $0x2900  }
0x1bc: {  	[tilespmem:s15], [sflag:$0x1] =	stream.indirect_vreg.gather [hbm4b:s9+s0], $0x80, v3, vm0, $0xb8;
	[tilespmem:$0x18100] =	vst v63  }
0x1bd: {  	s8 =	simm.s32 $0x3100  }
0x1be: {  	[tilespmem:s8], [sflag:$0x1] =	stream.indirect_vreg.gather [hbm4b:s10+s0], $0x80, v3, vm0, $0xb8;
	[tilespmem:$0x18100] =	vst v63  }
0x1bf: {  	s12 =	simm.s32 $0x3900;
	s14 =	simm.s32 $0x0  }
0x1c0: {  	[tilespmem:s12], [sflag:$0x1] =	stream.indirect_vreg.gather [hbm4b:s11+s0], $0x80, v3, vm0, $0xb8;
	[tilespmem:$0x18100] =	vst v63  }
0x1c1: {  	s2 =	sand.u32 $0x2000, s14;
	s8 =	sand.u32 $0x1C00, s0;
	s12 =	simm.s32 $0x0  }
0x1c2: {  	s2 =	sor.u32 s8, s2;
	_ =	swait.ge [sflag:s21], $0x4000;
	s15 =	sand.u32 $0x380, s12  }
0x1c3: {  	s0 =	sand.u32 $0x40, s0;
	[sflag:s21] =	ssyncset.done $0x0;
	s2 =	sor.u32 s15, s2  }
0x1c4: {  	[sflag:s21] =	ssyncadd.s32 $0xFFFFC000;
	s31 =	sor.u32 s0, s2  }
0x1c5: {  	v4 =	vld [tilespmem:s31+$0x14130]  }
0x1c6: {  	v5 =	vld [tilespmem:s31+$0x14100]  }
0x1c7: {  	v6 =	vld [tilespmem:s31+$0x14110]  }
0x1c8: {  	s30 =	simm.s32 $0x200;
	s2 =	simm.s32 $0x40  }
0x1c9: {  	s8 =	sand.u32 $0x1C00, s30;
	s12 =	simm.s32 $0x8;
	v3 =	vld [tilespmem:s31+$0x14120];
	s0 =	sand.u32 $0x2000, s2  }
0x1ca: {  	s14 =	sand.u32 $0x380, s12;
	s0 =	sor.u32 s8, s0;
	s8 =	simm.s32 $0x40;
	[tilespmem:s31+$0x8130] =	vst.add.f32.msk $0xffff, v4  }
0x1cb: {  	s15 =	sand.u32 $0x40, s8;
	s0 =	sor.u32 s14, s0;
	[tilespmem:s31+$0x8100] =	vst.add.f32.msk $0xffff, v5  }
0x1cc: {  	s0 =	sor.u32 s15, s0;
	[tilespmem:s31+$0x8110] =	vst.add.f32.msk $0xffff, v6  }
0x1cd: {  	v5 =	vld [tilespmem:s0+$0x14130]  }
0x1ce: {  	s2 =	simm.s32 $0x4;
	v4 =	vld [tilespmem:s0+$0x14100]  }
.LBB2_14:
0x1cf: {  	s2 =	sadd.s32 $0x4, s2;
	v6 =	vld [tilespmem:s0+$0x14110];
	s30 =	sadd.s32 $0x200, s30  }
0x1d0: {  	s8 =	sadd.s32 $0x40, s8;
	s12 =	sshll.u32 s2, $0x4;
	p0 =	slt.u32 s2, $0x3FC;
	v7 =	vld [tilespmem:s0+$0x14120]  }
0x1d1: {  	s14 =	sand.u32 $0x1C00, s30;
	s15 =	sshll.u32 s2, $0x1;
	s12 =	sand.u32 $0x2000, s12;
	[tilespmem:s31+$0x8120] =	vst.add.f32.msk $0xffff, v3  }
.Ltmp6:
0x1d2: {  	s12 =	sor.u32 s14, s12;
	s14 =	sand.u32 $0x380, s15;
	[tilespmem:s0+$0x8130] =	vst.add.f32.msk $0xffff, v5;
	(pc) =	sbr.rel @p0 .LBB2_14-.Ltmp6, $4  }
0x1d3: {  	s31 =	smov.u32 s0;
	s15 =	sand.u32 $0x40, s8;
	s12 =	sor.u32 s14, s12;
	[tilespmem:s0+$0x8100] =	vst.add.f32.msk $0xffff, v4  }
0x1d4: {  	s0 =	sor.u32 s15, s12;
	[tilespmem:s31+$0x8110] =	vst.add.f32.msk $0xffff, v6  }
0x1d5: {  	v5 =	vld [tilespmem:s0+$0x14130];
	v3 =	vmov v7  }
0x1d6: {  	v4 =	vld [tilespmem:s0+$0x14100]  }
0x1d7: {  	v6 =	vld [tilespmem:s0+$0x14110]  }
0x1d8: {  	v7 =	vld [tilespmem:s0+$0x14120]  }
0x1d9: {  	[tilespmem:s31+$0x8120] =	vst.add.f32.msk $0xffff, v3  }
0x1da: {  	[tilespmem:s0+$0x8130] =	vst.add.f32.msk $0xffff, v5  }
0x1db: {  	[tilespmem:s0+$0x8100] =	vst.add.f32.msk $0xffff, v4  }
0x1dc: {  	[tilespmem:s0+$0x8110] =	vst.add.f32.msk $0xffff, v6  }
0x1dd: {  	s2 =	rddreg [dreg:$0x12];
	[tilespmem:s0+$0x8120] =	vst.add.f32.msk $0xffff, v7;
	s0 =	simm.s32 $0x0  }
0x1de: {  	[hbm4b:s2+s0] =	stream.linear.scatter [tilespmem:s25], [sflag:$0x7], $0x4000, $0x38;
	[tilespmem:$0x18100] =	vst v63  }
0x1df: {  	_ =	swait.ge [sflag:s22], $0x4000  }
0x1e0: {  	[sflag:s22] =	ssyncset.done $0x0  }
0x1e1: {  	[sflag:s22] =	ssyncadd.s32 $0xFFFFC000  }
0x1e2: {  	v3 =	vld [tilespmem:$0x60];
	_ =	sdelay $0x4  }
0x1e3: {  	v4 =	vshll.u32 v3, $0x3  }
0x1e4: {  	v3 =	vand.u32 $0x7, v3;
	v4 =	vand.u32 $0xFFFFFFC0, v4  }
0x1e5: {  	v3 =	vor.u32 v3, v4  }
0x1e6: {  	v4 =	vperm.xlane v3, v0;
	_ =	sdelay $0x1  }
0x1e7: {  	v4 =	vadd.s32 v1, v4;
	_ =	sdelay $0x4  }
0x1e8: {  	[tilespmem:s16], [sflag:$0x2] =	stream.indirect_vreg.gather [hbm4b:s1+s0], $0x80, v4, vm0, $0xb8;
	[tilespmem:$0x18100] =	vst v63  }
0x1e9: {  	s15 =	simm.s32 $0x4900;
	v3 =	vperm.xlane v3, v2  }
0x1ea: {  	[tilespmem:s15], [sflag:$0x2] =	stream.indirect_vreg.gather [hbm4b:s9+s0], $0x80, v4, vm0, $0xb8;
	[tilespmem:$0x18100] =	vst v63  }
0x1eb: {  	s8 =	simm.s32 $0x5100;
	v3 =	vadd.s32 v1, v3  }
0x1ec: {  	[tilespmem:s8], [sflag:$0x2] =	stream.indirect_vreg.gather [hbm4b:s10+s0], $0x80, v4, vm0, $0xb8;
	[tilespmem:$0x18100] =	vst v63  }
0x1ed: {  	s12 =	simm.s32 $0x5900  }
0x1ee: {  	[tilespmem:s12], [sflag:$0x2] =	stream.indirect_vreg.gather [hbm4b:s11+s0], $0x80, v4, vm0, $0xb8;
	[tilespmem:$0x18100] =	vst v63  }
0x1ef: {  	s14 =	simm.s32 $0x6100  }
0x1f0: {  	[tilespmem:s14], [sflag:$0x2] =	stream.indirect_vreg.gather [hbm4b:s1+s0], $0x80, v3, vm0, $0xb8;
	[tilespmem:$0x18100] =	vst v63  }
0x1f1: {  	s15 =	simm.s32 $0x6900  }
0x1f2: {  	[tilespmem:s15], [sflag:$0x2] =	stream.indirect_vreg.gather [hbm4b:s9+s0], $0x80, v3, vm0, $0xb8;
	[tilespmem:$0x18100] =	vst v63  }
0x1f3: {  	s8 =	simm.s32 $0x7100  }
0x1f4: {  	[tilespmem:s8], [sflag:$0x2] =	stream.indirect_vreg.gather [hbm4b:s10+s0], $0x80, v3, vm0, $0xb8;
	[tilespmem:$0x18100] =	vst v63  }
0x1f5: {  	s12 =	simm.s32 $0x7900;
	s14 =	simm.s32 $0x0  }
0x1f6: {  	[tilespmem:s12], [sflag:$0x2] =	stream.indirect_vreg.gather [hbm4b:s11+s0], $0x80, v3, vm0, $0xb8;
	[tilespmem:$0x18100] =	vst v63  }
0x1f7: {  	s2 =	sand.u32 $0x2000, s14;
	s8 =	sand.u32 $0x1C00, s0;
	s12 =	simm.s32 $0x0  }
0x1f8: {  	s2 =	sor.u32 s8, s2;
	_ =	swait.ge [sflag:s23], $0x4000;
	s15 =	sand.u32 $0x380, s12  }
0x1f9: {  	s0 =	sand.u32 $0x40, s0;
	[sflag:s23] =	ssyncset.done $0x0;
	s2 =	sor.u32 s15, s2  }
0x1fa: {  	[sflag:s23] =	ssyncadd.s32 $0xFFFFC000;
	s31 =	sor.u32 s0, s2  }
0x1fb: {  	v4 =	vld [tilespmem:s31+$0x14130]  }
0x1fc: {  	v5 =	vld [tilespmem:s31+$0x14100]  }
0x1fd: {  	v6 =	vld [tilespmem:s31+$0x14110]  }
0x1fe: {  	s30 =	simm.s32 $0x200;
	s2 =	simm.s32 $0x40  }
0x1ff: {  	s8 =	sand.u32 $0x1C00, s30;
	s12 =	simm.s32 $0x8;
	v3 =	vld [tilespmem:s31+$0x14120];
	s0 =	sand.u32 $0x2000, s2  }
0x200: {  	s14 =	sand.u32 $0x380, s12;
	s0 =	sor.u32 s8, s0;
	s8 =	simm.s32 $0x40;
	[tilespmem:s31+$0xC130] =	vst.add.f32.msk $0xffff, v4  }
0x201: {  	s15 =	sand.u32 $0x40, s8;
	s0 =	sor.u32 s14, s0;
	[tilespmem:s31+$0xC100] =	vst.add.f32.msk $0xffff, v5  }
0x202: {  	s0 =	sor.u32 s15, s0;
	[tilespmem:s31+$0xC110] =	vst.add.f32.msk $0xffff, v6  }
0x203: {  	v5 =	vld [tilespmem:s0+$0x14130]  }
0x204: {  	s2 =	simm.s32 $0x4;
	v4 =	vld [tilespmem:s0+$0x14100]  }
.LBB2_16:
0x205: {  	s2 =	sadd.s32 $0x4, s2;
	v6 =	vld [tilespmem:s0+$0x14110];
	s30 =	sadd.s32 $0x200, s30  }
0x206: {  	s8 =	sadd.s32 $0x40, s8;
	s12 =	sshll.u32 s2, $0x4;
	p0 =	slt.u32 s2, $0x3FC;
	v7 =	vld [tilespmem:s0+$0x14120]  }
0x207: {  	s14 =	sand.u32 $0x1C00, s30;
	s15 =	sshll.u32 s2, $0x1;
	s12 =	sand.u32 $0x2000, s12;
	[tilespmem:s31+$0xC120] =	vst.add.f32.msk $0xffff, v3  }
.Ltmp7:
0x208: {  	s12 =	sor.u32 s14, s12;
	s14 =	sand.u32 $0x380, s15;
	[tilespmem:s0+$0xC130] =	vst.add.f32.msk $0xffff, v5;
	(pc) =	sbr.rel @p0 .LBB2_16-.Ltmp7, $4  }
0x209: {  	s31 =	smov.u32 s0;
	s15 =	sand.u32 $0x40, s8;
	s12 =	sor.u32 s14, s12;
	[tilespmem:s0+$0xC100] =	vst.add.f32.msk $0xffff, v4  }
0x20a: {  	s0 =	sor.u32 s15, s12;
	[tilespmem:s31+$0xC110] =	vst.add.f32.msk $0xffff, v6  }
0x20b: {  	v5 =	vld [tilespmem:s0+$0x14130];
	v3 =	vmov v7  }
0x20c: {  	v4 =	vld [tilespmem:s0+$0x14100]  }
0x20d: {  	v6 =	vld [tilespmem:s0+$0x14110]  }
0x20e: {  	v7 =	vld [tilespmem:s0+$0x14120]  }
0x20f: {  	[tilespmem:s31+$0xC120] =	vst.add.f32.msk $0xffff, v3  }
0x210: {  	[tilespmem:s0+$0xC130] =	vst.add.f32.msk $0xffff, v5  }
0x211: {  	[tilespmem:s0+$0xC100] =	vst.add.f32.msk $0xffff, v4  }
0x212: {  	[tilespmem:s0+$0xC110] =	vst.add.f32.msk $0xffff, v6  }
0x213: {  	s2 =	rddreg [dreg:$0x16];
	[tilespmem:s0+$0xC120] =	vst.add.f32.msk $0xffff, v7;
	s0 =	simm.s32 $0x0  }
0x214: {  	[hbm4b:s2+s0] =	stream.linear.scatter [tilespmem:s7], [sflag:$0x8], $0x4000, $0x38;
	[tilespmem:$0x18100] =	vst v63  }
0x215: {  	s12 =	rddreg [dreg:$0x13];
	s8 =	simm.s32 $0x14100  }
0x216: {  	[tilespmem:s8], [sflag:$0xA] =	stream.linear.gather [hbm4b:s12+s0], $0x4000, $0x38;
	[tilespmem:$0x18100] =	vst v63  }
0x217: {  	_ =	swait.ge [sflag:s26], $0x4000  }
0x218: {  	[sflag:s26] =	ssyncset.done $0x0  }
0x219: {  	[sflag:s26] =	ssyncadd.s32 $0xFFFFC000  }
0x21a: {  	v3 =	vld [tilespmem:$0xA0];
	_ =	sdelay $0x4  }
0x21b: {  	v4 =	vshll.u32 v3, $0x3  }
0x21c: {  	v3 =	vand.u32 $0x7, v3;
	v4 =	vand.u32 $0xFFFFFFC0, v4  }
0x21d: {  	v3 =	vor.u32 v3, v4  }
0x21e: {  	v4 =	vperm.xlane v3, v0;
	_ =	sdelay $0x1  }
0x21f: {  	v4 =	vadd.s32 v1, v4;
	_ =	sdelay $0x4  }
0x220: {  	[tilespmem:s25], [sflag:$0x3] =	stream.indirect_vreg.gather [hbm4b:s1+s0], $0x80, v4, vm0, $0xb8;
	[tilespmem:$0x18100] =	vst v63  }
0x221: {  	s14 =	simm.s32 $0x8900;
	v3 =	vperm.xlane v3, v2  }
0x222: {  	[tilespmem:s14], [sflag:$0x3] =	stream.indirect_vreg.gather [hbm4b:s9+s0], $0x80, v4, vm0, $0xb8;
	[tilespmem:$0x18100] =	vst v63  }
0x223: {  	s15 =	simm.s32 $0x9100;
	v3 =	vadd.s32 v1, v3  }
0x224: {  	[tilespmem:s15], [sflag:$0x3] =	stream.indirect_vreg.gather [hbm4b:s10+s0], $0x80, v4, vm0, $0xb8;
	[tilespmem:$0x18100] =	vst v63  }
0x225: {  	s8 =	simm.s32 $0x9900  }
0x226: {  	[tilespmem:s8], [sflag:$0x3] =	stream.indirect_vreg.gather [hbm4b:s11+s0], $0x80, v4, vm0, $0xb8;
	[tilespmem:$0x18100] =	vst v63  }
0x227: {  	s12 =	simm.s32 $0xA100  }
0x228: {  	[tilespmem:s12], [sflag:$0x3] =	stream.indirect_vreg.gather [hbm4b:s1+s0], $0x80, v3, vm0, $0xb8;
	[tilespmem:$0x18100] =	vst v63  }
0x229: {  	s14 =	simm.s32 $0xA900  }
0x22a: {  	[tilespmem:s14], [sflag:$0x3] =	stream.indirect_vreg.gather [hbm4b:s9+s0], $0x80, v3, vm0, $0xb8;
	[tilespmem:$0x18100] =	vst v63  }
0x22b: {  	s15 =	simm.s32 $0xB100  }
0x22c: {  	[tilespmem:s15], [sflag:$0x3] =	stream.indirect_vreg.gather [hbm4b:s10+s0], $0x80, v3, vm0, $0xb8;
	[tilespmem:$0x18100] =	vst v63  }
0x22d: {  	s8 =	simm.s32 $0xB900  }
0x22e: {  	[tilespmem:s8], [sflag:$0x3] =	stream.indirect_vreg.gather [hbm4b:s11+s0], $0x80, v3, vm0, $0xb8;
	[tilespmem:$0x18100] =	vst v63  }
0x22f: {  	s12 =	simm.s32 $0x0;
	_ =	swait.ge [sflag:s13], $0x4000  }
0x230: {  	s2 =	sand.u32 $0x2000, s12;
	[sflag:s13] =	ssyncset.done $0x0  }
0x231: {  	s12 =	simm.s32 $0x0;
	s14 =	sand.u32 $0x1C00, s0;
	[sflag:s13] =	ssyncadd.s32 $0xFFFFC000  }
0x232: {  	s2 =	sor.u32 s14, s2;
	s15 =	sand.u32 $0x380, s12;
	_ =	swait.ge [sflag:s6], $0x4000  }
0x233: {  	s2 =	sor.u32 s15, s2;
	s0 =	sand.u32 $0x40, s0;
	[sflag:s6] =	ssyncset.done $0x0  }
0x234: {  	s31 =	sor.u32 s0, s2;
	[sflag:s6] =	ssyncadd.s32 $0xFFFFC000  }
0x235: {  	v4 =	vld [tilespmem:s31+$0x10130]  }
0x236: {  	v5 =	vld [tilespmem:s31+$0x10100]  }
0x237: {  	v6 =	vld [tilespmem:s31+$0x10110]  }
0x238: {  	s30 =	simm.s32 $0x200;
	s2 =	simm.s32 $0x40  }
0x239: {  	s12 =	simm.s32 $0x8;
	s8 =	sand.u32 $0x1C00, s30;
	s0 =	sand.u32 $0x2000, s2;
	v3 =	vld [tilespmem:s31+$0x10120]  }
0x23a: {  	s14 =	sand.u32 $0x380, s12;
	s0 =	sor.u32 s8, s0;
	s8 =	simm.s32 $0x40;
	[tilespmem:s31+$0x130] =	vst.add.f32.msk $0xffff, v4  }
0x23b: {  	s15 =	sand.u32 $0x40, s8;
	s0 =	sor.u32 s14, s0;
	[tilespmem:s31+$0x100] =	vst.add.f32.msk $0xffff, v5  }
0x23c: {  	s0 =	sor.u32 s15, s0;
	[tilespmem:s31+$0x110] =	vst.add.f32.msk $0xffff, v6  }
0x23d: {  	v5 =	vld [tilespmem:s0+$0x10130]  }
0x23e: {  	s2 =	simm.s32 $0x4;
	v4 =	vld [tilespmem:s0+$0x10100]  }
.LBB2_18:
0x23f: {  	s2 =	sadd.s32 $0x4, s2;
	v6 =	vld [tilespmem:s0+$0x10110];
	s30 =	sadd.s32 $0x200, s30  }
0x240: {  	s8 =	sadd.s32 $0x40, s8;
	s12 =	sshll.u32 s2, $0x4;
	p0 =	slt.u32 s2, $0x3FC;
	v7 =	vld [tilespmem:s0+$0x10120]  }
0x241: {  	s14 =	sand.u32 $0x1C00, s30;
	s15 =	sshll.u32 s2, $0x1;
	s12 =	sand.u32 $0x2000, s12;
	[tilespmem:s31+$0x120] =	vst.add.f32.msk $0xffff, v3  }
.Ltmp8:
0x242: {  	s12 =	sor.u32 s14, s12;
	s14 =	sand.u32 $0x380, s15;
	[tilespmem:s0+$0x130] =	vst.add.f32.msk $0xffff, v5;
	(pc) =	sbr.rel @p0 .LBB2_18-.Ltmp8, $4  }
0x243: {  	s31 =	smov.u32 s0;
	s15 =	sand.u32 $0x40, s8;
	s12 =	sor.u32 s14, s12;
	[tilespmem:s0+$0x100] =	vst.add.f32.msk $0xffff, v4  }
0x244: {  	s0 =	sor.u32 s15, s12;
	[tilespmem:s31+$0x110] =	vst.add.f32.msk $0xffff, v6  }
0x245: {  	v5 =	vld [tilespmem:s0+$0x10130];
	v3 =	vmov v7  }
0x246: {  	v4 =	vld [tilespmem:s0+$0x10100]  }
0x247: {  	v6 =	vld [tilespmem:s0+$0x10110]  }
0x248: {  	v7 =	vld [tilespmem:s0+$0x10120]  }
0x249: {  	[tilespmem:s31+$0x120] =	vst.add.f32.msk $0xffff, v3  }
0x24a: {  	[tilespmem:s0+$0x130] =	vst.add.f32.msk $0xffff, v5  }
0x24b: {  	[tilespmem:s0+$0x100] =	vst.add.f32.msk $0xffff, v4  }
0x24c: {  	[tilespmem:s0+$0x110] =	vst.add.f32.msk $0xffff, v6  }
0x24d: {  	s2 =	rddreg [dreg:$0x14];
	[tilespmem:s0+$0x120] =	vst.add.f32.msk $0xffff, v7;
	s0 =	simm.s32 $0x0  }
0x24e: {  	[hbm4b:s2+s0] =	stream.linear.scatter [tilespmem:s5], [sflag:$0x5], $0x4000, $0x38;
	[tilespmem:$0x18100] =	vst v63  }
0x24f: {  	_ =	swait.ge [sflag:s24], $0x4000  }
0x250: {  	[sflag:s24] =	ssyncset.done $0x0  }
0x251: {  	[sflag:s24] =	ssyncadd.s32 $0xFFFFC000  }
0x252: {  	v3 =	vld [tilespmem:$0xE0];
	_ =	sdelay $0x4  }
0x253: {  	v4 =	vshll.u32 v3, $0x3  }
0x254: {  	v3 =	vand.u32 $0x7, v3;
	v4 =	vand.u32 $0xFFFFFFC0, v4  }
0x255: {  	v3 =	vor.u32 v3, v4  }
0x256: {  	v4 =	vperm.xlane v3, v0;
	_ =	sdelay $0x1  }
0x257: {  	v4 =	vadd.s32 v1, v4;
	_ =	sdelay $0x4  }
0x258: {  	[tilespmem:s7], [sflag:$0x4] =	stream.indirect_vreg.gather [hbm4b:s1+s0], $0x80, v4, vm0, $0xb8;
	[tilespmem:$0x18100] =	vst v63  }
0x259: {  	s12 =	simm.s32 $0xC900;
	v3 =	vperm.xlane v3, v2  }
0x25a: {  	[tilespmem:s12], [sflag:$0x4] =	stream.indirect_vreg.gather [hbm4b:s9+s0], $0x80, v4, vm0, $0xb8;
	[tilespmem:$0x18100] =	vst v63  }
0x25b: {  	s14 =	simm.s32 $0xD100;
	v3 =	vadd.s32 v1, v3  }
0x25c: {  	[tilespmem:s14], [sflag:$0x4] =	stream.indirect_vreg.gather [hbm4b:s10+s0], $0x80, v4, vm0, $0xb8;
	[tilespmem:$0x18100] =	vst v63  }
0x25d: {  	s15 =	simm.s32 $0xD900  }
0x25e: {  	[tilespmem:s15], [sflag:$0x4] =	stream.indirect_vreg.gather [hbm4b:s11+s0], $0x80, v4, vm0, $0xb8;
	[tilespmem:$0x18100] =	vst v63  }
0x25f: {  	s8 =	simm.s32 $0xE100  }
0x260: {  	[tilespmem:s8], [sflag:$0x4] =	stream.indirect_vreg.gather [hbm4b:s1+s0], $0x80, v3, vm0, $0xb8;
	[tilespmem:$0x18100] =	vst v63  }
0x261: {  	s12 =	simm.s32 $0xE900  }
0x262: {  	[tilespmem:s12], [sflag:$0x4] =	stream.indirect_vreg.gather [hbm4b:s9+s0], $0x80, v3, vm0, $0xb8;
	[tilespmem:$0x18100] =	vst v63  }
0x263: {  	s14 =	simm.s32 $0x0  }
0x264: {  	[tilespmem:s17], [sflag:$0x4] =	stream.indirect_vreg.gather [hbm4b:s10+s0], $0x80, v3, vm0, $0xb8;
	[tilespmem:$0x18100] =	vst v63  }
0x265: {  	s2 =	sand.u32 $0x2000, s14;
	s8 =	sand.u32 $0x1C00, s0;
	s12 =	simm.s32 $0x0  }
0x266: {  	[tilespmem:s18], [sflag:$0x4] =	stream.indirect_vreg.gather [hbm4b:s11+s0], $0x80, v3, vm0, $0xb8;
	[tilespmem:$0x18100] =	vst v63  }
0x267: {  	s2 =	sor.u32 s8, s2;
	s15 =	sand.u32 $0x380, s12;
	_ =	swait.ge [sflag:s19], $0x4000  }
0x268: {  	s2 =	sor.u32 s15, s2;
	s0 =	sand.u32 $0x40, s0;
	[sflag:s19] =	ssyncset.done $0x0  }
0x269: {  	s31 =	sor.u32 s0, s2;
	[sflag:s19] =	ssyncadd.s32 $0xFFFFC000  }
0x26a: {  	v4 =	vld [tilespmem:s31+$0x10130]  }
0x26b: {  	v5 =	vld [tilespmem:s31+$0x10100]  }
0x26c: {  	v6 =	vld [tilespmem:s31+$0x10110]  }
0x26d: {  	s30 =	simm.s32 $0x200;
	s2 =	simm.s32 $0x40  }
0x26e: {  	s8 =	sand.u32 $0x1C00, s30;
	s12 =	simm.s32 $0x8;
	s0 =	sand.u32 $0x2000, s2;
	v3 =	vld [tilespmem:s31+$0x10120]  }
0x26f: {  	s14 =	sand.u32 $0x380, s12;
	s0 =	sor.u32 s8, s0;
	s8 =	simm.s32 $0x40;
	[tilespmem:s31+$0x4130] =	vst.add.f32.msk $0xffff, v4  }
0x270: {  	s15 =	sand.u32 $0x40, s8;
	s0 =	sor.u32 s14, s0;
	[tilespmem:s31+$0x4100] =	vst.add.f32.msk $0xffff, v5  }
0x271: {  	s0 =	sor.u32 s15, s0;
	[tilespmem:s31+$0x4110] =	vst.add.f32.msk $0xffff, v6  }
0x272: {  	v5 =	vld [tilespmem:s0+$0x10130]  }
0x273: {  	s2 =	simm.s32 $0x4;
	v4 =	vld [tilespmem:s0+$0x10100]  }
.LBB2_20:
0x274: {  	s2 =	sadd.s32 $0x4, s2;
	v6 =	vld [tilespmem:s0+$0x10110];
	s30 =	sadd.s32 $0x200, s30  }
0x275: {  	s8 =	sadd.s32 $0x40, s8;
	s12 =	sshll.u32 s2, $0x4;
	p0 =	slt.u32 s2, $0x3FC;
	v7 =	vld [tilespmem:s0+$0x10120]  }
0x276: {  	s14 =	sand.u32 $0x1C00, s30;
	s15 =	sshll.u32 s2, $0x1;
	s12 =	sand.u32 $0x2000, s12;
	[tilespmem:s31+$0x4120] =	vst.add.f32.msk $0xffff, v3  }
.Ltmp9:
0x277: {  	s12 =	sor.u32 s14, s12;
	s14 =	sand.u32 $0x380, s15;
	[tilespmem:s0+$0x4130] =	vst.add.f32.msk $0xffff, v5;
	(pc) =	sbr.rel @p0 .LBB2_20-.Ltmp9, $4  }
0x278: {  	s31 =	smov.u32 s0;
	s15 =	sand.u32 $0x40, s8;
	s12 =	sor.u32 s14, s12;
	[tilespmem:s0+$0x4100] =	vst.add.f32.msk $0xffff, v4  }
0x279: {  	s0 =	sor.u32 s15, s12;
	[tilespmem:s31+$0x4110] =	vst.add.f32.msk $0xffff, v6  }
0x27a: {  	v5 =	vld [tilespmem:s0+$0x10130];
	v3 =	vmov v7  }
0x27b: {  	v4 =	vld [tilespmem:s0+$0x10100]  }
0x27c: {  	v6 =	vld [tilespmem:s0+$0x10110]  }
0x27d: {  	v7 =	vld [tilespmem:s0+$0x10120]  }
0x27e: {  	[tilespmem:s31+$0x4120] =	vst.add.f32.msk $0xffff, v3  }
0x27f: {  	[tilespmem:s0+$0x4130] =	vst.add.f32.msk $0xffff, v5  }
0x280: {  	[tilespmem:s0+$0x4100] =	vst.add.f32.msk $0xffff, v4  }
0x281: {  	[tilespmem:s0+$0x4110] =	vst.add.f32.msk $0xffff, v6  }
0x282: {  	s2 =	rddreg [dreg:$0x18];
	[tilespmem:s0+$0x4120] =	vst.add.f32.msk $0xffff, v7;
	s0 =	simm.s32 $0x0  }
0x283: {  	[hbm4b:s2+s0] =	stream.linear.scatter [tilespmem:s16], [sflag:$0x6], $0x4000, $0x38;
	[tilespmem:$0x18100] =	vst v63  }
0x284: {  	_ =	swait.ge [sflag:s20], $0x4000  }
0x285: {  	[sflag:s20] =	ssyncset.done $0x0  }
0x286: {  	[sflag:s20] =	ssyncadd.s32 $0xFFFFC000  }
0x287: {  	v3 =	vld [tilespmem:$0x30];
	_ =	sdelay $0x4  }
0x288: {  	v4 =	vshll.u32 v3, $0x3  }
0x289: {  	v3 =	vand.u32 $0x7, v3;
	v4 =	vand.u32 $0xFFFFFFC0, v4  }
0x28a: {  	v3 =	vor.u32 v3, v4  }
0x28b: {  	v4 =	vperm.xlane v3, v0;
	_ =	sdelay $0x1  }
0x28c: {  	v4 =	vadd.s32 v1, v4;
	_ =	sdelay $0x4  }
0x28d: {  	[tilespmem:s5], [sflag:$0x1] =	stream.indirect_vreg.gather [hbm4b:s1+s0], $0x80, v4, vm0, $0xb8;
	[tilespmem:$0x18100] =	vst v63  }
0x28e: {  	s15 =	simm.s32 $0x900;
	v3 =	vperm.xlane v3, v2  }
0x28f: {  	[tilespmem:s15], [sflag:$0x1] =	stream.indirect_vreg.gather [hbm4b:s9+s0], $0x80, v4, vm0, $0xb8;
	[tilespmem:$0x18100] =	vst v63  }
0x290: {  	s8 =	simm.s32 $0x1100;
	v3 =	vadd.s32 v1, v3  }
0x291: {  	[tilespmem:s8], [sflag:$0x1] =	stream.indirect_vreg.gather [hbm4b:s10+s0], $0x80, v4, vm0, $0xb8;
	[tilespmem:$0x18100] =	vst v63  }
0x292: {  	s12 =	simm.s32 $0x1900  }
0x293: {  	[tilespmem:s12], [sflag:$0x1] =	stream.indirect_vreg.gather [hbm4b:s11+s0], $0x80, v4, vm0, $0xb8;
	[tilespmem:$0x18100] =	vst v63  }
0x294: {  	s14 =	simm.s32 $0x2100  }
0x295: {  	[tilespmem:s14], [sflag:$0x1] =	stream.indirect_vreg.gather [hbm4b:s1+s0], $0x80, v3, vm0, $0xb8;
	[tilespmem:$0x18100] =	vst v63  }
0x296: {  	s15 =	simm.s32 $0x2900  }
0x297: {  	[tilespmem:s15], [sflag:$0x1] =	stream.indirect_vreg.gather [hbm4b:s9+s0], $0x80, v3, vm0, $0xb8;
	[tilespmem:$0x18100] =	vst v63  }
0x298: {  	s8 =	simm.s32 $0x3100  }
0x299: {  	[tilespmem:s8], [sflag:$0x1] =	stream.indirect_vreg.gather [hbm4b:s10+s0], $0x80, v3, vm0, $0xb8;
	[tilespmem:$0x18100] =	vst v63  }
0x29a: {  	s12 =	simm.s32 $0x3900;
	s14 =	simm.s32 $0x0  }
0x29b: {  	[tilespmem:s12], [sflag:$0x1] =	stream.indirect_vreg.gather [hbm4b:s11+s0], $0x80, v3, vm0, $0xb8;
	[tilespmem:$0x18100] =	vst v63  }
0x29c: {  	s2 =	sand.u32 $0x2000, s14;
	s8 =	sand.u32 $0x1C00, s0;
	s12 =	simm.s32 $0x0  }
0x29d: {  	s2 =	sor.u32 s8, s2;
	_ =	swait.ge [sflag:s21], $0x4000;
	s15 =	sand.u32 $0x380, s12  }
0x29e: {  	s0 =	sand.u32 $0x40, s0;
	[sflag:s21] =	ssyncset.done $0x0;
	s2 =	sor.u32 s15, s2  }
0x29f: {  	[sflag:s21] =	ssyncadd.s32 $0xFFFFC000;
	s31 =	sor.u32 s0, s2  }
0x2a0: {  	v4 =	vld [tilespmem:s31+$0x10130]  }
0x2a1: {  	v5 =	vld [tilespmem:s31+$0x10100]  }
0x2a2: {  	v6 =	vld [tilespmem:s31+$0x10110]  }
0x2a3: {  	s30 =	simm.s32 $0x200;
	s2 =	simm.s32 $0x40  }
0x2a4: {  	s8 =	sand.u32 $0x1C00, s30;
	s12 =	simm.s32 $0x8;
	v3 =	vld [tilespmem:s31+$0x10120];
	s0 =	sand.u32 $0x2000, s2  }
0x2a5: {  	s14 =	sand.u32 $0x380, s12;
	s0 =	sor.u32 s8, s0;
	s8 =	simm.s32 $0x40;
	[tilespmem:s31+$0x8130] =	vst.add.f32.msk $0xffff, v4  }
0x2a6: {  	s15 =	sand.u32 $0x40, s8;
	s0 =	sor.u32 s14, s0;
	[tilespmem:s31+$0x8100] =	vst.add.f32.msk $0xffff, v5  }
0x2a7: {  	s0 =	sor.u32 s15, s0;
	[tilespmem:s31+$0x8110] =	vst.add.f32.msk $0xffff, v6  }
0x2a8: {  	v5 =	vld [tilespmem:s0+$0x10130]  }
0x2a9: {  	s2 =	simm.s32 $0x4;
	v4 =	vld [tilespmem:s0+$0x10100]  }
.LBB2_22:
0x2aa: {  	s2 =	sadd.s32 $0x4, s2;
	v6 =	vld [tilespmem:s0+$0x10110];
	s30 =	sadd.s32 $0x200, s30  }
0x2ab: {  	s8 =	sadd.s32 $0x40, s8;
	s12 =	sshll.u32 s2, $0x4;
	p0 =	slt.u32 s2, $0x3FC;
	v7 =	vld [tilespmem:s0+$0x10120]  }
0x2ac: {  	s14 =	sand.u32 $0x1C00, s30;
	s15 =	sshll.u32 s2, $0x1;
	s12 =	sand.u32 $0x2000, s12;
	[tilespmem:s31+$0x8120] =	vst.add.f32.msk $0xffff, v3  }
.Ltmp10:
0x2ad: {  	s12 =	sor.u32 s14, s12;
	s14 =	sand.u32 $0x380, s15;
	[tilespmem:s0+$0x8130] =	vst.add.f32.msk $0xffff, v5;
	(pc) =	sbr.rel @p0 .LBB2_22-.Ltmp10, $4  }
0x2ae: {  	s31 =	smov.u32 s0;
	s15 =	sand.u32 $0x40, s8;
	s12 =	sor.u32 s14, s12;
	[tilespmem:s0+$0x8100] =	vst.add.f32.msk $0xffff, v4  }
0x2af: {  	s0 =	sor.u32 s15, s12;
	[tilespmem:s31+$0x8110] =	vst.add.f32.msk $0xffff, v6  }
0x2b0: {  	v5 =	vld [tilespmem:s0+$0x10130];
	v3 =	vmov v7  }
0x2b1: {  	v4 =	vld [tilespmem:s0+$0x10100]  }
0x2b2: {  	v6 =	vld [tilespmem:s0+$0x10110]  }
0x2b3: {  	v7 =	vld [tilespmem:s0+$0x10120]  }
0x2b4: {  	[tilespmem:s31+$0x8120] =	vst.add.f32.msk $0xffff, v3  }
0x2b5: {  	[tilespmem:s0+$0x8130] =	vst.add.f32.msk $0xffff, v5  }
0x2b6: {  	[tilespmem:s0+$0x8100] =	vst.add.f32.msk $0xffff, v4  }
0x2b7: {  	[tilespmem:s0+$0x8110] =	vst.add.f32.msk $0xffff, v6  }
0x2b8: {  	s2 =	rddreg [dreg:$0x19];
	[tilespmem:s0+$0x8120] =	vst.add.f32.msk $0xffff, v7;
	s0 =	simm.s32 $0x0  }
0x2b9: {  	[hbm4b:s2+s0] =	stream.linear.scatter [tilespmem:s25], [sflag:$0x7], $0x4000, $0x38;
	[tilespmem:$0x18100] =	vst v63  }
0x2ba: {  	_ =	swait.ge [sflag:s22], $0x4000  }
0x2bb: {  	[sflag:s22] =	ssyncset.done $0x0  }
0x2bc: {  	[sflag:s22] =	ssyncadd.s32 $0xFFFFC000  }
0x2bd: {  	v3 =	vld [tilespmem:$0x70];
	_ =	sdelay $0x4  }
0x2be: {  	v4 =	vshll.u32 v3, $0x3  }
0x2bf: {  	v3 =	vand.u32 $0x7, v3;
	v4 =	vand.u32 $0xFFFFFFC0, v4  }
0x2c0: {  	v3 =	vor.u32 v3, v4  }
0x2c1: {  	v4 =	vperm.xlane v3, v0;
	_ =	sdelay $0x1  }
0x2c2: {  	v4 =	vadd.s32 v1, v4;
	_ =	sdelay $0x4  }
0x2c3: {  	[tilespmem:s16], [sflag:$0x2] =	stream.indirect_vreg.gather [hbm4b:s1+s0], $0x80, v4, vm0, $0xb8;
	[tilespmem:$0x18100] =	vst v63  }
0x2c4: {  	s15 =	simm.s32 $0x4900;
	v3 =	vperm.xlane v3, v2  }
0x2c5: {  	[tilespmem:s15], [sflag:$0x2] =	stream.indirect_vreg.gather [hbm4b:s9+s0], $0x80, v4, vm0, $0xb8;
	[tilespmem:$0x18100] =	vst v63  }
0x2c6: {  	s8 =	simm.s32 $0x5100;
	v3 =	vadd.s32 v1, v3  }
0x2c7: {  	[tilespmem:s8], [sflag:$0x2] =	stream.indirect_vreg.gather [hbm4b:s10+s0], $0x80, v4, vm0, $0xb8;
	[tilespmem:$0x18100] =	vst v63  }
0x2c8: {  	s12 =	simm.s32 $0x5900  }
0x2c9: {  	[tilespmem:s12], [sflag:$0x2] =	stream.indirect_vreg.gather [hbm4b:s11+s0], $0x80, v4, vm0, $0xb8;
	[tilespmem:$0x18100] =	vst v63  }
0x2ca: {  	s14 =	simm.s32 $0x6100  }
0x2cb: {  	[tilespmem:s14], [sflag:$0x2] =	stream.indirect_vreg.gather [hbm4b:s1+s0], $0x80, v3, vm0, $0xb8;
	[tilespmem:$0x18100] =	vst v63  }
0x2cc: {  	s15 =	simm.s32 $0x6900  }
0x2cd: {  	[tilespmem:s15], [sflag:$0x2] =	stream.indirect_vreg.gather [hbm4b:s9+s0], $0x80, v3, vm0, $0xb8;
	[tilespmem:$0x18100] =	vst v63  }
0x2ce: {  	s8 =	simm.s32 $0x7100  }
0x2cf: {  	[tilespmem:s8], [sflag:$0x2] =	stream.indirect_vreg.gather [hbm4b:s10+s0], $0x80, v3, vm0, $0xb8;
	[tilespmem:$0x18100] =	vst v63  }
0x2d0: {  	s12 =	simm.s32 $0x7900;
	s14 =	simm.s32 $0x0  }
0x2d1: {  	[tilespmem:s12], [sflag:$0x2] =	stream.indirect_vreg.gather [hbm4b:s11+s0], $0x80, v3, vm0, $0xb8;
	[tilespmem:$0x18100] =	vst v63  }
0x2d2: {  	s2 =	sand.u32 $0x2000, s14;
	s8 =	sand.u32 $0x1C00, s0;
	s12 =	simm.s32 $0x0  }
0x2d3: {  	s2 =	sor.u32 s8, s2;
	_ =	swait.ge [sflag:s23], $0x4000;
	s15 =	sand.u32 $0x380, s12  }
0x2d4: {  	s0 =	sand.u32 $0x40, s0;
	[sflag:s23] =	ssyncset.done $0x0;
	s2 =	sor.u32 s15, s2  }
0x2d5: {  	[sflag:s23] =	ssyncadd.s32 $0xFFFFC000;
	s31 =	sor.u32 s0, s2  }
0x2d6: {  	v4 =	vld [tilespmem:s31+$0x10130]  }
0x2d7: {  	v5 =	vld [tilespmem:s31+$0x10100]  }
0x2d8: {  	v6 =	vld [tilespmem:s31+$0x10110]  }
0x2d9: {  	s30 =	simm.s32 $0x200;
	s2 =	simm.s32 $0x40  }
0x2da: {  	s8 =	sand.u32 $0x1C00, s30;
	s12 =	simm.s32 $0x8;
	v3 =	vld [tilespmem:s31+$0x10120];
	s0 =	sand.u32 $0x2000, s2  }
0x2db: {  	s14 =	sand.u32 $0x380, s12;
	s0 =	sor.u32 s8, s0;
	s8 =	simm.s32 $0x40;
	[tilespmem:s31+$0xC130] =	vst.add.f32.msk $0xffff, v4  }
0x2dc: {  	s15 =	sand.u32 $0x40, s8;
	s0 =	sor.u32 s14, s0;
	[tilespmem:s31+$0xC100] =	vst.add.f32.msk $0xffff, v5  }
0x2dd: {  	s0 =	sor.u32 s15, s0;
	[tilespmem:s31+$0xC110] =	vst.add.f32.msk $0xffff, v6  }
0x2de: {  	v5 =	vld [tilespmem:s0+$0x10130]  }
0x2df: {  	s2 =	simm.s32 $0x4;
	v4 =	vld [tilespmem:s0+$0x10100]  }
.LBB2_24:
0x2e0: {  	s2 =	sadd.s32 $0x4, s2;
	v6 =	vld [tilespmem:s0+$0x10110];
	s30 =	sadd.s32 $0x200, s30  }
0x2e1: {  	s8 =	sadd.s32 $0x40, s8;
	s12 =	sshll.u32 s2, $0x4;
	p0 =	slt.u32 s2, $0x3FC;
	v7 =	vld [tilespmem:s0+$0x10120]  }
0x2e2: {  	s14 =	sand.u32 $0x1C00, s30;
	s15 =	sshll.u32 s2, $0x1;
	s12 =	sand.u32 $0x2000, s12;
	[tilespmem:s31+$0xC120] =	vst.add.f32.msk $0xffff, v3  }
.Ltmp11:
0x2e3: {  	s12 =	sor.u32 s14, s12;
	s14 =	sand.u32 $0x380, s15;
	[tilespmem:s0+$0xC130] =	vst.add.f32.msk $0xffff, v5;
	(pc) =	sbr.rel @p0 .LBB2_24-.Ltmp11, $4  }
0x2e4: {  	s31 =	smov.u32 s0;
	s15 =	sand.u32 $0x40, s8;
	s12 =	sor.u32 s14, s12;
	[tilespmem:s0+$0xC100] =	vst.add.f32.msk $0xffff, v4  }
0x2e5: {  	s0 =	sor.u32 s15, s12;
	[tilespmem:s31+$0xC110] =	vst.add.f32.msk $0xffff, v6  }
0x2e6: {  	v5 =	vld [tilespmem:s0+$0x10130];
	v3 =	vmov v7  }
0x2e7: {  	v4 =	vld [tilespmem:s0+$0x10100]  }
0x2e8: {  	v6 =	vld [tilespmem:s0+$0x10110]  }
0x2e9: {  	v7 =	vld [tilespmem:s0+$0x10120]  }
0x2ea: {  	[tilespmem:s31+$0xC120] =	vst.add.f32.msk $0xffff, v3  }
0x2eb: {  	[tilespmem:s0+$0xC130] =	vst.add.f32.msk $0xffff, v5  }
0x2ec: {  	[tilespmem:s0+$0xC100] =	vst.add.f32.msk $0xffff, v4  }
0x2ed: {  	[tilespmem:s0+$0xC110] =	vst.add.f32.msk $0xffff, v6  }
0x2ee: {  	s2 =	rddreg [dreg:$0x1a];
	[tilespmem:s0+$0xC120] =	vst.add.f32.msk $0xffff, v7;
	s0 =	simm.s32 $0x0  }
0x2ef: {  	[hbm4b:s2+s0] =	stream.linear.scatter [tilespmem:s7], [sflag:$0x8], $0x4000, $0x38;
	[tilespmem:$0x18100] =	vst v63  }
0x2f0: {  	_ =	swait.ge [sflag:s26], $0x4000  }
0x2f1: {  	[sflag:s26] =	ssyncset.done $0x0  }
0x2f2: {  	[sflag:s26] =	ssyncadd.s32 $0xFFFFC000  }
0x2f3: {  	v3 =	vld [tilespmem:$0xB0];
	_ =	sdelay $0x4  }
0x2f4: {  	v4 =	vshll.u32 v3, $0x3  }
0x2f5: {  	v3 =	vand.u32 $0x7, v3;
	v4 =	vand.u32 $0xFFFFFFC0, v4  }
0x2f6: {  	v3 =	vor.u32 v3, v4  }
0x2f7: {  	v4 =	vperm.xlane v3, v0;
	_ =	sdelay $0x1  }
0x2f8: {  	v4 =	vadd.s32 v1, v4;
	_ =	sdelay $0x4  }
0x2f9: {  	[tilespmem:s25], [sflag:$0x3] =	stream.indirect_vreg.gather [hbm4b:s1+s0], $0x80, v4, vm0, $0xb8;
	[tilespmem:$0x18100] =	vst v63  }
0x2fa: {  	s15 =	simm.s32 $0x8900;
	v3 =	vperm.xlane v3, v2  }
0x2fb: {  	[tilespmem:s15], [sflag:$0x3] =	stream.indirect_vreg.gather [hbm4b:s9+s0], $0x80, v4, vm0, $0xb8;
	[tilespmem:$0x18100] =	vst v63  }
0x2fc: {  	s8 =	simm.s32 $0x9100;
	v3 =	vadd.s32 v1, v3  }
0x2fd: {  	[tilespmem:s8], [sflag:$0x3] =	stream.indirect_vreg.gather [hbm4b:s10+s0], $0x80, v4, vm0, $0xb8;
	[tilespmem:$0x18100] =	vst v63  }
0x2fe: {  	s12 =	simm.s32 $0x9900  }
0x2ff: {  	[tilespmem:s12], [sflag:$0x3] =	stream.indirect_vreg.gather [hbm4b:s11+s0], $0x80, v4, vm0, $0xb8;
	[tilespmem:$0x18100] =	vst v63  }
0x300: {  	s14 =	simm.s32 $0xA100  }
0x301: {  	[tilespmem:s14], [sflag:$0x3] =	stream.indirect_vreg.gather [hbm4b:s1+s0], $0x80, v3, vm0, $0xb8;
	[tilespmem:$0x18100] =	vst v63  }
0x302: {  	s15 =	simm.s32 $0xA900  }
0x303: {  	[tilespmem:s15], [sflag:$0x3] =	stream.indirect_vreg.gather [hbm4b:s9+s0], $0x80, v3, vm0, $0xb8;
	[tilespmem:$0x18100] =	vst v63  }
0x304: {  	s8 =	simm.s32 $0xB100  }
0x305: {  	[tilespmem:s8], [sflag:$0x3] =	stream.indirect_vreg.gather [hbm4b:s10+s0], $0x80, v3, vm0, $0xb8;
	[tilespmem:$0x18100] =	vst v63  }
0x306: {  	s12 =	simm.s32 $0xB900  }
0x307: {  	[tilespmem:s12], [sflag:$0x3] =	stream.indirect_vreg.gather [hbm4b:s11+s0], $0x80, v3, vm0, $0xb8;
	[tilespmem:$0x18100] =	vst v63  }
0x308: {  	s14 =	simm.s32 $0x0;
	_ =	swait.ge [sflag:s13], $0x4000  }
0x309: {  	s2 =	sand.u32 $0x2000, s14;
	[sflag:s13] =	ssyncset.done $0x0  }
0x30a: {  	s8 =	sand.u32 $0x1C00, s0;
	s12 =	simm.s32 $0x0;
	[sflag:s13] =	ssyncadd.s32 $0xFFFFC000  }
0x30b: {  	s2 =	sor.u32 s8, s2;
	s15 =	sand.u32 $0x380, s12;
	_ =	swait.ge [sflag:s28], $0x4000  }
0x30c: {  	s0 =	sand.u32 $0x40, s0;
	s2 =	sor.u32 s15, s2;
	[sflag:s28] =	ssyncset.done $0x0  }
0x30d: {  	s31 =	sor.u32 s0, s2;
	[sflag:s28] =	ssyncadd.s32 $0xFFFFC000  }
0x30e: {  	v4 =	vld [tilespmem:s31+$0x14130]  }
0x30f: {  	v5 =	vld [tilespmem:s31+$0x14100]  }
0x310: {  	v6 =	vld [tilespmem:s31+$0x14110]  }
0x311: {  	s30 =	simm.s32 $0x200;
	s2 =	simm.s32 $0x40  }
0x312: {  	s8 =	sand.u32 $0x1C00, s30;
	s12 =	simm.s32 $0x8;
	s0 =	sand.u32 $0x2000, s2;
	v3 =	vld [tilespmem:s31+$0x14120]  }
0x313: {  	s14 =	sand.u32 $0x380, s12;
	s0 =	sor.u32 s8, s0;
	s8 =	simm.s32 $0x40;
	[tilespmem:s31+$0x130] =	vst.add.f32.msk $0xffff, v4  }
0x314: {  	s15 =	sand.u32 $0x40, s8;
	s0 =	sor.u32 s14, s0;
	[tilespmem:s31+$0x100] =	vst.add.f32.msk $0xffff, v5  }
0x315: {  	s0 =	sor.u32 s15, s0;
	[tilespmem:s31+$0x110] =	vst.add.f32.msk $0xffff, v6  }
0x316: {  	v5 =	vld [tilespmem:s0+$0x14130]  }
0x317: {  	s2 =	simm.s32 $0x4;
	v4 =	vld [tilespmem:s0+$0x14100]  }
.LBB2_26:
0x318: {  	s2 =	sadd.s32 $0x4, s2;
	v6 =	vld [tilespmem:s0+$0x14110];
	s30 =	sadd.s32 $0x200, s30  }
0x319: {  	s8 =	sadd.s32 $0x40, s8;
	s12 =	sshll.u32 s2, $0x4;
	p0 =	slt.u32 s2, $0x3FC;
	v7 =	vld [tilespmem:s0+$0x14120]  }
0x31a: {  	s14 =	sand.u32 $0x1C00, s30;
	s15 =	sshll.u32 s2, $0x1;
	s12 =	sand.u32 $0x2000, s12;
	[tilespmem:s31+$0x120] =	vst.add.f32.msk $0xffff, v3  }
.Ltmp12:
0x31b: {  	s12 =	sor.u32 s14, s12;
	s14 =	sand.u32 $0x380, s15;
	[tilespmem:s0+$0x130] =	vst.add.f32.msk $0xffff, v5;
	(pc) =	sbr.rel @p0 .LBB2_26-.Ltmp12, $4  }
0x31c: {  	s31 =	smov.u32 s0;
	s15 =	sand.u32 $0x40, s8;
	s12 =	sor.u32 s14, s12;
	[tilespmem:s0+$0x100] =	vst.add.f32.msk $0xffff, v4  }
0x31d: {  	s0 =	sor.u32 s15, s12;
	[tilespmem:s31+$0x110] =	vst.add.f32.msk $0xffff, v6  }
0x31e: {  	v5 =	vld [tilespmem:s0+$0x14130];
	v3 =	vmov v7  }
0x31f: {  	v4 =	vld [tilespmem:s0+$0x14100]  }
0x320: {  	v6 =	vld [tilespmem:s0+$0x14110]  }
0x321: {  	v7 =	vld [tilespmem:s0+$0x14120]  }
0x322: {  	[tilespmem:s31+$0x120] =	vst.add.f32.msk $0xffff, v3  }
0x323: {  	[tilespmem:s0+$0x130] =	vst.add.f32.msk $0xffff, v5  }
0x324: {  	[tilespmem:s0+$0x100] =	vst.add.f32.msk $0xffff, v4  }
0x325: {  	[tilespmem:s0+$0x110] =	vst.add.f32.msk $0xffff, v6  }
0x326: {  	s2 =	rddreg [dreg:$0x15];
	[tilespmem:s0+$0x120] =	vst.add.f32.msk $0xffff, v7;
	s0 =	simm.s32 $0x0  }
0x327: {  	[hbm4b:s2+s0] =	stream.linear.scatter [tilespmem:s5], [sflag:$0x5], $0x4000, $0x38;
	[tilespmem:$0x18100] =	vst v63  }
0x328: {  	_ =	swait.ge [sflag:s24], $0x4000  }
0x329: {  	[sflag:s24] =	ssyncset.done $0x0  }
0x32a: {  	[sflag:s24] =	ssyncadd.s32 $0xFFFFC000  }
0x32b: {  	v3 =	vld [tilespmem:$0xF0];
	_ =	sdelay $0x4  }
0x32c: {  	v4 =	vshll.u32 v3, $0x3  }
0x32d: {  	v3 =	vand.u32 $0x7, v3;
	v4 =	vand.u32 $0xFFFFFFC0, v4  }
0x32e: {  	v3 =	vor.u32 v3, v4  }
0x32f: {  	v4 =	vperm.xlane v3, v0;
	_ =	sdelay $0x1  }
0x330: {  	v4 =	vadd.s32 v1, v4;
	_ =	sdelay $0x4  }
0x331: {  	[tilespmem:s7], [sflag:$0x4] =	stream.indirect_vreg.gather [hbm4b:s1+s0], $0x80, v4, vm0, $0xb8;
	[tilespmem:$0x18100] =	vst v63  }
0x332: {  	s12 =	simm.s32 $0xC900;
	v3 =	vperm.xlane v3, v2  }
0x333: {  	[tilespmem:s12], [sflag:$0x4] =	stream.indirect_vreg.gather [hbm4b:s9+s0], $0x80, v4, vm0, $0xb8;
	[tilespmem:$0x18100] =	vst v63  }
0x334: {  	s14 =	simm.s32 $0xD100;
	v3 =	vadd.s32 v1, v3  }
0x335: {  	[tilespmem:s14], [sflag:$0x4] =	stream.indirect_vreg.gather [hbm4b:s10+s0], $0x80, v4, vm0, $0xb8;
	[tilespmem:$0x18100] =	vst v63  }
0x336: {  	s15 =	simm.s32 $0xD900  }
0x337: {  	[tilespmem:s15], [sflag:$0x4] =	stream.indirect_vreg.gather [hbm4b:s11+s0], $0x80, v4, vm0, $0xb8;
	[tilespmem:$0x18100] =	vst v63  }
0x338: {  	s8 =	simm.s32 $0xE100  }
0x339: {  	[tilespmem:s8], [sflag:$0x4] =	stream.indirect_vreg.gather [hbm4b:s1+s0], $0x80, v3, vm0, $0xb8;
	[tilespmem:$0x18100] =	vst v63  }
0x33a: {  	s12 =	simm.s32 $0xE900  }
0x33b: {  	[tilespmem:s12], [sflag:$0x4] =	stream.indirect_vreg.gather [hbm4b:s9+s0], $0x80, v3, vm0, $0xb8;
	[tilespmem:$0x18100] =	vst v63  }
0x33c: {  	s14 =	simm.s32 $0x0  }
0x33d: {  	[tilespmem:s17], [sflag:$0x4] =	stream.indirect_vreg.gather [hbm4b:s10+s0], $0x80, v3, vm0, $0xb8;
	[tilespmem:$0x18100] =	vst v63  }
0x33e: {  	s2 =	sand.u32 $0x2000, s14;
	s8 =	sand.u32 $0x1C00, s0;
	s12 =	simm.s32 $0x0  }
0x33f: {  	[tilespmem:s18], [sflag:$0x4] =	stream.indirect_vreg.gather [hbm4b:s11+s0], $0x80, v3, vm0, $0xb8;
	[tilespmem:$0x18100] =	vst v63  }
0x340: {  	s2 =	sor.u32 s8, s2;
	s15 =	sand.u32 $0x380, s12;
	_ =	swait.ge [sflag:s19], $0x4000  }
0x341: {  	s2 =	sor.u32 s15, s2;
	s0 =	sand.u32 $0x40, s0;
	[sflag:s19] =	ssyncset.done $0x0  }
0x342: {  	s31 =	sor.u32 s0, s2;
	[sflag:s19] =	ssyncadd.s32 $0xFFFFC000  }
0x343: {  	v4 =	vld [tilespmem:s31+$0x14130]  }
0x344: {  	v5 =	vld [tilespmem:s31+$0x14100]  }
0x345: {  	v6 =	vld [tilespmem:s31+$0x14110]  }
0x346: {  	s30 =	simm.s32 $0x200;
	s2 =	simm.s32 $0x40  }
0x347: {  	s8 =	sand.u32 $0x1C00, s30;
	s12 =	simm.s32 $0x8;
	s0 =	sand.u32 $0x2000, s2;
	v3 =	vld [tilespmem:s31+$0x14120]  }
0x348: {  	s14 =	sand.u32 $0x380, s12;
	s0 =	sor.u32 s8, s0;
	s8 =	simm.s32 $0x40;
	[tilespmem:s31+$0x4130] =	vst.add.f32.msk $0xffff, v4  }
0x349: {  	s15 =	sand.u32 $0x40, s8;
	s0 =	sor.u32 s14, s0;
	[tilespmem:s31+$0x4100] =	vst.add.f32.msk $0xffff, v5  }
0x34a: {  	s0 =	sor.u32 s15, s0;
	[tilespmem:s31+$0x4110] =	vst.add.f32.msk $0xffff, v6  }
0x34b: {  	v5 =	vld [tilespmem:s0+$0x14130]  }
0x34c: {  	s2 =	simm.s32 $0x4;
	v4 =	vld [tilespmem:s0+$0x14100]  }
.LBB2_28:
0x34d: {  	s2 =	sadd.s32 $0x4, s2;
	v6 =	vld [tilespmem:s0+$0x14110];
	s30 =	sadd.s32 $0x200, s30  }
0x34e: {  	s8 =	sadd.s32 $0x40, s8;
	s12 =	sshll.u32 s2, $0x4;
	p0 =	slt.u32 s2, $0x3FC;
	v7 =	vld [tilespmem:s0+$0x14120]  }
0x34f: {  	s14 =	sand.u32 $0x1C00, s30;
	s15 =	sshll.u32 s2, $0x1;
	s12 =	sand.u32 $0x2000, s12;
	[tilespmem:s31+$0x4120] =	vst.add.f32.msk $0xffff, v3  }
.Ltmp13:
0x350: {  	s12 =	sor.u32 s14, s12;
	s14 =	sand.u32 $0x380, s15;
	[tilespmem:s0+$0x4130] =	vst.add.f32.msk $0xffff, v5;
	(pc) =	sbr.rel @p0 .LBB2_28-.Ltmp13, $4  }
0x351: {  	s31 =	smov.u32 s0;
	s15 =	sand.u32 $0x40, s8;
	s12 =	sor.u32 s14, s12;
	[tilespmem:s0+$0x4100] =	vst.add.f32.msk $0xffff, v4  }
0x352: {  	s0 =	sor.u32 s15, s12;
	[tilespmem:s31+$0x4110] =	vst.add.f32.msk $0xffff, v6  }
0x353: {  	v5 =	vld [tilespmem:s0+$0x14130];
	v3 =	vmov v7  }
0x354: {  	v4 =	vld [tilespmem:s0+$0x14100]  }
0x355: {  	v6 =	vld [tilespmem:s0+$0x14110]  }
0x356: {  	v7 =	vld [tilespmem:s0+$0x14120]  }
0x357: {  	[tilespmem:s31+$0x4120] =	vst.add.f32.msk $0xffff, v3  }
0x358: {  	[tilespmem:s0+$0x4130] =	vst.add.f32.msk $0xffff, v5  }
0x359: {  	[tilespmem:s0+$0x4100] =	vst.add.f32.msk $0xffff, v4  }
0x35a: {  	[tilespmem:s0+$0x4110] =	vst.add.f32.msk $0xffff, v6  }
0x35b: {  	s2 =	rddreg [dreg:$0x1b];
	s14 =	simm.s32 $0x0;
	[tilespmem:s0+$0x4120] =	vst.add.f32.msk $0xffff, v7;
	s0 =	simm.s32 $0x0  }
0x35c: {  	[hbm4b:s2+s0] =	stream.linear.scatter [tilespmem:s16], [sflag:$0x6], $0x4000, $0x38;
	[tilespmem:$0x18100] =	vst v63  }
0x35d: {  	s12 =	simm.s32 $0x0;
	s2 =	sand.u32 $0x2000, s14;
	s8 =	sand.u32 $0x1C00, s0  }
0x35e: {  	s15 =	sand.u32 $0x380, s12;
	_ =	swait.ge [sflag:s21], $0x4000;
	s2 =	sor.u32 s8, s2  }
0x35f: {  	s0 =	sand.u32 $0x40, s0;
	[sflag:s21] =	ssyncset.done $0x0;
	s2 =	sor.u32 s15, s2  }
0x360: {  	[sflag:s21] =	ssyncadd.s32 $0xFFFFC000;
	s31 =	sor.u32 s0, s2  }
0x361: {  	v4 =	vld [tilespmem:s31+$0x14130]  }
0x362: {  	v5 =	vld [tilespmem:s31+$0x14100]  }
0x363: {  	v6 =	vld [tilespmem:s31+$0x14110]  }
0x364: {  	s30 =	simm.s32 $0x200;
	s2 =	simm.s32 $0x40  }
0x365: {  	s12 =	simm.s32 $0x8;
	s8 =	sand.u32 $0x1C00, s30;
	v3 =	vld [tilespmem:s31+$0x14120];
	s0 =	sand.u32 $0x2000, s2  }
0x366: {  	s14 =	sand.u32 $0x380, s12;
	s0 =	sor.u32 s8, s0;
	s8 =	simm.s32 $0x40;
	[tilespmem:s31+$0x8130] =	vst.add.f32.msk $0xffff, v4  }
0x367: {  	s15 =	sand.u32 $0x40, s8;
	s0 =	sor.u32 s14, s0;
	[tilespmem:s31+$0x8100] =	vst.add.f32.msk $0xffff, v5  }
0x368: {  	s0 =	sor.u32 s15, s0;
	[tilespmem:s31+$0x8110] =	vst.add.f32.msk $0xffff, v6  }
0x369: {  	v5 =	vld [tilespmem:s0+$0x14130]  }
0x36a: {  	s2 =	simm.s32 $0x4;
	v4 =	vld [tilespmem:s0+$0x14100]  }
.LBB2_30:
0x36b: {  	s2 =	sadd.s32 $0x4, s2;
	v6 =	vld [tilespmem:s0+$0x14110];
	s30 =	sadd.s32 $0x200, s30  }
0x36c: {  	s8 =	sadd.s32 $0x40, s8;
	s12 =	sshll.u32 s2, $0x4;
	p0 =	slt.u32 s2, $0x3FC;
	v7 =	vld [tilespmem:s0+$0x14120]  }
0x36d: {  	s14 =	sand.u32 $0x1C00, s30;
	s15 =	sshll.u32 s2, $0x1;
	s12 =	sand.u32 $0x2000, s12;
	[tilespmem:s31+$0x8120] =	vst.add.f32.msk $0xffff, v3  }
.Ltmp14:
0x36e: {  	s12 =	sor.u32 s14, s12;
	s14 =	sand.u32 $0x380, s15;
	[tilespmem:s0+$0x8130] =	vst.add.f32.msk $0xffff, v5;
	(pc) =	sbr.rel @p0 .LBB2_30-.Ltmp14, $4  }
0x36f: {  	s31 =	smov.u32 s0;
	s15 =	sand.u32 $0x40, s8;
	s12 =	sor.u32 s14, s12;
	[tilespmem:s0+$0x8100] =	vst.add.f32.msk $0xffff, v4  }
0x370: {  	s0 =	sor.u32 s15, s12;
	[tilespmem:s31+$0x8110] =	vst.add.f32.msk $0xffff, v6  }
0x371: {  	v5 =	vld [tilespmem:s0+$0x14130];
	v3 =	vmov v7  }
0x372: {  	v4 =	vld [tilespmem:s0+$0x14100]  }
0x373: {  	v6 =	vld [tilespmem:s0+$0x14110]  }
0x374: {  	v7 =	vld [tilespmem:s0+$0x14120]  }
0x375: {  	[tilespmem:s31+$0x8120] =	vst.add.f32.msk $0xffff, v3  }
0x376: {  	[tilespmem:s0+$0x8130] =	vst.add.f32.msk $0xffff, v5  }
0x377: {  	[tilespmem:s0+$0x8100] =	vst.add.f32.msk $0xffff, v4  }
0x378: {  	[tilespmem:s0+$0x8110] =	vst.add.f32.msk $0xffff, v6  }
0x379: {  	s2 =	rddreg [dreg:$0x1c];
	s14 =	simm.s32 $0x0;
	[tilespmem:s0+$0x8120] =	vst.add.f32.msk $0xffff, v7;
	s0 =	simm.s32 $0x0  }
0x37a: {  	[hbm4b:s2+s0] =	stream.linear.scatter [tilespmem:s25], [sflag:$0x7], $0x4000, $0x38;
	[tilespmem:$0x18100] =	vst v63  }
0x37b: {  	s12 =	simm.s32 $0x0;
	s2 =	sand.u32 $0x2000, s14;
	s8 =	sand.u32 $0x1C00, s0  }
0x37c: {  	s15 =	sand.u32 $0x380, s12;
	_ =	swait.ge [sflag:s23], $0x4000;
	s2 =	sor.u32 s8, s2  }
0x37d: {  	s0 =	sand.u32 $0x40, s0;
	[sflag:s23] =	ssyncset.done $0x0;
	s2 =	sor.u32 s15, s2  }
0x37e: {  	[sflag:s23] =	ssyncadd.s32 $0xFFFFC000;
	s31 =	sor.u32 s0, s2  }
0x37f: {  	v4 =	vld [tilespmem:s31+$0x14130]  }
0x380: {  	v5 =	vld [tilespmem:s31+$0x14100]  }
0x381: {  	v6 =	vld [tilespmem:s31+$0x14110]  }
0x382: {  	s30 =	simm.s32 $0x200;
	s2 =	simm.s32 $0x40  }
0x383: {  	s12 =	simm.s32 $0x8;
	s8 =	sand.u32 $0x1C00, s30;
	v3 =	vld [tilespmem:s31+$0x14120];
	s0 =	sand.u32 $0x2000, s2  }
0x384: {  	s14 =	sand.u32 $0x380, s12;
	s0 =	sor.u32 s8, s0;
	s8 =	simm.s32 $0x40;
	[tilespmem:s31+$0xC130] =	vst.add.f32.msk $0xffff, v4  }
0x385: {  	s15 =	sand.u32 $0x40, s8;
	s0 =	sor.u32 s14, s0;
	[tilespmem:s31+$0xC100] =	vst.add.f32.msk $0xffff, v5  }
0x386: {  	s0 =	sor.u32 s15, s0;
	[tilespmem:s31+$0xC110] =	vst.add.f32.msk $0xffff, v6  }
0x387: {  	v5 =	vld [tilespmem:s0+$0x14130]  }
0x388: {  	s2 =	simm.s32 $0x4;
	v4 =	vld [tilespmem:s0+$0x14100]  }
.LBB2_32:
0x389: {  	s2 =	sadd.s32 $0x4, s2;
	v6 =	vld [tilespmem:s0+$0x14110];
	s30 =	sadd.s32 $0x200, s30  }
0x38a: {  	s8 =	sadd.s32 $0x40, s8;
	s12 =	sshll.u32 s2, $0x4;
	p0 =	slt.u32 s2, $0x3FC;
	v7 =	vld [tilespmem:s0+$0x14120]  }
0x38b: {  	s14 =	sand.u32 $0x1C00, s30;
	s15 =	sshll.u32 s2, $0x1;
	s12 =	sand.u32 $0x2000, s12;
	[tilespmem:s31+$0xC120] =	vst.add.f32.msk $0xffff, v3  }
.Ltmp15:
0x38c: {  	s12 =	sor.u32 s14, s12;
	s14 =	sand.u32 $0x380, s15;
	[tilespmem:s0+$0xC130] =	vst.add.f32.msk $0xffff, v5;
	(pc) =	sbr.rel @p0 .LBB2_32-.Ltmp15, $4  }
0x38d: {  	s31 =	smov.u32 s0;
	s15 =	sand.u32 $0x40, s8;
	s12 =	sor.u32 s14, s12;
	[tilespmem:s0+$0xC100] =	vst.add.f32.msk $0xffff, v4  }
0x38e: {  	s0 =	sor.u32 s15, s12;
	[tilespmem:s31+$0xC110] =	vst.add.f32.msk $0xffff, v6  }
0x38f: {  	v5 =	vld [tilespmem:s0+$0x14130];
	v3 =	vmov v7  }
0x390: {  	v4 =	vld [tilespmem:s0+$0x14100]  }
0x391: {  	v6 =	vld [tilespmem:s0+$0x14110]  }
0x392: {  	v7 =	vld [tilespmem:s0+$0x14120]  }
0x393: {  	[tilespmem:s31+$0xC120] =	vst.add.f32.msk $0xffff, v3  }
0x394: {  	[tilespmem:s0+$0xC130] =	vst.add.f32.msk $0xffff, v5  }
0x395: {  	[tilespmem:s0+$0xC100] =	vst.add.f32.msk $0xffff, v4  }
0x396: {  	[tilespmem:s0+$0xC110] =	vst.add.f32.msk $0xffff, v6  }
0x397: {  	s30 =	rddreg [dreg:$0x1d];
	[tilespmem:s0+$0xC120] =	vst.add.f32.msk $0xffff, v7  }
0x398: {  	[hbm4b:s30+s3] =	stream.linear.scatter [tilespmem:s7], [sflag:$0x8], $0x4000, $0x38;
	[tilespmem:$0x18100] =	vst v63  }
0x399: {  	_ =	swait.ge [sflag:s20], $0x4000  }
0x39a: {  	[sflag:s20] =	ssyncset.done $0x0  }
0x39b: {  	[sflag:s20] =	ssyncadd.s32 $0xFFFFC000  }
0x39c: {  	_ =	swait.ge [sflag:s22], $0x4000  }
0x39d: {  	[sflag:s22] =	ssyncset.done $0x0  }
0x39e: {  	[sflag:s22] =	ssyncadd.s32 $0xFFFFC000  }
0x39f: {  	_ =	swait.ge [sflag:s26], $0x4000  }
0x3a0: {  	[sflag:s26] =	ssyncset.done $0x0  }
0x3a1: {  	[sflag:s26] =	ssyncadd.s32 $0xFFFFC000  }
0x3a2: {  	_ =	swait.ge [sflag:s24], $0x4000  }
0x3a3: {  	s29 =	sadd.s32 $0x1, s29;
	s31 =	rddreg [dreg:$0x17]  }
0x3a4: {  	p0 =	sne.s32 s29, s31  }
.Ltmp16:
0x3a5: {  	_ = 	snop;
	(pc) =	sbr.rel @p0 .LBB2_1-.Ltmp16, $3  }
0x3a6: {  	_ =	sdelay $0x1  }
0x3a7: {  	[sflag:s24] =	ssyncset.done $0x0  }
0x3a8: {  	[sflag:s24] =	ssyncadd.s32 $0xFFFFC000  }
0x3a9: {  	_ =	sfence.sel $0x180000  }
0x3aa: {  	[bflag:$0x0] =	sbarrier.arrive $0xFFFF  }
0x3ab: {  	_ =	strace $0x90000047  }
0x3ac: {  	s0 =	stileid.u32;
	[bflag:$0x2] =	sbarrier.arrive $0xFFFF  }
0x3ad: {  	p0 =	sne.s32 s0, $0x0;
	s0 =	rddreg [dreg:$0x4]  }
0x3ae: {  	s0 =	sadd.s32 @!p0 $0x100000, s0  }
0x3af: {  	[sflag:s0] =	ssyncadd.tile.s32 @!p0 $0x1;
	_ =	shalt  }
.Lfunc_end2:
_tile_overlayer_lowered:
.L_overlay_start_2:
0x3b0: {  	(tag) =	ssettag $0x2  }
0x3b1: {  	s0 =	rddreg [dreg:$0x0];
	s2 =	stileid.u32  }
0x3b2: {  	s1 =	rddreg [dreg:$0x1];
	p0 =	sne.s32 s2, $0x0  }
0x3b3: {  	s3 =	rddreg [dreg:$0x2];
	[bflag:$0x3] =	sbarrier.arrive $0xFFFF;
	s2 =	simm.s32 @!p0 $0x1C0C  }
0x3b4: {  	[timem:s3], [sflag:s2] =	dma.local @!p0 [hbm:s0], s1  }
0x3b5: {  	s0 =	simm.s32 @!p0 $0xC  }
0x3b6: {  	_ =	swait.ge @!p0 [sflag:s0], s1  }
0x3b7: {  	s1 =	ssub.s32 @!p0 $0x0, s1;
	[sflag:s0] =	ssyncset.done @!p0 $0x0  }
0x3b8: {  	[sflag:s0] =	ssyncadd.s32 @!p0 s1  }
0x3b9: {  	[bflag:$0x3] =	sbarrier.arrive $0xFFFF  }
0x3ba: {  	_ =	shalt  }

</sc_bundles>
